<compile_context>
chip_gen: v7x
topology: tpu7x:2x2x1
jax: 0.10.2.dev20260603
libtpu: 0.0.44.dev20260713+nightly
codegen_flags: <defaults>
</compile_context>

<pallas_src>
import functools

import jax
import jax.numpy as jnp
from jax import lax
from jax.experimental import pallas as pl
from jax.experimental.pallas import tpu as pltpu
from jax.experimental.pallas import tpu_sc as plsc

N_SC = 2
N_TILES = 16
NW = N_SC * N_TILES
LANES = 128


def _cdiv(a, b):
    return (a + b - 1) // b




def _tc_embed_body(n_real, uf, rf, Wu, bu, Wr, br, Whur, Whru, degu, degr,
                   xu_out, xr_out):
    npad = uf.shape[0]
    rows = lax.broadcasted_iota(jnp.int32, (npad, 1), 0)
    mask = rows < n_real

    def side(feat, W1, b1, W2, deg2, out_ref):
        deg = jnp.max(deg2[0], axis=1, keepdims=True) + \
              jnp.max(deg2[1], axis=1, keepdims=True)
        norm = lax.rsqrt(jnp.maximum(deg, 1.0))
        h = jnp.dot(feat[...], W1[...], preferred_element_type=jnp.float32)
        h = h + b1[...]
        x = jnp.dot(h, W2[...], preferred_element_type=jnp.float32) * norm
        out_ref[...] = jnp.where(mask, x, 0.0)

    side(uf, Wu, bu, Whur, degu, xu_out)
    side(rf, Wr, br, Whru, degr, xr_out)


def _tc_mid_body(n_real, aggu, aggr, degu, degr, bhru, bhur, Wour, Woru,
                 yu_out, yr_out):
    npad = aggu.shape[1]
    rows = lax.broadcasted_iota(jnp.int32, (npad, 1), 0)
    mask = rows < n_real

    def side(agg2, deg2, b_in, W2, out_ref):
        deg = jnp.max(deg2[0], axis=1, keepdims=True) + \
              jnp.max(deg2[1], axis=1, keepdims=True)
        norm = lax.rsqrt(jnp.maximum(deg, 1.0))
        h1 = (agg2[0] + agg2[1]) * norm + b_in[...]
        y = jnp.dot(h1, W2[...], preferred_element_type=jnp.float32) * norm
        out_ref[...] = jnp.where(mask, y, 0.0)

    side(aggu, degu, bhru, Wour, yu_out)
    side(aggr, degr, bhur, Woru, yr_out)


def _tc_final_body(n_real, aggu, aggr, degu, degr, boru, bour,
                   nu_out, nr_out):
    npad = aggu.shape[1]
    rows = lax.broadcasted_iota(jnp.int32, (npad, 1), 0)
    mask = rows < n_real

    def side(agg2, deg2, b_in, out_ref):
        deg = jnp.max(deg2[0], axis=1, keepdims=True) + \
              jnp.max(deg2[1], axis=1, keepdims=True)
        norm = lax.rsqrt(jnp.maximum(deg, 1.0))
        o = (agg2[0] + agg2[1]) * norm + b_in[...]
        nrm = jnp.sqrt(jnp.sum(o * o, axis=-1, keepdims=True))
        out_ref[...] = jnp.where(mask, o / jnp.maximum(nrm, 1e-12), 0.0)

    side(aggu, degu, boru, nu_out)
    side(aggr, degr, bour, nr_out)


def _tc_call(body, out_shapes, *args):
    return pl.pallas_call(
        body,
        out_shape=[jax.ShapeDtypeStruct(s, jnp.float32) for s in out_shapes],
    )(*args)




def _make_mesh():
    return plsc.VectorSubcoreMesh(core_axis_name="c", subcore_axis_name="s",
                                  num_cores=N_SC, num_subcores=N_TILES)


def _make_deg_kernel(npad, erows_pad):
    rpt = erows_pad // NW
    spt = npad // N_TILES

    @functools.partial(
        pl.kernel,
        out_type=[jax.ShapeDtypeStruct((N_SC, npad, 16), jnp.float32),
                  jax.ShapeDtypeStruct((N_SC, npad, 16), jnp.float32)],
        mesh=_make_mesh(),
        compiler_params=pltpu.CompilerParams(use_tc_tiling_on_sc=False, needs_layout_passes=False),
        scratch_types=[
            pltpu.VMEM_SHARED((npad, 16), jnp.float32),
            pltpu.VMEM_SHARED((npad, 16), jnp.float32),
            pltpu.VMEM((rpt, LANES), jnp.int32),
            pltpu.VMEM((rpt, LANES), jnp.int32),
            pltpu.VMEM((LANES, 16), jnp.float32),
            pltpu.SemaphoreType.DMA((2,)),
            pltpu.SemaphoreType.DMA((2,)),
        ],
    )
    def deg_kernel(e3, z16, ones16, degu_out, degr_out,
                   sh_du, sh_dr, uidx, ridx, ones_v, sdu, sdr):
        c = lax.axis_index("c")
        s = lax.axis_index("s")
        wid = c * N_TILES + s
        off = s * spt
        pltpu.sync_copy(z16.at[pl.ds(off, spt)], sh_du.at[pl.ds(off, spt)])
        pltpu.sync_copy(z16.at[pl.ds(off, spt)], sh_dr.at[pl.ds(off, spt)])
        pltpu.sync_copy(e3.at[0, pl.ds(wid * rpt, rpt)], uidx)
        pltpu.sync_copy(e3.at[1, pl.ds(wid * rpt, rpt)], ridx)
        pltpu.sync_copy(ones16, ones_v)
        plsc.subcore_barrier()

        def wait_deg(p):
            pltpu.make_async_copy(ones_v, sh_du.at[uidx.at[0]],
                                  sdu.at[p]).wait()
            pltpu.make_async_copy(ones_v, sh_dr.at[ridx.at[0]],
                                  sdr.at[p]).wait()

        def body(jj, carry):
            j0 = 2 * jj
            j1 = j0 + 1

            @pl.when(jj > 0)
            def _():
                wait_deg(0)
                wait_deg(1)

            pltpu.async_copy(ones_v, sh_du.at[uidx.at[j0]], sdu.at[0],
                             add=True)
            pltpu.async_copy(ones_v, sh_dr.at[ridx.at[j0]], sdr.at[0],
                             add=True)
            pltpu.async_copy(ones_v, sh_du.at[uidx.at[j1]], sdu.at[1],
                             add=True)
            pltpu.async_copy(ones_v, sh_dr.at[ridx.at[j1]], sdr.at[1],
                             add=True)
            return carry

        lax.fori_loop(0, rpt // 2, body, 0)
        wait_deg(0)
        wait_deg(1)
        plsc.subcore_barrier()
        pltpu.sync_copy(sh_du.at[pl.ds(off, spt)],
                        degu_out.at[c, pl.ds(off, spt)])
        pltpu.sync_copy(sh_dr.at[pl.ds(off, spt)],
                        degr_out.at[c, pl.ds(off, spt)])

    return deg_kernel


def _make_spmm_kernel(npad, erows_pad, w):
    rpt = erows_pad // NW
    spt = npad // N_TILES

    @functools.partial(
        pl.kernel,
        out_type=[jax.ShapeDtypeStruct((N_SC, npad, w), jnp.float32),
                  jax.ShapeDtypeStruct((N_SC, npad, w), jnp.float32)],
        mesh=_make_mesh(),
        compiler_params=pltpu.CompilerParams(use_tc_tiling_on_sc=False, needs_layout_passes=False),
        scratch_types=[
            pltpu.VMEM_SHARED((npad, w), jnp.float32),
            pltpu.VMEM_SHARED((npad, w), jnp.float32),
            pltpu.VMEM((rpt, LANES), jnp.int32),
            pltpu.VMEM((rpt, LANES), jnp.int32),
            pltpu.VMEM((4, LANES, w), jnp.float32),
            pltpu.VMEM((4, LANES, w), jnp.float32),
            pltpu.SemaphoreType.DMA((4,)),
            pltpu.SemaphoreType.DMA((4,)),
            pltpu.SemaphoreType.DMA((4,)),
            pltpu.SemaphoreType.DMA((4,)),
        ],
    )
    def spmm_kernel(e3, xu, xr, zw, aggu_out, aggr_out,
                    sh_au, sh_ar, uidx, ridx, rowa, rowb,
                    gsem_a, gsem_b, ssem_a, ssem_b):
        c = lax.axis_index("c")
        s = lax.axis_index("s")
        wid = c * N_TILES + s
        off = s * spt
        pltpu.sync_copy(zw.at[pl.ds(off, spt)], sh_au.at[pl.ds(off, spt)])
        pltpu.sync_copy(zw.at[pl.ds(off, spt)], sh_ar.at[pl.ds(off, spt)])
        pltpu.sync_copy(e3.at[0, pl.ds(wid * rpt, rpt)], uidx)
        pltpu.sync_copy(e3.at[1, pl.ds(wid * rpt, rpt)], ridx)
        plsc.subcore_barrier()

        def start_gathers(j, p):
            pltpu.async_copy(xr.at[ridx.at[j]], rowa.at[p], gsem_a.at[p])
            pltpu.async_copy(xu.at[uidx.at[j]], rowb.at[p], gsem_b.at[p])

        def wait_gathers(p):
            pltpu.make_async_copy(xr.at[ridx.at[0]], rowa.at[p],
                                  gsem_a.at[p]).wait()
            pltpu.make_async_copy(xu.at[uidx.at[0]], rowb.at[p],
                                  gsem_b.at[p]).wait()

        def start_scatters(j, p):
            pltpu.async_copy(rowa.at[p], sh_au.at[uidx.at[j]], ssem_a.at[p],
                             add=True)
            pltpu.async_copy(rowb.at[p], sh_ar.at[ridx.at[j]], ssem_b.at[p],
                             add=True)

        def wait_scatters(p):
            pltpu.make_async_copy(rowa.at[p], sh_au.at[uidx.at[0]],
                                  ssem_a.at[p]).wait()
            pltpu.make_async_copy(rowb.at[p], sh_ar.at[ridx.at[0]],
                                  ssem_b.at[p]).wait()

        nbatch = rpt // 4
        for q in range(4):
            start_gathers(q, q)

        def body(jj, carry):
            base_j = 4 * jj
            for q in range(4):
                wait_gathers(q)
                start_scatters(base_j + q, q)
            for q in range(4):
                @pl.when(jj + 1 < nbatch)
                def _(q=q):
                    wait_scatters(q)
                    start_gathers(base_j + 4 + q, q)
            return carry

        lax.fori_loop(0, nbatch, body, 0)
        for q in range(4):
            wait_scatters(q)
        plsc.subcore_barrier()
        pltpu.sync_copy(sh_au.at[pl.ds(off, spt)],
                        aggu_out.at[c, pl.ds(off, spt)])
        pltpu.sync_copy(sh_ar.at[pl.ds(off, spt)],
                        aggr_out.at[c, pl.ds(off, spt)])

    return spmm_kernel


def _make_score_kernel(npad, srows_pad, w):
    rpt = srows_pad // NW

    @functools.partial(
        pl.kernel,
        out_type=jax.ShapeDtypeStruct((srows_pad * LANES, 2 * w), jnp.float32),
        mesh=_make_mesh(),
        compiler_params=pltpu.CompilerParams(use_tc_tiling_on_sc=False, needs_layout_passes=False),
        scratch_types=[
            pltpu.VMEM((rpt, LANES), jnp.int32),
            pltpu.VMEM((rpt, LANES), jnp.int32),
            pltpu.VMEM((4, LANES, w), jnp.float32),
            pltpu.VMEM((4, LANES, w), jnp.float32),
            pltpu.SemaphoreType.DMA((4,)),
            pltpu.SemaphoreType.DMA((4,)),
            pltpu.SemaphoreType.DMA((4,)),
            pltpu.SemaphoreType.DMA((4,)),
        ],
    )
    def score_kernel(se3, nu, nr, ab_out,
                     aidx, bidx, arow, brow,
                     gsem_a, gsem_b, osem_a, osem_b):
        c = lax.axis_index("c")
        s = lax.axis_index("s")
        wid = c * N_TILES + s
        base = wid * rpt
        pltpu.sync_copy(se3.at[0, pl.ds(base, rpt)], aidx)
        pltpu.sync_copy(se3.at[1, pl.ds(base, rpt)], bidx)

        def start_gathers(j, p):
            pltpu.async_copy(nu.at[aidx.at[j]], arow.at[p], gsem_a.at[p])
            pltpu.async_copy(nr.at[bidx.at[j]], brow.at[p], gsem_b.at[p])

        def wait_gathers(p):
            pltpu.make_async_copy(nu.at[aidx.at[0]], arow.at[p],
                                  gsem_a.at[p]).wait()
            pltpu.make_async_copy(nr.at[bidx.at[0]], brow.at[p],
                                  gsem_b.at[p]).wait()

        def start_writes(j, p):
            dst = pl.ds((base + j) * LANES, LANES)
            pltpu.async_copy(arow.at[p], ab_out.at[dst, pl.ds(0, w)],
                             osem_a.at[p])
            pltpu.async_copy(brow.at[p], ab_out.at[dst, pl.ds(w, w)],
                             osem_b.at[p])

        def wait_writes(p):
            dst = pl.ds(base * LANES, LANES)
            pltpu.make_async_copy(arow.at[p], ab_out.at[dst, pl.ds(0, w)],
                                  osem_a.at[p]).wait()
            pltpu.make_async_copy(brow.at[p], ab_out.at[dst, pl.ds(w, w)],
                                  osem_b.at[p]).wait()

        nbatch = rpt // 4
        for q in range(4):
            start_gathers(q, q)

        def body(jj, carry):
            base_j = 4 * jj
            for q in range(4):
                wait_gathers(q)
                start_writes(base_j + q, q)
            for q in range(4):
                @pl.when(jj + 1 < nbatch)
                def _(q=q):
                    wait_writes(q)
                    start_gathers(base_j + 4 + q, q)
            return carry

        lax.fori_loop(0, nbatch, body, 0)
        for q in range(4):
            wait_writes(q)

    return score_kernel


def _tc_dot_body(ab, out_ref):
    blk, w2 = ab.shape
    w = w2 // 2
    rows = blk // LANES
    prod = ab[:, :w] * ab[:, w:]
    out_ref[...] = jnp.sum(prod.reshape(rows, LANES, w), axis=-1)


def _tc_dot(ab, srows_pad, w):
    blk_rows = 64
    blk = blk_rows * LANES
    grid = (srows_pad // blk_rows,)
    return pl.pallas_call(
        _tc_dot_body,
        out_shape=jax.ShapeDtypeStruct((srows_pad, LANES), jnp.float32),
        grid=grid,
        in_specs=[pl.BlockSpec((blk, 2 * w), lambda i: (i, 0))],
        out_specs=pl.BlockSpec((blk_rows, LANES), lambda i: (i, 0)),
    )(ab)




def kernel(user_feat, repo_feat, edge_index_ur, pos_edge_index,
           neg_edge_index, W_user, b_user, W_repo, b_repo,
           W_h_ur, b_h_ur, W_h_ru, b_h_ru,
           W_o_ur, b_o_ur, W_o_ru, b_o_ru):
    n_user, d_in = user_feat.shape
    n_repo = repo_feat.shape[0]
    n = max(n_user, n_repo)
    npad = _cdiv(n, LANES) * LANES
    if npad == n:
        npad += LANES
    d_hid = W_h_ur.shape[1]
    d_out = W_o_ur.shape[1]
    ep = pos_edge_index.shape[1]
    e = edge_index_ur.shape[1]

    npad_rows = npad - n

    def pad_edges(ei, rows_target):
        total = rows_target * LANES
        extra = total - ei.shape[1]
        padv = (n + (jnp.arange(extra, dtype=jnp.int32) % npad_rows))
        pad_block = jnp.stack([padv, padv])
        return jnp.concatenate([ei.astype(jnp.int32), pad_block],
                               axis=1).reshape(2, rows_target, LANES)

    erows_pad = _cdiv(_cdiv(e, LANES), NW * 8) * (NW * 8)
    e3 = pad_edges(edge_index_ur, erows_pad)

    sidx = jnp.concatenate([pos_edge_index, neg_edge_index], axis=1)
    srows_pad = _cdiv(_cdiv(2 * ep, LANES), NW * 8) * (NW * 8)
    se3 = pad_edges(sidx, srows_pad)

    uf = jnp.pad(user_feat, ((0, npad - n_user), (0, 0)))
    rf = jnp.pad(repo_feat, ((0, npad - n_repo), (0, 0)))
    z16 = jnp.zeros((npad, 16), jnp.float32)
    zw = jnp.zeros((npad, d_hid), jnp.float32)
    ones16 = jnp.ones((LANES, 16), jnp.float32)
    bu = b_user.reshape(1, -1)
    br = b_repo.reshape(1, -1)
    bhru = b_h_ru.reshape(1, -1)
    bhur = b_h_ur.reshape(1, -1)
    boru = b_o_ru.reshape(1, -1)
    bour = b_o_ur.reshape(1, -1)

    degu2, degr2 = _make_deg_kernel(npad, erows_pad)(e3, z16, ones16)

    xu, xr = _tc_call(functools.partial(_tc_embed_body, n),
                      [(npad, d_hid), (npad, d_hid)],
                      uf, rf, W_user, bu, W_repo, br, W_h_ur, W_h_ru,
                      degu2, degr2)

    spmm1 = _make_spmm_kernel(npad, erows_pad, d_hid)
    au2, ar2 = spmm1(e3, xu, xr, zw)

    yu, yr = _tc_call(functools.partial(_tc_mid_body, n),
                      [(npad, d_out), (npad, d_out)],
                      au2, ar2, degu2, degr2, bhru, bhur, W_o_ur, W_o_ru)

    spmm2 = _make_spmm_kernel(npad, erows_pad, d_out)
    zw2 = zw if d_out == d_hid else jnp.zeros((npad, d_out), jnp.float32)
    a2u2, a2r2 = spmm2(e3, yu, yr, zw2)

    nu, nr = _tc_call(functools.partial(_tc_final_body, n),
                      [(npad, d_out), (npad, d_out)],
                      a2u2, a2r2, degu2, degr2, boru, bour)

    ab = _make_score_kernel(npad, srows_pad, d_out)(se3, nu, nr)
    scores = _tc_dot(ab, srows_pad, d_out)
    flat = scores.reshape(-1)
    return flat[:ep], flat[ep:2 * ep]

# --- scband reference (transcript-rebuilt; emitter-appended) ---
"""Pipeline reference for scband-model-23579370455462 (READ-ONLY COPY).

The authoritative reference and input builder live on the scoring server;
editing this copy changes nothing except your own understanding.
"""

import jax, jax.numpy as jnp
import numpy as np

N_USER = 5000
N_REPO = 5000
E = 320000
EP = 100000
D_IN = 128
D_EMB = 128
D_HID = 64
D_OUT = 64


def setup_inputs(seed: int = 0):
    key = jax.random.key(seed)
    ks = jax.random.split(key, 24)

    def edges(k1, k2, n, n_src, n_dst):
        src = jax.random.randint(k1, (1, n), 0, n_src)
        dst = jax.random.randint(k2, (1, n), 0, n_dst)
        return jnp.concatenate([src, dst], axis=0).astype(jnp.int32)

    inp = {
        "user_feat": jax.random.normal(ks[0], (N_USER, D_IN), jnp.float32),
        "repo_feat": jax.random.normal(ks[1], (N_REPO, D_IN), jnp.float32),
        "edge_index_ur": edges(ks[2], ks[3], E, N_USER, N_REPO),
        "pos_edge_index": edges(ks[4], ks[5], EP, N_USER, N_REPO),
        "neg_edge_index": edges(ks[6], ks[7], EP, N_USER, N_REPO),
        "W_user": jax.random.normal(ks[8], (D_IN, D_EMB), jnp.float32) / np.sqrt(D_IN),
        "b_user": jnp.zeros((D_EMB,), jnp.float32),
        "W_repo": jax.random.normal(ks[9], (D_IN, D_EMB), jnp.float32) / np.sqrt(D_IN),
        "b_repo": jnp.zeros((D_EMB,), jnp.float32),
        "W_h_ur": jax.random.normal(ks[10], (D_EMB, D_HID), jnp.float32) / np.sqrt(D_EMB),
        "b_h_ur": jnp.zeros((D_HID,), jnp.float32),
        "W_h_ru": jax.random.normal(ks[11], (D_EMB, D_HID), jnp.float32) / np.sqrt(D_EMB),
        "b_h_ru": jnp.zeros((D_HID,), jnp.float32),
        "W_o_ur": jax.random.normal(ks[12], (D_HID, D_OUT), jnp.float32) / np.sqrt(D_HID),
        "b_o_ur": jnp.zeros((D_OUT,), jnp.float32),
        "W_o_ru": jax.random.normal(ks[13], (D_HID, D_OUT), jnp.float32) / np.sqrt(D_HID),
        "b_o_ru": jnp.zeros((D_OUT,), jnp.float32),
    }
    return inp


def _graph_conv(h_src, src, dst, n_src, n_dst, W, b):
    # DGL GraphConv with norm='both' on a bipartite (src->dst) relation
    deg_src = jnp.clip(jnp.bincount(src, length=n_src), 1).astype(h_src.dtype)
    deg_dst = jnp.clip(jnp.bincount(dst, length=n_dst), 1).astype(h_src.dtype)
    norm_src = deg_src ** -0.5
    norm_dst = deg_dst ** -0.5
    msg = (h_src * norm_src[:, None])[src]
    agg = jax.ops.segment_sum(msg, dst, num_segments=n_dst)
    return (agg * norm_dst[:, None]) @ W + b


def _l2norm(x):
    n = jnp.sqrt(jnp.sum(x * x, axis=-1, keepdims=True))
    return x / jnp.maximum(n, 1e-12)


def reference(user_feat, repo_feat, edge_index_ur, pos_edge_index, neg_edge_index,
              W_user, b_user, W_repo, b_repo,
              W_h_ur, b_h_ur, W_h_ru, b_h_ru,
              W_o_ur, b_o_ur, W_o_ru, b_o_ru):
    # node-type embeddings
    h_user = user_feat @ W_user + b_user
    h_repo = repo_feat @ W_repo + b_repo
    src_u = edge_index_ur[0]
    dst_r = edge_index_ur[1]
    # HeteroGraphConv layer 1 (aggregate='sum'; one etype per dst type)
    hu1 = _graph_conv(h_repo, dst_r, src_u, N_REPO, N_USER, W_h_ru, b_h_ru)  # repo->user
    hr1 = _graph_conv(h_user, src_u, dst_r, N_USER, N_REPO, W_h_ur, b_h_ur)  # user->repo
    # HeteroGraphConv layer 2
    ou = _graph_conv(hr1, dst_r, src_u, N_REPO, N_USER, W_o_ru, b_o_ru)
    orp = _graph_conv(hu1, src_u, dst_r, N_USER, N_REPO, W_o_ur, b_o_ur)
    # CosineSimilarity edge scoring on pos/neg graphs (u_dot_v of L2-normalized feats)
    nu = _l2norm(ou)
    nr = _l2norm(orp)
    pos_score = jnp.sum(nu[pos_edge_index[0]] * nr[pos_edge_index[1]], axis=-1)
    neg_score = jnp.sum(nu[neg_edge_index[0]] * nr[neg_edge_index[1]], axis=-1)
    return (pos_score, neg_score)

if __name__ == "__main__":
    import jax
    _d = setup_inputs()
    print(jax.jit(kernel)(*tuple(_d.values())))

</pallas_src>

<mosaic_0001>
#map = affine_map<(d0, d1) -> (0, 0, 0)>
#map1 = affine_map<(d0, d1) -> (0, 0)>
module attributes {stable_mosaic.version = 14 : i64} {
  func.func @deg_kernel(%arg0: i32, %arg1: i32, %arg2: memref<2x2560x128xi32, #tpu.memory_space<hbm>>, %arg3: memref<5120x16xf32, #tpu.memory_space<hbm>>, %arg4: memref<128x16xf32, #tpu.memory_space<hbm>>, %arg5: memref<2x5120x16xf32, #tpu.memory_space<hbm>>, %arg6: memref<2x5120x16xf32, #tpu.memory_space<hbm>>, %arg7: memref<5120x16xf32, #tpu.memory_space<vmem_shared>>, %arg8: memref<5120x16xf32, #tpu.memory_space<vmem_shared>>, %arg9: memref<80x128xi32, #tpu.memory_space<vmem>>, %arg10: memref<80x128xi32, #tpu.memory_space<vmem>>, %arg11: memref<128x16xf32, #tpu.memory_space<vmem>>, %arg12: memref<2x!tpu.dma_semaphore, #tpu.memory_space<semaphore_mem>>, %arg13: memref<2x!tpu.dma_semaphore, #tpu.memory_space<semaphore_mem>>) attributes {dimension_semantics = [#tpu.dimension_semantics<core_parallel>, #tpu.dimension_semantics<subcore_parallel>], iteration_bounds = array<i64: 2, 16>, scalar_prefetch = 0 : i64, scratch_operands = 7 : i64, tpu.core_type = #tpu.core_type<sc_vector_subcore>, window_params = [{transform_indices = #map}, {transform_indices = #map1}, {transform_indices = #map1}, {transform_indices = #map}, {transform_indices = #map}]} {
    %mul3A = arith.constant 16 : i32
    %mul3A_0 = arith.muli %arg0, %mul3A : i32
    %add3A = arith.addi %mul3A_0, %arg1 : i32
    %mul3A_1 = arith.constant 320 : i32
    %mul3A_2 = arith.muli %arg1, %mul3A_1 : i32
    "tpu.region"() ({
      %run_scoped3A_53 = tpu.sem_alloc : memref<!tpu.dma_semaphore, #tpu.memory_space<semaphore_mem>>
      %dma_start3A = arith.constant 0 : i32
      %dma_start3A_54 = tpu.memref_slice %arg7[%mul3A_2, %dma_start3A] : memref<5120x16xf32, #tpu.memory_space<vmem_shared>> -> memref<320x16xf32, #tpu.memory_space<vmem_shared>>
      %dma_start3A_55 = arith.constant 0 : i32
      %dma_start3A_56 = tpu.memref_slice %arg3[%mul3A_2, %dma_start3A_55] : memref<5120x16xf32, #tpu.memory_space<hbm>> -> memref<320x16xf32, #tpu.memory_space<hbm>>
      tpu.enqueue_dma source(%dma_start3A_56 : memref<320x16xf32, #tpu.memory_space<hbm>>) target(%dma_start3A_54 : memref<320x16xf32, #tpu.memory_space<vmem_shared>>) target_semaphore(%run_scoped3A_53 : memref<!tpu.dma_semaphore, #tpu.memory_space<semaphore_mem>>)
      %dma_wait3A_57 = arith.constant 0 : i32
      %dma_wait3A_58 = tpu.memref_slice %arg7[%mul3A_2, %dma_wait3A_57] : memref<5120x16xf32, #tpu.memory_space<vmem_shared>> -> memref<320x16xf32, #tpu.memory_space<vmem_shared>>
      %dma_wait3A_59 = arith.constant 0 : i32
      %dma_wait3A_60 = tpu.memref_slice %arg3[%mul3A_2, %dma_wait3A_59] : memref<5120x16xf32, #tpu.memory_space<hbm>> -> memref<320x16xf32, #tpu.memory_space<hbm>>
      tpu.wait_dma2 semaphore(%run_scoped3A_53 : memref<!tpu.dma_semaphore, #tpu.memory_space<semaphore_mem>>) src(%dma_wait3A_60 : memref<320x16xf32, #tpu.memory_space<hbm>>) dst(%dma_wait3A_58 : memref<320x16xf32, #tpu.memory_space<vmem_shared>>)
      tpu.yield
    }) : () -> ()
    "tpu.region"() ({
      %run_scoped3A_53 = tpu.sem_alloc : memref<!tpu.dma_semaphore, #tpu.memory_space<semaphore_mem>>
      %dma_start3A = arith.constant 0 : i32
      %dma_start3A_54 = tpu.memref_slice %arg8[%mul3A_2, %dma_start3A] : memref<5120x16xf32, #tpu.memory_space<vmem_shared>> -> memref<320x16xf32, #tpu.memory_space<vmem_shared>>
      %dma_start3A_55 = arith.constant 0 : i32
      %dma_start3A_56 = tpu.memref_slice %arg3[%mul3A_2, %dma_start3A_55] : memref<5120x16xf32, #tpu.memory_space<hbm>> -> memref<320x16xf32, #tpu.memory_space<hbm>>
      tpu.enqueue_dma source(%dma_start3A_56 : memref<320x16xf32, #tpu.memory_space<hbm>>) target(%dma_start3A_54 : memref<320x16xf32, #tpu.memory_space<vmem_shared>>) target_semaphore(%run_scoped3A_53 : memref<!tpu.dma_semaphore, #tpu.memory_space<semaphore_mem>>)
      %dma_wait3A_57 = arith.constant 0 : i32
      %dma_wait3A_58 = tpu.memref_slice %arg8[%mul3A_2, %dma_wait3A_57] : memref<5120x16xf32, #tpu.memory_space<vmem_shared>> -> memref<320x16xf32, #tpu.memory_space<vmem_shared>>
      %dma_wait3A_59 = arith.constant 0 : i32
      %dma_wait3A_60 = tpu.memref_slice %arg3[%mul3A_2, %dma_wait3A_59] : memref<5120x16xf32, #tpu.memory_space<hbm>> -> memref<320x16xf32, #tpu.memory_space<hbm>>
      tpu.wait_dma2 semaphore(%run_scoped3A_53 : memref<!tpu.dma_semaphore, #tpu.memory_space<semaphore_mem>>) src(%dma_wait3A_60 : memref<320x16xf32, #tpu.memory_space<hbm>>) dst(%dma_wait3A_58 : memref<320x16xf32, #tpu.memory_space<vmem_shared>>)
      tpu.yield
    }) : () -> ()
    %mul3A_3 = arith.constant 80 : i32
    %mul3A_4 = arith.muli %add3A, %mul3A_3 : i32
    %run_scoped3A = arith.constant 0 : i32
    "tpu.region"() ({
      %run_scoped3A_53 = tpu.sem_alloc : memref<!tpu.dma_semaphore, #tpu.memory_space<semaphore_mem>>
      %dma_start3A = arith.constant 0 : i32
      %dma_start3A_54 = tpu.memref_slice %arg2[%run_scoped3A, %mul3A_4, %dma_start3A] : memref<2x2560x128xi32, #tpu.memory_space<hbm>> -> memref<1x80x128xi32, #tpu.memory_space<hbm>>
      %dma_start3A_55 = tpu.memref_squeeze %dma_start3A_54 : memref<1x80x128xi32, #tpu.memory_space<hbm>> -> memref<80x128xi32, #tpu.memory_space<hbm>>
      %dma_start3A_56 = arith.constant 0 : i32
      %dma_start3A_57 = tpu.memref_slice %arg2[%run_scoped3A, %mul3A_4, %dma_start3A_56] : memref<2x2560x128xi32, #tpu.memory_space<hbm>> -> memref<1x80x128xi32, #tpu.memory_space<hbm>>
      %dma_start3A_58 = tpu.memref_squeeze %dma_start3A_57 : memref<1x80x128xi32, #tpu.memory_space<hbm>> -> memref<80x128xi32, #tpu.memory_space<hbm>>
      tpu.enqueue_dma source(%dma_start3A_58 : memref<80x128xi32, #tpu.memory_space<hbm>>) target(%arg9 : memref<80x128xi32, #tpu.memory_space<vmem>>) target_semaphore(%run_scoped3A_53 : memref<!tpu.dma_semaphore, #tpu.memory_space<semaphore_mem>>)
      %dma_wait3A_59 = arith.constant 0 : i32
      %dma_wait3A_60 = tpu.memref_slice %arg2[%run_scoped3A, %mul3A_4, %dma_wait3A_59] : memref<2x2560x128xi32, #tpu.memory_space<hbm>> -> memref<1x80x128xi32, #tpu.memory_space<hbm>>
      %dma_wait3A_61 = tpu.memref_squeeze %dma_wait3A_60 : memref<1x80x128xi32, #tpu.memory_space<hbm>> -> memref<80x128xi32, #tpu.memory_space<hbm>>
      %dma_wait3A_62 = arith.constant 0 : i32
      %dma_wait3A_63 = tpu.memref_slice %arg2[%run_scoped3A, %mul3A_4, %dma_wait3A_62] : memref<2x2560x128xi32, #tpu.memory_space<hbm>> -> memref<1x80x128xi32, #tpu.memory_space<hbm>>
      %dma_wait3A_64 = tpu.memref_squeeze %dma_wait3A_63 : memref<1x80x128xi32, #tpu.memory_space<hbm>> -> memref<80x128xi32, #tpu.memory_space<hbm>>
      tpu.wait_dma2 semaphore(%run_scoped3A_53 : memref<!tpu.dma_semaphore, #tpu.memory_space<semaphore_mem>>) src(%dma_wait3A_64 : memref<80x128xi32, #tpu.memory_space<hbm>>) dst(%arg9 : memref<80x128xi32, #tpu.memory_space<vmem>>)
      tpu.yield
    }) : () -> ()
    %mul3A_5 = arith.constant 80 : i32
    %mul3A_6 = arith.muli %add3A, %mul3A_5 : i32
    %run_scoped3A_7 = arith.constant 1 : i32
    "tpu.region"() ({
      %run_scoped3A_53 = tpu.sem_alloc : memref<!tpu.dma_semaphore, #tpu.memory_space<semaphore_mem>>
      %dma_start3A = arith.constant 0 : i32
      %dma_start3A_54 = tpu.memref_slice %arg2[%run_scoped3A_7, %mul3A_6, %dma_start3A] : memref<2x2560x128xi32, #tpu.memory_space<hbm>> -> memref<1x80x128xi32, #tpu.memory_space<hbm>>
      %dma_start3A_55 = tpu.memref_squeeze %dma_start3A_54 : memref<1x80x128xi32, #tpu.memory_space<hbm>> -> memref<80x128xi32, #tpu.memory_space<hbm>>
      %dma_start3A_56 = arith.constant 0 : i32
      %dma_start3A_57 = tpu.memref_slice %arg2[%run_scoped3A_7, %mul3A_6, %dma_start3A_56] : memref<2x2560x128xi32, #tpu.memory_space<hbm>> -> memref<1x80x128xi32, #tpu.memory_space<hbm>>
      %dma_start3A_58 = tpu.memref_squeeze %dma_start3A_57 : memref<1x80x128xi32, #tpu.memory_space<hbm>> -> memref<80x128xi32, #tpu.memory_space<hbm>>
      tpu.enqueue_dma source(%dma_start3A_58 : memref<80x128xi32, #tpu.memory_space<hbm>>) target(%arg10 : memref<80x128xi32, #tpu.memory_space<vmem>>) target_semaphore(%run_scoped3A_53 : memref<!tpu.dma_semaphore, #tpu.memory_space<semaphore_mem>>)
      %dma_wait3A_59 = arith.constant 0 : i32
      %dma_wait3A_60 = tpu.memref_slice %arg2[%run_scoped3A_7, %mul3A_6, %dma_wait3A_59] : memref<2x2560x128xi32, #tpu.memory_space<hbm>> -> memref<1x80x128xi32, #tpu.memory_space<hbm>>
      %dma_wait3A_61 = tpu.memref_squeeze %dma_wait3A_60 : memref<1x80x128xi32, #tpu.memory_space<hbm>> -> memref<80x128xi32, #tpu.memory_space<hbm>>
      %dma_wait3A_62 = arith.constant 0 : i32
      %dma_wait3A_63 = tpu.memref_slice %arg2[%run_scoped3A_7, %mul3A_6, %dma_wait3A_62] : memref<2x2560x128xi32, #tpu.memory_space<hbm>> -> memref<1x80x128xi32, #tpu.memory_space<hbm>>
      %dma_wait3A_64 = tpu.memref_squeeze %dma_wait3A_63 : memref<1x80x128xi32, #tpu.memory_space<hbm>> -> memref<80x128xi32, #tpu.memory_space<hbm>>
      tpu.wait_dma2 semaphore(%run_scoped3A_53 : memref<!tpu.dma_semaphore, #tpu.memory_space<semaphore_mem>>) src(%dma_wait3A_64 : memref<80x128xi32, #tpu.memory_space<hbm>>) dst(%arg10 : memref<80x128xi32, #tpu.memory_space<vmem>>)
      tpu.yield
    }) : () -> ()
    "tpu.region"() ({
      %run_scoped3A_53 = tpu.sem_alloc : memref<!tpu.dma_semaphore, #tpu.memory_space<semaphore_mem>>
      tpu.enqueue_dma source(%arg4 : memref<128x16xf32, #tpu.memory_space<hbm>>) target(%arg11 : memref<128x16xf32, #tpu.memory_space<vmem>>) target_semaphore(%run_scoped3A_53 : memref<!tpu.dma_semaphore, #tpu.memory_space<semaphore_mem>>)
      tpu.wait_dma2 semaphore(%run_scoped3A_53 : memref<!tpu.dma_semaphore, #tpu.memory_space<semaphore_mem>>) src(%arg4 : memref<128x16xf32, #tpu.memory_space<hbm>>) dst(%arg11 : memref<128x16xf32, #tpu.memory_space<vmem>>)
      tpu.yield
    }) : () -> ()
    %barrier3A = arith.constant 0 : index
    tpu.barrier barrier_id(%barrier3A)
    %scan3A = arith.constant 0 : i32
    %scan3A_8 = arith.constant 0 : i32
    %scan3A_9 = arith.constant 40 : i32
    %scan3A_10 = arith.addi %scan3A_8, %scan3A_9 : i32
    %scan3A_11 = arith.constant 1 : i32
    scf.for %scan3A_53 = %scan3A_8 to %scan3A_10 step %scan3A_11  : i32 {
      %mul3A_54 = arith.constant 2 : i32
      %mul3A_55 = arith.muli %mul3A_54, %scan3A_53 : i32
      %add3A_56 = arith.constant 1 : i32
      %add3A_57 = arith.addi %mul3A_55, %add3A_56 : i32
      %gt3A = arith.constant 0 : i32
      %gt3A_58 = arith.cmpi sgt, %scan3A_53, %gt3A : i32
      %convert_element_type3A = arith.extui %gt3A_58 : i1 to i32
      %cond3A = arith.constant 0 : i32
      %cond3A_59 = arith.cmpi ne, %convert_element_type3A, %cond3A : i32
      scf.if %cond3A_59 {
        %dma_wait3A_95 = arith.constant 0 : i32
        %dma_wait3A_96 = arith.constant 0 : i32
        %dma_wait3A_97 = arith.constant 0 : i32
        %dma_wait3A_98 = tpu.memref_slice %arg9[%dma_wait3A_95, %dma_wait3A_97] : memref<80x128xi32, #tpu.memory_space<vmem>> -> memref<1x128xi32, #tpu.memory_space<vmem>>
        %dma_wait3A_99 = tpu.memref_squeeze %dma_wait3A_98 : memref<1x128xi32, #tpu.memory_space<vmem>> -> memref<128xi32, #tpu.memory_space<vmem>>
        %dma_wait3A_100 = arith.constant 0 : i32
        %dma_wait3A_101 = arith.constant 0 : i32
        %dma_wait3A_102 = tpu.memref_slice %arg7[%dma_wait3A_100, %dma_wait3A_101] : memref<5120x16xf32, #tpu.memory_space<vmem_shared>> -> memref<5120x16xf32, #tpu.memory_space<vmem_shared>>
        %dma_wait3A_103 = tpu.memref_slice %arg12[%dma_wait3A_96] : memref<2x!tpu.dma_semaphore, #tpu.memory_space<semaphore_mem>> -> memref<1x!tpu.dma_semaphore, #tpu.memory_space<semaphore_mem>>
        %dma_wait3A_104 = tpu.memref_squeeze %dma_wait3A_103 : memref<1x!tpu.dma_semaphore, #tpu.memory_space<semaphore_mem>> -> memref<!tpu.dma_semaphore, #tpu.memory_space<semaphore_mem>>
        tpu.wait_indirect_dma semaphore(%dma_wait3A_104 : memref<!tpu.dma_semaphore, #tpu.memory_space<semaphore_mem>>) src(%arg11 : memref<128x16xf32, #tpu.memory_space<vmem>>) dst(%dma_wait3A_102 : memref<5120x16xf32, #tpu.memory_space<vmem_shared>>)
        %dma_wait3A_105 = arith.constant 0 : i32
        %dma_wait3A_106 = arith.constant 0 : i32
        %dma_wait3A_107 = arith.constant 0 : i32
        %dma_wait3A_108 = tpu.memref_slice %arg10[%dma_wait3A_105, %dma_wait3A_107] : memref<80x128xi32, #tpu.memory_space<vmem>> -> memref<1x128xi32, #tpu.memory_space<vmem>>
        %dma_wait3A_109 = tpu.memref_squeeze %dma_wait3A_108 : memref<1x128xi32, #tpu.memory_space<vmem>> -> memref<128xi32, #tpu.memory_space<vmem>>
        %dma_wait3A_110 = arith.constant 0 : i32
        %dma_wait3A_111 = arith.constant 0 : i32
        %dma_wait3A_112 = tpu.memref_slice %arg8[%dma_wait3A_110, %dma_wait3A_111] : memref<5120x16xf32, #tpu.memory_space<vmem_shared>> -> memref<5120x16xf32, #tpu.memory_space<vmem_shared>>
        %dma_wait3A_113 = tpu.memref_slice %arg13[%dma_wait3A_106] : memref<2x!tpu.dma_semaphore, #tpu.memory_space<semaphore_mem>> -> memref<1x!tpu.dma_semaphore, #tpu.memory_space<semaphore_mem>>
        %dma_wait3A_114 = tpu.memref_squeeze %dma_wait3A_113 : memref<1x!tpu.dma_semaphore, #tpu.memory_space<semaphore_mem>> -> memref<!tpu.dma_semaphore, #tpu.memory_space<semaphore_mem>>
        tpu.wait_indirect_dma semaphore(%dma_wait3A_114 : memref<!tpu.dma_semaphore, #tpu.memory_space<semaphore_mem>>) src(%arg11 : memref<128x16xf32, #tpu.memory_space<vmem>>) dst(%dma_wait3A_112 : memref<5120x16xf32, #tpu.memory_space<vmem_shared>>)
        %dma_wait3A_115 = arith.constant 0 : i32
        %dma_wait3A_116 = arith.constant 1 : i32
        %dma_wait3A_117 = arith.constant 0 : i32
        %dma_wait3A_118 = tpu.memref_slice %arg9[%dma_wait3A_115, %dma_wait3A_117] : memref<80x128xi32, #tpu.memory_space<vmem>> -> memref<1x128xi32, #tpu.memory_space<vmem>>
        %dma_wait3A_119 = tpu.memref_squeeze %dma_wait3A_118 : memref<1x128xi32, #tpu.memory_space<vmem>> -> memref<128xi32, #tpu.memory_space<vmem>>
        %dma_wait3A_120 = arith.constant 0 : i32
        %dma_wait3A_121 = arith.constant 0 : i32
        %dma_wait3A_122 = tpu.memref_slice %arg7[%dma_wait3A_120, %dma_wait3A_121] : memref<5120x16xf32, #tpu.memory_space<vmem_shared>> -> memref<5120x16xf32, #tpu.memory_space<vmem_shared>>
        %dma_wait3A_123 = tpu.memref_slice %arg12[%dma_wait3A_116] : memref<2x!tpu.dma_semaphore, #tpu.memory_space<semaphore_mem>> -> memref<1x!tpu.dma_semaphore, #tpu.memory_space<semaphore_mem>>
        %dma_wait3A_124 = tpu.memref_squeeze %dma_wait3A_123 : memref<1x!tpu.dma_semaphore, #tpu.memory_space<semaphore_mem>> -> memref<!tpu.dma_semaphore, #tpu.memory_space<semaphore_mem>>
        tpu.wait_indirect_dma semaphore(%dma_wait3A_124 : memref<!tpu.dma_semaphore, #tpu.memory_space<semaphore_mem>>) src(%arg11 : memref<128x16xf32, #tpu.memory_space<vmem>>) dst(%dma_wait3A_122 : memref<5120x16xf32, #tpu.memory_space<vmem_shared>>)
        %dma_wait3A_125 = arith.constant 0 : i32
        %dma_wait3A_126 = arith.constant 1 : i32
        %dma_wait3A_127 = arith.constant 0 : i32
        %dma_wait3A_128 = tpu.memref_slice %arg10[%dma_wait3A_125, %dma_wait3A_127] : memref<80x128xi32, #tpu.memory_space<vmem>> -> memref<1x128xi32, #tpu.memory_space<vmem>>
        %dma_wait3A_129 = tpu.memref_squeeze %dma_wait3A_128 : memref<1x128xi32, #tpu.memory_space<vmem>> -> memref<128xi32, #tpu.memory_space<vmem>>
        %dma_wait3A_130 = arith.constant 0 : i32
        %dma_wait3A_131 = arith.constant 0 : i32
        %dma_wait3A_132 = tpu.memref_slice %arg8[%dma_wait3A_130, %dma_wait3A_131] : memref<5120x16xf32, #tpu.memory_space<vmem_shared>> -> memref<5120x16xf32, #tpu.memory_space<vmem_shared>>
        %dma_wait3A_133 = tpu.memref_slice %arg13[%dma_wait3A_126] : memref<2x!tpu.dma_semaphore, #tpu.memory_space<semaphore_mem>> -> memref<1x!tpu.dma_semaphore, #tpu.memory_space<semaphore_mem>>
        %dma_wait3A_134 = tpu.memref_squeeze %dma_wait3A_133 : memref<1x!tpu.dma_semaphore, #tpu.memory_space<semaphore_mem>> -> memref<!tpu.dma_semaphore, #tpu.memory_space<semaphore_mem>>
        tpu.wait_indirect_dma semaphore(%dma_wait3A_134 : memref<!tpu.dma_semaphore, #tpu.memory_space<semaphore_mem>>) src(%arg11 : memref<128x16xf32, #tpu.memory_space<vmem>>) dst(%dma_wait3A_132 : memref<5120x16xf32, #tpu.memory_space<vmem_shared>>)
      } else {
      }
      %dma_start3A = arith.constant 0 : i32
      %dma_start3A_60 = arith.constant 0 : i32
      %dma_start3A_61 = tpu.memref_slice %arg9[%mul3A_55, %dma_start3A_60] : memref<80x128xi32, #tpu.memory_space<vmem>> -> memref<1x128xi32, #tpu.memory_space<vmem>>
      %dma_start3A_62 = tpu.memref_squeeze %dma_start3A_61 : memref<1x128xi32, #tpu.memory_space<vmem>> -> memref<128xi32, #tpu.memory_space<vmem>>
      %dma_start3A_63 = arith.constant 0 : i32
      %dma_start3A_64 = arith.constant 0 : i32
      %dma_start3A_65 = tpu.memref_slice %arg7[%dma_start3A_63, %dma_start3A_64] : memref<5120x16xf32, #tpu.memory_space<vmem_shared>> -> memref<5120x16xf32, #tpu.memory_space<vmem_shared>>
      %dma_start3A_66 = tpu.memref_slice %arg12[%dma_start3A] : memref<2x!tpu.dma_semaphore, #tpu.memory_space<semaphore_mem>> -> memref<1x!tpu.dma_semaphore, #tpu.memory_space<semaphore_mem>>
      %dma_start3A_67 = tpu.memref_squeeze %dma_start3A_66 : memref<1x!tpu.dma_semaphore, #tpu.memory_space<semaphore_mem>> -> memref<!tpu.dma_semaphore, #tpu.memory_space<semaphore_mem>>
      tpu.enqueue_indirect_dma source(%arg11 : memref<128x16xf32, #tpu.memory_space<vmem>>) target(%dma_start3A_65 : memref<5120x16xf32, #tpu.memory_space<vmem_shared>>) offsets(%dma_start3A_62 : memref<128xi32, #tpu.memory_space<vmem>>) semaphore(%dma_start3A_67 : memref<!tpu.dma_semaphore, #tpu.memory_space<semaphore_mem>>) {add = true}
      %dma_start3A_68 = arith.constant 0 : i32
      %dma_start3A_69 = arith.constant 0 : i32
      %dma_start3A_70 = tpu.memref_slice %arg10[%mul3A_55, %dma_start3A_69] : memref<80x128xi32, #tpu.memory_space<vmem>> -> memref<1x128xi32, #tpu.memory_space<vmem>>
      %dma_start3A_71 = tpu.memref_squeeze %dma_start3A_70 : memref<1x128xi32, #tpu.memory_space<vmem>> -> memref<128xi32, #tpu.memory_space<vmem>>
      %dma_start3A_72 = arith.constant 0 : i32
      %dma_start3A_73 = arith.constant 0 : i32
      %dma_start3A_74 = tpu.memref_slice %arg8[%dma_start3A_72, %dma_start3A_73] : memref<5120x16xf32, #tpu.memory_space<vmem_shared>> -> memref<5120x16xf32, #tpu.memory_space<vmem_shared>>
      %dma_start3A_75 = tpu.memref_slice %arg13[%dma_start3A_68] : memref<2x!tpu.dma_semaphore, #tpu.memory_space<semaphore_mem>> -> memref<1x!tpu.dma_semaphore, #tpu.memory_space<semaphore_mem>>
      %dma_start3A_76 = tpu.memref_squeeze %dma_start3A_75 : memref<1x!tpu.dma_semaphore, #tpu.memory_space<semaphore_mem>> -> memref<!tpu.dma_semaphore, #tpu.memory_space<semaphore_mem>>
      tpu.enqueue_indirect_dma source(%arg11 : memref<128x16xf32, #tpu.memory_space<vmem>>) target(%dma_start3A_74 : memref<5120x16xf32, #tpu.memory_space<vmem_shared>>) offsets(%dma_start3A_71 : memref<128xi32, #tpu.memory_space<vmem>>) semaphore(%dma_start3A_76 : memref<!tpu.dma_semaphore, #tpu.memory_space<semaphore_mem>>) {add = true}
      %dma_start3A_77 = arith.constant 1 : i32
      %dma_start3A_78 = arith.constant 0 : i32
      %dma_start3A_79 = tpu.memref_slice %arg9[%add3A_57, %dma_start3A_78] : memref<80x128xi32, #tpu.memory_space<vmem>> -> memref<1x128xi32, #tpu.memory_space<vmem>>
      %dma_start3A_80 = tpu.memref_squeeze %dma_start3A_79 : memref<1x128xi32, #tpu.memory_space<vmem>> -> memref<128xi32, #tpu.memory_space<vmem>>
      %dma_start3A_81 = arith.constant 0 : i32
      %dma_start3A_82 = arith.constant 0 : i32
      %dma_start3A_83 = tpu.memref_slice %arg7[%dma_start3A_81, %dma_start3A_82] : memref<5120x16xf32, #tpu.memory_space<vmem_shared>> -> memref<5120x16xf32, #tpu.memory_space<vmem_shared>>
      %dma_start3A_84 = tpu.memref_slice %arg12[%dma_start3A_77] : memref<2x!tpu.dma_semaphore, #tpu.memory_space<semaphore_mem>> -> memref<1x!tpu.dma_semaphore, #tpu.memory_space<semaphore_mem>>
      %dma_start3A_85 = tpu.memref_squeeze %dma_start3A_84 : memref<1x!tpu.dma_semaphore, #tpu.memory_space<semaphore_mem>> -> memref<!tpu.dma_semaphore, #tpu.memory_space<semaphore_mem>>
      tpu.enqueue_indirect_dma source(%arg11 : memref<128x16xf32, #tpu.memory_space<vmem>>) target(%dma_start3A_83 : memref<5120x16xf32, #tpu.memory_space<vmem_shared>>) offsets(%dma_start3A_80 : memref<128xi32, #tpu.memory_space<vmem>>) semaphore(%dma_start3A_85 : memref<!tpu.dma_semaphore, #tpu.memory_space<semaphore_mem>>) {add = true}
      %dma_start3A_86 = arith.constant 1 : i32
      %dma_start3A_87 = arith.constant 0 : i32
      %dma_start3A_88 = tpu.memref_slice %arg10[%add3A_57, %dma_start3A_87] : memref<80x128xi32, #tpu.memory_space<vmem>> -> memref<1x128xi32, #tpu.memory_space<vmem>>
      %dma_start3A_89 = tpu.memref_squeeze %dma_start3A_88 : memref<1x128xi32, #tpu.memory_space<vmem>> -> memref<128xi32, #tpu.memory_space<vmem>>
      %dma_start3A_90 = arith.constant 0 : i32
      %dma_start3A_91 = arith.constant 0 : i32
      %dma_start3A_92 = tpu.memref_slice %arg8[%dma_start3A_90, %dma_start3A_91] : memref<5120x16xf32, #tpu.memory_space<vmem_shared>> -> memref<5120x16xf32, #tpu.memory_space<vmem_shared>>
      %dma_start3A_93 = tpu.memref_slice %arg13[%dma_start3A_86] : memref<2x!tpu.dma_semaphore, #tpu.memory_space<semaphore_mem>> -> memref<1x!tpu.dma_semaphore, #tpu.memory_space<semaphore_mem>>
      %dma_start3A_94 = tpu.memref_squeeze %dma_start3A_93 : memref<1x!tpu.dma_semaphore, #tpu.memory_space<semaphore_mem>> -> memref<!tpu.dma_semaphore, #tpu.memory_space<semaphore_mem>>
      tpu.enqueue_indirect_dma source(%arg11 : memref<128x16xf32, #tpu.memory_space<vmem>>) target(%dma_start3A_92 : memref<5120x16xf32, #tpu.memory_space<vmem_shared>>) offsets(%dma_start3A_89 : memref<128xi32, #tpu.memory_space<vmem>>) semaphore(%dma_start3A_94 : memref<!tpu.dma_semaphore, #tpu.memory_space<semaphore_mem>>) {add = true}
    }
    %scan3A_12 = arith.constant 40 : i32
    %dma_wait3A = arith.constant 0 : i32
    %dma_wait3A_13 = arith.constant 0 : i32
    %dma_wait3A_14 = arith.constant 0 : i32
    %dma_wait3A_15 = tpu.memref_slice %arg9[%dma_wait3A, %dma_wait3A_14] : memref<80x128xi32, #tpu.memory_space<vmem>> -> memref<1x128xi32, #tpu.memory_space<vmem>>
    %dma_wait3A_16 = tpu.memref_squeeze %dma_wait3A_15 : memref<1x128xi32, #tpu.memory_space<vmem>> -> memref<128xi32, #tpu.memory_space<vmem>>
    %dma_wait3A_17 = arith.constant 0 : i32
    %dma_wait3A_18 = arith.constant 0 : i32
    %dma_wait3A_19 = tpu.memref_slice %arg7[%dma_wait3A_17, %dma_wait3A_18] : memref<5120x16xf32, #tpu.memory_space<vmem_shared>> -> memref<5120x16xf32, #tpu.memory_space<vmem_shared>>
    %dma_wait3A_20 = tpu.memref_slice %arg12[%dma_wait3A_13] : memref<2x!tpu.dma_semaphore, #tpu.memory_space<semaphore_mem>> -> memref<1x!tpu.dma_semaphore, #tpu.memory_space<semaphore_mem>>
    %dma_wait3A_21 = tpu.memref_squeeze %dma_wait3A_20 : memref<1x!tpu.dma_semaphore, #tpu.memory_space<semaphore_mem>> -> memref<!tpu.dma_semaphore, #tpu.memory_space<semaphore_mem>>
    tpu.wait_indirect_dma semaphore(%dma_wait3A_21 : memref<!tpu.dma_semaphore, #tpu.memory_space<semaphore_mem>>) src(%arg11 : memref<128x16xf32, #tpu.memory_space<vmem>>) dst(%dma_wait3A_19 : memref<5120x16xf32, #tpu.memory_space<vmem_shared>>)
    %dma_wait3A_22 = arith.constant 0 : i32
    %dma_wait3A_23 = arith.constant 0 : i32
    %dma_wait3A_24 = arith.constant 0 : i32
    %dma_wait3A_25 = tpu.memref_slice %arg10[%dma_wait3A_22, %dma_wait3A_24] : memref<80x128xi32, #tpu.memory_space<vmem>> -> memref<1x128xi32, #tpu.memory_space<vmem>>
    %dma_wait3A_26 = tpu.memref_squeeze %dma_wait3A_25 : memref<1x128xi32, #tpu.memory_space<vmem>> -> memref<128xi32, #tpu.memory_space<vmem>>
    %dma_wait3A_27 = arith.constant 0 : i32
    %dma_wait3A_28 = arith.constant 0 : i32
    %dma_wait3A_29 = tpu.memref_slice %arg8[%dma_wait3A_27, %dma_wait3A_28] : memref<5120x16xf32, #tpu.memory_space<vmem_shared>> -> memref<5120x16xf32, #tpu.memory_space<vmem_shared>>
    %dma_wait3A_30 = tpu.memref_slice %arg13[%dma_wait3A_23] : memref<2x!tpu.dma_semaphore, #tpu.memory_space<semaphore_mem>> -> memref<1x!tpu.dma_semaphore, #tpu.memory_space<semaphore_mem>>
    %dma_wait3A_31 = tpu.memref_squeeze %dma_wait3A_30 : memref<1x!tpu.dma_semaphore, #tpu.memory_space<semaphore_mem>> -> memref<!tpu.dma_semaphore, #tpu.memory_space<semaphore_mem>>
    tpu.wait_indirect_dma semaphore(%dma_wait3A_31 : memref<!tpu.dma_semaphore, #tpu.memory_space<semaphore_mem>>) src(%arg11 : memref<128x16xf32, #tpu.memory_space<vmem>>) dst(%dma_wait3A_29 : memref<5120x16xf32, #tpu.memory_space<vmem_shared>>)
    %dma_wait3A_32 = arith.constant 0 : i32
    %dma_wait3A_33 = arith.constant 1 : i32
    %dma_wait3A_34 = arith.constant 0 : i32
    %dma_wait3A_35 = tpu.memref_slice %arg9[%dma_wait3A_32, %dma_wait3A_34] : memref<80x128xi32, #tpu.memory_space<vmem>> -> memref<1x128xi32, #tpu.memory_space<vmem>>
    %dma_wait3A_36 = tpu.memref_squeeze %dma_wait3A_35 : memref<1x128xi32, #tpu.memory_space<vmem>> -> memref<128xi32, #tpu.memory_space<vmem>>
    %dma_wait3A_37 = arith.constant 0 : i32
    %dma_wait3A_38 = arith.constant 0 : i32
    %dma_wait3A_39 = tpu.memref_slice %arg7[%dma_wait3A_37, %dma_wait3A_38] : memref<5120x16xf32, #tpu.memory_space<vmem_shared>> -> memref<5120x16xf32, #tpu.memory_space<vmem_shared>>
    %dma_wait3A_40 = tpu.memref_slice %arg12[%dma_wait3A_33] : memref<2x!tpu.dma_semaphore, #tpu.memory_space<semaphore_mem>> -> memref<1x!tpu.dma_semaphore, #tpu.memory_space<semaphore_mem>>
    %dma_wait3A_41 = tpu.memref_squeeze %dma_wait3A_40 : memref<1x!tpu.dma_semaphore, #tpu.memory_space<semaphore_mem>> -> memref<!tpu.dma_semaphore, #tpu.memory_space<semaphore_mem>>
    tpu.wait_indirect_dma semaphore(%dma_wait3A_41 : memref<!tpu.dma_semaphore, #tpu.memory_space<semaphore_mem>>) src(%arg11 : memref<128x16xf32, #tpu.memory_space<vmem>>) dst(%dma_wait3A_39 : memref<5120x16xf32, #tpu.memory_space<vmem_shared>>)
    %dma_wait3A_42 = arith.constant 0 : i32
    %dma_wait3A_43 = arith.constant 1 : i32
    %dma_wait3A_44 = arith.constant 0 : i32
    %dma_wait3A_45 = tpu.memref_slice %arg10[%dma_wait3A_42, %dma_wait3A_44] : memref<80x128xi32, #tpu.memory_space<vmem>> -> memref<1x128xi32, #tpu.memory_space<vmem>>
    %dma_wait3A_46 = tpu.memref_squeeze %dma_wait3A_45 : memref<1x128xi32, #tpu.memory_space<vmem>> -> memref<128xi32, #tpu.memory_space<vmem>>
    %dma_wait3A_47 = arith.constant 0 : i32
    %dma_wait3A_48 = arith.constant 0 : i32
    %dma_wait3A_49 = tpu.memref_slice %arg8[%dma_wait3A_47, %dma_wait3A_48] : memref<5120x16xf32, #tpu.memory_space<vmem_shared>> -> memref<5120x16xf32, #tpu.memory_space<vmem_shared>>
    %dma_wait3A_50 = tpu.memref_slice %arg13[%dma_wait3A_43] : memref<2x!tpu.dma_semaphore, #tpu.memory_space<semaphore_mem>> -> memref<1x!tpu.dma_semaphore, #tpu.memory_space<semaphore_mem>>
    %dma_wait3A_51 = tpu.memref_squeeze %dma_wait3A_50 : memref<1x!tpu.dma_semaphore, #tpu.memory_space<semaphore_mem>> -> memref<!tpu.dma_semaphore, #tpu.memory_space<semaphore_mem>>
    tpu.wait_indirect_dma semaphore(%dma_wait3A_51 : memref<!tpu.dma_semaphore, #tpu.memory_space<semaphore_mem>>) src(%arg11 : memref<128x16xf32, #tpu.memory_space<vmem>>) dst(%dma_wait3A_49 : memref<5120x16xf32, #tpu.memory_space<vmem_shared>>)
    %barrier3A_52 = arith.constant 0 : index
    tpu.barrier barrier_id(%barrier3A_52)
    "tpu.region"() ({
      %run_scoped3A_53 = tpu.sem_alloc : memref<!tpu.dma_semaphore, #tpu.memory_space<semaphore_mem>>
      %dma_start3A = arith.constant 0 : i32
      %dma_start3A_54 = tpu.memref_slice %arg5[%arg0, %mul3A_2, %dma_start3A] : memref<2x5120x16xf32, #tpu.memory_space<hbm>> -> memref<1x320x16xf32, #tpu.memory_space<hbm>>
      %dma_start3A_55 = tpu.memref_squeeze %dma_start3A_54 : memref<1x320x16xf32, #tpu.memory_space<hbm>> -> memref<320x16xf32, #tpu.memory_space<hbm>>
      %dma_start3A_56 = arith.constant 0 : i32
      %dma_start3A_57 = tpu.memref_slice %arg7[%mul3A_2, %dma_start3A_56] : memref<5120x16xf32, #tpu.memory_space<vmem_shared>> -> memref<320x16xf32, #tpu.memory_space<vmem_shared>>
      tpu.enqueue_dma source(%dma_start3A_57 : memref<320x16xf32, #tpu.memory_space<vmem_shared>>) target(%dma_start3A_55 : memref<320x16xf32, #tpu.memory_space<hbm>>) target_semaphore(%run_scoped3A_53 : memref<!tpu.dma_semaphore, #tpu.memory_space<semaphore_mem>>)
      %dma_wait3A_58 = arith.constant 0 : i32
      %dma_wait3A_59 = tpu.memref_slice %arg5[%arg0, %mul3A_2, %dma_wait3A_58] : memref<2x5120x16xf32, #tpu.memory_space<hbm>> -> memref<1x320x16xf32, #tpu.memory_space<hbm>>
      %dma_wait3A_60 = tpu.memref_squeeze %dma_wait3A_59 : memref<1x320x16xf32, #tpu.memory_space<hbm>> -> memref<320x16xf32, #tpu.memory_space<hbm>>
      %dma_wait3A_61 = arith.constant 0 : i32
      %dma_wait3A_62 = tpu.memref_slice %arg7[%mul3A_2, %dma_wait3A_61] : memref<5120x16xf32, #tpu.memory_space<vmem_shared>> -> memref<320x16xf32, #tpu.memory_space<vmem_shared>>
      tpu.wait_dma2 semaphore(%run_scoped3A_53 : memref<!tpu.dma_semaphore, #tpu.memory_space<semaphore_mem>>) src(%dma_wait3A_62 : memref<320x16xf32, #tpu.memory_space<vmem_shared>>) dst(%dma_wait3A_60 : memref<320x16xf32, #tpu.memory_space<hbm>>)
      tpu.yield
    }) : () -> ()
    "tpu.region"() ({
      %run_scoped3A_53 = tpu.sem_alloc : memref<!tpu.dma_semaphore, #tpu.memory_space<semaphore_mem>>
      %dma_start3A = arith.constant 0 : i32
      %dma_start3A_54 = tpu.memref_slice %arg6[%arg0, %mul3A_2, %dma_start3A] : memref<2x5120x16xf32, #tpu.memory_space<hbm>> -> memref<1x320x16xf32, #tpu.memory_space<hbm>>
      %dma_start3A_55 = tpu.memref_squeeze %dma_start3A_54 : memref<1x320x16xf32, #tpu.memory_space<hbm>> -> memref<320x16xf32, #tpu.memory_space<hbm>>
      %dma_start3A_56 = arith.constant 0 : i32
      %dma_start3A_57 = tpu.memref_slice %arg8[%mul3A_2, %dma_start3A_56] : memref<5120x16xf32, #tpu.memory_space<vmem_shared>> -> memref<320x16xf32, #tpu.memory_space<vmem_shared>>
      tpu.enqueue_dma source(%dma_start3A_57 : memref<320x16xf32, #tpu.memory_space<vmem_shared>>) target(%dma_start3A_55 : memref<320x16xf32, #tpu.memory_space<hbm>>) target_semaphore(%run_scoped3A_53 : memref<!tpu.dma_semaphore, #tpu.memory_space<semaphore_mem>>)
      %dma_wait3A_58 = arith.constant 0 : i32
      %dma_wait3A_59 = tpu.memref_slice %arg6[%arg0, %mul3A_2, %dma_wait3A_58] : memref<2x5120x16xf32, #tpu.memory_space<hbm>> -> memref<1x320x16xf32, #tpu.memory_space<hbm>>
      %dma_wait3A_60 = tpu.memref_squeeze %dma_wait3A_59 : memref<1x320x16xf32, #tpu.memory_space<hbm>> -> memref<320x16xf32, #tpu.memory_space<hbm>>
      %dma_wait3A_61 = arith.constant 0 : i32
      %dma_wait3A_62 = tpu.memref_slice %arg8[%mul3A_2, %dma_wait3A_61] : memref<5120x16xf32, #tpu.memory_space<vmem_shared>> -> memref<320x16xf32, #tpu.memory_space<vmem_shared>>
      tpu.wait_dma2 semaphore(%run_scoped3A_53 : memref<!tpu.dma_semaphore, #tpu.memory_space<semaphore_mem>>) src(%dma_wait3A_62 : memref<320x16xf32, #tpu.memory_space<vmem_shared>>) dst(%dma_wait3A_60 : memref<320x16xf32, #tpu.memory_space<hbm>>)
      tpu.yield
    }) : () -> ()
    return
  }
}

#map = affine_map<(d0, d1) -> (0, 0, 0)>
#map1 = affine_map<(d0, d1) -> (0, 0)>
module attributes {stable_mosaic.version = 14 : i64} {
  func.func @spmm_kernel(%arg0: i32, %arg1: i32, %arg2: memref<2x2560x128xi32, #tpu.memory_space<hbm>>, %arg3: memref<5120x64xf32, #tpu.memory_space<hbm>>, %arg4: memref<5120x64xf32, #tpu.memory_space<hbm>>, %arg5: memref<5120x64xf32, #tpu.memory_space<hbm>>, %arg6: memref<2x5120x64xf32, #tpu.memory_space<hbm>>, %arg7: memref<2x5120x64xf32, #tpu.memory_space<hbm>>, %arg8: memref<5120x64xf32, #tpu.memory_space<vmem_shared>>, %arg9: memref<5120x64xf32, #tpu.memory_space<vmem_shared>>, %arg10: memref<80x128xi32, #tpu.memory_space<vmem>>, %arg11: memref<80x128xi32, #tpu.memory_space<vmem>>, %arg12: memref<4x128x64xf32, #tpu.memory_space<vmem>>, %arg13: memref<4x128x64xf32, #tpu.memory_space<vmem>>, %arg14: memref<4x!tpu.dma_semaphore, #tpu.memory_space<semaphore_mem>>, %arg15: memref<4x!tpu.dma_semaphore, #tpu.memory_space<semaphore_mem>>, %arg16: memref<4x!tpu.dma_semaphore, #tpu.memory_space<semaphore_mem>>, %arg17: memref<4x!tpu.dma_semaphore, #tpu.memory_space<semaphore_mem>>) attributes {dimension_semantics = [#tpu.dimension_semantics<core_parallel>, #tpu.dimension_semantics<subcore_parallel>], iteration_bounds = array<i64: 2, 16>, scalar_prefetch = 0 : i64, scratch_operands = 10 : i64, tpu.core_type = #tpu.core_type<sc_vector_subcore>, window_params = [{transform_indices = #map}, {transform_indices = #map1}, {transform_indices = #map1}, {transform_indices = #map1}, {transform_indices = #map}, {transform_indices = #map}]} {
    %mul3A = arith.constant 16 : i32
    %mul3A_0 = arith.muli %arg0, %mul3A : i32
    %add3A = arith.addi %mul3A_0, %arg1 : i32
    %mul3A_1 = arith.constant 320 : i32
    %mul3A_2 = arith.muli %arg1, %mul3A_1 : i32
    "tpu.region"() ({
      %run_scoped3A_252 = tpu.sem_alloc : memref<!tpu.dma_semaphore, #tpu.memory_space<semaphore_mem>>
      %dma_start3A_253 = arith.constant 0 : i32
      %dma_start3A_254 = tpu.memref_slice %arg8[%mul3A_2, %dma_start3A_253] : memref<5120x64xf32, #tpu.memory_space<vmem_shared>> -> memref<320x64xf32, #tpu.memory_space<vmem_shared>>
      %dma_start3A_255 = arith.constant 0 : i32
      %dma_start3A_256 = tpu.memref_slice %arg5[%mul3A_2, %dma_start3A_255] : memref<5120x64xf32, #tpu.memory_space<hbm>> -> memref<320x64xf32, #tpu.memory_space<hbm>>
      tpu.enqueue_dma source(%dma_start3A_256 : memref<320x64xf32, #tpu.memory_space<hbm>>) target(%dma_start3A_254 : memref<320x64xf32, #tpu.memory_space<vmem_shared>>) target_semaphore(%run_scoped3A_252 : memref<!tpu.dma_semaphore, #tpu.memory_space<semaphore_mem>>)
      %dma_wait3A_257 = arith.constant 0 : i32
      %dma_wait3A_258 = tpu.memref_slice %arg8[%mul3A_2, %dma_wait3A_257] : memref<5120x64xf32, #tpu.memory_space<vmem_shared>> -> memref<320x64xf32, #tpu.memory_space<vmem_shared>>
      %dma_wait3A_259 = arith.constant 0 : i32
      %dma_wait3A_260 = tpu.memref_slice %arg5[%mul3A_2, %dma_wait3A_259] : memref<5120x64xf32, #tpu.memory_space<hbm>> -> memref<320x64xf32, #tpu.memory_space<hbm>>
      tpu.wait_dma2 semaphore(%run_scoped3A_252 : memref<!tpu.dma_semaphore, #tpu.memory_space<semaphore_mem>>) src(%dma_wait3A_260 : memref<320x64xf32, #tpu.memory_space<hbm>>) dst(%dma_wait3A_258 : memref<320x64xf32, #tpu.memory_space<vmem_shared>>)
      tpu.yield
    }) : () -> ()
    "tpu.region"() ({
      %run_scoped3A_252 = tpu.sem_alloc : memref<!tpu.dma_semaphore, #tpu.memory_space<semaphore_mem>>
      %dma_start3A_253 = arith.constant 0 : i32
      %dma_start3A_254 = tpu.memref_slice %arg9[%mul3A_2, %dma_start3A_253] : memref<5120x64xf32, #tpu.memory_space<vmem_shared>> -> memref<320x64xf32, #tpu.memory_space<vmem_shared>>
      %dma_start3A_255 = arith.constant 0 : i32
      %dma_start3A_256 = tpu.memref_slice %arg5[%mul3A_2, %dma_start3A_255] : memref<5120x64xf32, #tpu.memory_space<hbm>> -> memref<320x64xf32, #tpu.memory_space<hbm>>
      tpu.enqueue_dma source(%dma_start3A_256 : memref<320x64xf32, #tpu.memory_space<hbm>>) target(%dma_start3A_254 : memref<320x64xf32, #tpu.memory_space<vmem_shared>>) target_semaphore(%run_scoped3A_252 : memref<!tpu.dma_semaphore, #tpu.memory_space<semaphore_mem>>)
      %dma_wait3A_257 = arith.constant 0 : i32
      %dma_wait3A_258 = tpu.memref_slice %arg9[%mul3A_2, %dma_wait3A_257] : memref<5120x64xf32, #tpu.memory_space<vmem_shared>> -> memref<320x64xf32, #tpu.memory_space<vmem_shared>>
      %dma_wait3A_259 = arith.constant 0 : i32
      %dma_wait3A_260 = tpu.memref_slice %arg5[%mul3A_2, %dma_wait3A_259] : memref<5120x64xf32, #tpu.memory_space<hbm>> -> memref<320x64xf32, #tpu.memory_space<hbm>>
      tpu.wait_dma2 semaphore(%run_scoped3A_252 : memref<!tpu.dma_semaphore, #tpu.memory_space<semaphore_mem>>) src(%dma_wait3A_260 : memref<320x64xf32, #tpu.memory_space<hbm>>) dst(%dma_wait3A_258 : memref<320x64xf32, #tpu.memory_space<vmem_shared>>)
      tpu.yield
    }) : () -> ()
    %mul3A_3 = arith.constant 80 : i32
    %mul3A_4 = arith.muli %add3A, %mul3A_3 : i32
    %run_scoped3A = arith.constant 0 : i32
    "tpu.region"() ({
      %run_scoped3A_252 = tpu.sem_alloc : memref<!tpu.dma_semaphore, #tpu.memory_space<semaphore_mem>>
      %dma_start3A_253 = arith.constant 0 : i32
      %dma_start3A_254 = tpu.memref_slice %arg2[%run_scoped3A, %mul3A_4, %dma_start3A_253] : memref<2x2560x128xi32, #tpu.memory_space<hbm>> -> memref<1x80x128xi32, #tpu.memory_space<hbm>>
      %dma_start3A_255 = tpu.memref_squeeze %dma_start3A_254 : memref<1x80x128xi32, #tpu.memory_space<hbm>> -> memref<80x128xi32, #tpu.memory_space<hbm>>
      %dma_start3A_256 = arith.constant 0 : i32
      %dma_start3A_257 = tpu.memref_slice %arg2[%run_scoped3A, %mul3A_4, %dma_start3A_256] : memref<2x2560x128xi32, #tpu.memory_space<hbm>> -> memref<1x80x128xi32, #tpu.memory_space<hbm>>
      %dma_start3A_258 = tpu.memref_squeeze %dma_start3A_257 : memref<1x80x128xi32, #tpu.memory_space<hbm>> -> memref<80x128xi32, #tpu.memory_space<hbm>>
      tpu.enqueue_dma source(%dma_start3A_258 : memref<80x128xi32, #tpu.memory_space<hbm>>) target(%arg10 : memref<80x128xi32, #tpu.memory_space<vmem>>) target_semaphore(%run_scoped3A_252 : memref<!tpu.dma_semaphore, #tpu.memory_space<semaphore_mem>>)
      %dma_wait3A_259 = arith.constant 0 : i32
      %dma_wait3A_260 = tpu.memref_slice %arg2[%run_scoped3A, %mul3A_4, %dma_wait3A_259] : memref<2x2560x128xi32, #tpu.memory_space<hbm>> -> memref<1x80x128xi32, #tpu.memory_space<hbm>>
      %dma_wait3A_261 = tpu.memref_squeeze %dma_wait3A_260 : memref<1x80x128xi32, #tpu.memory_space<hbm>> -> memref<80x128xi32, #tpu.memory_space<hbm>>
      %dma_wait3A_262 = arith.constant 0 : i32
      %dma_wait3A_263 = tpu.memref_slice %arg2[%run_scoped3A, %mul3A_4, %dma_wait3A_262] : memref<2x2560x128xi32, #tpu.memory_space<hbm>> -> memref<1x80x128xi32, #tpu.memory_space<hbm>>
      %dma_wait3A_264 = tpu.memref_squeeze %dma_wait3A_263 : memref<1x80x128xi32, #tpu.memory_space<hbm>> -> memref<80x128xi32, #tpu.memory_space<hbm>>
      tpu.wait_dma2 semaphore(%run_scoped3A_252 : memref<!tpu.dma_semaphore, #tpu.memory_space<semaphore_mem>>) src(%dma_wait3A_264 : memref<80x128xi32, #tpu.memory_space<hbm>>) dst(%arg10 : memref<80x128xi32, #tpu.memory_space<vmem>>)
      tpu.yield
    }) : () -> ()
    %mul3A_5 = arith.constant 80 : i32
    %mul3A_6 = arith.muli %add3A, %mul3A_5 : i32
    %run_scoped3A_7 = arith.constant 1 : i32
    "tpu.region"() ({
      %run_scoped3A_252 = tpu.sem_alloc : memref<!tpu.dma_semaphore, #tpu.memory_space<semaphore_mem>>
      %dma_start3A_253 = arith.constant 0 : i32
      %dma_start3A_254 = tpu.memref_slice %arg2[%run_scoped3A_7, %mul3A_6, %dma_start3A_253] : memref<2x2560x128xi32, #tpu.memory_space<hbm>> -> memref<1x80x128xi32, #tpu.memory_space<hbm>>
      %dma_start3A_255 = tpu.memref_squeeze %dma_start3A_254 : memref<1x80x128xi32, #tpu.memory_space<hbm>> -> memref<80x128xi32, #tpu.memory_space<hbm>>
      %dma_start3A_256 = arith.constant 0 : i32
      %dma_start3A_257 = tpu.memref_slice %arg2[%run_scoped3A_7, %mul3A_6, %dma_start3A_256] : memref<2x2560x128xi32, #tpu.memory_space<hbm>> -> memref<1x80x128xi32, #tpu.memory_space<hbm>>
      %dma_start3A_258 = tpu.memref_squeeze %dma_start3A_257 : memref<1x80x128xi32, #tpu.memory_space<hbm>> -> memref<80x128xi32, #tpu.memory_space<hbm>>
      tpu.enqueue_dma source(%dma_start3A_258 : memref<80x128xi32, #tpu.memory_space<hbm>>) target(%arg11 : memref<80x128xi32, #tpu.memory_space<vmem>>) target_semaphore(%run_scoped3A_252 : memref<!tpu.dma_semaphore, #tpu.memory_space<semaphore_mem>>)
      %dma_wait3A_259 = arith.constant 0 : i32
      %dma_wait3A_260 = tpu.memref_slice %arg2[%run_scoped3A_7, %mul3A_6, %dma_wait3A_259] : memref<2x2560x128xi32, #tpu.memory_space<hbm>> -> memref<1x80x128xi32, #tpu.memory_space<hbm>>
      %dma_wait3A_261 = tpu.memref_squeeze %dma_wait3A_260 : memref<1x80x128xi32, #tpu.memory_space<hbm>> -> memref<80x128xi32, #tpu.memory_space<hbm>>
      %dma_wait3A_262 = arith.constant 0 : i32
      %dma_wait3A_263 = tpu.memref_slice %arg2[%run_scoped3A_7, %mul3A_6, %dma_wait3A_262] : memref<2x2560x128xi32, #tpu.memory_space<hbm>> -> memref<1x80x128xi32, #tpu.memory_space<hbm>>
      %dma_wait3A_264 = tpu.memref_squeeze %dma_wait3A_263 : memref<1x80x128xi32, #tpu.memory_space<hbm>> -> memref<80x128xi32, #tpu.memory_space<hbm>>
      tpu.wait_dma2 semaphore(%run_scoped3A_252 : memref<!tpu.dma_semaphore, #tpu.memory_space<semaphore_mem>>) src(%dma_wait3A_264 : memref<80x128xi32, #tpu.memory_space<hbm>>) dst(%arg11 : memref<80x128xi32, #tpu.memory_space<vmem>>)
      tpu.yield
    }) : () -> ()
    %barrier3A = arith.constant 0 : index
    tpu.barrier barrier_id(%barrier3A)
    %dma_start3A = arith.constant 0 : i32
    %dma_start3A_8 = arith.constant 0 : i32
    %dma_start3A_9 = arith.constant 0 : i32
    %dma_start3A_10 = arith.constant 0 : i32
    %dma_start3A_11 = arith.constant 0 : i32
    %dma_start3A_12 = tpu.memref_slice %arg12[%dma_start3A_8, %dma_start3A_10, %dma_start3A_11] : memref<4x128x64xf32, #tpu.memory_space<vmem>> -> memref<1x128x64xf32, #tpu.memory_space<vmem>>
    %dma_start3A_13 = tpu.memref_squeeze %dma_start3A_12 : memref<1x128x64xf32, #tpu.memory_space<vmem>> -> memref<128x64xf32, #tpu.memory_space<vmem>>
    %dma_start3A_14 = arith.constant 0 : i32
    %dma_start3A_15 = tpu.memref_slice %arg11[%dma_start3A, %dma_start3A_14] : memref<80x128xi32, #tpu.memory_space<vmem>> -> memref<1x128xi32, #tpu.memory_space<vmem>>
    %dma_start3A_16 = tpu.memref_squeeze %dma_start3A_15 : memref<1x128xi32, #tpu.memory_space<vmem>> -> memref<128xi32, #tpu.memory_space<vmem>>
    %dma_start3A_17 = arith.constant 0 : i32
    %dma_start3A_18 = arith.constant 0 : i32
    %dma_start3A_19 = tpu.memref_slice %arg4[%dma_start3A_17, %dma_start3A_18] : memref<5120x64xf32, #tpu.memory_space<hbm>> -> memref<5120x64xf32, #tpu.memory_space<hbm>>
    %dma_start3A_20 = tpu.memref_slice %arg14[%dma_start3A_9] : memref<4x!tpu.dma_semaphore, #tpu.memory_space<semaphore_mem>> -> memref<1x!tpu.dma_semaphore, #tpu.memory_space<semaphore_mem>>
    %dma_start3A_21 = tpu.memref_squeeze %dma_start3A_20 : memref<1x!tpu.dma_semaphore, #tpu.memory_space<semaphore_mem>> -> memref<!tpu.dma_semaphore, #tpu.memory_space<semaphore_mem>>
    tpu.enqueue_indirect_dma source(%dma_start3A_19 : memref<5120x64xf32, #tpu.memory_space<hbm>>) target(%dma_start3A_13 : memref<128x64xf32, #tpu.memory_space<vmem>>) offsets(%dma_start3A_16 : memref<128xi32, #tpu.memory_space<vmem>>) semaphore(%dma_start3A_21 : memref<!tpu.dma_semaphore, #tpu.memory_space<semaphore_mem>>)
    %dma_start3A_22 = arith.constant 0 : i32
    %dma_start3A_23 = arith.constant 0 : i32
    %dma_start3A_24 = arith.constant 0 : i32
    %dma_start3A_25 = arith.constant 0 : i32
    %dma_start3A_26 = arith.constant 0 : i32
    %dma_start3A_27 = tpu.memref_slice %arg13[%dma_start3A_23, %dma_start3A_25, %dma_start3A_26] : memref<4x128x64xf32, #tpu.memory_space<vmem>> -> memref<1x128x64xf32, #tpu.memory_space<vmem>>
    %dma_start3A_28 = tpu.memref_squeeze %dma_start3A_27 : memref<1x128x64xf32, #tpu.memory_space<vmem>> -> memref<128x64xf32, #tpu.memory_space<vmem>>
    %dma_start3A_29 = arith.constant 0 : i32
    %dma_start3A_30 = tpu.memref_slice %arg10[%dma_start3A_22, %dma_start3A_29] : memref<80x128xi32, #tpu.memory_space<vmem>> -> memref<1x128xi32, #tpu.memory_space<vmem>>
    %dma_start3A_31 = tpu.memref_squeeze %dma_start3A_30 : memref<1x128xi32, #tpu.memory_space<vmem>> -> memref<128xi32, #tpu.memory_space<vmem>>
    %dma_start3A_32 = arith.constant 0 : i32
    %dma_start3A_33 = arith.constant 0 : i32
    %dma_start3A_34 = tpu.memref_slice %arg3[%dma_start3A_32, %dma_start3A_33] : memref<5120x64xf32, #tpu.memory_space<hbm>> -> memref<5120x64xf32, #tpu.memory_space<hbm>>
    %dma_start3A_35 = tpu.memref_slice %arg15[%dma_start3A_24] : memref<4x!tpu.dma_semaphore, #tpu.memory_space<semaphore_mem>> -> memref<1x!tpu.dma_semaphore, #tpu.memory_space<semaphore_mem>>
    %dma_start3A_36 = tpu.memref_squeeze %dma_start3A_35 : memref<1x!tpu.dma_semaphore, #tpu.memory_space<semaphore_mem>> -> memref<!tpu.dma_semaphore, #tpu.memory_space<semaphore_mem>>
    tpu.enqueue_indirect_dma source(%dma_start3A_34 : memref<5120x64xf32, #tpu.memory_space<hbm>>) target(%dma_start3A_28 : memref<128x64xf32, #tpu.memory_space<vmem>>) offsets(%dma_start3A_31 : memref<128xi32, #tpu.memory_space<vmem>>) semaphore(%dma_start3A_36 : memref<!tpu.dma_semaphore, #tpu.memory_space<semaphore_mem>>)
    %dma_start3A_37 = arith.constant 1 : i32
    %dma_start3A_38 = arith.constant 1 : i32
    %dma_start3A_39 = arith.constant 1 : i32
    %dma_start3A_40 = arith.constant 0 : i32
    %dma_start3A_41 = arith.constant 0 : i32
    %dma_start3A_42 = tpu.memref_slice %arg12[%dma_start3A_38, %dma_start3A_40, %dma_start3A_41] : memref<4x128x64xf32, #tpu.memory_space<vmem>> -> memref<1x128x64xf32, #tpu.memory_space<vmem>>
    %dma_start3A_43 = tpu.memref_squeeze %dma_start3A_42 : memref<1x128x64xf32, #tpu.memory_space<vmem>> -> memref<128x64xf32, #tpu.memory_space<vmem>>
    %dma_start3A_44 = arith.constant 0 : i32
    %dma_start3A_45 = tpu.memref_slice %arg11[%dma_start3A_37, %dma_start3A_44] : memref<80x128xi32, #tpu.memory_space<vmem>> -> memref<1x128xi32, #tpu.memory_space<vmem>>
    %dma_start3A_46 = tpu.memref_squeeze %dma_start3A_45 : memref<1x128xi32, #tpu.memory_space<vmem>> -> memref<128xi32, #tpu.memory_space<vmem>>
    %dma_start3A_47 = arith.constant 0 : i32
    %dma_start3A_48 = arith.constant 0 : i32
    %dma_start3A_49 = tpu.memref_slice %arg4[%dma_start3A_47, %dma_start3A_48] : memref<5120x64xf32, #tpu.memory_space<hbm>> -> memref<5120x64xf32, #tpu.memory_space<hbm>>
    %dma_start3A_50 = tpu.memref_slice %arg14[%dma_start3A_39] : memref<4x!tpu.dma_semaphore, #tpu.memory_space<semaphore_mem>> -> memref<1x!tpu.dma_semaphore, #tpu.memory_space<semaphore_mem>>
    %dma_start3A_51 = tpu.memref_squeeze %dma_start3A_50 : memref<1x!tpu.dma_semaphore, #tpu.memory_space<semaphore_mem>> -> memref<!tpu.dma_semaphore, #tpu.memory_space<semaphore_mem>>
    tpu.enqueue_indirect_dma source(%dma_start3A_49 : memref<5120x64xf32, #tpu.memory_space<hbm>>) target(%dma_start3A_43 : memref<128x64xf32, #tpu.memory_space<vmem>>) offsets(%dma_start3A_46 : memref<128xi32, #tpu.memory_space<vmem>>) semaphore(%dma_start3A_51 : memref<!tpu.dma_semaphore, #tpu.memory_space<semaphore_mem>>)
    %dma_start3A_52 = arith.constant 1 : i32
    %dma_start3A_53 = arith.constant 1 : i32
    %dma_start3A_54 = arith.constant 1 : i32
    %dma_start3A_55 = arith.constant 0 : i32
    %dma_start3A_56 = arith.constant 0 : i32
    %dma_start3A_57 = tpu.memref_slice %arg13[%dma_start3A_53, %dma_start3A_55, %dma_start3A_56] : memref<4x128x64xf32, #tpu.memory_space<vmem>> -> memref<1x128x64xf32, #tpu.memory_space<vmem>>
    %dma_start3A_58 = tpu.memref_squeeze %dma_start3A_57 : memref<1x128x64xf32, #tpu.memory_space<vmem>> -> memref<128x64xf32, #tpu.memory_space<vmem>>
    %dma_start3A_59 = arith.constant 0 : i32
    %dma_start3A_60 = tpu.memref_slice %arg10[%dma_start3A_52, %dma_start3A_59] : memref<80x128xi32, #tpu.memory_space<vmem>> -> memref<1x128xi32, #tpu.memory_space<vmem>>
    %dma_start3A_61 = tpu.memref_squeeze %dma_start3A_60 : memref<1x128xi32, #tpu.memory_space<vmem>> -> memref<128xi32, #tpu.memory_space<vmem>>
    %dma_start3A_62 = arith.constant 0 : i32
    %dma_start3A_63 = arith.constant 0 : i32
    %dma_start3A_64 = tpu.memref_slice %arg3[%dma_start3A_62, %dma_start3A_63] : memref<5120x64xf32, #tpu.memory_space<hbm>> -> memref<5120x64xf32, #tpu.memory_space<hbm>>
    %dma_start3A_65 = tpu.memref_slice %arg15[%dma_start3A_54] : memref<4x!tpu.dma_semaphore, #tpu.memory_space<semaphore_mem>> -> memref<1x!tpu.dma_semaphore, #tpu.memory_space<semaphore_mem>>
    %dma_start3A_66 = tpu.memref_squeeze %dma_start3A_65 : memref<1x!tpu.dma_semaphore, #tpu.memory_space<semaphore_mem>> -> memref<!tpu.dma_semaphore, #tpu.memory_space<semaphore_mem>>
    tpu.enqueue_indirect_dma source(%dma_start3A_64 : memref<5120x64xf32, #tpu.memory_space<hbm>>) target(%dma_start3A_58 : memref<128x64xf32, #tpu.memory_space<vmem>>) offsets(%dma_start3A_61 : memref<128xi32, #tpu.memory_space<vmem>>) semaphore(%dma_start3A_66 : memref<!tpu.dma_semaphore, #tpu.memory_space<semaphore_mem>>)
    %dma_start3A_67 = arith.constant 2 : i32
    %dma_start3A_68 = arith.constant 2 : i32
    %dma_start3A_69 = arith.constant 2 : i32
    %dma_start3A_70 = arith.constant 0 : i32
    %dma_start3A_71 = arith.constant 0 : i32
    %dma_start3A_72 = tpu.memref_slice %arg12[%dma_start3A_68, %dma_start3A_70, %dma_start3A_71] : memref<4x128x64xf32, #tpu.memory_space<vmem>> -> memref<1x128x64xf32, #tpu.memory_space<vmem>>
    %dma_start3A_73 = tpu.memref_squeeze %dma_start3A_72 : memref<1x128x64xf32, #tpu.memory_space<vmem>> -> memref<128x64xf32, #tpu.memory_space<vmem>>
    %dma_start3A_74 = arith.constant 0 : i32
    %dma_start3A_75 = tpu.memref_slice %arg11[%dma_start3A_67, %dma_start3A_74] : memref<80x128xi32, #tpu.memory_space<vmem>> -> memref<1x128xi32, #tpu.memory_space<vmem>>
    %dma_start3A_76 = tpu.memref_squeeze %dma_start3A_75 : memref<1x128xi32, #tpu.memory_space<vmem>> -> memref<128xi32, #tpu.memory_space<vmem>>
    %dma_start3A_77 = arith.constant 0 : i32
    %dma_start3A_78 = arith.constant 0 : i32
    %dma_start3A_79 = tpu.memref_slice %arg4[%dma_start3A_77, %dma_start3A_78] : memref<5120x64xf32, #tpu.memory_space<hbm>> -> memref<5120x64xf32, #tpu.memory_space<hbm>>
    %dma_start3A_80 = tpu.memref_slice %arg14[%dma_start3A_69] : memref<4x!tpu.dma_semaphore, #tpu.memory_space<semaphore_mem>> -> memref<1x!tpu.dma_semaphore, #tpu.memory_space<semaphore_mem>>
    %dma_start3A_81 = tpu.memref_squeeze %dma_start3A_80 : memref<1x!tpu.dma_semaphore, #tpu.memory_space<semaphore_mem>> -> memref<!tpu.dma_semaphore, #tpu.memory_space<semaphore_mem>>
    tpu.enqueue_indirect_dma source(%dma_start3A_79 : memref<5120x64xf32, #tpu.memory_space<hbm>>) target(%dma_start3A_73 : memref<128x64xf32, #tpu.memory_space<vmem>>) offsets(%dma_start3A_76 : memref<128xi32, #tpu.memory_space<vmem>>) semaphore(%dma_start3A_81 : memref<!tpu.dma_semaphore, #tpu.memory_space<semaphore_mem>>)
    %dma_start3A_82 = arith.constant 2 : i32
    %dma_start3A_83 = arith.constant 2 : i32
    %dma_start3A_84 = arith.constant 2 : i32
    %dma_start3A_85 = arith.constant 0 : i32
    %dma_start3A_86 = arith.constant 0 : i32
    %dma_start3A_87 = tpu.memref_slice %arg13[%dma_start3A_83, %dma_start3A_85, %dma_start3A_86] : memref<4x128x64xf32, #tpu.memory_space<vmem>> -> memref<1x128x64xf32, #tpu.memory_space<vmem>>
    %dma_start3A_88 = tpu.memref_squeeze %dma_start3A_87 : memref<1x128x64xf32, #tpu.memory_space<vmem>> -> memref<128x64xf32, #tpu.memory_space<vmem>>
    %dma_start3A_89 = arith.constant 0 : i32
    %dma_start3A_90 = tpu.memref_slice %arg10[%dma_start3A_82, %dma_start3A_89] : memref<80x128xi32, #tpu.memory_space<vmem>> -> memref<1x128xi32, #tpu.memory_space<vmem>>
    %dma_start3A_91 = tpu.memref_squeeze %dma_start3A_90 : memref<1x128xi32, #tpu.memory_space<vmem>> -> memref<128xi32, #tpu.memory_space<vmem>>
    %dma_start3A_92 = arith.constant 0 : i32
    %dma_start3A_93 = arith.constant 0 : i32
    %dma_start3A_94 = tpu.memref_slice %arg3[%dma_start3A_92, %dma_start3A_93] : memref<5120x64xf32, #tpu.memory_space<hbm>> -> memref<5120x64xf32, #tpu.memory_space<hbm>>
    %dma_start3A_95 = tpu.memref_slice %arg15[%dma_start3A_84] : memref<4x!tpu.dma_semaphore, #tpu.memory_space<semaphore_mem>> -> memref<1x!tpu.dma_semaphore, #tpu.memory_space<semaphore_mem>>
    %dma_start3A_96 = tpu.memref_squeeze %dma_start3A_95 : memref<1x!tpu.dma_semaphore, #tpu.memory_space<semaphore_mem>> -> memref<!tpu.dma_semaphore, #tpu.memory_space<semaphore_mem>>
    tpu.enqueue_indirect_dma source(%dma_start3A_94 : memref<5120x64xf32, #tpu.memory_space<hbm>>) target(%dma_start3A_88 : memref<128x64xf32, #tpu.memory_space<vmem>>) offsets(%dma_start3A_91 : memref<128xi32, #tpu.memory_space<vmem>>) semaphore(%dma_start3A_96 : memref<!tpu.dma_semaphore, #tpu.memory_space<semaphore_mem>>)
    %dma_start3A_97 = arith.constant 3 : i32
    %dma_start3A_98 = arith.constant 3 : i32
    %dma_start3A_99 = arith.constant 3 : i32
    %dma_start3A_100 = arith.constant 0 : i32
    %dma_start3A_101 = arith.constant 0 : i32
    %dma_start3A_102 = tpu.memref_slice %arg12[%dma_start3A_98, %dma_start3A_100, %dma_start3A_101] : memref<4x128x64xf32, #tpu.memory_space<vmem>> -> memref<1x128x64xf32, #tpu.memory_space<vmem>>
    %dma_start3A_103 = tpu.memref_squeeze %dma_start3A_102 : memref<1x128x64xf32, #tpu.memory_space<vmem>> -> memref<128x64xf32, #tpu.memory_space<vmem>>
    %dma_start3A_104 = arith.constant 0 : i32
    %dma_start3A_105 = tpu.memref_slice %arg11[%dma_start3A_97, %dma_start3A_104] : memref<80x128xi32, #tpu.memory_space<vmem>> -> memref<1x128xi32, #tpu.memory_space<vmem>>
    %dma_start3A_106 = tpu.memref_squeeze %dma_start3A_105 : memref<1x128xi32, #tpu.memory_space<vmem>> -> memref<128xi32, #tpu.memory_space<vmem>>
    %dma_start3A_107 = arith.constant 0 : i32
    %dma_start3A_108 = arith.constant 0 : i32
    %dma_start3A_109 = tpu.memref_slice %arg4[%dma_start3A_107, %dma_start3A_108] : memref<5120x64xf32, #tpu.memory_space<hbm>> -> memref<5120x64xf32, #tpu.memory_space<hbm>>
    %dma_start3A_110 = tpu.memref_slice %arg14[%dma_start3A_99] : memref<4x!tpu.dma_semaphore, #tpu.memory_space<semaphore_mem>> -> memref<1x!tpu.dma_semaphore, #tpu.memory_space<semaphore_mem>>
    %dma_start3A_111 = tpu.memref_squeeze %dma_start3A_110 : memref<1x!tpu.dma_semaphore, #tpu.memory_space<semaphore_mem>> -> memref<!tpu.dma_semaphore, #tpu.memory_space<semaphore_mem>>
    tpu.enqueue_indirect_dma source(%dma_start3A_109 : memref<5120x64xf32, #tpu.memory_space<hbm>>) target(%dma_start3A_103 : memref<128x64xf32, #tpu.memory_space<vmem>>) offsets(%dma_start3A_106 : memref<128xi32, #tpu.memory_space<vmem>>) semaphore(%dma_start3A_111 : memref<!tpu.dma_semaphore, #tpu.memory_space<semaphore_mem>>)
    %dma_start3A_112 = arith.constant 3 : i32
    %dma_start3A_113 = arith.constant 3 : i32
    %dma_start3A_114 = arith.constant 3 : i32
    %dma_start3A_115 = arith.constant 0 : i32
    %dma_start3A_116 = arith.constant 0 : i32
    %dma_start3A_117 = tpu.memref_slice %arg13[%dma_start3A_113, %dma_start3A_115, %dma_start3A_116] : memref<4x128x64xf32, #tpu.memory_space<vmem>> -> memref<1x128x64xf32, #tpu.memory_space<vmem>>
    %dma_start3A_118 = tpu.memref_squeeze %dma_start3A_117 : memref<1x128x64xf32, #tpu.memory_space<vmem>> -> memref<128x64xf32, #tpu.memory_space<vmem>>
    %dma_start3A_119 = arith.constant 0 : i32
    %dma_start3A_120 = tpu.memref_slice %arg10[%dma_start3A_112, %dma_start3A_119] : memref<80x128xi32, #tpu.memory_space<vmem>> -> memref<1x128xi32, #tpu.memory_space<vmem>>
    %dma_start3A_121 = tpu.memref_squeeze %dma_start3A_120 : memref<1x128xi32, #tpu.memory_space<vmem>> -> memref<128xi32, #tpu.memory_space<vmem>>
    %dma_start3A_122 = arith.constant 0 : i32
    %dma_start3A_123 = arith.constant 0 : i32
    %dma_start3A_124 = tpu.memref_slice %arg3[%dma_start3A_122, %dma_start3A_123] : memref<5120x64xf32, #tpu.memory_space<hbm>> -> memref<5120x64xf32, #tpu.memory_space<hbm>>
    %dma_start3A_125 = tpu.memref_slice %arg15[%dma_start3A_114] : memref<4x!tpu.dma_semaphore, #tpu.memory_space<semaphore_mem>> -> memref<1x!tpu.dma_semaphore, #tpu.memory_space<semaphore_mem>>
    %dma_start3A_126 = tpu.memref_squeeze %dma_start3A_125 : memref<1x!tpu.dma_semaphore, #tpu.memory_space<semaphore_mem>> -> memref<!tpu.dma_semaphore, #tpu.memory_space<semaphore_mem>>
    tpu.enqueue_indirect_dma source(%dma_start3A_124 : memref<5120x64xf32, #tpu.memory_space<hbm>>) target(%dma_start3A_118 : memref<128x64xf32, #tpu.memory_space<vmem>>) offsets(%dma_start3A_121 : memref<128xi32, #tpu.memory_space<vmem>>) semaphore(%dma_start3A_126 : memref<!tpu.dma_semaphore, #tpu.memory_space<semaphore_mem>>)
    %scan3A = arith.constant 0 : i32
    %scan3A_127 = arith.constant 0 : i32
    %scan3A_128 = arith.constant 20 : i32
    %scan3A_129 = arith.addi %scan3A_127, %scan3A_128 : i32
    %scan3A_130 = arith.constant 1 : i32
    scf.for %scan3A_252 = %scan3A_127 to %scan3A_129 step %scan3A_130  : i32 {
      %mul3A_253 = arith.constant 4 : i32
      %mul3A_254 = arith.muli %mul3A_253, %scan3A_252 : i32
      %dma_wait3A_255 = arith.constant 0 : i32
      %dma_wait3A_256 = arith.constant 0 : i32
      %dma_wait3A_257 = arith.constant 0 : i32
      %dma_wait3A_258 = arith.constant 0 : i32
      %dma_wait3A_259 = arith.constant 0 : i32
      %dma_wait3A_260 = tpu.memref_slice %arg12[%dma_wait3A_256, %dma_wait3A_258, %dma_wait3A_259] : memref<4x128x64xf32, #tpu.memory_space<vmem>> -> memref<1x128x64xf32, #tpu.memory_space<vmem>>
      %dma_wait3A_261 = tpu.memref_squeeze %dma_wait3A_260 : memref<1x128x64xf32, #tpu.memory_space<vmem>> -> memref<128x64xf32, #tpu.memory_space<vmem>>
      %dma_wait3A_262 = arith.constant 0 : i32
      %dma_wait3A_263 = tpu.memref_slice %arg11[%dma_wait3A_255, %dma_wait3A_262] : memref<80x128xi32, #tpu.memory_space<vmem>> -> memref<1x128xi32, #tpu.memory_space<vmem>>
      %dma_wait3A_264 = tpu.memref_squeeze %dma_wait3A_263 : memref<1x128xi32, #tpu.memory_space<vmem>> -> memref<128xi32, #tpu.memory_space<vmem>>
      %dma_wait3A_265 = arith.constant 0 : i32
      %dma_wait3A_266 = arith.constant 0 : i32
      %dma_wait3A_267 = tpu.memref_slice %arg4[%dma_wait3A_265, %dma_wait3A_266] : memref<5120x64xf32, #tpu.memory_space<hbm>> -> memref<5120x64xf32, #tpu.memory_space<hbm>>
      %dma_wait3A_268 = tpu.memref_slice %arg14[%dma_wait3A_257] : memref<4x!tpu.dma_semaphore, #tpu.memory_space<semaphore_mem>> -> memref<1x!tpu.dma_semaphore, #tpu.memory_space<semaphore_mem>>
      %dma_wait3A_269 = tpu.memref_squeeze %dma_wait3A_268 : memref<1x!tpu.dma_semaphore, #tpu.memory_space<semaphore_mem>> -> memref<!tpu.dma_semaphore, #tpu.memory_space<semaphore_mem>>
      tpu.wait_indirect_dma semaphore(%dma_wait3A_269 : memref<!tpu.dma_semaphore, #tpu.memory_space<semaphore_mem>>) src(%dma_wait3A_267 : memref<5120x64xf32, #tpu.memory_space<hbm>>) dst(%dma_wait3A_261 : memref<128x64xf32, #tpu.memory_space<vmem>>)
      %dma_wait3A_270 = arith.constant 0 : i32
      %dma_wait3A_271 = arith.constant 0 : i32
      %dma_wait3A_272 = arith.constant 0 : i32
      %dma_wait3A_273 = arith.constant 0 : i32
      %dma_wait3A_274 = arith.constant 0 : i32
      %dma_wait3A_275 = tpu.memref_slice %arg13[%dma_wait3A_271, %dma_wait3A_273, %dma_wait3A_274] : memref<4x128x64xf32, #tpu.memory_space<vmem>> -> memref<1x128x64xf32, #tpu.memory_space<vmem>>
      %dma_wait3A_276 = tpu.memref_squeeze %dma_wait3A_275 : memref<1x128x64xf32, #tpu.memory_space<vmem>> -> memref<128x64xf32, #tpu.memory_space<vmem>>
      %dma_wait3A_277 = arith.constant 0 : i32
      %dma_wait3A_278 = tpu.memref_slice %arg10[%dma_wait3A_270, %dma_wait3A_277] : memref<80x128xi32, #tpu.memory_space<vmem>> -> memref<1x128xi32, #tpu.memory_space<vmem>>
      %dma_wait3A_279 = tpu.memref_squeeze %dma_wait3A_278 : memref<1x128xi32, #tpu.memory_space<vmem>> -> memref<128xi32, #tpu.memory_space<vmem>>
      %dma_wait3A_280 = arith.constant 0 : i32
      %dma_wait3A_281 = arith.constant 0 : i32
      %dma_wait3A_282 = tpu.memref_slice %arg3[%dma_wait3A_280, %dma_wait3A_281] : memref<5120x64xf32, #tpu.memory_space<hbm>> -> memref<5120x64xf32, #tpu.memory_space<hbm>>
      %dma_wait3A_283 = tpu.memref_slice %arg15[%dma_wait3A_272] : memref<4x!tpu.dma_semaphore, #tpu.memory_space<semaphore_mem>> -> memref<1x!tpu.dma_semaphore, #tpu.memory_space<semaphore_mem>>
      %dma_wait3A_284 = tpu.memref_squeeze %dma_wait3A_283 : memref<1x!tpu.dma_semaphore, #tpu.memory_space<semaphore_mem>> -> memref<!tpu.dma_semaphore, #tpu.memory_space<semaphore_mem>>
      tpu.wait_indirect_dma semaphore(%dma_wait3A_284 : memref<!tpu.dma_semaphore, #tpu.memory_space<semaphore_mem>>) src(%dma_wait3A_282 : memref<5120x64xf32, #tpu.memory_space<hbm>>) dst(%dma_wait3A_276 : memref<128x64xf32, #tpu.memory_space<vmem>>)
      %add3A_285 = arith.constant 0 : i32
      %add3A_286 = arith.addi %mul3A_254, %add3A_285 : i32
      %dma_start3A_287 = arith.constant 0 : i32
      %dma_start3A_288 = arith.constant 0 : i32
      %dma_start3A_289 = arith.constant 0 : i32
      %dma_start3A_290 = arith.constant 0 : i32
      %dma_start3A_291 = tpu.memref_slice %arg12[%dma_start3A_287, %dma_start3A_289, %dma_start3A_290] : memref<4x128x64xf32, #tpu.memory_space<vmem>> -> memref<1x128x64xf32, #tpu.memory_space<vmem>>
      %dma_start3A_292 = tpu.memref_squeeze %dma_start3A_291 : memref<1x128x64xf32, #tpu.memory_space<vmem>> -> memref<128x64xf32, #tpu.memory_space<vmem>>
      %dma_start3A_293 = arith.constant 0 : i32
      %dma_start3A_294 = tpu.memref_slice %arg10[%add3A_286, %dma_start3A_293] : memref<80x128xi32, #tpu.memory_space<vmem>> -> memref<1x128xi32, #tpu.memory_space<vmem>>
      %dma_start3A_295 = tpu.memref_squeeze %dma_start3A_294 : memref<1x128xi32, #tpu.memory_space<vmem>> -> memref<128xi32, #tpu.memory_space<vmem>>
      %dma_start3A_296 = arith.constant 0 : i32
      %dma_start3A_297 = arith.constant 0 : i32
      %dma_start3A_298 = tpu.memref_slice %arg8[%dma_start3A_296, %dma_start3A_297] : memref<5120x64xf32, #tpu.memory_space<vmem_shared>> -> memref<5120x64xf32, #tpu.memory_space<vmem_shared>>
      %dma_start3A_299 = tpu.memref_slice %arg16[%dma_start3A_288] : memref<4x!tpu.dma_semaphore, #tpu.memory_space<semaphore_mem>> -> memref<1x!tpu.dma_semaphore, #tpu.memory_space<semaphore_mem>>
      %dma_start3A_300 = tpu.memref_squeeze %dma_start3A_299 : memref<1x!tpu.dma_semaphore, #tpu.memory_space<semaphore_mem>> -> memref<!tpu.dma_semaphore, #tpu.memory_space<semaphore_mem>>
      tpu.enqueue_indirect_dma source(%dma_start3A_292 : memref<128x64xf32, #tpu.memory_space<vmem>>) target(%dma_start3A_298 : memref<5120x64xf32, #tpu.memory_space<vmem_shared>>) offsets(%dma_start3A_295 : memref<128xi32, #tpu.memory_space<vmem>>) semaphore(%dma_start3A_300 : memref<!tpu.dma_semaphore, #tpu.memory_space<semaphore_mem>>) {add = true}
      %dma_start3A_301 = arith.constant 0 : i32
      %dma_start3A_302 = arith.constant 0 : i32
      %dma_start3A_303 = arith.constant 0 : i32
      %dma_start3A_304 = arith.constant 0 : i32
      %dma_start3A_305 = tpu.memref_slice %arg13[%dma_start3A_301, %dma_start3A_303, %dma_start3A_304] : memref<4x128x64xf32, #tpu.memory_space<vmem>> -> memref<1x128x64xf32, #tpu.memory_space<vmem>>
      %dma_start3A_306 = tpu.memref_squeeze %dma_start3A_305 : memref<1x128x64xf32, #tpu.memory_space<vmem>> -> memref<128x64xf32, #tpu.memory_space<vmem>>
      %dma_start3A_307 = arith.constant 0 : i32
      %dma_start3A_308 = tpu.memref_slice %arg11[%add3A_286, %dma_start3A_307] : memref<80x128xi32, #tpu.memory_space<vmem>> -> memref<1x128xi32, #tpu.memory_space<vmem>>
      %dma_start3A_309 = tpu.memref_squeeze %dma_start3A_308 : memref<1x128xi32, #tpu.memory_space<vmem>> -> memref<128xi32, #tpu.memory_space<vmem>>
      %dma_start3A_310 = arith.constant 0 : i32
      %dma_start3A_311 = arith.constant 0 : i32
      %dma_start3A_312 = tpu.memref_slice %arg9[%dma_start3A_310, %dma_start3A_311] : memref<5120x64xf32, #tpu.memory_space<vmem_shared>> -> memref<5120x64xf32, #tpu.memory_space<vmem_shared>>
      %dma_start3A_313 = tpu.memref_slice %arg17[%dma_start3A_302] : memref<4x!tpu.dma_semaphore, #tpu.memory_space<semaphore_mem>> -> memref<1x!tpu.dma_semaphore, #tpu.memory_space<semaphore_mem>>
      %dma_start3A_314 = tpu.memref_squeeze %dma_start3A_313 : memref<1x!tpu.dma_semaphore, #tpu.memory_space<semaphore_mem>> -> memref<!tpu.dma_semaphore, #tpu.memory_space<semaphore_mem>>
      tpu.enqueue_indirect_dma source(%dma_start3A_306 : memref<128x64xf32, #tpu.memory_space<vmem>>) target(%dma_start3A_312 : memref<5120x64xf32, #tpu.memory_space<vmem_shared>>) offsets(%dma_start3A_309 : memref<128xi32, #tpu.memory_space<vmem>>) semaphore(%dma_start3A_314 : memref<!tpu.dma_semaphore, #tpu.memory_space<semaphore_mem>>) {add = true}
      %dma_wait3A_315 = arith.constant 0 : i32
      %dma_wait3A_316 = arith.constant 1 : i32
      %dma_wait3A_317 = arith.constant 1 : i32
      %dma_wait3A_318 = arith.constant 0 : i32
      %dma_wait3A_319 = arith.constant 0 : i32
      %dma_wait3A_320 = tpu.memref_slice %arg12[%dma_wait3A_316, %dma_wait3A_318, %dma_wait3A_319] : memref<4x128x64xf32, #tpu.memory_space<vmem>> -> memref<1x128x64xf32, #tpu.memory_space<vmem>>
      %dma_wait3A_321 = tpu.memref_squeeze %dma_wait3A_320 : memref<1x128x64xf32, #tpu.memory_space<vmem>> -> memref<128x64xf32, #tpu.memory_space<vmem>>
      %dma_wait3A_322 = arith.constant 0 : i32
      %dma_wait3A_323 = tpu.memref_slice %arg11[%dma_wait3A_315, %dma_wait3A_322] : memref<80x128xi32, #tpu.memory_space<vmem>> -> memref<1x128xi32, #tpu.memory_space<vmem>>
      %dma_wait3A_324 = tpu.memref_squeeze %dma_wait3A_323 : memref<1x128xi32, #tpu.memory_space<vmem>> -> memref<128xi32, #tpu.memory_space<vmem>>
      %dma_wait3A_325 = arith.constant 0 : i32
      %dma_wait3A_326 = arith.constant 0 : i32
      %dma_wait3A_327 = tpu.memref_slice %arg4[%dma_wait3A_325, %dma_wait3A_326] : memref<5120x64xf32, #tpu.memory_space<hbm>> -> memref<5120x64xf32, #tpu.memory_space<hbm>>
      %dma_wait3A_328 = tpu.memref_slice %arg14[%dma_wait3A_317] : memref<4x!tpu.dma_semaphore, #tpu.memory_space<semaphore_mem>> -> memref<1x!tpu.dma_semaphore, #tpu.memory_space<semaphore_mem>>
      %dma_wait3A_329 = tpu.memref_squeeze %dma_wait3A_328 : memref<1x!tpu.dma_semaphore, #tpu.memory_space<semaphore_mem>> -> memref<!tpu.dma_semaphore, #tpu.memory_space<semaphore_mem>>
      tpu.wait_indirect_dma semaphore(%dma_wait3A_329 : memref<!tpu.dma_semaphore, #tpu.memory_space<semaphore_mem>>) src(%dma_wait3A_327 : memref<5120x64xf32, #tpu.memory_space<hbm>>) dst(%dma_wait3A_321 : memref<128x64xf32, #tpu.memory_space<vmem>>)
      %dma_wait3A_330 = arith.constant 0 : i32
      %dma_wait3A_331 = arith.constant 1 : i32
      %dma_wait3A_332 = arith.constant 1 : i32
      %dma_wait3A_333 = arith.constant 0 : i32
      %dma_wait3A_334 = arith.constant 0 : i32
      %dma_wait3A_335 = tpu.memref_slice %arg13[%dma_wait3A_331, %dma_wait3A_333, %dma_wait3A_334] : memref<4x128x64xf32, #tpu.memory_space<vmem>> -> memref<1x128x64xf32, #tpu.memory_space<vmem>>
      %dma_wait3A_336 = tpu.memref_squeeze %dma_wait3A_335 : memref<1x128x64xf32, #tpu.memory_space<vmem>> -> memref<128x64xf32, #tpu.memory_space<vmem>>
      %dma_wait3A_337 = arith.constant 0 : i32
      %dma_wait3A_338 = tpu.memref_slice %arg10[%dma_wait3A_330, %dma_wait3A_337] : memref<80x128xi32, #tpu.memory_space<vmem>> -> memref<1x128xi32, #tpu.memory_space<vmem>>
      %dma_wait3A_339 = tpu.memref_squeeze %dma_wait3A_338 : memref<1x128xi32, #tpu.memory_space<vmem>> -> memref<128xi32, #tpu.memory_space<vmem>>
      %dma_wait3A_340 = arith.constant 0 : i32
      %dma_wait3A_341 = arith.constant 0 : i32
      %dma_wait3A_342 = tpu.memref_slice %arg3[%dma_wait3A_340, %dma_wait3A_341] : memref<5120x64xf32, #tpu.memory_space<hbm>> -> memref<5120x64xf32, #tpu.memory_space<hbm>>
      %dma_wait3A_343 = tpu.memref_slice %arg15[%dma_wait3A_332] : memref<4x!tpu.dma_semaphore, #tpu.memory_space<semaphore_mem>> -> memref<1x!tpu.dma_semaphore, #tpu.memory_space<semaphore_mem>>
      %dma_wait3A_344 = tpu.memref_squeeze %dma_wait3A_343 : memref<1x!tpu.dma_semaphore, #tpu.memory_space<semaphore_mem>> -> memref<!tpu.dma_semaphore, #tpu.memory_space<semaphore_mem>>
      tpu.wait_indirect_dma semaphore(%dma_wait3A_344 : memref<!tpu.dma_semaphore, #tpu.memory_space<semaphore_mem>>) src(%dma_wait3A_342 : memref<5120x64xf32, #tpu.memory_space<hbm>>) dst(%dma_wait3A_336 : memref<128x64xf32, #tpu.memory_space<vmem>>)
      %add3A_345 = arith.constant 1 : i32
      %add3A_346 = arith.addi %mul3A_254, %add3A_345 : i32
      %dma_start3A_347 = arith.constant 1 : i32
      %dma_start3A_348 = arith.constant 1 : i32
      %dma_start3A_349 = arith.constant 0 : i32
      %dma_start3A_350 = arith.constant 0 : i32
      %dma_start3A_351 = tpu.memref_slice %arg12[%dma_start3A_347, %dma_start3A_349, %dma_start3A_350] : memref<4x128x64xf32, #tpu.memory_space<vmem>> -> memref<1x128x64xf32, #tpu.memory_space<vmem>>
      %dma_start3A_352 = tpu.memref_squeeze %dma_start3A_351 : memref<1x128x64xf32, #tpu.memory_space<vmem>> -> memref<128x64xf32, #tpu.memory_space<vmem>>
      %dma_start3A_353 = arith.constant 0 : i32
      %dma_start3A_354 = tpu.memref_slice %arg10[%add3A_346, %dma_start3A_353] : memref<80x128xi32, #tpu.memory_space<vmem>> -> memref<1x128xi32, #tpu.memory_space<vmem>>
      %dma_start3A_355 = tpu.memref_squeeze %dma_start3A_354 : memref<1x128xi32, #tpu.memory_space<vmem>> -> memref<128xi32, #tpu.memory_space<vmem>>
      %dma_start3A_356 = arith.constant 0 : i32
      %dma_start3A_357 = arith.constant 0 : i32
      %dma_start3A_358 = tpu.memref_slice %arg8[%dma_start3A_356, %dma_start3A_357] : memref<5120x64xf32, #tpu.memory_space<vmem_shared>> -> memref<5120x64xf32, #tpu.memory_space<vmem_shared>>
      %dma_start3A_359 = tpu.memref_slice %arg16[%dma_start3A_348] : memref<4x!tpu.dma_semaphore, #tpu.memory_space<semaphore_mem>> -> memref<1x!tpu.dma_semaphore, #tpu.memory_space<semaphore_mem>>
      %dma_start3A_360 = tpu.memref_squeeze %dma_start3A_359 : memref<1x!tpu.dma_semaphore, #tpu.memory_space<semaphore_mem>> -> memref<!tpu.dma_semaphore, #tpu.memory_space<semaphore_mem>>
      tpu.enqueue_indirect_dma source(%dma_start3A_352 : memref<128x64xf32, #tpu.memory_space<vmem>>) target(%dma_start3A_358 : memref<5120x64xf32, #tpu.memory_space<vmem_shared>>) offsets(%dma_start3A_355 : memref<128xi32, #tpu.memory_space<vmem>>) semaphore(%dma_start3A_360 : memref<!tpu.dma_semaphore, #tpu.memory_space<semaphore_mem>>) {add = true}
      %dma_start3A_361 = arith.constant 1 : i32
      %dma_start3A_362 = arith.constant 1 : i32
      %dma_start3A_363 = arith.constant 0 : i32
      %dma_start3A_364 = arith.constant 0 : i32
      %dma_start3A_365 = tpu.memref_slice %arg13[%dma_start3A_361, %dma_start3A_363, %dma_start3A_364] : memref<4x128x64xf32, #tpu.memory_space<vmem>> -> memref<1x128x64xf32, #tpu.memory_space<vmem>>
      %dma_start3A_366 = tpu.memref_squeeze %dma_start3A_365 : memref<1x128x64xf32, #tpu.memory_space<vmem>> -> memref<128x64xf32, #tpu.memory_space<vmem>>
      %dma_start3A_367 = arith.constant 0 : i32
      %dma_start3A_368 = tpu.memref_slice %arg11[%add3A_346, %dma_start3A_367] : memref<80x128xi32, #tpu.memory_space<vmem>> -> memref<1x128xi32, #tpu.memory_space<vmem>>
      %dma_start3A_369 = tpu.memref_squeeze %dma_start3A_368 : memref<1x128xi32, #tpu.memory_space<vmem>> -> memref<128xi32, #tpu.memory_space<vmem>>
      %dma_start3A_370 = arith.constant 0 : i32
      %dma_start3A_371 = arith.constant 0 : i32
      %dma_start3A_372 = tpu.memref_slice %arg9[%dma_start3A_370, %dma_start3A_371] : memref<5120x64xf32, #tpu.memory_space<vmem_shared>> -> memref<5120x64xf32, #tpu.memory_space<vmem_shared>>
      %dma_start3A_373 = tpu.memref_slice %arg17[%dma_start3A_362] : memref<4x!tpu.dma_semaphore, #tpu.memory_space<semaphore_mem>> -> memref<1x!tpu.dma_semaphore, #tpu.memory_space<semaphore_mem>>
      %dma_start3A_374 = tpu.memref_squeeze %dma_start3A_373 : memref<1x!tpu.dma_semaphore, #tpu.memory_space<semaphore_mem>> -> memref<!tpu.dma_semaphore, #tpu.memory_space<semaphore_mem>>
      tpu.enqueue_indirect_dma source(%dma_start3A_366 : memref<128x64xf32, #tpu.memory_space<vmem>>) target(%dma_start3A_372 : memref<5120x64xf32, #tpu.memory_space<vmem_shared>>) offsets(%dma_start3A_369 : memref<128xi32, #tpu.memory_space<vmem>>) semaphore(%dma_start3A_374 : memref<!tpu.dma_semaphore, #tpu.memory_space<semaphore_mem>>) {add = true}
      %dma_wait3A_375 = arith.constant 0 : i32
      %dma_wait3A_376 = arith.constant 2 : i32
      %dma_wait3A_377 = arith.constant 2 : i32
      %dma_wait3A_378 = arith.constant 0 : i32
      %dma_wait3A_379 = arith.constant 0 : i32
      %dma_wait3A_380 = tpu.memref_slice %arg12[%dma_wait3A_376, %dma_wait3A_378, %dma_wait3A_379] : memref<4x128x64xf32, #tpu.memory_space<vmem>> -> memref<1x128x64xf32, #tpu.memory_space<vmem>>
      %dma_wait3A_381 = tpu.memref_squeeze %dma_wait3A_380 : memref<1x128x64xf32, #tpu.memory_space<vmem>> -> memref<128x64xf32, #tpu.memory_space<vmem>>
      %dma_wait3A_382 = arith.constant 0 : i32
      %dma_wait3A_383 = tpu.memref_slice %arg11[%dma_wait3A_375, %dma_wait3A_382] : memref<80x128xi32, #tpu.memory_space<vmem>> -> memref<1x128xi32, #tpu.memory_space<vmem>>
      %dma_wait3A_384 = tpu.memref_squeeze %dma_wait3A_383 : memref<1x128xi32, #tpu.memory_space<vmem>> -> memref<128xi32, #tpu.memory_space<vmem>>
      %dma_wait3A_385 = arith.constant 0 : i32
      %dma_wait3A_386 = arith.constant 0 : i32
      %dma_wait3A_387 = tpu.memref_slice %arg4[%dma_wait3A_385, %dma_wait3A_386] : memref<5120x64xf32, #tpu.memory_space<hbm>> -> memref<5120x64xf32, #tpu.memory_space<hbm>>
      %dma_wait3A_388 = tpu.memref_slice %arg14[%dma_wait3A_377] : memref<4x!tpu.dma_semaphore, #tpu.memory_space<semaphore_mem>> -> memref<1x!tpu.dma_semaphore, #tpu.memory_space<semaphore_mem>>
      %dma_wait3A_389 = tpu.memref_squeeze %dma_wait3A_388 : memref<1x!tpu.dma_semaphore, #tpu.memory_space<semaphore_mem>> -> memref<!tpu.dma_semaphore, #tpu.memory_space<semaphore_mem>>
      tpu.wait_indirect_dma semaphore(%dma_wait3A_389 : memref<!tpu.dma_semaphore, #tpu.memory_space<semaphore_mem>>) src(%dma_wait3A_387 : memref<5120x64xf32, #tpu.memory_space<hbm>>) dst(%dma_wait3A_381 : memref<128x64xf32, #tpu.memory_space<vmem>>)
      %dma_wait3A_390 = arith.constant 0 : i32
      %dma_wait3A_391 = arith.constant 2 : i32
      %dma_wait3A_392 = arith.constant 2 : i32
      %dma_wait3A_393 = arith.constant 0 : i32
      %dma_wait3A_394 = arith.constant 0 : i32
      %dma_wait3A_395 = tpu.memref_slice %arg13[%dma_wait3A_391, %dma_wait3A_393, %dma_wait3A_394] : memref<4x128x64xf32, #tpu.memory_space<vmem>> -> memref<1x128x64xf32, #tpu.memory_space<vmem>>
      %dma_wait3A_396 = tpu.memref_squeeze %dma_wait3A_395 : memref<1x128x64xf32, #tpu.memory_space<vmem>> -> memref<128x64xf32, #tpu.memory_space<vmem>>
      %dma_wait3A_397 = arith.constant 0 : i32
      %dma_wait3A_398 = tpu.memref_slice %arg10[%dma_wait3A_390, %dma_wait3A_397] : memref<80x128xi32, #tpu.memory_space<vmem>> -> memref<1x128xi32, #tpu.memory_space<vmem>>
      %dma_wait3A_399 = tpu.memref_squeeze %dma_wait3A_398 : memref<1x128xi32, #tpu.memory_space<vmem>> -> memref<128xi32, #tpu.memory_space<vmem>>
      %dma_wait3A_400 = arith.constant 0 : i32
      %dma_wait3A_401 = arith.constant 0 : i32
      %dma_wait3A_402 = tpu.memref_slice %arg3[%dma_wait3A_400, %dma_wait3A_401] : memref<5120x64xf32, #tpu.memory_space<hbm>> -> memref<5120x64xf32, #tpu.memory_space<hbm>>
      %dma_wait3A_403 = tpu.memref_slice %arg15[%dma_wait3A_392] : memref<4x!tpu.dma_semaphore, #tpu.memory_space<semaphore_mem>> -> memref<1x!tpu.dma_semaphore, #tpu.memory_space<semaphore_mem>>
      %dma_wait3A_404 = tpu.memref_squeeze %dma_wait3A_403 : memref<1x!tpu.dma_semaphore, #tpu.memory_space<semaphore_mem>> -> memref<!tpu.dma_semaphore, #tpu.memory_space<semaphore_mem>>
      tpu.wait_indirect_dma semaphore(%dma_wait3A_404 : memref<!tpu.dma_semaphore, #tpu.memory_space<semaphore_mem>>) src(%dma_wait3A_402 : memref<5120x64xf32, #tpu.memory_space<hbm>>) dst(%dma_wait3A_396 : memref<128x64xf32, #tpu.memory_space<vmem>>)
      %add3A_405 = arith.constant 2 : i32
      %add3A_406 = arith.addi %mul3A_254, %add3A_405 : i32
      %dma_start3A_407 = arith.constant 2 : i32
      %dma_start3A_408 = arith.constant 2 : i32
      %dma_start3A_409 = arith.constant 0 : i32
      %dma_start3A_410 = arith.constant 0 : i32
      %dma_start3A_411 = tpu.memref_slice %arg12[%dma_start3A_407, %dma_start3A_409, %dma_start3A_410] : memref<4x128x64xf32, #tpu.memory_space<vmem>> -> memref<1x128x64xf32, #tpu.memory_space<vmem>>
      %dma_start3A_412 = tpu.memref_squeeze %dma_start3A_411 : memref<1x128x64xf32, #tpu.memory_space<vmem>> -> memref<128x64xf32, #tpu.memory_space<vmem>>
      %dma_start3A_413 = arith.constant 0 : i32
      %dma_start3A_414 = tpu.memref_slice %arg10[%add3A_406, %dma_start3A_413] : memref<80x128xi32, #tpu.memory_space<vmem>> -> memref<1x128xi32, #tpu.memory_space<vmem>>
      %dma_start3A_415 = tpu.memref_squeeze %dma_start3A_414 : memref<1x128xi32, #tpu.memory_space<vmem>> -> memref<128xi32, #tpu.memory_space<vmem>>
      %dma_start3A_416 = arith.constant 0 : i32
      %dma_start3A_417 = arith.constant 0 : i32
      %dma_start3A_418 = tpu.memref_slice %arg8[%dma_start3A_416, %dma_start3A_417] : memref<5120x64xf32, #tpu.memory_space<vmem_shared>> -> memref<5120x64xf32, #tpu.memory_space<vmem_shared>>
      %dma_start3A_419 = tpu.memref_slice %arg16[%dma_start3A_408] : memref<4x!tpu.dma_semaphore, #tpu.memory_space<semaphore_mem>> -> memref<1x!tpu.dma_semaphore, #tpu.memory_space<semaphore_mem>>
      %dma_start3A_420 = tpu.memref_squeeze %dma_start3A_419 : memref<1x!tpu.dma_semaphore, #tpu.memory_space<semaphore_mem>> -> memref<!tpu.dma_semaphore, #tpu.memory_space<semaphore_mem>>
      tpu.enqueue_indirect_dma source(%dma_start3A_412 : memref<128x64xf32, #tpu.memory_space<vmem>>) target(%dma_start3A_418 : memref<5120x64xf32, #tpu.memory_space<vmem_shared>>) offsets(%dma_start3A_415 : memref<128xi32, #tpu.memory_space<vmem>>) semaphore(%dma_start3A_420 : memref<!tpu.dma_semaphore, #tpu.memory_space<semaphore_mem>>) {add = true}
      %dma_start3A_421 = arith.constant 2 : i32
      %dma_start3A_422 = arith.constant 2 : i32
      %dma_start3A_423 = arith.constant 0 : i32
      %dma_start3A_424 = arith.constant 0 : i32
      %dma_start3A_425 = tpu.memref_slice %arg13[%dma_start3A_421, %dma_start3A_423, %dma_start3A_424] : memref<4x128x64xf32, #tpu.memory_space<vmem>> -> memref<1x128x64xf32, #tpu.memory_space<vmem>>
      %dma_start3A_426 = tpu.memref_squeeze %dma_start3A_425 : memref<1x128x64xf32, #tpu.memory_space<vmem>> -> memref<128x64xf32, #tpu.memory_space<vmem>>
      %dma_start3A_427 = arith.constant 0 : i32
      %dma_start3A_428 = tpu.memref_slice %arg11[%add3A_406, %dma_start3A_427] : memref<80x128xi32, #tpu.memory_space<vmem>> -> memref<1x128xi32, #tpu.memory_space<vmem>>
      %dma_start3A_429 = tpu.memref_squeeze %dma_start3A_428 : memref<1x128xi32, #tpu.memory_space<vmem>> -> memref<128xi32, #tpu.memory_space<vmem>>
      %dma_start3A_430 = arith.constant 0 : i32
      %dma_start3A_431 = arith.constant 0 : i32
      %dma_start3A_432 = tpu.memref_slice %arg9[%dma_start3A_430, %dma_start3A_431] : memref<5120x64xf32, #tpu.memory_space<vmem_shared>> -> memref<5120x64xf32, #tpu.memory_space<vmem_shared>>
      %dma_start3A_433 = tpu.memref_slice %arg17[%dma_start3A_422] : memref<4x!tpu.dma_semaphore, #tpu.memory_space<semaphore_mem>> -> memref<1x!tpu.dma_semaphore, #tpu.memory_space<semaphore_mem>>
      %dma_start3A_434 = tpu.memref_squeeze %dma_start3A_433 : memref<1x!tpu.dma_semaphore, #tpu.memory_space<semaphore_mem>> -> memref<!tpu.dma_semaphore, #tpu.memory_space<semaphore_mem>>
      tpu.enqueue_indirect_dma source(%dma_start3A_426 : memref<128x64xf32, #tpu.memory_space<vmem>>) target(%dma_start3A_432 : memref<5120x64xf32, #tpu.memory_space<vmem_shared>>) offsets(%dma_start3A_429 : memref<128xi32, #tpu.memory_space<vmem>>) semaphore(%dma_start3A_434 : memref<!tpu.dma_semaphore, #tpu.memory_space<semaphore_mem>>) {add = true}
      %dma_wait3A_435 = arith.constant 0 : i32
      %dma_wait3A_436 = arith.constant 3 : i32
      %dma_wait3A_437 = arith.constant 3 : i32
      %dma_wait3A_438 = arith.constant 0 : i32
      %dma_wait3A_439 = arith.constant 0 : i32
      %dma_wait3A_440 = tpu.memref_slice %arg12[%dma_wait3A_436, %dma_wait3A_438, %dma_wait3A_439] : memref<4x128x64xf32, #tpu.memory_space<vmem>> -> memref<1x128x64xf32, #tpu.memory_space<vmem>>
      %dma_wait3A_441 = tpu.memref_squeeze %dma_wait3A_440 : memref<1x128x64xf32, #tpu.memory_space<vmem>> -> memref<128x64xf32, #tpu.memory_space<vmem>>
      %dma_wait3A_442 = arith.constant 0 : i32
      %dma_wait3A_443 = tpu.memref_slice %arg11[%dma_wait3A_435, %dma_wait3A_442] : memref<80x128xi32, #tpu.memory_space<vmem>> -> memref<1x128xi32, #tpu.memory_space<vmem>>
      %dma_wait3A_444 = tpu.memref_squeeze %dma_wait3A_443 : memref<1x128xi32, #tpu.memory_space<vmem>> -> memref<128xi32, #tpu.memory_space<vmem>>
      %dma_wait3A_445 = arith.constant 0 : i32
      %dma_wait3A_446 = arith.constant 0 : i32
      %dma_wait3A_447 = tpu.memref_slice %arg4[%dma_wait3A_445, %dma_wait3A_446] : memref<5120x64xf32, #tpu.memory_space<hbm>> -> memref<5120x64xf32, #tpu.memory_space<hbm>>
      %dma_wait3A_448 = tpu.memref_slice %arg14[%dma_wait3A_437] : memref<4x!tpu.dma_semaphore, #tpu.memory_space<semaphore_mem>> -> memref<1x!tpu.dma_semaphore, #tpu.memory_space<semaphore_mem>>
      %dma_wait3A_449 = tpu.memref_squeeze %dma_wait3A_448 : memref<1x!tpu.dma_semaphore, #tpu.memory_space<semaphore_mem>> -> memref<!tpu.dma_semaphore, #tpu.memory_space<semaphore_mem>>
      tpu.wait_indirect_dma semaphore(%dma_wait3A_449 : memref<!tpu.dma_semaphore, #tpu.memory_space<semaphore_mem>>) src(%dma_wait3A_447 : memref<5120x64xf32, #tpu.memory_space<hbm>>) dst(%dma_wait3A_441 : memref<128x64xf32, #tpu.memory_space<vmem>>)
      %dma_wait3A_450 = arith.constant 0 : i32
      %dma_wait3A_451 = arith.constant 3 : i32
      %dma_wait3A_452 = arith.constant 3 : i32
      %dma_wait3A_453 = arith.constant 0 : i32
      %dma_wait3A_454 = arith.constant 0 : i32
      %dma_wait3A_455 = tpu.memref_slice %arg13[%dma_wait3A_451, %dma_wait3A_453, %dma_wait3A_454] : memref<4x128x64xf32, #tpu.memory_space<vmem>> -> memref<1x128x64xf32, #tpu.memory_space<vmem>>
      %dma_wait3A_456 = tpu.memref_squeeze %dma_wait3A_455 : memref<1x128x64xf32, #tpu.memory_space<vmem>> -> memref<128x64xf32, #tpu.memory_space<vmem>>
      %dma_wait3A_457 = arith.constant 0 : i32
      %dma_wait3A_458 = tpu.memref_slice %arg10[%dma_wait3A_450, %dma_wait3A_457] : memref<80x128xi32, #tpu.memory_space<vmem>> -> memref<1x128xi32, #tpu.memory_space<vmem>>
      %dma_wait3A_459 = tpu.memref_squeeze %dma_wait3A_458 : memref<1x128xi32, #tpu.memory_space<vmem>> -> memref<128xi32, #tpu.memory_space<vmem>>
      %dma_wait3A_460 = arith.constant 0 : i32
      %dma_wait3A_461 = arith.constant 0 : i32
      %dma_wait3A_462 = tpu.memref_slice %arg3[%dma_wait3A_460, %dma_wait3A_461] : memref<5120x64xf32, #tpu.memory_space<hbm>> -> memref<5120x64xf32, #tpu.memory_space<hbm>>
      %dma_wait3A_463 = tpu.memref_slice %arg15[%dma_wait3A_452] : memref<4x!tpu.dma_semaphore, #tpu.memory_space<semaphore_mem>> -> memref<1x!tpu.dma_semaphore, #tpu.memory_space<semaphore_mem>>
      %dma_wait3A_464 = tpu.memref_squeeze %dma_wait3A_463 : memref<1x!tpu.dma_semaphore, #tpu.memory_space<semaphore_mem>> -> memref<!tpu.dma_semaphore, #tpu.memory_space<semaphore_mem>>
      tpu.wait_indirect_dma semaphore(%dma_wait3A_464 : memref<!tpu.dma_semaphore, #tpu.memory_space<semaphore_mem>>) src(%dma_wait3A_462 : memref<5120x64xf32, #tpu.memory_space<hbm>>) dst(%dma_wait3A_456 : memref<128x64xf32, #tpu.memory_space<vmem>>)
      %add3A_465 = arith.constant 3 : i32
      %add3A_466 = arith.addi %mul3A_254, %add3A_465 : i32
      %dma_start3A_467 = arith.constant 3 : i32
      %dma_start3A_468 = arith.constant 3 : i32
      %dma_start3A_469 = arith.constant 0 : i32
      %dma_start3A_470 = arith.constant 0 : i32
      %dma_start3A_471 = tpu.memref_slice %arg12[%dma_start3A_467, %dma_start3A_469, %dma_start3A_470] : memref<4x128x64xf32, #tpu.memory_space<vmem>> -> memref<1x128x64xf32, #tpu.memory_space<vmem>>
      %dma_start3A_472 = tpu.memref_squeeze %dma_start3A_471 : memref<1x128x64xf32, #tpu.memory_space<vmem>> -> memref<128x64xf32, #tpu.memory_space<vmem>>
      %dma_start3A_473 = arith.constant 0 : i32
      %dma_start3A_474 = tpu.memref_slice %arg10[%add3A_466, %dma_start3A_473] : memref<80x128xi32, #tpu.memory_space<vmem>> -> memref<1x128xi32, #tpu.memory_space<vmem>>
      %dma_start3A_475 = tpu.memref_squeeze %dma_start3A_474 : memref<1x128xi32, #tpu.memory_space<vmem>> -> memref<128xi32, #tpu.memory_space<vmem>>
      %dma_start3A_476 = arith.constant 0 : i32
      %dma_start3A_477 = arith.constant 0 : i32
      %dma_start3A_478 = tpu.memref_slice %arg8[%dma_start3A_476, %dma_start3A_477] : memref<5120x64xf32, #tpu.memory_space<vmem_shared>> -> memref<5120x64xf32, #tpu.memory_space<vmem_shared>>
      %dma_start3A_479 = tpu.memref_slice %arg16[%dma_start3A_468] : memref<4x!tpu.dma_semaphore, #tpu.memory_space<semaphore_mem>> -> memref<1x!tpu.dma_semaphore, #tpu.memory_space<semaphore_mem>>
      %dma_start3A_480 = tpu.memref_squeeze %dma_start3A_479 : memref<1x!tpu.dma_semaphore, #tpu.memory_space<semaphore_mem>> -> memref<!tpu.dma_semaphore, #tpu.memory_space<semaphore_mem>>
      tpu.enqueue_indirect_dma source(%dma_start3A_472 : memref<128x64xf32, #tpu.memory_space<vmem>>) target(%dma_start3A_478 : memref<5120x64xf32, #tpu.memory_space<vmem_shared>>) offsets(%dma_start3A_475 : memref<128xi32, #tpu.memory_space<vmem>>) semaphore(%dma_start3A_480 : memref<!tpu.dma_semaphore, #tpu.memory_space<semaphore_mem>>) {add = true}
      %dma_start3A_481 = arith.constant 3 : i32
      %dma_start3A_482 = arith.constant 3 : i32
      %dma_start3A_483 = arith.constant 0 : i32
      %dma_start3A_484 = arith.constant 0 : i32
      %dma_start3A_485 = tpu.memref_slice %arg13[%dma_start3A_481, %dma_start3A_483, %dma_start3A_484] : memref<4x128x64xf32, #tpu.memory_space<vmem>> -> memref<1x128x64xf32, #tpu.memory_space<vmem>>
      %dma_start3A_486 = tpu.memref_squeeze %dma_start3A_485 : memref<1x128x64xf32, #tpu.memory_space<vmem>> -> memref<128x64xf32, #tpu.memory_space<vmem>>
      %dma_start3A_487 = arith.constant 0 : i32
      %dma_start3A_488 = tpu.memref_slice %arg11[%add3A_466, %dma_start3A_487] : memref<80x128xi32, #tpu.memory_space<vmem>> -> memref<1x128xi32, #tpu.memory_space<vmem>>
      %dma_start3A_489 = tpu.memref_squeeze %dma_start3A_488 : memref<1x128xi32, #tpu.memory_space<vmem>> -> memref<128xi32, #tpu.memory_space<vmem>>
      %dma_start3A_490 = arith.constant 0 : i32
      %dma_start3A_491 = arith.constant 0 : i32
      %dma_start3A_492 = tpu.memref_slice %arg9[%dma_start3A_490, %dma_start3A_491] : memref<5120x64xf32, #tpu.memory_space<vmem_shared>> -> memref<5120x64xf32, #tpu.memory_space<vmem_shared>>
      %dma_start3A_493 = tpu.memref_slice %arg17[%dma_start3A_482] : memref<4x!tpu.dma_semaphore, #tpu.memory_space<semaphore_mem>> -> memref<1x!tpu.dma_semaphore, #tpu.memory_space<semaphore_mem>>
      %dma_start3A_494 = tpu.memref_squeeze %dma_start3A_493 : memref<1x!tpu.dma_semaphore, #tpu.memory_space<semaphore_mem>> -> memref<!tpu.dma_semaphore, #tpu.memory_space<semaphore_mem>>
      tpu.enqueue_indirect_dma source(%dma_start3A_486 : memref<128x64xf32, #tpu.memory_space<vmem>>) target(%dma_start3A_492 : memref<5120x64xf32, #tpu.memory_space<vmem_shared>>) offsets(%dma_start3A_489 : memref<128xi32, #tpu.memory_space<vmem>>) semaphore(%dma_start3A_494 : memref<!tpu.dma_semaphore, #tpu.memory_space<semaphore_mem>>) {add = true}
      %add3A_495 = arith.constant 1 : i32
      %add3A_496 = arith.addi %scan3A_252, %add3A_495 : i32
      %lt3A = arith.constant 20 : i32
      %lt3A_497 = arith.cmpi slt, %add3A_496, %lt3A : i32
      %convert_element_type3A = arith.extui %lt3A_497 : i1 to i32
      %cond3A = arith.constant 0 : i32
      %cond3A_498 = arith.cmpi ne, %convert_element_type3A, %cond3A : i32
      scf.if %cond3A_498 {
        %dma_wait3A_520 = arith.constant 0 : i32
        %dma_wait3A_521 = arith.constant 0 : i32
        %dma_wait3A_522 = arith.constant 0 : i32
        %dma_wait3A_523 = arith.constant 0 : i32
        %dma_wait3A_524 = arith.constant 0 : i32
        %dma_wait3A_525 = tpu.memref_slice %arg12[%dma_wait3A_520, %dma_wait3A_523, %dma_wait3A_524] : memref<4x128x64xf32, #tpu.memory_space<vmem>> -> memref<1x128x64xf32, #tpu.memory_space<vmem>>
        %dma_wait3A_526 = tpu.memref_squeeze %dma_wait3A_525 : memref<1x128x64xf32, #tpu.memory_space<vmem>> -> memref<128x64xf32, #tpu.memory_space<vmem>>
        %dma_wait3A_527 = arith.constant 0 : i32
        %dma_wait3A_528 = tpu.memref_slice %arg10[%dma_wait3A_521, %dma_wait3A_527] : memref<80x128xi32, #tpu.memory_space<vmem>> -> memref<1x128xi32, #tpu.memory_space<vmem>>
        %dma_wait3A_529 = tpu.memref_squeeze %dma_wait3A_528 : memref<1x128xi32, #tpu.memory_space<vmem>> -> memref<128xi32, #tpu.memory_space<vmem>>
        %dma_wait3A_530 = arith.constant 0 : i32
        %dma_wait3A_531 = arith.constant 0 : i32
        %dma_wait3A_532 = tpu.memref_slice %arg8[%dma_wait3A_530, %dma_wait3A_531] : memref<5120x64xf32, #tpu.memory_space<vmem_shared>> -> memref<5120x64xf32, #tpu.memory_space<vmem_shared>>
        %dma_wait3A_533 = tpu.memref_slice %arg16[%dma_wait3A_522] : memref<4x!tpu.dma_semaphore, #tpu.memory_space<semaphore_mem>> -> memref<1x!tpu.dma_semaphore, #tpu.memory_space<semaphore_mem>>
        %dma_wait3A_534 = tpu.memref_squeeze %dma_wait3A_533 : memref<1x!tpu.dma_semaphore, #tpu.memory_space<semaphore_mem>> -> memref<!tpu.dma_semaphore, #tpu.memory_space<semaphore_mem>>
        tpu.wait_indirect_dma semaphore(%dma_wait3A_534 : memref<!tpu.dma_semaphore, #tpu.memory_space<semaphore_mem>>) src(%dma_wait3A_526 : memref<128x64xf32, #tpu.memory_space<vmem>>) dst(%dma_wait3A_532 : memref<5120x64xf32, #tpu.memory_space<vmem_shared>>)
        %dma_wait3A_535 = arith.constant 0 : i32
        %dma_wait3A_536 = arith.constant 0 : i32
        %dma_wait3A_537 = arith.constant 0 : i32
        %dma_wait3A_538 = arith.constant 0 : i32
        %dma_wait3A_539 = arith.constant 0 : i32
        %dma_wait3A_540 = tpu.memref_slice %arg13[%dma_wait3A_535, %dma_wait3A_538, %dma_wait3A_539] : memref<4x128x64xf32, #tpu.memory_space<vmem>> -> memref<1x128x64xf32, #tpu.memory_space<vmem>>
        %dma_wait3A_541 = tpu.memref_squeeze %dma_wait3A_540 : memref<1x128x64xf32, #tpu.memory_space<vmem>> -> memref<128x64xf32, #tpu.memory_space<vmem>>
        %dma_wait3A_542 = arith.constant 0 : i32
        %dma_wait3A_543 = tpu.memref_slice %arg11[%dma_wait3A_536, %dma_wait3A_542] : memref<80x128xi32, #tpu.memory_space<vmem>> -> memref<1x128xi32, #tpu.memory_space<vmem>>
        %dma_wait3A_544 = tpu.memref_squeeze %dma_wait3A_543 : memref<1x128xi32, #tpu.memory_space<vmem>> -> memref<128xi32, #tpu.memory_space<vmem>>
        %dma_wait3A_545 = arith.constant 0 : i32
        %dma_wait3A_546 = arith.constant 0 : i32
        %dma_wait3A_547 = tpu.memref_slice %arg9[%dma_wait3A_545, %dma_wait3A_546] : memref<5120x64xf32, #tpu.memory_space<vmem_shared>> -> memref<5120x64xf32, #tpu.memory_space<vmem_shared>>
        %dma_wait3A_548 = tpu.memref_slice %arg17[%dma_wait3A_537] : memref<4x!tpu.dma_semaphore, #tpu.memory_space<semaphore_mem>> -> memref<1x!tpu.dma_semaphore, #tpu.memory_space<semaphore_mem>>
        %dma_wait3A_549 = tpu.memref_squeeze %dma_wait3A_548 : memref<1x!tpu.dma_semaphore, #tpu.memory_space<semaphore_mem>> -> memref<!tpu.dma_semaphore, #tpu.memory_space<semaphore_mem>>
        tpu.wait_indirect_dma semaphore(%dma_wait3A_549 : memref<!tpu.dma_semaphore, #tpu.memory_space<semaphore_mem>>) src(%dma_wait3A_541 : memref<128x64xf32, #tpu.memory_space<vmem>>) dst(%dma_wait3A_547 : memref<5120x64xf32, #tpu.memory_space<vmem_shared>>)
        %add3A_550 = arith.constant 4 : i32
        %add3A_551 = arith.addi %mul3A_254, %add3A_550 : i32
        %add3A_552 = arith.constant 0 : i32
        %add3A_553 = arith.addi %add3A_551, %add3A_552 : i32
        %dma_start3A_554 = arith.constant 0 : i32
        %dma_start3A_555 = arith.constant 0 : i32
        %dma_start3A_556 = arith.constant 0 : i32
        %dma_start3A_557 = arith.constant 0 : i32
        %dma_start3A_558 = tpu.memref_slice %arg12[%dma_start3A_554, %dma_start3A_556, %dma_start3A_557] : memref<4x128x64xf32, #tpu.memory_space<vmem>> -> memref<1x128x64xf32, #tpu.memory_space<vmem>>
        %dma_start3A_559 = tpu.memref_squeeze %dma_start3A_558 : memref<1x128x64xf32, #tpu.memory_space<vmem>> -> memref<128x64xf32, #tpu.memory_space<vmem>>
        %dma_start3A_560 = arith.constant 0 : i32
        %dma_start3A_561 = tpu.memref_slice %arg11[%add3A_553, %dma_start3A_560] : memref<80x128xi32, #tpu.memory_space<vmem>> -> memref<1x128xi32, #tpu.memory_space<vmem>>
        %dma_start3A_562 = tpu.memref_squeeze %dma_start3A_561 : memref<1x128xi32, #tpu.memory_space<vmem>> -> memref<128xi32, #tpu.memory_space<vmem>>
        %dma_start3A_563 = arith.constant 0 : i32
        %dma_start3A_564 = arith.constant 0 : i32
        %dma_start3A_565 = tpu.memref_slice %arg4[%dma_start3A_563, %dma_start3A_564] : memref<5120x64xf32, #tpu.memory_space<hbm>> -> memref<5120x64xf32, #tpu.memory_space<hbm>>
        %dma_start3A_566 = tpu.memref_slice %arg14[%dma_start3A_555] : memref<4x!tpu.dma_semaphore, #tpu.memory_space<semaphore_mem>> -> memref<1x!tpu.dma_semaphore, #tpu.memory_space<semaphore_mem>>
        %dma_start3A_567 = tpu.memref_squeeze %dma_start3A_566 : memref<1x!tpu.dma_semaphore, #tpu.memory_space<semaphore_mem>> -> memref<!tpu.dma_semaphore, #tpu.memory_space<semaphore_mem>>
        tpu.enqueue_indirect_dma source(%dma_start3A_565 : memref<5120x64xf32, #tpu.memory_space<hbm>>) target(%dma_start3A_559 : memref<128x64xf32, #tpu.memory_space<vmem>>) offsets(%dma_start3A_562 : memref<128xi32, #tpu.memory_space<vmem>>) semaphore(%dma_start3A_567 : memref<!tpu.dma_semaphore, #tpu.memory_space<semaphore_mem>>)
        %dma_start3A_568 = arith.constant 0 : i32
        %dma_start3A_569 = arith.constant 0 : i32
        %dma_start3A_570 = arith.constant 0 : i32
        %dma_start3A_571 = arith.constant 0 : i32
        %dma_start3A_572 = tpu.memref_slice %arg13[%dma_start3A_568, %dma_start3A_570, %dma_start3A_571] : memref<4x128x64xf32, #tpu.memory_space<vmem>> -> memref<1x128x64xf32, #tpu.memory_space<vmem>>
        %dma_start3A_573 = tpu.memref_squeeze %dma_start3A_572 : memref<1x128x64xf32, #tpu.memory_space<vmem>> -> memref<128x64xf32, #tpu.memory_space<vmem>>
        %dma_start3A_574 = arith.constant 0 : i32
        %dma_start3A_575 = tpu.memref_slice %arg10[%add3A_553, %dma_start3A_574] : memref<80x128xi32, #tpu.memory_space<vmem>> -> memref<1x128xi32, #tpu.memory_space<vmem>>
        %dma_start3A_576 = tpu.memref_squeeze %dma_start3A_575 : memref<1x128xi32, #tpu.memory_space<vmem>> -> memref<128xi32, #tpu.memory_space<vmem>>
        %dma_start3A_577 = arith.constant 0 : i32
        %dma_start3A_578 = arith.constant 0 : i32
        %dma_start3A_579 = tpu.memref_slice %arg3[%dma_start3A_577, %dma_start3A_578] : memref<5120x64xf32, #tpu.memory_space<hbm>> -> memref<5120x64xf32, #tpu.memory_space<hbm>>
        %dma_start3A_580 = tpu.memref_slice %arg15[%dma_start3A_569] : memref<4x!tpu.dma_semaphore, #tpu.memory_space<semaphore_mem>> -> memref<1x!tpu.dma_semaphore, #tpu.memory_space<semaphore_mem>>
        %dma_start3A_581 = tpu.memref_squeeze %dma_start3A_580 : memref<1x!tpu.dma_semaphore, #tpu.memory_space<semaphore_mem>> -> memref<!tpu.dma_semaphore, #tpu.memory_space<semaphore_mem>>
        tpu.enqueue_indirect_dma source(%dma_start3A_579 : memref<5120x64xf32, #tpu.memory_space<hbm>>) target(%dma_start3A_573 : memref<128x64xf32, #tpu.memory_space<vmem>>) offsets(%dma_start3A_576 : memref<128xi32, #tpu.memory_space<vmem>>) semaphore(%dma_start3A_581 : memref<!tpu.dma_semaphore, #tpu.memory_space<semaphore_mem>>)
      } else {
      }
      %add3A_499 = arith.constant 1 : i32
      %add3A_500 = arith.addi %scan3A_252, %add3A_499 : i32
      %lt3A_501 = arith.constant 20 : i32
      %lt3A_502 = arith.cmpi slt, %add3A_500, %lt3A_501 : i32
      %convert_element_type3A_503 = arith.extui %lt3A_502 : i1 to i32
      %cond3A_504 = arith.constant 0 : i32
      %cond3A_505 = arith.cmpi ne, %convert_element_type3A_503, %cond3A_504 : i32
      scf.if %cond3A_505 {
        %dma_wait3A_520 = arith.constant 1 : i32
        %dma_wait3A_521 = arith.constant 0 : i32
        %dma_wait3A_522 = arith.constant 1 : i32
        %dma_wait3A_523 = arith.constant 0 : i32
        %dma_wait3A_524 = arith.constant 0 : i32
        %dma_wait3A_525 = tpu.memref_slice %arg12[%dma_wait3A_520, %dma_wait3A_523, %dma_wait3A_524] : memref<4x128x64xf32, #tpu.memory_space<vmem>> -> memref<1x128x64xf32, #tpu.memory_space<vmem>>
        %dma_wait3A_526 = tpu.memref_squeeze %dma_wait3A_525 : memref<1x128x64xf32, #tpu.memory_space<vmem>> -> memref<128x64xf32, #tpu.memory_space<vmem>>
        %dma_wait3A_527 = arith.constant 0 : i32
        %dma_wait3A_528 = tpu.memref_slice %arg10[%dma_wait3A_521, %dma_wait3A_527] : memref<80x128xi32, #tpu.memory_space<vmem>> -> memref<1x128xi32, #tpu.memory_space<vmem>>
        %dma_wait3A_529 = tpu.memref_squeeze %dma_wait3A_528 : memref<1x128xi32, #tpu.memory_space<vmem>> -> memref<128xi32, #tpu.memory_space<vmem>>
        %dma_wait3A_530 = arith.constant 0 : i32
        %dma_wait3A_531 = arith.constant 0 : i32
        %dma_wait3A_532 = tpu.memref_slice %arg8[%dma_wait3A_530, %dma_wait3A_531] : memref<5120x64xf32, #tpu.memory_space<vmem_shared>> -> memref<5120x64xf32, #tpu.memory_space<vmem_shared>>
        %dma_wait3A_533 = tpu.memref_slice %arg16[%dma_wait3A_522] : memref<4x!tpu.dma_semaphore, #tpu.memory_space<semaphore_mem>> -> memref<1x!tpu.dma_semaphore, #tpu.memory_space<semaphore_mem>>
        %dma_wait3A_534 = tpu.memref_squeeze %dma_wait3A_533 : memref<1x!tpu.dma_semaphore, #tpu.memory_space<semaphore_mem>> -> memref<!tpu.dma_semaphore, #tpu.memory_space<semaphore_mem>>
        tpu.wait_indirect_dma semaphore(%dma_wait3A_534 : memref<!tpu.dma_semaphore, #tpu.memory_space<semaphore_mem>>) src(%dma_wait3A_526 : memref<128x64xf32, #tpu.memory_space<vmem>>) dst(%dma_wait3A_532 : memref<5120x64xf32, #tpu.memory_space<vmem_shared>>)
        %dma_wait3A_535 = arith.constant 1 : i32
        %dma_wait3A_536 = arith.constant 0 : i32
        %dma_wait3A_537 = arith.constant 1 : i32
        %dma_wait3A_538 = arith.constant 0 : i32
        %dma_wait3A_539 = arith.constant 0 : i32
        %dma_wait3A_540 = tpu.memref_slice %arg13[%dma_wait3A_535, %dma_wait3A_538, %dma_wait3A_539] : memref<4x128x64xf32, #tpu.memory_space<vmem>> -> memref<1x128x64xf32, #tpu.memory_space<vmem>>
        %dma_wait3A_541 = tpu.memref_squeeze %dma_wait3A_540 : memref<1x128x64xf32, #tpu.memory_space<vmem>> -> memref<128x64xf32, #tpu.memory_space<vmem>>
        %dma_wait3A_542 = arith.constant 0 : i32
        %dma_wait3A_543 = tpu.memref_slice %arg11[%dma_wait3A_536, %dma_wait3A_542] : memref<80x128xi32, #tpu.memory_space<vmem>> -> memref<1x128xi32, #tpu.memory_space<vmem>>
        %dma_wait3A_544 = tpu.memref_squeeze %dma_wait3A_543 : memref<1x128xi32, #tpu.memory_space<vmem>> -> memref<128xi32, #tpu.memory_space<vmem>>
        %dma_wait3A_545 = arith.constant 0 : i32
        %dma_wait3A_546 = arith.constant 0 : i32
        %dma_wait3A_547 = tpu.memref_slice %arg9[%dma_wait3A_545, %dma_wait3A_546] : memref<5120x64xf32, #tpu.memory_space<vmem_shared>> -> memref<5120x64xf32, #tpu.memory_space<vmem_shared>>
        %dma_wait3A_548 = tpu.memref_slice %arg17[%dma_wait3A_537] : memref<4x!tpu.dma_semaphore, #tpu.memory_space<semaphore_mem>> -> memref<1x!tpu.dma_semaphore, #tpu.memory_space<semaphore_mem>>
        %dma_wait3A_549 = tpu.memref_squeeze %dma_wait3A_548 : memref<1x!tpu.dma_semaphore, #tpu.memory_space<semaphore_mem>> -> memref<!tpu.dma_semaphore, #tpu.memory_space<semaphore_mem>>
        tpu.wait_indirect_dma semaphore(%dma_wait3A_549 : memref<!tpu.dma_semaphore, #tpu.memory_space<semaphore_mem>>) src(%dma_wait3A_541 : memref<128x64xf32, #tpu.memory_space<vmem>>) dst(%dma_wait3A_547 : memref<5120x64xf32, #tpu.memory_space<vmem_shared>>)
        %add3A_550 = arith.constant 4 : i32
        %add3A_551 = arith.addi %mul3A_254, %add3A_550 : i32
        %add3A_552 = arith.constant 1 : i32
        %add3A_553 = arith.addi %add3A_551, %add3A_552 : i32
        %dma_start3A_554 = arith.constant 1 : i32
        %dma_start3A_555 = arith.constant 1 : i32
        %dma_start3A_556 = arith.constant 0 : i32
        %dma_start3A_557 = arith.constant 0 : i32
        %dma_start3A_558 = tpu.memref_slice %arg12[%dma_start3A_554, %dma_start3A_556, %dma_start3A_557] : memref<4x128x64xf32, #tpu.memory_space<vmem>> -> memref<1x128x64xf32, #tpu.memory_space<vmem>>
        %dma_start3A_559 = tpu.memref_squeeze %dma_start3A_558 : memref<1x128x64xf32, #tpu.memory_space<vmem>> -> memref<128x64xf32, #tpu.memory_space<vmem>>
        %dma_start3A_560 = arith.constant 0 : i32
        %dma_start3A_561 = tpu.memref_slice %arg11[%add3A_553, %dma_start3A_560] : memref<80x128xi32, #tpu.memory_space<vmem>> -> memref<1x128xi32, #tpu.memory_space<vmem>>
        %dma_start3A_562 = tpu.memref_squeeze %dma_start3A_561 : memref<1x128xi32, #tpu.memory_space<vmem>> -> memref<128xi32, #tpu.memory_space<vmem>>
        %dma_start3A_563 = arith.constant 0 : i32
        %dma_start3A_564 = arith.constant 0 : i32
        %dma_start3A_565 = tpu.memref_slice %arg4[%dma_start3A_563, %dma_start3A_564] : memref<5120x64xf32, #tpu.memory_space<hbm>> -> memref<5120x64xf32, #tpu.memory_space<hbm>>
        %dma_start3A_566 = tpu.memref_slice %arg14[%dma_start3A_555] : memref<4x!tpu.dma_semaphore, #tpu.memory_space<semaphore_mem>> -> memref<1x!tpu.dma_semaphore, #tpu.memory_space<semaphore_mem>>
        %dma_start3A_567 = tpu.memref_squeeze %dma_start3A_566 : memref<1x!tpu.dma_semaphore, #tpu.memory_space<semaphore_mem>> -> memref<!tpu.dma_semaphore, #tpu.memory_space<semaphore_mem>>
        tpu.enqueue_indirect_dma source(%dma_start3A_565 : memref<5120x64xf32, #tpu.memory_space<hbm>>) target(%dma_start3A_559 : memref<128x64xf32, #tpu.memory_space<vmem>>) offsets(%dma_start3A_562 : memref<128xi32, #tpu.memory_space<vmem>>) semaphore(%dma_start3A_567 : memref<!tpu.dma_semaphore, #tpu.memory_space<semaphore_mem>>)
        %dma_start3A_568 = arith.constant 1 : i32
        %dma_start3A_569 = arith.constant 1 : i32
        %dma_start3A_570 = arith.constant 0 : i32
        %dma_start3A_571 = arith.constant 0 : i32
        %dma_start3A_572 = tpu.memref_slice %arg13[%dma_start3A_568, %dma_start3A_570, %dma_start3A_571] : memref<4x128x64xf32, #tpu.memory_space<vmem>> -> memref<1x128x64xf32, #tpu.memory_space<vmem>>
        %dma_start3A_573 = tpu.memref_squeeze %dma_start3A_572 : memref<1x128x64xf32, #tpu.memory_space<vmem>> -> memref<128x64xf32, #tpu.memory_space<vmem>>
        %dma_start3A_574 = arith.constant 0 : i32
        %dma_start3A_575 = tpu.memref_slice %arg10[%add3A_553, %dma_start3A_574] : memref<80x128xi32, #tpu.memory_space<vmem>> -> memref<1x128xi32, #tpu.memory_space<vmem>>
        %dma_start3A_576 = tpu.memref_squeeze %dma_start3A_575 : memref<1x128xi32, #tpu.memory_space<vmem>> -> memref<128xi32, #tpu.memory_space<vmem>>
        %dma_start3A_577 = arith.constant 0 : i32
        %dma_start3A_578 = arith.constant 0 : i32
        %dma_start3A_579 = tpu.memref_slice %arg3[%dma_start3A_577, %dma_start3A_578] : memref<5120x64xf32, #tpu.memory_space<hbm>> -> memref<5120x64xf32, #tpu.memory_space<hbm>>
        %dma_start3A_580 = tpu.memref_slice %arg15[%dma_start3A_569] : memref<4x!tpu.dma_semaphore, #tpu.memory_space<semaphore_mem>> -> memref<1x!tpu.dma_semaphore, #tpu.memory_space<semaphore_mem>>
        %dma_start3A_581 = tpu.memref_squeeze %dma_start3A_580 : memref<1x!tpu.dma_semaphore, #tpu.memory_space<semaphore_mem>> -> memref<!tpu.dma_semaphore, #tpu.memory_space<semaphore_mem>>
        tpu.enqueue_indirect_dma source(%dma_start3A_579 : memref<5120x64xf32, #tpu.memory_space<hbm>>) target(%dma_start3A_573 : memref<128x64xf32, #tpu.memory_space<vmem>>) offsets(%dma_start3A_576 : memref<128xi32, #tpu.memory_space<vmem>>) semaphore(%dma_start3A_581 : memref<!tpu.dma_semaphore, #tpu.memory_space<semaphore_mem>>)
      } else {
      }
      %add3A_506 = arith.constant 1 : i32
      %add3A_507 = arith.addi %scan3A_252, %add3A_506 : i32
      %lt3A_508 = arith.constant 20 : i32
      %lt3A_509 = arith.cmpi slt, %add3A_507, %lt3A_508 : i32
      %convert_element_type3A_510 = arith.extui %lt3A_509 : i1 to i32
      %cond3A_511 = arith.constant 0 : i32
      %cond3A_512 = arith.cmpi ne, %convert_element_type3A_510, %cond3A_511 : i32
      scf.if %cond3A_512 {
        %dma_wait3A_520 = arith.constant 2 : i32
        %dma_wait3A_521 = arith.constant 0 : i32
        %dma_wait3A_522 = arith.constant 2 : i32
        %dma_wait3A_523 = arith.constant 0 : i32
        %dma_wait3A_524 = arith.constant 0 : i32
        %dma_wait3A_525 = tpu.memref_slice %arg12[%dma_wait3A_520, %dma_wait3A_523, %dma_wait3A_524] : memref<4x128x64xf32, #tpu.memory_space<vmem>> -> memref<1x128x64xf32, #tpu.memory_space<vmem>>
        %dma_wait3A_526 = tpu.memref_squeeze %dma_wait3A_525 : memref<1x128x64xf32, #tpu.memory_space<vmem>> -> memref<128x64xf32, #tpu.memory_space<vmem>>
        %dma_wait3A_527 = arith.constant 0 : i32
        %dma_wait3A_528 = tpu.memref_slice %arg10[%dma_wait3A_521, %dma_wait3A_527] : memref<80x128xi32, #tpu.memory_space<vmem>> -> memref<1x128xi32, #tpu.memory_space<vmem>>
        %dma_wait3A_529 = tpu.memref_squeeze %dma_wait3A_528 : memref<1x128xi32, #tpu.memory_space<vmem>> -> memref<128xi32, #tpu.memory_space<vmem>>
        %dma_wait3A_530 = arith.constant 0 : i32
        %dma_wait3A_531 = arith.constant 0 : i32
        %dma_wait3A_532 = tpu.memref_slice %arg8[%dma_wait3A_530, %dma_wait3A_531] : memref<5120x64xf32, #tpu.memory_space<vmem_shared>> -> memref<5120x64xf32, #tpu.memory_space<vmem_shared>>
        %dma_wait3A_533 = tpu.memref_slice %arg16[%dma_wait3A_522] : memref<4x!tpu.dma_semaphore, #tpu.memory_space<semaphore_mem>> -> memref<1x!tpu.dma_semaphore, #tpu.memory_space<semaphore_mem>>
        %dma_wait3A_534 = tpu.memref_squeeze %dma_wait3A_533 : memref<1x!tpu.dma_semaphore, #tpu.memory_space<semaphore_mem>> -> memref<!tpu.dma_semaphore, #tpu.memory_space<semaphore_mem>>
        tpu.wait_indirect_dma semaphore(%dma_wait3A_534 : memref<!tpu.dma_semaphore, #tpu.memory_space<semaphore_mem>>) src(%dma_wait3A_526 : memref<128x64xf32, #tpu.memory_space<vmem>>) dst(%dma_wait3A_532 : memref<5120x64xf32, #tpu.memory_space<vmem_shared>>)
        %dma_wait3A_535 = arith.constant 2 : i32
        %dma_wait3A_536 = arith.constant 0 : i32
        %dma_wait3A_537 = arith.constant 2 : i32
        %dma_wait3A_538 = arith.constant 0 : i32
        %dma_wait3A_539 = arith.constant 0 : i32
        %dma_wait3A_540 = tpu.memref_slice %arg13[%dma_wait3A_535, %dma_wait3A_538, %dma_wait3A_539] : memref<4x128x64xf32, #tpu.memory_space<vmem>> -> memref<1x128x64xf32, #tpu.memory_space<vmem>>
        %dma_wait3A_541 = tpu.memref_squeeze %dma_wait3A_540 : memref<1x128x64xf32, #tpu.memory_space<vmem>> -> memref<128x64xf32, #tpu.memory_space<vmem>>
        %dma_wait3A_542 = arith.constant 0 : i32
        %dma_wait3A_543 = tpu.memref_slice %arg11[%dma_wait3A_536, %dma_wait3A_542] : memref<80x128xi32, #tpu.memory_space<vmem>> -> memref<1x128xi32, #tpu.memory_space<vmem>>
        %dma_wait3A_544 = tpu.memref_squeeze %dma_wait3A_543 : memref<1x128xi32, #tpu.memory_space<vmem>> -> memref<128xi32, #tpu.memory_space<vmem>>
        %dma_wait3A_545 = arith.constant 0 : i32
        %dma_wait3A_546 = arith.constant 0 : i32
        %dma_wait3A_547 = tpu.memref_slice %arg9[%dma_wait3A_545, %dma_wait3A_546] : memref<5120x64xf32, #tpu.memory_space<vmem_shared>> -> memref<5120x64xf32, #tpu.memory_space<vmem_shared>>
        %dma_wait3A_548 = tpu.memref_slice %arg17[%dma_wait3A_537] : memref<4x!tpu.dma_semaphore, #tpu.memory_space<semaphore_mem>> -> memref<1x!tpu.dma_semaphore, #tpu.memory_space<semaphore_mem>>
        %dma_wait3A_549 = tpu.memref_squeeze %dma_wait3A_548 : memref<1x!tpu.dma_semaphore, #tpu.memory_space<semaphore_mem>> -> memref<!tpu.dma_semaphore, #tpu.memory_space<semaphore_mem>>
        tpu.wait_indirect_dma semaphore(%dma_wait3A_549 : memref<!tpu.dma_semaphore, #tpu.memory_space<semaphore_mem>>) src(%dma_wait3A_541 : memref<128x64xf32, #tpu.memory_space<vmem>>) dst(%dma_wait3A_547 : memref<5120x64xf32, #tpu.memory_space<vmem_shared>>)
        %add3A_550 = arith.constant 4 : i32
        %add3A_551 = arith.addi %mul3A_254, %add3A_550 : i32
        %add3A_552 = arith.constant 2 : i32
        %add3A_553 = arith.addi %add3A_551, %add3A_552 : i32
        %dma_start3A_554 = arith.constant 2 : i32
        %dma_start3A_555 = arith.constant 2 : i32
        %dma_start3A_556 = arith.constant 0 : i32
        %dma_start3A_557 = arith.constant 0 : i32
        %dma_start3A_558 = tpu.memref_slice %arg12[%dma_start3A_554, %dma_start3A_556, %dma_start3A_557] : memref<4x128x64xf32, #tpu.memory_space<vmem>> -> memref<1x128x64xf32, #tpu.memory_space<vmem>>
        %dma_start3A_559 = tpu.memref_squeeze %dma_start3A_558 : memref<1x128x64xf32, #tpu.memory_space<vmem>> -> memref<128x64xf32, #tpu.memory_space<vmem>>
        %dma_start3A_560 = arith.constant 0 : i32
        %dma_start3A_561 = tpu.memref_slice %arg11[%add3A_553, %dma_start3A_560] : memref<80x128xi32, #tpu.memory_space<vmem>> -> memref<1x128xi32, #tpu.memory_space<vmem>>
        %dma_start3A_562 = tpu.memref_squeeze %dma_start3A_561 : memref<1x128xi32, #tpu.memory_space<vmem>> -> memref<128xi32, #tpu.memory_space<vmem>>
        %dma_start3A_563 = arith.constant 0 : i32
        %dma_start3A_564 = arith.constant 0 : i32
        %dma_start3A_565 = tpu.memref_slice %arg4[%dma_start3A_563, %dma_start3A_564] : memref<5120x64xf32, #tpu.memory_space<hbm>> -> memref<5120x64xf32, #tpu.memory_space<hbm>>
        %dma_start3A_566 = tpu.memref_slice %arg14[%dma_start3A_555] : memref<4x!tpu.dma_semaphore, #tpu.memory_space<semaphore_mem>> -> memref<1x!tpu.dma_semaphore, #tpu.memory_space<semaphore_mem>>
        %dma_start3A_567 = tpu.memref_squeeze %dma_start3A_566 : memref<1x!tpu.dma_semaphore, #tpu.memory_space<semaphore_mem>> -> memref<!tpu.dma_semaphore, #tpu.memory_space<semaphore_mem>>
        tpu.enqueue_indirect_dma source(%dma_start3A_565 : memref<5120x64xf32, #tpu.memory_space<hbm>>) target(%dma_start3A_559 : memref<128x64xf32, #tpu.memory_space<vmem>>) offsets(%dma_start3A_562 : memref<128xi32, #tpu.memory_space<vmem>>) semaphore(%dma_start3A_567 : memref<!tpu.dma_semaphore, #tpu.memory_space<semaphore_mem>>)
        %dma_start3A_568 = arith.constant 2 : i32
        %dma_start3A_569 = arith.constant 2 : i32
        %dma_start3A_570 = arith.constant 0 : i32
        %dma_start3A_571 = arith.constant 0 : i32
        %dma_start3A_572 = tpu.memref_slice %arg13[%dma_start3A_568, %dma_start3A_570, %dma_start3A_571] : memref<4x128x64xf32, #tpu.memory_space<vmem>> -> memref<1x128x64xf32, #tpu.memory_space<vmem>>
        %dma_start3A_573 = tpu.memref_squeeze %dma_start3A_572 : memref<1x128x64xf32, #tpu.memory_space<vmem>> -> memref<128x64xf32, #tpu.memory_space<vmem>>
        %dma_start3A_574 = arith.constant 0 : i32
        %dma_start3A_575 = tpu.memref_slice %arg10[%add3A_553, %dma_start3A_574] : memref<80x128xi32, #tpu.memory_space<vmem>> -> memref<1x128xi32, #tpu.memory_space<vmem>>
        %dma_start3A_576 = tpu.memref_squeeze %dma_start3A_575 : memref<1x128xi32, #tpu.memory_space<vmem>> -> memref<128xi32, #tpu.memory_space<vmem>>
        %dma_start3A_577 = arith.constant 0 : i32
        %dma_start3A_578 = arith.constant 0 : i32
        %dma_start3A_579 = tpu.memref_slice %arg3[%dma_start3A_577, %dma_start3A_578] : memref<5120x64xf32, #tpu.memory_space<hbm>> -> memref<5120x64xf32, #tpu.memory_space<hbm>>
        %dma_start3A_580 = tpu.memref_slice %arg15[%dma_start3A_569] : memref<4x!tpu.dma_semaphore, #tpu.memory_space<semaphore_mem>> -> memref<1x!tpu.dma_semaphore, #tpu.memory_space<semaphore_mem>>
        %dma_start3A_581 = tpu.memref_squeeze %dma_start3A_580 : memref<1x!tpu.dma_semaphore, #tpu.memory_space<semaphore_mem>> -> memref<!tpu.dma_semaphore, #tpu.memory_space<semaphore_mem>>
        tpu.enqueue_indirect_dma source(%dma_start3A_579 : memref<5120x64xf32, #tpu.memory_space<hbm>>) target(%dma_start3A_573 : memref<128x64xf32, #tpu.memory_space<vmem>>) offsets(%dma_start3A_576 : memref<128xi32, #tpu.memory_space<vmem>>) semaphore(%dma_start3A_581 : memref<!tpu.dma_semaphore, #tpu.memory_space<semaphore_mem>>)
      } else {
      }
      %add3A_513 = arith.constant 1 : i32
      %add3A_514 = arith.addi %scan3A_252, %add3A_513 : i32
      %lt3A_515 = arith.constant 20 : i32
      %lt3A_516 = arith.cmpi slt, %add3A_514, %lt3A_515 : i32
      %convert_element_type3A_517 = arith.extui %lt3A_516 : i1 to i32
      %cond3A_518 = arith.constant 0 : i32
      %cond3A_519 = arith.cmpi ne, %convert_element_type3A_517, %cond3A_518 : i32
      scf.if %cond3A_519 {
        %dma_wait3A_520 = arith.constant 3 : i32
        %dma_wait3A_521 = arith.constant 0 : i32
        %dma_wait3A_522 = arith.constant 3 : i32
        %dma_wait3A_523 = arith.constant 0 : i32
        %dma_wait3A_524 = arith.constant 0 : i32
        %dma_wait3A_525 = tpu.memref_slice %arg12[%dma_wait3A_520, %dma_wait3A_523, %dma_wait3A_524] : memref<4x128x64xf32, #tpu.memory_space<vmem>> -> memref<1x128x64xf32, #tpu.memory_space<vmem>>
        %dma_wait3A_526 = tpu.memref_squeeze %dma_wait3A_525 : memref<1x128x64xf32, #tpu.memory_space<vmem>> -> memref<128x64xf32, #tpu.memory_space<vmem>>
        %dma_wait3A_527 = arith.constant 0 : i32
        %dma_wait3A_528 = tpu.memref_slice %arg10[%dma_wait3A_521, %dma_wait3A_527] : memref<80x128xi32, #tpu.memory_space<vmem>> -> memref<1x128xi32, #tpu.memory_space<vmem>>
        %dma_wait3A_529 = tpu.memref_squeeze %dma_wait3A_528 : memref<1x128xi32, #tpu.memory_space<vmem>> -> memref<128xi32, #tpu.memory_space<vmem>>
        %dma_wait3A_530 = arith.constant 0 : i32
        %dma_wait3A_531 = arith.constant 0 : i32
        %dma_wait3A_532 = tpu.memref_slice %arg8[%dma_wait3A_530, %dma_wait3A_531] : memref<5120x64xf32, #tpu.memory_space<vmem_shared>> -> memref<5120x64xf32, #tpu.memory_space<vmem_shared>>
        %dma_wait3A_533 = tpu.memref_slice %arg16[%dma_wait3A_522] : memref<4x!tpu.dma_semaphore, #tpu.memory_space<semaphore_mem>> -> memref<1x!tpu.dma_semaphore, #tpu.memory_space<semaphore_mem>>
        %dma_wait3A_534 = tpu.memref_squeeze %dma_wait3A_533 : memref<1x!tpu.dma_semaphore, #tpu.memory_space<semaphore_mem>> -> memref<!tpu.dma_semaphore, #tpu.memory_space<semaphore_mem>>
        tpu.wait_indirect_dma semaphore(%dma_wait3A_534 : memref<!tpu.dma_semaphore, #tpu.memory_space<semaphore_mem>>) src(%dma_wait3A_526 : memref<128x64xf32, #tpu.memory_space<vmem>>) dst(%dma_wait3A_532 : memref<5120x64xf32, #tpu.memory_space<vmem_shared>>)
        %dma_wait3A_535 = arith.constant 3 : i32
        %dma_wait3A_536 = arith.constant 0 : i32
        %dma_wait3A_537 = arith.constant 3 : i32
        %dma_wait3A_538 = arith.constant 0 : i32
        %dma_wait3A_539 = arith.constant 0 : i32
        %dma_wait3A_540 = tpu.memref_slice %arg13[%dma_wait3A_535, %dma_wait3A_538, %dma_wait3A_539] : memref<4x128x64xf32, #tpu.memory_space<vmem>> -> memref<1x128x64xf32, #tpu.memory_space<vmem>>
        %dma_wait3A_541 = tpu.memref_squeeze %dma_wait3A_540 : memref<1x128x64xf32, #tpu.memory_space<vmem>> -> memref<128x64xf32, #tpu.memory_space<vmem>>
        %dma_wait3A_542 = arith.constant 0 : i32
        %dma_wait3A_543 = tpu.memref_slice %arg11[%dma_wait3A_536, %dma_wait3A_542] : memref<80x128xi32, #tpu.memory_space<vmem>> -> memref<1x128xi32, #tpu.memory_space<vmem>>
        %dma_wait3A_544 = tpu.memref_squeeze %dma_wait3A_543 : memref<1x128xi32, #tpu.memory_space<vmem>> -> memref<128xi32, #tpu.memory_space<vmem>>
        %dma_wait3A_545 = arith.constant 0 : i32
        %dma_wait3A_546 = arith.constant 0 : i32
        %dma_wait3A_547 = tpu.memref_slice %arg9[%dma_wait3A_545, %dma_wait3A_546] : memref<5120x64xf32, #tpu.memory_space<vmem_shared>> -> memref<5120x64xf32, #tpu.memory_space<vmem_shared>>
        %dma_wait3A_548 = tpu.memref_slice %arg17[%dma_wait3A_537] : memref<4x!tpu.dma_semaphore, #tpu.memory_space<semaphore_mem>> -> memref<1x!tpu.dma_semaphore, #tpu.memory_space<semaphore_mem>>
        %dma_wait3A_549 = tpu.memref_squeeze %dma_wait3A_548 : memref<1x!tpu.dma_semaphore, #tpu.memory_space<semaphore_mem>> -> memref<!tpu.dma_semaphore, #tpu.memory_space<semaphore_mem>>
        tpu.wait_indirect_dma semaphore(%dma_wait3A_549 : memref<!tpu.dma_semaphore, #tpu.memory_space<semaphore_mem>>) src(%dma_wait3A_541 : memref<128x64xf32, #tpu.memory_space<vmem>>) dst(%dma_wait3A_547 : memref<5120x64xf32, #tpu.memory_space<vmem_shared>>)
        %add3A_550 = arith.constant 4 : i32
        %add3A_551 = arith.addi %mul3A_254, %add3A_550 : i32
        %add3A_552 = arith.constant 3 : i32
        %add3A_553 = arith.addi %add3A_551, %add3A_552 : i32
        %dma_start3A_554 = arith.constant 3 : i32
        %dma_start3A_555 = arith.constant 3 : i32
        %dma_start3A_556 = arith.constant 0 : i32
        %dma_start3A_557 = arith.constant 0 : i32
        %dma_start3A_558 = tpu.memref_slice %arg12[%dma_start3A_554, %dma_start3A_556, %dma_start3A_557] : memref<4x128x64xf32, #tpu.memory_space<vmem>> -> memref<1x128x64xf32, #tpu.memory_space<vmem>>
        %dma_start3A_559 = tpu.memref_squeeze %dma_start3A_558 : memref<1x128x64xf32, #tpu.memory_space<vmem>> -> memref<128x64xf32, #tpu.memory_space<vmem>>
        %dma_start3A_560 = arith.constant 0 : i32
        %dma_start3A_561 = tpu.memref_slice %arg11[%add3A_553, %dma_start3A_560] : memref<80x128xi32, #tpu.memory_space<vmem>> -> memref<1x128xi32, #tpu.memory_space<vmem>>
        %dma_start3A_562 = tpu.memref_squeeze %dma_start3A_561 : memref<1x128xi32, #tpu.memory_space<vmem>> -> memref<128xi32, #tpu.memory_space<vmem>>
        %dma_start3A_563 = arith.constant 0 : i32
        %dma_start3A_564 = arith.constant 0 : i32
        %dma_start3A_565 = tpu.memref_slice %arg4[%dma_start3A_563, %dma_start3A_564] : memref<5120x64xf32, #tpu.memory_space<hbm>> -> memref<5120x64xf32, #tpu.memory_space<hbm>>
        %dma_start3A_566 = tpu.memref_slice %arg14[%dma_start3A_555] : memref<4x!tpu.dma_semaphore, #tpu.memory_space<semaphore_mem>> -> memref<1x!tpu.dma_semaphore, #tpu.memory_space<semaphore_mem>>
        %dma_start3A_567 = tpu.memref_squeeze %dma_start3A_566 : memref<1x!tpu.dma_semaphore, #tpu.memory_space<semaphore_mem>> -> memref<!tpu.dma_semaphore, #tpu.memory_space<semaphore_mem>>
        tpu.enqueue_indirect_dma source(%dma_start3A_565 : memref<5120x64xf32, #tpu.memory_space<hbm>>) target(%dma_start3A_559 : memref<128x64xf32, #tpu.memory_space<vmem>>) offsets(%dma_start3A_562 : memref<128xi32, #tpu.memory_space<vmem>>) semaphore(%dma_start3A_567 : memref<!tpu.dma_semaphore, #tpu.memory_space<semaphore_mem>>)
        %dma_start3A_568 = arith.constant 3 : i32
        %dma_start3A_569 = arith.constant 3 : i32
        %dma_start3A_570 = arith.constant 0 : i32
        %dma_start3A_571 = arith.constant 0 : i32
        %dma_start3A_572 = tpu.memref_slice %arg13[%dma_start3A_568, %dma_start3A_570, %dma_start3A_571] : memref<4x128x64xf32, #tpu.memory_space<vmem>> -> memref<1x128x64xf32, #tpu.memory_space<vmem>>
        %dma_start3A_573 = tpu.memref_squeeze %dma_start3A_572 : memref<1x128x64xf32, #tpu.memory_space<vmem>> -> memref<128x64xf32, #tpu.memory_space<vmem>>
        %dma_start3A_574 = arith.constant 0 : i32
        %dma_start3A_575 = tpu.memref_slice %arg10[%add3A_553, %dma_start3A_574] : memref<80x128xi32, #tpu.memory_space<vmem>> -> memref<1x128xi32, #tpu.memory_space<vmem>>
        %dma_start3A_576 = tpu.memref_squeeze %dma_start3A_575 : memref<1x128xi32, #tpu.memory_space<vmem>> -> memref<128xi32, #tpu.memory_space<vmem>>
        %dma_start3A_577 = arith.constant 0 : i32
        %dma_start3A_578 = arith.constant 0 : i32
        %dma_start3A_579 = tpu.memref_slice %arg3[%dma_start3A_577, %dma_start3A_578] : memref<5120x64xf32, #tpu.memory_space<hbm>> -> memref<5120x64xf32, #tpu.memory_space<hbm>>
        %dma_start3A_580 = tpu.memref_slice %arg15[%dma_start3A_569] : memref<4x!tpu.dma_semaphore, #tpu.memory_space<semaphore_mem>> -> memref<1x!tpu.dma_semaphore, #tpu.memory_space<semaphore_mem>>
        %dma_start3A_581 = tpu.memref_squeeze %dma_start3A_580 : memref<1x!tpu.dma_semaphore, #tpu.memory_space<semaphore_mem>> -> memref<!tpu.dma_semaphore, #tpu.memory_space<semaphore_mem>>
        tpu.enqueue_indirect_dma source(%dma_start3A_579 : memref<5120x64xf32, #tpu.memory_space<hbm>>) target(%dma_start3A_573 : memref<128x64xf32, #tpu.memory_space<vmem>>) offsets(%dma_start3A_576 : memref<128xi32, #tpu.memory_space<vmem>>) semaphore(%dma_start3A_581 : memref<!tpu.dma_semaphore, #tpu.memory_space<semaphore_mem>>)
      } else {
      }
    }
    %scan3A_131 = arith.constant 20 : i32
    %dma_wait3A = arith.constant 0 : i32
    %dma_wait3A_132 = arith.constant 0 : i32
    %dma_wait3A_133 = arith.constant 0 : i32
    %dma_wait3A_134 = arith.constant 0 : i32
    %dma_wait3A_135 = arith.constant 0 : i32
    %dma_wait3A_136 = tpu.memref_slice %arg12[%dma_wait3A, %dma_wait3A_134, %dma_wait3A_135] : memref<4x128x64xf32, #tpu.memory_space<vmem>> -> memref<1x128x64xf32, #tpu.memory_space<vmem>>
    %dma_wait3A_137 = tpu.memref_squeeze %dma_wait3A_136 : memref<1x128x64xf32, #tpu.memory_space<vmem>> -> memref<128x64xf32, #tpu.memory_space<vmem>>
    %dma_wait3A_138 = arith.constant 0 : i32
    %dma_wait3A_139 = tpu.memref_slice %arg10[%dma_wait3A_132, %dma_wait3A_138] : memref<80x128xi32, #tpu.memory_space<vmem>> -> memref<1x128xi32, #tpu.memory_space<vmem>>
    %dma_wait3A_140 = tpu.memref_squeeze %dma_wait3A_139 : memref<1x128xi32, #tpu.memory_space<vmem>> -> memref<128xi32, #tpu.memory_space<vmem>>
    %dma_wait3A_141 = arith.constant 0 : i32
    %dma_wait3A_142 = arith.constant 0 : i32
    %dma_wait3A_143 = tpu.memref_slice %arg8[%dma_wait3A_141, %dma_wait3A_142] : memref<5120x64xf32, #tpu.memory_space<vmem_shared>> -> memref<5120x64xf32, #tpu.memory_space<vmem_shared>>
    %dma_wait3A_144 = tpu.memref_slice %arg16[%dma_wait3A_133] : memref<4x!tpu.dma_semaphore, #tpu.memory_space<semaphore_mem>> -> memref<1x!tpu.dma_semaphore, #tpu.memory_space<semaphore_mem>>
    %dma_wait3A_145 = tpu.memref_squeeze %dma_wait3A_144 : memref<1x!tpu.dma_semaphore, #tpu.memory_space<semaphore_mem>> -> memref<!tpu.dma_semaphore, #tpu.memory_space<semaphore_mem>>
    tpu.wait_indirect_dma semaphore(%dma_wait3A_145 : memref<!tpu.dma_semaphore, #tpu.memory_space<semaphore_mem>>) src(%dma_wait3A_137 : memref<128x64xf32, #tpu.memory_space<vmem>>) dst(%dma_wait3A_143 : memref<5120x64xf32, #tpu.memory_space<vmem_shared>>)
    %dma_wait3A_146 = arith.constant 0 : i32
    %dma_wait3A_147 = arith.constant 0 : i32
    %dma_wait3A_148 = arith.constant 0 : i32
    %dma_wait3A_149 = arith.constant 0 : i32
    %dma_wait3A_150 = arith.constant 0 : i32
    %dma_wait3A_151 = tpu.memref_slice %arg13[%dma_wait3A_146, %dma_wait3A_149, %dma_wait3A_150] : memref<4x128x64xf32, #tpu.memory_space<vmem>> -> memref<1x128x64xf32, #tpu.memory_space<vmem>>
    %dma_wait3A_152 = tpu.memref_squeeze %dma_wait3A_151 : memref<1x128x64xf32, #tpu.memory_space<vmem>> -> memref<128x64xf32, #tpu.memory_space<vmem>>
    %dma_wait3A_153 = arith.constant 0 : i32
    %dma_wait3A_154 = tpu.memref_slice %arg11[%dma_wait3A_147, %dma_wait3A_153] : memref<80x128xi32, #tpu.memory_space<vmem>> -> memref<1x128xi32, #tpu.memory_space<vmem>>
    %dma_wait3A_155 = tpu.memref_squeeze %dma_wait3A_154 : memref<1x128xi32, #tpu.memory_space<vmem>> -> memref<128xi32, #tpu.memory_space<vmem>>
    %dma_wait3A_156 = arith.constant 0 : i32
    %dma_wait3A_157 = arith.constant 0 : i32
    %dma_wait3A_158 = tpu.memref_slice %arg9[%dma_wait3A_156, %dma_wait3A_157] : memref<5120x64xf32, #tpu.memory_space<vmem_shared>> -> memref<5120x64xf32, #tpu.memory_space<vmem_shared>>
    %dma_wait3A_159 = tpu.memref_slice %arg17[%dma_wait3A_148] : memref<4x!tpu.dma_semaphore, #tpu.memory_space<semaphore_mem>> -> memref<1x!tpu.dma_semaphore, #tpu.memory_space<semaphore_mem>>
    %dma_wait3A_160 = tpu.memref_squeeze %dma_wait3A_159 : memref<1x!tpu.dma_semaphore, #tpu.memory_space<semaphore_mem>> -> memref<!tpu.dma_semaphore, #tpu.memory_space<semaphore_mem>>
    tpu.wait_indirect_dma semaphore(%dma_wait3A_160 : memref<!tpu.dma_semaphore, #tpu.memory_space<semaphore_mem>>) src(%dma_wait3A_152 : memref<128x64xf32, #tpu.memory_space<vmem>>) dst(%dma_wait3A_158 : memref<5120x64xf32, #tpu.memory_space<vmem_shared>>)
    %dma_wait3A_161 = arith.constant 1 : i32
    %dma_wait3A_162 = arith.constant 0 : i32
    %dma_wait3A_163 = arith.constant 1 : i32
    %dma_wait3A_164 = arith.constant 0 : i32
    %dma_wait3A_165 = arith.constant 0 : i32
    %dma_wait3A_166 = tpu.memref_slice %arg12[%dma_wait3A_161, %dma_wait3A_164, %dma_wait3A_165] : memref<4x128x64xf32, #tpu.memory_space<vmem>> -> memref<1x128x64xf32, #tpu.memory_space<vmem>>
    %dma_wait3A_167 = tpu.memref_squeeze %dma_wait3A_166 : memref<1x128x64xf32, #tpu.memory_space<vmem>> -> memref<128x64xf32, #tpu.memory_space<vmem>>
    %dma_wait3A_168 = arith.constant 0 : i32
    %dma_wait3A_169 = tpu.memref_slice %arg10[%dma_wait3A_162, %dma_wait3A_168] : memref<80x128xi32, #tpu.memory_space<vmem>> -> memref<1x128xi32, #tpu.memory_space<vmem>>
    %dma_wait3A_170 = tpu.memref_squeeze %dma_wait3A_169 : memref<1x128xi32, #tpu.memory_space<vmem>> -> memref<128xi32, #tpu.memory_space<vmem>>
    %dma_wait3A_171 = arith.constant 0 : i32
    %dma_wait3A_172 = arith.constant 0 : i32
    %dma_wait3A_173 = tpu.memref_slice %arg8[%dma_wait3A_171, %dma_wait3A_172] : memref<5120x64xf32, #tpu.memory_space<vmem_shared>> -> memref<5120x64xf32, #tpu.memory_space<vmem_shared>>
    %dma_wait3A_174 = tpu.memref_slice %arg16[%dma_wait3A_163] : memref<4x!tpu.dma_semaphore, #tpu.memory_space<semaphore_mem>> -> memref<1x!tpu.dma_semaphore, #tpu.memory_space<semaphore_mem>>
    %dma_wait3A_175 = tpu.memref_squeeze %dma_wait3A_174 : memref<1x!tpu.dma_semaphore, #tpu.memory_space<semaphore_mem>> -> memref<!tpu.dma_semaphore, #tpu.memory_space<semaphore_mem>>
    tpu.wait_indirect_dma semaphore(%dma_wait3A_175 : memref<!tpu.dma_semaphore, #tpu.memory_space<semaphore_mem>>) src(%dma_wait3A_167 : memref<128x64xf32, #tpu.memory_space<vmem>>) dst(%dma_wait3A_173 : memref<5120x64xf32, #tpu.memory_space<vmem_shared>>)
    %dma_wait3A_176 = arith.constant 1 : i32
    %dma_wait3A_177 = arith.constant 0 : i32
    %dma_wait3A_178 = arith.constant 1 : i32
    %dma_wait3A_179 = arith.constant 0 : i32
    %dma_wait3A_180 = arith.constant 0 : i32
    %dma_wait3A_181 = tpu.memref_slice %arg13[%dma_wait3A_176, %dma_wait3A_179, %dma_wait3A_180] : memref<4x128x64xf32, #tpu.memory_space<vmem>> -> memref<1x128x64xf32, #tpu.memory_space<vmem>>
    %dma_wait3A_182 = tpu.memref_squeeze %dma_wait3A_181 : memref<1x128x64xf32, #tpu.memory_space<vmem>> -> memref<128x64xf32, #tpu.memory_space<vmem>>
    %dma_wait3A_183 = arith.constant 0 : i32
    %dma_wait3A_184 = tpu.memref_slice %arg11[%dma_wait3A_177, %dma_wait3A_183] : memref<80x128xi32, #tpu.memory_space<vmem>> -> memref<1x128xi32, #tpu.memory_space<vmem>>
    %dma_wait3A_185 = tpu.memref_squeeze %dma_wait3A_184 : memref<1x128xi32, #tpu.memory_space<vmem>> -> memref<128xi32, #tpu.memory_space<vmem>>
    %dma_wait3A_186 = arith.constant 0 : i32
    %dma_wait3A_187 = arith.constant 0 : i32
    %dma_wait3A_188 = tpu.memref_slice %arg9[%dma_wait3A_186, %dma_wait3A_187] : memref<5120x64xf32, #tpu.memory_space<vmem_shared>> -> memref<5120x64xf32, #tpu.memory_space<vmem_shared>>
    %dma_wait3A_189 = tpu.memref_slice %arg17[%dma_wait3A_178] : memref<4x!tpu.dma_semaphore, #tpu.memory_space<semaphore_mem>> -> memref<1x!tpu.dma_semaphore, #tpu.memory_space<semaphore_mem>>
    %dma_wait3A_190 = tpu.memref_squeeze %dma_wait3A_189 : memref<1x!tpu.dma_semaphore, #tpu.memory_space<semaphore_mem>> -> memref<!tpu.dma_semaphore, #tpu.memory_space<semaphore_mem>>
    tpu.wait_indirect_dma semaphore(%dma_wait3A_190 : memref<!tpu.dma_semaphore, #tpu.memory_space<semaphore_mem>>) src(%dma_wait3A_182 : memref<128x64xf32, #tpu.memory_space<vmem>>) dst(%dma_wait3A_188 : memref<5120x64xf32, #tpu.memory_space<vmem_shared>>)
    %dma_wait3A_191 = arith.constant 2 : i32
    %dma_wait3A_192 = arith.constant 0 : i32
    %dma_wait3A_193 = arith.constant 2 : i32
    %dma_wait3A_194 = arith.constant 0 : i32
    %dma_wait3A_195 = arith.constant 0 : i32
    %dma_wait3A_196 = tpu.memref_slice %arg12[%dma_wait3A_191, %dma_wait3A_194, %dma_wait3A_195] : memref<4x128x64xf32, #tpu.memory_space<vmem>> -> memref<1x128x64xf32, #tpu.memory_space<vmem>>
    %dma_wait3A_197 = tpu.memref_squeeze %dma_wait3A_196 : memref<1x128x64xf32, #tpu.memory_space<vmem>> -> memref<128x64xf32, #tpu.memory_space<vmem>>
    %dma_wait3A_198 = arith.constant 0 : i32
    %dma_wait3A_199 = tpu.memref_slice %arg10[%dma_wait3A_192, %dma_wait3A_198] : memref<80x128xi32, #tpu.memory_space<vmem>> -> memref<1x128xi32, #tpu.memory_space<vmem>>
    %dma_wait3A_200 = tpu.memref_squeeze %dma_wait3A_199 : memref<1x128xi32, #tpu.memory_space<vmem>> -> memref<128xi32, #tpu.memory_space<vmem>>
    %dma_wait3A_201 = arith.constant 0 : i32
    %dma_wait3A_202 = arith.constant 0 : i32
    %dma_wait3A_203 = tpu.memref_slice %arg8[%dma_wait3A_201, %dma_wait3A_202] : memref<5120x64xf32, #tpu.memory_space<vmem_shared>> -> memref<5120x64xf32, #tpu.memory_space<vmem_shared>>
    %dma_wait3A_204 = tpu.memref_slice %arg16[%dma_wait3A_193] : memref<4x!tpu.dma_semaphore, #tpu.memory_space<semaphore_mem>> -> memref<1x!tpu.dma_semaphore, #tpu.memory_space<semaphore_mem>>
    %dma_wait3A_205 = tpu.memref_squeeze %dma_wait3A_204 : memref<1x!tpu.dma_semaphore, #tpu.memory_space<semaphore_mem>> -> memref<!tpu.dma_semaphore, #tpu.memory_space<semaphore_mem>>
    tpu.wait_indirect_dma semaphore(%dma_wait3A_205 : memref<!tpu.dma_semaphore, #tpu.memory_space<semaphore_mem>>) src(%dma_wait3A_197 : memref<128x64xf32, #tpu.memory_space<vmem>>) dst(%dma_wait3A_203 : memref<5120x64xf32, #tpu.memory_space<vmem_shared>>)
    %dma_wait3A_206 = arith.constant 2 : i32
    %dma_wait3A_207 = arith.constant 0 : i32
    %dma_wait3A_208 = arith.constant 2 : i32
    %dma_wait3A_209 = arith.constant 0 : i32
    %dma_wait3A_210 = arith.constant 0 : i32
    %dma_wait3A_211 = tpu.memref_slice %arg13[%dma_wait3A_206, %dma_wait3A_209, %dma_wait3A_210] : memref<4x128x64xf32, #tpu.memory_space<vmem>> -> memref<1x128x64xf32, #tpu.memory_space<vmem>>
    %dma_wait3A_212 = tpu.memref_squeeze %dma_wait3A_211 : memref<1x128x64xf32, #tpu.memory_space<vmem>> -> memref<128x64xf32, #tpu.memory_space<vmem>>
    %dma_wait3A_213 = arith.constant 0 : i32
    %dma_wait3A_214 = tpu.memref_slice %arg11[%dma_wait3A_207, %dma_wait3A_213] : memref<80x128xi32, #tpu.memory_space<vmem>> -> memref<1x128xi32, #tpu.memory_space<vmem>>
    %dma_wait3A_215 = tpu.memref_squeeze %dma_wait3A_214 : memref<1x128xi32, #tpu.memory_space<vmem>> -> memref<128xi32, #tpu.memory_space<vmem>>
    %dma_wait3A_216 = arith.constant 0 : i32
    %dma_wait3A_217 = arith.constant 0 : i32
    %dma_wait3A_218 = tpu.memref_slice %arg9[%dma_wait3A_216, %dma_wait3A_217] : memref<5120x64xf32, #tpu.memory_space<vmem_shared>> -> memref<5120x64xf32, #tpu.memory_space<vmem_shared>>
    %dma_wait3A_219 = tpu.memref_slice %arg17[%dma_wait3A_208] : memref<4x!tpu.dma_semaphore, #tpu.memory_space<semaphore_mem>> -> memref<1x!tpu.dma_semaphore, #tpu.memory_space<semaphore_mem>>
    %dma_wait3A_220 = tpu.memref_squeeze %dma_wait3A_219 : memref<1x!tpu.dma_semaphore, #tpu.memory_space<semaphore_mem>> -> memref<!tpu.dma_semaphore, #tpu.memory_space<semaphore_mem>>
    tpu.wait_indirect_dma semaphore(%dma_wait3A_220 : memref<!tpu.dma_semaphore, #tpu.memory_space<semaphore_mem>>) src(%dma_wait3A_212 : memref<128x64xf32, #tpu.memory_space<vmem>>) dst(%dma_wait3A_218 : memref<5120x64xf32, #tpu.memory_space<vmem_shared>>)
    %dma_wait3A_221 = arith.constant 3 : i32
    %dma_wait3A_222 = arith.constant 0 : i32
    %dma_wait3A_223 = arith.constant 3 : i32
    %dma_wait3A_224 = arith.constant 0 : i32
    %dma_wait3A_225 = arith.constant 0 : i32
    %dma_wait3A_226 = tpu.memref_slice %arg12[%dma_wait3A_221, %dma_wait3A_224, %dma_wait3A_225] : memref<4x128x64xf32, #tpu.memory_space<vmem>> -> memref<1x128x64xf32, #tpu.memory_space<vmem>>
    %dma_wait3A_227 = tpu.memref_squeeze %dma_wait3A_226 : memref<1x128x64xf32, #tpu.memory_space<vmem>> -> memref<128x64xf32, #tpu.memory_space<vmem>>
    %dma_wait3A_228 = arith.constant 0 : i32
    %dma_wait3A_229 = tpu.memref_slice %arg10[%dma_wait3A_222, %dma_wait3A_228] : memref<80x128xi32, #tpu.memory_space<vmem>> -> memref<1x128xi32, #tpu.memory_space<vmem>>
    %dma_wait3A_230 = tpu.memref_squeeze %dma_wait3A_229 : memref<1x128xi32, #tpu.memory_space<vmem>> -> memref<128xi32, #tpu.memory_space<vmem>>
    %dma_wait3A_231 = arith.constant 0 : i32
    %dma_wait3A_232 = arith.constant 0 : i32
    %dma_wait3A_233 = tpu.memref_slice %arg8[%dma_wait3A_231, %dma_wait3A_232] : memref<5120x64xf32, #tpu.memory_space<vmem_shared>> -> memref<5120x64xf32, #tpu.memory_space<vmem_shared>>
    %dma_wait3A_234 = tpu.memref_slice %arg16[%dma_wait3A_223] : memref<4x!tpu.dma_semaphore, #tpu.memory_space<semaphore_mem>> -> memref<1x!tpu.dma_semaphore, #tpu.memory_space<semaphore_mem>>
    %dma_wait3A_235 = tpu.memref_squeeze %dma_wait3A_234 : memref<1x!tpu.dma_semaphore, #tpu.memory_space<semaphore_mem>> -> memref<!tpu.dma_semaphore, #tpu.memory_space<semaphore_mem>>
    tpu.wait_indirect_dma semaphore(%dma_wait3A_235 : memref<!tpu.dma_semaphore, #tpu.memory_space<semaphore_mem>>) src(%dma_wait3A_227 : memref<128x64xf32, #tpu.memory_space<vmem>>) dst(%dma_wait3A_233 : memref<5120x64xf32, #tpu.memory_space<vmem_shared>>)
    %dma_wait3A_236 = arith.constant 3 : i32
    %dma_wait3A_237 = arith.constant 0 : i32
    %dma_wait3A_238 = arith.constant 3 : i32
    %dma_wait3A_239 = arith.constant 0 : i32
    %dma_wait3A_240 = arith.constant 0 : i32
    %dma_wait3A_241 = tpu.memref_slice %arg13[%dma_wait3A_236, %dma_wait3A_239, %dma_wait3A_240] : memref<4x128x64xf32, #tpu.memory_space<vmem>> -> memref<1x128x64xf32, #tpu.memory_space<vmem>>
    %dma_wait3A_242 = tpu.memref_squeeze %dma_wait3A_241 : memref<1x128x64xf32, #tpu.memory_space<vmem>> -> memref<128x64xf32, #tpu.memory_space<vmem>>
    %dma_wait3A_243 = arith.constant 0 : i32
    %dma_wait3A_244 = tpu.memref_slice %arg11[%dma_wait3A_237, %dma_wait3A_243] : memref<80x128xi32, #tpu.memory_space<vmem>> -> memref<1x128xi32, #tpu.memory_space<vmem>>
    %dma_wait3A_245 = tpu.memref_squeeze %dma_wait3A_244 : memref<1x128xi32, #tpu.memory_space<vmem>> -> memref<128xi32, #tpu.memory_space<vmem>>
    %dma_wait3A_246 = arith.constant 0 : i32
    %dma_wait3A_247 = arith.constant 0 : i32
    %dma_wait3A_248 = tpu.memref_slice %arg9[%dma_wait3A_246, %dma_wait3A_247] : memref<5120x64xf32, #tpu.memory_space<vmem_shared>> -> memref<5120x64xf32, #tpu.memory_space<vmem_shared>>
    %dma_wait3A_249 = tpu.memref_slice %arg17[%dma_wait3A_238] : memref<4x!tpu.dma_semaphore, #tpu.memory_space<semaphore_mem>> -> memref<1x!tpu.dma_semaphore, #tpu.memory_space<semaphore_mem>>
    %dma_wait3A_250 = tpu.memref_squeeze %dma_wait3A_249 : memref<1x!tpu.dma_semaphore, #tpu.memory_space<semaphore_mem>> -> memref<!tpu.dma_semaphore, #tpu.memory_space<semaphore_mem>>
    tpu.wait_indirect_dma semaphore(%dma_wait3A_250 : memref<!tpu.dma_semaphore, #tpu.memory_space<semaphore_mem>>) src(%dma_wait3A_242 : memref<128x64xf32, #tpu.memory_space<vmem>>) dst(%dma_wait3A_248 : memref<5120x64xf32, #tpu.memory_space<vmem_shared>>)
    %barrier3A_251 = arith.constant 0 : index
    tpu.barrier barrier_id(%barrier3A_251)
    "tpu.region"() ({
      %run_scoped3A_252 = tpu.sem_alloc : memref<!tpu.dma_semaphore, #tpu.memory_space<semaphore_mem>>
      %dma_start3A_253 = arith.constant 0 : i32
      %dma_start3A_254 = tpu.memref_slice %arg6[%arg0, %mul3A_2, %dma_start3A_253] : memref<2x5120x64xf32, #tpu.memory_space<hbm>> -> memref<1x320x64xf32, #tpu.memory_space<hbm>>
      %dma_start3A_255 = tpu.memref_squeeze %dma_start3A_254 : memref<1x320x64xf32, #tpu.memory_space<hbm>> -> memref<320x64xf32, #tpu.memory_space<hbm>>
      %dma_start3A_256 = arith.constant 0 : i32
      %dma_start3A_257 = tpu.memref_slice %arg8[%mul3A_2, %dma_start3A_256] : memref<5120x64xf32, #tpu.memory_space<vmem_shared>> -> memref<320x64xf32, #tpu.memory_space<vmem_shared>>
      tpu.enqueue_dma source(%dma_start3A_257 : memref<320x64xf32, #tpu.memory_space<vmem_shared>>) target(%dma_start3A_255 : memref<320x64xf32, #tpu.memory_space<hbm>>) target_semaphore(%run_scoped3A_252 : memref<!tpu.dma_semaphore, #tpu.memory_space<semaphore_mem>>)
      %dma_wait3A_258 = arith.constant 0 : i32
      %dma_wait3A_259 = tpu.memref_slice %arg6[%arg0, %mul3A_2, %dma_wait3A_258] : memref<2x5120x64xf32, #tpu.memory_space<hbm>> -> memref<1x320x64xf32, #tpu.memory_space<hbm>>
      %dma_wait3A_260 = tpu.memref_squeeze %dma_wait3A_259 : memref<1x320x64xf32, #tpu.memory_space<hbm>> -> memref<320x64xf32, #tpu.memory_space<hbm>>
      %dma_wait3A_261 = arith.constant 0 : i32
      %dma_wait3A_262 = tpu.memref_slice %arg8[%mul3A_2, %dma_wait3A_261] : memref<5120x64xf32, #tpu.memory_space<vmem_shared>> -> memref<320x64xf32, #tpu.memory_space<vmem_shared>>
      tpu.wait_dma2 semaphore(%run_scoped3A_252 : memref<!tpu.dma_semaphore, #tpu.memory_space<semaphore_mem>>) src(%dma_wait3A_262 : memref<320x64xf32, #tpu.memory_space<vmem_shared>>) dst(%dma_wait3A_260 : memref<320x64xf32, #tpu.memory_space<hbm>>)
      tpu.yield
    }) : () -> ()
    "tpu.region"() ({
      %run_scoped3A_252 = tpu.sem_alloc : memref<!tpu.dma_semaphore, #tpu.memory_space<semaphore_mem>>
      %dma_start3A_253 = arith.constant 0 : i32
      %dma_start3A_254 = tpu.memref_slice %arg7[%arg0, %mul3A_2, %dma_start3A_253] : memref<2x5120x64xf32, #tpu.memory_space<hbm>> -> memref<1x320x64xf32, #tpu.memory_space<hbm>>
      %dma_start3A_255 = tpu.memref_squeeze %dma_start3A_254 : memref<1x320x64xf32, #tpu.memory_space<hbm>> -> memref<320x64xf32, #tpu.memory_space<hbm>>
      %dma_start3A_256 = arith.constant 0 : i32
      %dma_start3A_257 = tpu.memref_slice %arg9[%mul3A_2, %dma_start3A_256] : memref<5120x64xf32, #tpu.memory_space<vmem_shared>> -> memref<320x64xf32, #tpu.memory_space<vmem_shared>>
      tpu.enqueue_dma source(%dma_start3A_257 : memref<320x64xf32, #tpu.memory_space<vmem_shared>>) target(%dma_start3A_255 : memref<320x64xf32, #tpu.memory_space<hbm>>) target_semaphore(%run_scoped3A_252 : memref<!tpu.dma_semaphore, #tpu.memory_space<semaphore_mem>>)
      %dma_wait3A_258 = arith.constant 0 : i32
      %dma_wait3A_259 = tpu.memref_slice %arg7[%arg0, %mul3A_2, %dma_wait3A_258] : memref<2x5120x64xf32, #tpu.memory_space<hbm>> -> memref<1x320x64xf32, #tpu.memory_space<hbm>>
      %dma_wait3A_260 = tpu.memref_squeeze %dma_wait3A_259 : memref<1x320x64xf32, #tpu.memory_space<hbm>> -> memref<320x64xf32, #tpu.memory_space<hbm>>
      %dma_wait3A_261 = arith.constant 0 : i32
      %dma_wait3A_262 = tpu.memref_slice %arg9[%mul3A_2, %dma_wait3A_261] : memref<5120x64xf32, #tpu.memory_space<vmem_shared>> -> memref<320x64xf32, #tpu.memory_space<vmem_shared>>
      tpu.wait_dma2 semaphore(%run_scoped3A_252 : memref<!tpu.dma_semaphore, #tpu.memory_space<semaphore_mem>>) src(%dma_wait3A_262 : memref<320x64xf32, #tpu.memory_space<vmem_shared>>) dst(%dma_wait3A_260 : memref<320x64xf32, #tpu.memory_space<hbm>>)
      tpu.yield
    }) : () -> ()
    return
  }
}

#map = affine_map<(d0, d1) -> (0, 0, 0)>
#map1 = affine_map<(d0, d1) -> (0, 0)>
module attributes {stable_mosaic.version = 14 : i64} {
  func.func @spmm_kernel(%arg0: i32, %arg1: i32, %arg2: memref<2x2560x128xi32, #tpu.memory_space<hbm>>, %arg3: memref<5120x64xf32, #tpu.memory_space<hbm>>, %arg4: memref<5120x64xf32, #tpu.memory_space<hbm>>, %arg5: memref<5120x64xf32, #tpu.memory_space<hbm>>, %arg6: memref<2x5120x64xf32, #tpu.memory_space<hbm>>, %arg7: memref<2x5120x64xf32, #tpu.memory_space<hbm>>, %arg8: memref<5120x64xf32, #tpu.memory_space<vmem_shared>>, %arg9: memref<5120x64xf32, #tpu.memory_space<vmem_shared>>, %arg10: memref<80x128xi32, #tpu.memory_space<vmem>>, %arg11: memref<80x128xi32, #tpu.memory_space<vmem>>, %arg12: memref<4x128x64xf32, #tpu.memory_space<vmem>>, %arg13: memref<4x128x64xf32, #tpu.memory_space<vmem>>, %arg14: memref<4x!tpu.dma_semaphore, #tpu.memory_space<semaphore_mem>>, %arg15: memref<4x!tpu.dma_semaphore, #tpu.memory_space<semaphore_mem>>, %arg16: memref<4x!tpu.dma_semaphore, #tpu.memory_space<semaphore_mem>>, %arg17: memref<4x!tpu.dma_semaphore, #tpu.memory_space<semaphore_mem>>) attributes {dimension_semantics = [#tpu.dimension_semantics<core_parallel>, #tpu.dimension_semantics<subcore_parallel>], iteration_bounds = array<i64: 2, 16>, scalar_prefetch = 0 : i64, scratch_operands = 10 : i64, tpu.core_type = #tpu.core_type<sc_vector_subcore>, window_params = [{transform_indices = #map}, {transform_indices = #map1}, {transform_indices = #map1}, {transform_indices = #map1}, {transform_indices = #map}, {transform_indices = #map}]} {
    %mul3A = arith.constant 16 : i32
    %mul3A_0 = arith.muli %arg0, %mul3A : i32
    %add3A = arith.addi %mul3A_0, %arg1 : i32
    %mul3A_1 = arith.constant 320 : i32
    %mul3A_2 = arith.muli %arg1, %mul3A_1 : i32
    "tpu.region"() ({
      %run_scoped3A_252 = tpu.sem_alloc : memref<!tpu.dma_semaphore, #tpu.memory_space<semaphore_mem>>
      %dma_start3A_253 = arith.constant 0 : i32
      %dma_start3A_254 = tpu.memref_slice %arg8[%mul3A_2, %dma_start3A_253] : memref<5120x64xf32, #tpu.memory_space<vmem_shared>> -> memref<320x64xf32, #tpu.memory_space<vmem_shared>>
      %dma_start3A_255 = arith.constant 0 : i32
      %dma_start3A_256 = tpu.memref_slice %arg5[%mul3A_2, %dma_start3A_255] : memref<5120x64xf32, #tpu.memory_space<hbm>> -> memref<320x64xf32, #tpu.memory_space<hbm>>
      tpu.enqueue_dma source(%dma_start3A_256 : memref<320x64xf32, #tpu.memory_space<hbm>>) target(%dma_start3A_254 : memref<320x64xf32, #tpu.memory_space<vmem_shared>>) target_semaphore(%run_scoped3A_252 : memref<!tpu.dma_semaphore, #tpu.memory_space<semaphore_mem>>)
      %dma_wait3A_257 = arith.constant 0 : i32
      %dma_wait3A_258 = tpu.memref_slice %arg8[%mul3A_2, %dma_wait3A_257] : memref<5120x64xf32, #tpu.memory_space<vmem_shared>> -> memref<320x64xf32, #tpu.memory_space<vmem_shared>>
      %dma_wait3A_259 = arith.constant 0 : i32
      %dma_wait3A_260 = tpu.memref_slice %arg5[%mul3A_2, %dma_wait3A_259] : memref<5120x64xf32, #tpu.memory_space<hbm>> -> memref<320x64xf32, #tpu.memory_space<hbm>>
      tpu.wait_dma2 semaphore(%run_scoped3A_252 : memref<!tpu.dma_semaphore, #tpu.memory_space<semaphore_mem>>) src(%dma_wait3A_260 : memref<320x64xf32, #tpu.memory_space<hbm>>) dst(%dma_wait3A_258 : memref<320x64xf32, #tpu.memory_space<vmem_shared>>)
      tpu.yield
    }) : () -> ()
    "tpu.region"() ({
      %run_scoped3A_252 = tpu.sem_alloc : memref<!tpu.dma_semaphore, #tpu.memory_space<semaphore_mem>>
      %dma_start3A_253 = arith.constant 0 : i32
      %dma_start3A_254 = tpu.memref_slice %arg9[%mul3A_2, %dma_start3A_253] : memref<5120x64xf32, #tpu.memory_space<vmem_shared>> -> memref<320x64xf32, #tpu.memory_space<vmem_shared>>
      %dma_start3A_255 = arith.constant 0 : i32
      %dma_start3A_256 = tpu.memref_slice %arg5[%mul3A_2, %dma_start3A_255] : memref<5120x64xf32, #tpu.memory_space<hbm>> -> memref<320x64xf32, #tpu.memory_space<hbm>>
      tpu.enqueue_dma source(%dma_start3A_256 : memref<320x64xf32, #tpu.memory_space<hbm>>) target(%dma_start3A_254 : memref<320x64xf32, #tpu.memory_space<vmem_shared>>) target_semaphore(%run_scoped3A_252 : memref<!tpu.dma_semaphore, #tpu.memory_space<semaphore_mem>>)
      %dma_wait3A_257 = arith.constant 0 : i32
      %dma_wait3A_258 = tpu.memref_slice %arg9[%mul3A_2, %dma_wait3A_257] : memref<5120x64xf32, #tpu.memory_space<vmem_shared>> -> memref<320x64xf32, #tpu.memory_space<vmem_shared>>
      %dma_wait3A_259 = arith.constant 0 : i32
      %dma_wait3A_260 = tpu.memref_slice %arg5[%mul3A_2, %dma_wait3A_259] : memref<5120x64xf32, #tpu.memory_space<hbm>> -> memref<320x64xf32, #tpu.memory_space<hbm>>
      tpu.wait_dma2 semaphore(%run_scoped3A_252 : memref<!tpu.dma_semaphore, #tpu.memory_space<semaphore_mem>>) src(%dma_wait3A_260 : memref<320x64xf32, #tpu.memory_space<hbm>>) dst(%dma_wait3A_258 : memref<320x64xf32, #tpu.memory_space<vmem_shared>>)
      tpu.yield
    }) : () -> ()
    %mul3A_3 = arith.constant 80 : i32
    %mul3A_4 = arith.muli %add3A, %mul3A_3 : i32
    %run_scoped3A = arith.constant 0 : i32
    "tpu.region"() ({
      %run_scoped3A_252 = tpu.sem_alloc : memref<!tpu.dma_semaphore, #tpu.memory_space<semaphore_mem>>
      %dma_start3A_253 = arith.constant 0 : i32
      %dma_start3A_254 = tpu.memref_slice %arg2[%run_scoped3A, %mul3A_4, %dma_start3A_253] : memref<2x2560x128xi32, #tpu.memory_space<hbm>> -> memref<1x80x128xi32, #tpu.memory_space<hbm>>
      %dma_start3A_255 = tpu.memref_squeeze %dma_start3A_254 : memref<1x80x128xi32, #tpu.memory_space<hbm>> -> memref<80x128xi32, #tpu.memory_space<hbm>>
      %dma_start3A_256 = arith.constant 0 : i32
      %dma_start3A_257 = tpu.memref_slice %arg2[%run_scoped3A, %mul3A_4, %dma_start3A_256] : memref<2x2560x128xi32, #tpu.memory_space<hbm>> -> memref<1x80x128xi32, #tpu.memory_space<hbm>>
      %dma_start3A_258 = tpu.memref_squeeze %dma_start3A_257 : memref<1x80x128xi32, #tpu.memory_space<hbm>> -> memref<80x128xi32, #tpu.memory_space<hbm>>
      tpu.enqueue_dma source(%dma_start3A_258 : memref<80x128xi32, #tpu.memory_space<hbm>>) target(%arg10 : memref<80x128xi32, #tpu.memory_space<vmem>>) target_semaphore(%run_scoped3A_252 : memref<!tpu.dma_semaphore, #tpu.memory_space<semaphore_mem>>)
      %dma_wait3A_259 = arith.constant 0 : i32
      %dma_wait3A_260 = tpu.memref_slice %arg2[%run_scoped3A, %mul3A_4, %dma_wait3A_259] : memref<2x2560x128xi32, #tpu.memory_space<hbm>> -> memref<1x80x128xi32, #tpu.memory_space<hbm>>
      %dma_wait3A_261 = tpu.memref_squeeze %dma_wait3A_260 : memref<1x80x128xi32, #tpu.memory_space<hbm>> -> memref<80x128xi32, #tpu.memory_space<hbm>>
      %dma_wait3A_262 = arith.constant 0 : i32
      %dma_wait3A_263 = tpu.memref_slice %arg2[%run_scoped3A, %mul3A_4, %dma_wait3A_262] : memref<2x2560x128xi32, #tpu.memory_space<hbm>> -> memref<1x80x128xi32, #tpu.memory_space<hbm>>
      %dma_wait3A_264 = tpu.memref_squeeze %dma_wait3A_263 : memref<1x80x128xi32, #tpu.memory_space<hbm>> -> memref<80x128xi32, #tpu.memory_space<hbm>>
      tpu.wait_dma2 semaphore(%run_scoped3A_252 : memref<!tpu.dma_semaphore, #tpu.memory_space<semaphore_mem>>) src(%dma_wait3A_264 : memref<80x128xi32, #tpu.memory_space<hbm>>) dst(%arg10 : memref<80x128xi32, #tpu.memory_space<vmem>>)
      tpu.yield
    }) : () -> ()
    %mul3A_5 = arith.constant 80 : i32
    %mul3A_6 = arith.muli %add3A, %mul3A_5 : i32
    %run_scoped3A_7 = arith.constant 1 : i32
    "tpu.region"() ({
      %run_scoped3A_252 = tpu.sem_alloc : memref<!tpu.dma_semaphore, #tpu.memory_space<semaphore_mem>>
      %dma_start3A_253 = arith.constant 0 : i32
      %dma_start3A_254 = tpu.memref_slice %arg2[%run_scoped3A_7, %mul3A_6, %dma_start3A_253] : memref<2x2560x128xi32, #tpu.memory_space<hbm>> -> memref<1x80x128xi32, #tpu.memory_space<hbm>>
      %dma_start3A_255 = tpu.memref_squeeze %dma_start3A_254 : memref<1x80x128xi32, #tpu.memory_space<hbm>> -> memref<80x128xi32, #tpu.memory_space<hbm>>
      %dma_start3A_256 = arith.constant 0 : i32
      %dma_start3A_257 = tpu.memref_slice %arg2[%run_scoped3A_7, %mul3A_6, %dma_start3A_256] : memref<2x2560x128xi32, #tpu.memory_space<hbm>> -> memref<1x80x128xi32, #tpu.memory_space<hbm>>
      %dma_start3A_258 = tpu.memref_squeeze %dma_start3A_257 : memref<1x80x128xi32, #tpu.memory_space<hbm>> -> memref<80x128xi32, #tpu.memory_space<hbm>>
      tpu.enqueue_dma source(%dma_start3A_258 : memref<80x128xi32, #tpu.memory_space<hbm>>) target(%arg11 : memref<80x128xi32, #tpu.memory_space<vmem>>) target_semaphore(%run_scoped3A_252 : memref<!tpu.dma_semaphore, #tpu.memory_space<semaphore_mem>>)
      %dma_wait3A_259 = arith.constant 0 : i32
      %dma_wait3A_260 = tpu.memref_slice %arg2[%run_scoped3A_7, %mul3A_6, %dma_wait3A_259] : memref<2x2560x128xi32, #tpu.memory_space<hbm>> -> memref<1x80x128xi32, #tpu.memory_space<hbm>>
      %dma_wait3A_261 = tpu.memref_squeeze %dma_wait3A_260 : memref<1x80x128xi32, #tpu.memory_space<hbm>> -> memref<80x128xi32, #tpu.memory_space<hbm>>
      %dma_wait3A_262 = arith.constant 0 : i32
      %dma_wait3A_263 = tpu.memref_slice %arg2[%run_scoped3A_7, %mul3A_6, %dma_wait3A_262] : memref<2x2560x128xi32, #tpu.memory_space<hbm>> -> memref<1x80x128xi32, #tpu.memory_space<hbm>>
      %dma_wait3A_264 = tpu.memref_squeeze %dma_wait3A_263 : memref<1x80x128xi32, #tpu.memory_space<hbm>> -> memref<80x128xi32, #tpu.memory_space<hbm>>
      tpu.wait_dma2 semaphore(%run_scoped3A_252 : memref<!tpu.dma_semaphore, #tpu.memory_space<semaphore_mem>>) src(%dma_wait3A_264 : memref<80x128xi32, #tpu.memory_space<hbm>>) dst(%arg11 : memref<80x128xi32, #tpu.memory_space<vmem>>)
      tpu.yield
    }) : () -> ()
    %barrier3A = arith.constant 0 : index
    tpu.barrier barrier_id(%barrier3A)
    %dma_start3A = arith.constant 0 : i32
    %dma_start3A_8 = arith.constant 0 : i32
    %dma_start3A_9 = arith.constant 0 : i32
    %dma_start3A_10 = arith.constant 0 : i32
    %dma_start3A_11 = arith.constant 0 : i32
    %dma_start3A_12 = tpu.memref_slice %arg12[%dma_start3A_8, %dma_start3A_10, %dma_start3A_11] : memref<4x128x64xf32, #tpu.memory_space<vmem>> -> memref<1x128x64xf32, #tpu.memory_space<vmem>>
    %dma_start3A_13 = tpu.memref_squeeze %dma_start3A_12 : memref<1x128x64xf32, #tpu.memory_space<vmem>> -> memref<128x64xf32, #tpu.memory_space<vmem>>
    %dma_start3A_14 = arith.constant 0 : i32
    %dma_start3A_15 = tpu.memref_slice %arg11[%dma_start3A, %dma_start3A_14] : memref<80x128xi32, #tpu.memory_space<vmem>> -> memref<1x128xi32, #tpu.memory_space<vmem>>
    %dma_start3A_16 = tpu.memref_squeeze %dma_start3A_15 : memref<1x128xi32, #tpu.memory_space<vmem>> -> memref<128xi32, #tpu.memory_space<vmem>>
    %dma_start3A_17 = arith.constant 0 : i32
    %dma_start3A_18 = arith.constant 0 : i32
    %dma_start3A_19 = tpu.memref_slice %arg4[%dma_start3A_17, %dma_start3A_18] : memref<5120x64xf32, #tpu.memory_space<hbm>> -> memref<5120x64xf32, #tpu.memory_space<hbm>>
    %dma_start3A_20 = tpu.memref_slice %arg14[%dma_start3A_9] : memref<4x!tpu.dma_semaphore, #tpu.memory_space<semaphore_mem>> -> memref<1x!tpu.dma_semaphore, #tpu.memory_space<semaphore_mem>>
    %dma_start3A_21 = tpu.memref_squeeze %dma_start3A_20 : memref<1x!tpu.dma_semaphore, #tpu.memory_space<semaphore_mem>> -> memref<!tpu.dma_semaphore, #tpu.memory_space<semaphore_mem>>
    tpu.enqueue_indirect_dma source(%dma_start3A_19 : memref<5120x64xf32, #tpu.memory_space<hbm>>) target(%dma_start3A_13 : memref<128x64xf32, #tpu.memory_space<vmem>>) offsets(%dma_start3A_16 : memref<128xi32, #tpu.memory_space<vmem>>) semaphore(%dma_start3A_21 : memref<!tpu.dma_semaphore, #tpu.memory_space<semaphore_mem>>)
    %dma_start3A_22 = arith.constant 0 : i32
    %dma_start3A_23 = arith.constant 0 : i32
    %dma_start3A_24 = arith.constant 0 : i32
    %dma_start3A_25 = arith.constant 0 : i32
    %dma_start3A_26 = arith.constant 0 : i32
    %dma_start3A_27 = tpu.memref_slice %arg13[%dma_start3A_23, %dma_start3A_25, %dma_start3A_26] : memref<4x128x64xf32, #tpu.memory_space<vmem>> -> memref<1x128x64xf32, #tpu.memory_space<vmem>>
    %dma_start3A_28 = tpu.memref_squeeze %dma_start3A_27 : memref<1x128x64xf32, #tpu.memory_space<vmem>> -> memref<128x64xf32, #tpu.memory_space<vmem>>
    %dma_start3A_29 = arith.constant 0 : i32
    %dma_start3A_30 = tpu.memref_slice %arg10[%dma_start3A_22, %dma_start3A_29] : memref<80x128xi32, #tpu.memory_space<vmem>> -> memref<1x128xi32, #tpu.memory_space<vmem>>
    %dma_start3A_31 = tpu.memref_squeeze %dma_start3A_30 : memref<1x128xi32, #tpu.memory_space<vmem>> -> memref<128xi32, #tpu.memory_space<vmem>>
    %dma_start3A_32 = arith.constant 0 : i32
    %dma_start3A_33 = arith.constant 0 : i32
    %dma_start3A_34 = tpu.memref_slice %arg3[%dma_start3A_32, %dma_start3A_33] : memref<5120x64xf32, #tpu.memory_space<hbm>> -> memref<5120x64xf32, #tpu.memory_space<hbm>>
    %dma_start3A_35 = tpu.memref_slice %arg15[%dma_start3A_24] : memref<4x!tpu.dma_semaphore, #tpu.memory_space<semaphore_mem>> -> memref<1x!tpu.dma_semaphore, #tpu.memory_space<semaphore_mem>>
    %dma_start3A_36 = tpu.memref_squeeze %dma_start3A_35 : memref<1x!tpu.dma_semaphore, #tpu.memory_space<semaphore_mem>> -> memref<!tpu.dma_semaphore, #tpu.memory_space<semaphore_mem>>
    tpu.enqueue_indirect_dma source(%dma_start3A_34 : memref<5120x64xf32, #tpu.memory_space<hbm>>) target(%dma_start3A_28 : memref<128x64xf32, #tpu.memory_space<vmem>>) offsets(%dma_start3A_31 : memref<128xi32, #tpu.memory_space<vmem>>) semaphore(%dma_start3A_36 : memref<!tpu.dma_semaphore, #tpu.memory_space<semaphore_mem>>)
    %dma_start3A_37 = arith.constant 1 : i32
    %dma_start3A_38 = arith.constant 1 : i32
    %dma_start3A_39 = arith.constant 1 : i32
    %dma_start3A_40 = arith.constant 0 : i32
    %dma_start3A_41 = arith.constant 0 : i32
    %dma_start3A_42 = tpu.memref_slice %arg12[%dma_start3A_38, %dma_start3A_40, %dma_start3A_41] : memref<4x128x64xf32, #tpu.memory_space<vmem>> -> memref<1x128x64xf32, #tpu.memory_space<vmem>>
    %dma_start3A_43 = tpu.memref_squeeze %dma_start3A_42 : memref<1x128x64xf32, #tpu.memory_space<vmem>> -> memref<128x64xf32, #tpu.memory_space<vmem>>
    %dma_start3A_44 = arith.constant 0 : i32
    %dma_start3A_45 = tpu.memref_slice %arg11[%dma_start3A_37, %dma_start3A_44] : memref<80x128xi32, #tpu.memory_space<vmem>> -> memref<1x128xi32, #tpu.memory_space<vmem>>
    %dma_start3A_46 = tpu.memref_squeeze %dma_start3A_45 : memref<1x128xi32, #tpu.memory_space<vmem>> -> memref<128xi32, #tpu.memory_space<vmem>>
    %dma_start3A_47 = arith.constant 0 : i32
    %dma_start3A_48 = arith.constant 0 : i32
    %dma_start3A_49 = tpu.memref_slice %arg4[%dma_start3A_47, %dma_start3A_48] : memref<5120x64xf32, #tpu.memory_space<hbm>> -> memref<5120x64xf32, #tpu.memory_space<hbm>>
    %dma_start3A_50 = tpu.memref_slice %arg14[%dma_start3A_39] : memref<4x!tpu.dma_semaphore, #tpu.memory_space<semaphore_mem>> -> memref<1x!tpu.dma_semaphore, #tpu.memory_space<semaphore_mem>>
    %dma_start3A_51 = tpu.memref_squeeze %dma_start3A_50 : memref<1x!tpu.dma_semaphore, #tpu.memory_space<semaphore_mem>> -> memref<!tpu.dma_semaphore, #tpu.memory_space<semaphore_mem>>
    tpu.enqueue_indirect_dma source(%dma_start3A_49 : memref<5120x64xf32, #tpu.memory_space<hbm>>) target(%dma_start3A_43 : memref<128x64xf32, #tpu.memory_space<vmem>>) offsets(%dma_start3A_46 : memref<128xi32, #tpu.memory_space<vmem>>) semaphore(%dma_start3A_51 : memref<!tpu.dma_semaphore, #tpu.memory_space<semaphore_mem>>)
    %dma_start3A_52 = arith.constant 1 : i32
    %dma_start3A_53 = arith.constant 1 : i32
    %dma_start3A_54 = arith.constant 1 : i32
    %dma_start3A_55 = arith.constant 0 : i32
    %dma_start3A_56 = arith.constant 0 : i32
    %dma_start3A_57 = tpu.memref_slice %arg13[%dma_start3A_53, %dma_start3A_55, %dma_start3A_56] : memref<4x128x64xf32, #tpu.memory_space<vmem>> -> memref<1x128x64xf32, #tpu.memory_space<vmem>>
    %dma_start3A_58 = tpu.memref_squeeze %dma_start3A_57 : memref<1x128x64xf32, #tpu.memory_space<vmem>> -> memref<128x64xf32, #tpu.memory_space<vmem>>
    %dma_start3A_59 = arith.constant 0 : i32
    %dma_start3A_60 = tpu.memref_slice %arg10[%dma_start3A_52, %dma_start3A_59] : memref<80x128xi32, #tpu.memory_space<vmem>> -> memref<1x128xi32, #tpu.memory_space<vmem>>
    %dma_start3A_61 = tpu.memref_squeeze %dma_start3A_60 : memref<1x128xi32, #tpu.memory_space<vmem>> -> memref<128xi32, #tpu.memory_space<vmem>>
    %dma_start3A_62 = arith.constant 0 : i32
    %dma_start3A_63 = arith.constant 0 : i32
    %dma_start3A_64 = tpu.memref_slice %arg3[%dma_start3A_62, %dma_start3A_63] : memref<5120x64xf32, #tpu.memory_space<hbm>> -> memref<5120x64xf32, #tpu.memory_space<hbm>>
    %dma_start3A_65 = tpu.memref_slice %arg15[%dma_start3A_54] : memref<4x!tpu.dma_semaphore, #tpu.memory_space<semaphore_mem>> -> memref<1x!tpu.dma_semaphore, #tpu.memory_space<semaphore_mem>>
    %dma_start3A_66 = tpu.memref_squeeze %dma_start3A_65 : memref<1x!tpu.dma_semaphore, #tpu.memory_space<semaphore_mem>> -> memref<!tpu.dma_semaphore, #tpu.memory_space<semaphore_mem>>
    tpu.enqueue_indirect_dma source(%dma_start3A_64 : memref<5120x64xf32, #tpu.memory_space<hbm>>) target(%dma_start3A_58 : memref<128x64xf32, #tpu.memory_space<vmem>>) offsets(%dma_start3A_61 : memref<128xi32, #tpu.memory_space<vmem>>) semaphore(%dma_start3A_66 : memref<!tpu.dma_semaphore, #tpu.memory_space<semaphore_mem>>)
    %dma_start3A_67 = arith.constant 2 : i32
    %dma_start3A_68 = arith.constant 2 : i32
    %dma_start3A_69 = arith.constant 2 : i32
    %dma_start3A_70 = arith.constant 0 : i32
    %dma_start3A_71 = arith.constant 0 : i32
    %dma_start3A_72 = tpu.memref_slice %arg12[%dma_start3A_68, %dma_start3A_70, %dma_start3A_71] : memref<4x128x64xf32, #tpu.memory_space<vmem>> -> memref<1x128x64xf32, #tpu.memory_space<vmem>>
    %dma_start3A_73 = tpu.memref_squeeze %dma_start3A_72 : memref<1x128x64xf32, #tpu.memory_space<vmem>> -> memref<128x64xf32, #tpu.memory_space<vmem>>
    %dma_start3A_74 = arith.constant 0 : i32
    %dma_start3A_75 = tpu.memref_slice %arg11[%dma_start3A_67, %dma_start3A_74] : memref<80x128xi32, #tpu.memory_space<vmem>> -> memref<1x128xi32, #tpu.memory_space<vmem>>
    %dma_start3A_76 = tpu.memref_squeeze %dma_start3A_75 : memref<1x128xi32, #tpu.memory_space<vmem>> -> memref<128xi32, #tpu.memory_space<vmem>>
    %dma_start3A_77 = arith.constant 0 : i32
    %dma_start3A_78 = arith.constant 0 : i32
    %dma_start3A_79 = tpu.memref_slice %arg4[%dma_start3A_77, %dma_start3A_78] : memref<5120x64xf32, #tpu.memory_space<hbm>> -> memref<5120x64xf32, #tpu.memory_space<hbm>>
    %dma_start3A_80 = tpu.memref_slice %arg14[%dma_start3A_69] : memref<4x!tpu.dma_semaphore, #tpu.memory_space<semaphore_mem>> -> memref<1x!tpu.dma_semaphore, #tpu.memory_space<semaphore_mem>>
    %dma_start3A_81 = tpu.memref_squeeze %dma_start3A_80 : memref<1x!tpu.dma_semaphore, #tpu.memory_space<semaphore_mem>> -> memref<!tpu.dma_semaphore, #tpu.memory_space<semaphore_mem>>
    tpu.enqueue_indirect_dma source(%dma_start3A_79 : memref<5120x64xf32, #tpu.memory_space<hbm>>) target(%dma_start3A_73 : memref<128x64xf32, #tpu.memory_space<vmem>>) offsets(%dma_start3A_76 : memref<128xi32, #tpu.memory_space<vmem>>) semaphore(%dma_start3A_81 : memref<!tpu.dma_semaphore, #tpu.memory_space<semaphore_mem>>)
    %dma_start3A_82 = arith.constant 2 : i32
    %dma_start3A_83 = arith.constant 2 : i32
    %dma_start3A_84 = arith.constant 2 : i32
    %dma_start3A_85 = arith.constant 0 : i32
    %dma_start3A_86 = arith.constant 0 : i32
    %dma_start3A_87 = tpu.memref_slice %arg13[%dma_start3A_83, %dma_start3A_85, %dma_start3A_86] : memref<4x128x64xf32, #tpu.memory_space<vmem>> -> memref<1x128x64xf32, #tpu.memory_space<vmem>>
    %dma_start3A_88 = tpu.memref_squeeze %dma_start3A_87 : memref<1x128x64xf32, #tpu.memory_space<vmem>> -> memref<128x64xf32, #tpu.memory_space<vmem>>
    %dma_start3A_89 = arith.constant 0 : i32
    %dma_start3A_90 = tpu.memref_slice %arg10[%dma_start3A_82, %dma_start3A_89] : memref<80x128xi32, #tpu.memory_space<vmem>> -> memref<1x128xi32, #tpu.memory_space<vmem>>
    %dma_start3A_91 = tpu.memref_squeeze %dma_start3A_90 : memref<1x128xi32, #tpu.memory_space<vmem>> -> memref<128xi32, #tpu.memory_space<vmem>>
    %dma_start3A_92 = arith.constant 0 : i32
    %dma_start3A_93 = arith.constant 0 : i32
    %dma_start3A_94 = tpu.memref_slice %arg3[%dma_start3A_92, %dma_start3A_93] : memref<5120x64xf32, #tpu.memory_space<hbm>> -> memref<5120x64xf32, #tpu.memory_space<hbm>>
    %dma_start3A_95 = tpu.memref_slice %arg15[%dma_start3A_84] : memref<4x!tpu.dma_semaphore, #tpu.memory_space<semaphore_mem>> -> memref<1x!tpu.dma_semaphore, #tpu.memory_space<semaphore_mem>>
    %dma_start3A_96 = tpu.memref_squeeze %dma_start3A_95 : memref<1x!tpu.dma_semaphore, #tpu.memory_space<semaphore_mem>> -> memref<!tpu.dma_semaphore, #tpu.memory_space<semaphore_mem>>
    tpu.enqueue_indirect_dma source(%dma_start3A_94 : memref<5120x64xf32, #tpu.memory_space<hbm>>) target(%dma_start3A_88 : memref<128x64xf32, #tpu.memory_space<vmem>>) offsets(%dma_start3A_91 : memref<128xi32, #tpu.memory_space<vmem>>) semaphore(%dma_start3A_96 : memref<!tpu.dma_semaphore, #tpu.memory_space<semaphore_mem>>)
    %dma_start3A_97 = arith.constant 3 : i32
    %dma_start3A_98 = arith.constant 3 : i32
    %dma_start3A_99 = arith.constant 3 : i32
    %dma_start3A_100 = arith.constant 0 : i32
    %dma_start3A_101 = arith.constant 0 : i32
    %dma_start3A_102 = tpu.memref_slice %arg12[%dma_start3A_98, %dma_start3A_100, %dma_start3A_101] : memref<4x128x64xf32, #tpu.memory_space<vmem>> -> memref<1x128x64xf32, #tpu.memory_space<vmem>>
    %dma_start3A_103 = tpu.memref_squeeze %dma_start3A_102 : memref<1x128x64xf32, #tpu.memory_space<vmem>> -> memref<128x64xf32, #tpu.memory_space<vmem>>
    %dma_start3A_104 = arith.constant 0 : i32
    %dma_start3A_105 = tpu.memref_slice %arg11[%dma_start3A_97, %dma_start3A_104] : memref<80x128xi32, #tpu.memory_space<vmem>> -> memref<1x128xi32, #tpu.memory_space<vmem>>
    %dma_start3A_106 = tpu.memref_squeeze %dma_start3A_105 : memref<1x128xi32, #tpu.memory_space<vmem>> -> memref<128xi32, #tpu.memory_space<vmem>>
    %dma_start3A_107 = arith.constant 0 : i32
    %dma_start3A_108 = arith.constant 0 : i32
    %dma_start3A_109 = tpu.memref_slice %arg4[%dma_start3A_107, %dma_start3A_108] : memref<5120x64xf32, #tpu.memory_space<hbm>> -> memref<5120x64xf32, #tpu.memory_space<hbm>>
    %dma_start3A_110 = tpu.memref_slice %arg14[%dma_start3A_99] : memref<4x!tpu.dma_semaphore, #tpu.memory_space<semaphore_mem>> -> memref<1x!tpu.dma_semaphore, #tpu.memory_space<semaphore_mem>>
    %dma_start3A_111 = tpu.memref_squeeze %dma_start3A_110 : memref<1x!tpu.dma_semaphore, #tpu.memory_space<semaphore_mem>> -> memref<!tpu.dma_semaphore, #tpu.memory_space<semaphore_mem>>
    tpu.enqueue_indirect_dma source(%dma_start3A_109 : memref<5120x64xf32, #tpu.memory_space<hbm>>) target(%dma_start3A_103 : memref<128x64xf32, #tpu.memory_space<vmem>>) offsets(%dma_start3A_106 : memref<128xi32, #tpu.memory_space<vmem>>) semaphore(%dma_start3A_111 : memref<!tpu.dma_semaphore, #tpu.memory_space<semaphore_mem>>)
    %dma_start3A_112 = arith.constant 3 : i32
    %dma_start3A_113 = arith.constant 3 : i32
    %dma_start3A_114 = arith.constant 3 : i32
    %dma_start3A_115 = arith.constant 0 : i32
    %dma_start3A_116 = arith.constant 0 : i32
    %dma_start3A_117 = tpu.memref_slice %arg13[%dma_start3A_113, %dma_start3A_115, %dma_start3A_116] : memref<4x128x64xf32, #tpu.memory_space<vmem>> -> memref<1x128x64xf32, #tpu.memory_space<vmem>>
    %dma_start3A_118 = tpu.memref_squeeze %dma_start3A_117 : memref<1x128x64xf32, #tpu.memory_space<vmem>> -> memref<128x64xf32, #tpu.memory_space<vmem>>
    %dma_start3A_119 = arith.constant 0 : i32
    %dma_start3A_120 = tpu.memref_slice %arg10[%dma_start3A_112, %dma_start3A_119] : memref<80x128xi32, #tpu.memory_space<vmem>> -> memref<1x128xi32, #tpu.memory_space<vmem>>
    %dma_start3A_121 = tpu.memref_squeeze %dma_start3A_120 : memref<1x128xi32, #tpu.memory_space<vmem>> -> memref<128xi32, #tpu.memory_space<vmem>>
    %dma_start3A_122 = arith.constant 0 : i32
    %dma_start3A_123 = arith.constant 0 : i32
    %dma_start3A_124 = tpu.memref_slice %arg3[%dma_start3A_122, %dma_start3A_123] : memref<5120x64xf32, #tpu.memory_space<hbm>> -> memref<5120x64xf32, #tpu.memory_space<hbm>>
    %dma_start3A_125 = tpu.memref_slice %arg15[%dma_start3A_114] : memref<4x!tpu.dma_semaphore, #tpu.memory_space<semaphore_mem>> -> memref<1x!tpu.dma_semaphore, #tpu.memory_space<semaphore_mem>>
    %dma_start3A_126 = tpu.memref_squeeze %dma_start3A_125 : memref<1x!tpu.dma_semaphore, #tpu.memory_space<semaphore_mem>> -> memref<!tpu.dma_semaphore, #tpu.memory_space<semaphore_mem>>
    tpu.enqueue_indirect_dma source(%dma_start3A_124 : memref<5120x64xf32, #tpu.memory_space<hbm>>) target(%dma_start3A_118 : memref<128x64xf32, #tpu.memory_space<vmem>>) offsets(%dma_start3A_121 : memref<128xi32, #tpu.memory_space<vmem>>) semaphore(%dma_start3A_126 : memref<!tpu.dma_semaphore, #tpu.memory_space<semaphore_mem>>)
    %scan3A = arith.constant 0 : i32
    %scan3A_127 = arith.constant 0 : i32
    %scan3A_128 = arith.constant 20 : i32
    %scan3A_129 = arith.addi %scan3A_127, %scan3A_128 : i32
    %scan3A_130 = arith.constant 1 : i32
    scf.for %scan3A_252 = %scan3A_127 to %scan3A_129 step %scan3A_130  : i32 {
      %mul3A_253 = arith.constant 4 : i32
      %mul3A_254 = arith.muli %mul3A_253, %scan3A_252 : i32
      %dma_wait3A_255 = arith.constant 0 : i32
      %dma_wait3A_256 = arith.constant 0 : i32
      %dma_wait3A_257 = arith.constant 0 : i32
      %dma_wait3A_258 = arith.constant 0 : i32
      %dma_wait3A_259 = arith.constant 0 : i32
      %dma_wait3A_260 = tpu.memref_slice %arg12[%dma_wait3A_256, %dma_wait3A_258, %dma_wait3A_259] : memref<4x128x64xf32, #tpu.memory_space<vmem>> -> memref<1x128x64xf32, #tpu.memory_space<vmem>>
      %dma_wait3A_261 = tpu.memref_squeeze %dma_wait3A_260 : memref<1x128x64xf32, #tpu.memory_space<vmem>> -> memref<128x64xf32, #tpu.memory_space<vmem>>
      %dma_wait3A_262 = arith.constant 0 : i32
      %dma_wait3A_263 = tpu.memref_slice %arg11[%dma_wait3A_255, %dma_wait3A_262] : memref<80x128xi32, #tpu.memory_space<vmem>> -> memref<1x128xi32, #tpu.memory_space<vmem>>
      %dma_wait3A_264 = tpu.memref_squeeze %dma_wait3A_263 : memref<1x128xi32, #tpu.memory_space<vmem>> -> memref<128xi32, #tpu.memory_space<vmem>>
      %dma_wait3A_265 = arith.constant 0 : i32
      %dma_wait3A_266 = arith.constant 0 : i32
      %dma_wait3A_267 = tpu.memref_slice %arg4[%dma_wait3A_265, %dma_wait3A_266] : memref<5120x64xf32, #tpu.memory_space<hbm>> -> memref<5120x64xf32, #tpu.memory_space<hbm>>
      %dma_wait3A_268 = tpu.memref_slice %arg14[%dma_wait3A_257] : memref<4x!tpu.dma_semaphore, #tpu.memory_space<semaphore_mem>> -> memref<1x!tpu.dma_semaphore, #tpu.memory_space<semaphore_mem>>
      %dma_wait3A_269 = tpu.memref_squeeze %dma_wait3A_268 : memref<1x!tpu.dma_semaphore, #tpu.memory_space<semaphore_mem>> -> memref<!tpu.dma_semaphore, #tpu.memory_space<semaphore_mem>>
      tpu.wait_indirect_dma semaphore(%dma_wait3A_269 : memref<!tpu.dma_semaphore, #tpu.memory_space<semaphore_mem>>) src(%dma_wait3A_267 : memref<5120x64xf32, #tpu.memory_space<hbm>>) dst(%dma_wait3A_261 : memref<128x64xf32, #tpu.memory_space<vmem>>)
      %dma_wait3A_270 = arith.constant 0 : i32
      %dma_wait3A_271 = arith.constant 0 : i32
      %dma_wait3A_272 = arith.constant 0 : i32
      %dma_wait3A_273 = arith.constant 0 : i32
      %dma_wait3A_274 = arith.constant 0 : i32
      %dma_wait3A_275 = tpu.memref_slice %arg13[%dma_wait3A_271, %dma_wait3A_273, %dma_wait3A_274] : memref<4x128x64xf32, #tpu.memory_space<vmem>> -> memref<1x128x64xf32, #tpu.memory_space<vmem>>
      %dma_wait3A_276 = tpu.memref_squeeze %dma_wait3A_275 : memref<1x128x64xf32, #tpu.memory_space<vmem>> -> memref<128x64xf32, #tpu.memory_space<vmem>>
      %dma_wait3A_277 = arith.constant 0 : i32
      %dma_wait3A_278 = tpu.memref_slice %arg10[%dma_wait3A_270, %dma_wait3A_277] : memref<80x128xi32, #tpu.memory_space<vmem>> -> memref<1x128xi32, #tpu.memory_space<vmem>>
      %dma_wait3A_279 = tpu.memref_squeeze %dma_wait3A_278 : memref<1x128xi32, #tpu.memory_space<vmem>> -> memref<128xi32, #tpu.memory_space<vmem>>
      %dma_wait3A_280 = arith.constant 0 : i32
      %dma_wait3A_281 = arith.constant 0 : i32
      %dma_wait3A_282 = tpu.memref_slice %arg3[%dma_wait3A_280, %dma_wait3A_281] : memref<5120x64xf32, #tpu.memory_space<hbm>> -> memref<5120x64xf32, #tpu.memory_space<hbm>>
      %dma_wait3A_283 = tpu.memref_slice %arg15[%dma_wait3A_272] : memref<4x!tpu.dma_semaphore, #tpu.memory_space<semaphore_mem>> -> memref<1x!tpu.dma_semaphore, #tpu.memory_space<semaphore_mem>>
      %dma_wait3A_284 = tpu.memref_squeeze %dma_wait3A_283 : memref<1x!tpu.dma_semaphore, #tpu.memory_space<semaphore_mem>> -> memref<!tpu.dma_semaphore, #tpu.memory_space<semaphore_mem>>
      tpu.wait_indirect_dma semaphore(%dma_wait3A_284 : memref<!tpu.dma_semaphore, #tpu.memory_space<semaphore_mem>>) src(%dma_wait3A_282 : memref<5120x64xf32, #tpu.memory_space<hbm>>) dst(%dma_wait3A_276 : memref<128x64xf32, #tpu.memory_space<vmem>>)
      %add3A_285 = arith.constant 0 : i32
      %add3A_286 = arith.addi %mul3A_254, %add3A_285 : i32
      %dma_start3A_287 = arith.constant 0 : i32
      %dma_start3A_288 = arith.constant 0 : i32
      %dma_start3A_289 = arith.constant 0 : i32
      %dma_start3A_290 = arith.constant 0 : i32
      %dma_start3A_291 = tpu.memref_slice %arg12[%dma_start3A_287, %dma_start3A_289, %dma_start3A_290] : memref<4x128x64xf32, #tpu.memory_space<vmem>> -> memref<1x128x64xf32, #tpu.memory_space<vmem>>
      %dma_start3A_292 = tpu.memref_squeeze %dma_start3A_291 : memref<1x128x64xf32, #tpu.memory_space<vmem>> -> memref<128x64xf32, #tpu.memory_space<vmem>>
      %dma_start3A_293 = arith.constant 0 : i32
      %dma_start3A_294 = tpu.memref_slice %arg10[%add3A_286, %dma_start3A_293] : memref<80x128xi32, #tpu.memory_space<vmem>> -> memref<1x128xi32, #tpu.memory_space<vmem>>
      %dma_start3A_295 = tpu.memref_squeeze %dma_start3A_294 : memref<1x128xi32, #tpu.memory_space<vmem>> -> memref<128xi32, #tpu.memory_space<vmem>>
      %dma_start3A_296 = arith.constant 0 : i32
      %dma_start3A_297 = arith.constant 0 : i32
      %dma_start3A_298 = tpu.memref_slice %arg8[%dma_start3A_296, %dma_start3A_297] : memref<5120x64xf32, #tpu.memory_space<vmem_shared>> -> memref<5120x64xf32, #tpu.memory_space<vmem_shared>>
      %dma_start3A_299 = tpu.memref_slice %arg16[%dma_start3A_288] : memref<4x!tpu.dma_semaphore, #tpu.memory_space<semaphore_mem>> -> memref<1x!tpu.dma_semaphore, #tpu.memory_space<semaphore_mem>>
      %dma_start3A_300 = tpu.memref_squeeze %dma_start3A_299 : memref<1x!tpu.dma_semaphore, #tpu.memory_space<semaphore_mem>> -> memref<!tpu.dma_semaphore, #tpu.memory_space<semaphore_mem>>
      tpu.enqueue_indirect_dma source(%dma_start3A_292 : memref<128x64xf32, #tpu.memory_space<vmem>>) target(%dma_start3A_298 : memref<5120x64xf32, #tpu.memory_space<vmem_shared>>) offsets(%dma_start3A_295 : memref<128xi32, #tpu.memory_space<vmem>>) semaphore(%dma_start3A_300 : memref<!tpu.dma_semaphore, #tpu.memory_space<semaphore_mem>>) {add = true}
      %dma_start3A_301 = arith.constant 0 : i32
      %dma_start3A_302 = arith.constant 0 : i32
      %dma_start3A_303 = arith.constant 0 : i32
      %dma_start3A_304 = arith.constant 0 : i32
      %dma_start3A_305 = tpu.memref_slice %arg13[%dma_start3A_301, %dma_start3A_303, %dma_start3A_304] : memref<4x128x64xf32, #tpu.memory_space<vmem>> -> memref<1x128x64xf32, #tpu.memory_space<vmem>>
      %dma_start3A_306 = tpu.memref_squeeze %dma_start3A_305 : memref<1x128x64xf32, #tpu.memory_space<vmem>> -> memref<128x64xf32, #tpu.memory_space<vmem>>
      %dma_start3A_307 = arith.constant 0 : i32
      %dma_start3A_308 = tpu.memref_slice %arg11[%add3A_286, %dma_start3A_307] : memref<80x128xi32, #tpu.memory_space<vmem>> -> memref<1x128xi32, #tpu.memory_space<vmem>>
      %dma_start3A_309 = tpu.memref_squeeze %dma_start3A_308 : memref<1x128xi32, #tpu.memory_space<vmem>> -> memref<128xi32, #tpu.memory_space<vmem>>
      %dma_start3A_310 = arith.constant 0 : i32
      %dma_start3A_311 = arith.constant 0 : i32
      %dma_start3A_312 = tpu.memref_slice %arg9[%dma_start3A_310, %dma_start3A_311] : memref<5120x64xf32, #tpu.memory_space<vmem_shared>> -> memref<5120x64xf32, #tpu.memory_space<vmem_shared>>
      %dma_start3A_313 = tpu.memref_slice %arg17[%dma_start3A_302] : memref<4x!tpu.dma_semaphore, #tpu.memory_space<semaphore_mem>> -> memref<1x!tpu.dma_semaphore, #tpu.memory_space<semaphore_mem>>
      %dma_start3A_314 = tpu.memref_squeeze %dma_start3A_313 : memref<1x!tpu.dma_semaphore, #tpu.memory_space<semaphore_mem>> -> memref<!tpu.dma_semaphore, #tpu.memory_space<semaphore_mem>>
      tpu.enqueue_indirect_dma source(%dma_start3A_306 : memref<128x64xf32, #tpu.memory_space<vmem>>) target(%dma_start3A_312 : memref<5120x64xf32, #tpu.memory_space<vmem_shared>>) offsets(%dma_start3A_309 : memref<128xi32, #tpu.memory_space<vmem>>) semaphore(%dma_start3A_314 : memref<!tpu.dma_semaphore, #tpu.memory_space<semaphore_mem>>) {add = true}
      %dma_wait3A_315 = arith.constant 0 : i32
      %dma_wait3A_316 = arith.constant 1 : i32
      %dma_wait3A_317 = arith.constant 1 : i32
      %dma_wait3A_318 = arith.constant 0 : i32
      %dma_wait3A_319 = arith.constant 0 : i32
      %dma_wait3A_320 = tpu.memref_slice %arg12[%dma_wait3A_316, %dma_wait3A_318, %dma_wait3A_319] : memref<4x128x64xf32, #tpu.memory_space<vmem>> -> memref<1x128x64xf32, #tpu.memory_space<vmem>>
      %dma_wait3A_321 = tpu.memref_squeeze %dma_wait3A_320 : memref<1x128x64xf32, #tpu.memory_space<vmem>> -> memref<128x64xf32, #tpu.memory_space<vmem>>
      %dma_wait3A_322 = arith.constant 0 : i32
      %dma_wait3A_323 = tpu.memref_slice %arg11[%dma_wait3A_315, %dma_wait3A_322] : memref<80x128xi32, #tpu.memory_space<vmem>> -> memref<1x128xi32, #tpu.memory_space<vmem>>
      %dma_wait3A_324 = tpu.memref_squeeze %dma_wait3A_323 : memref<1x128xi32, #tpu.memory_space<vmem>> -> memref<128xi32, #tpu.memory_space<vmem>>
      %dma_wait3A_325 = arith.constant 0 : i32
      %dma_wait3A_326 = arith.constant 0 : i32
      %dma_wait3A_327 = tpu.memref_slice %arg4[%dma_wait3A_325, %dma_wait3A_326] : memref<5120x64xf32, #tpu.memory_space<hbm>> -> memref<5120x64xf32, #tpu.memory_space<hbm>>
      %dma_wait3A_328 = tpu.memref_slice %arg14[%dma_wait3A_317] : memref<4x!tpu.dma_semaphore, #tpu.memory_space<semaphore_mem>> -> memref<1x!tpu.dma_semaphore, #tpu.memory_space<semaphore_mem>>
      %dma_wait3A_329 = tpu.memref_squeeze %dma_wait3A_328 : memref<1x!tpu.dma_semaphore, #tpu.memory_space<semaphore_mem>> -> memref<!tpu.dma_semaphore, #tpu.memory_space<semaphore_mem>>
      tpu.wait_indirect_dma semaphore(%dma_wait3A_329 : memref<!tpu.dma_semaphore, #tpu.memory_space<semaphore_mem>>) src(%dma_wait3A_327 : memref<5120x64xf32, #tpu.memory_space<hbm>>) dst(%dma_wait3A_321 : memref<128x64xf32, #tpu.memory_space<vmem>>)
      %dma_wait3A_330 = arith.constant 0 : i32
      %dma_wait3A_331 = arith.constant 1 : i32
      %dma_wait3A_332 = arith.constant 1 : i32
      %dma_wait3A_333 = arith.constant 0 : i32
      %dma_wait3A_334 = arith.constant 0 : i32
      %dma_wait3A_335 = tpu.memref_slice %arg13[%dma_wait3A_331, %dma_wait3A_333, %dma_wait3A_334] : memref<4x128x64xf32, #tpu.memory_space<vmem>> -> memref<1x128x64xf32, #tpu.memory_space<vmem>>
      %dma_wait3A_336 = tpu.memref_squeeze %dma_wait3A_335 : memref<1x128x64xf32, #tpu.memory_space<vmem>> -> memref<128x64xf32, #tpu.memory_space<vmem>>
      %dma_wait3A_337 = arith.constant 0 : i32
      %dma_wait3A_338 = tpu.memref_slice %arg10[%dma_wait3A_330, %dma_wait3A_337] : memref<80x128xi32, #tpu.memory_space<vmem>> -> memref<1x128xi32, #tpu.memory_space<vmem>>
      %dma_wait3A_339 = tpu.memref_squeeze %dma_wait3A_338 : memref<1x128xi32, #tpu.memory_space<vmem>> -> memref<128xi32, #tpu.memory_space<vmem>>
      %dma_wait3A_340 = arith.constant 0 : i32
      %dma_wait3A_341 = arith.constant 0 : i32
      %dma_wait3A_342 = tpu.memref_slice %arg3[%dma_wait3A_340, %dma_wait3A_341] : memref<5120x64xf32, #tpu.memory_space<hbm>> -> memref<5120x64xf32, #tpu.memory_space<hbm>>
      %dma_wait3A_343 = tpu.memref_slice %arg15[%dma_wait3A_332] : memref<4x!tpu.dma_semaphore, #tpu.memory_space<semaphore_mem>> -> memref<1x!tpu.dma_semaphore, #tpu.memory_space<semaphore_mem>>
      %dma_wait3A_344 = tpu.memref_squeeze %dma_wait3A_343 : memref<1x!tpu.dma_semaphore, #tpu.memory_space<semaphore_mem>> -> memref<!tpu.dma_semaphore, #tpu.memory_space<semaphore_mem>>
      tpu.wait_indirect_dma semaphore(%dma_wait3A_344 : memref<!tpu.dma_semaphore, #tpu.memory_space<semaphore_mem>>) src(%dma_wait3A_342 : memref<5120x64xf32, #tpu.memory_space<hbm>>) dst(%dma_wait3A_336 : memref<128x64xf32, #tpu.memory_space<vmem>>)
      %add3A_345 = arith.constant 1 : i32
      %add3A_346 = arith.addi %mul3A_254, %add3A_345 : i32
      %dma_start3A_347 = arith.constant 1 : i32
      %dma_start3A_348 = arith.constant 1 : i32
      %dma_start3A_349 = arith.constant 0 : i32
      %dma_start3A_350 = arith.constant 0 : i32
      %dma_start3A_351 = tpu.memref_slice %arg12[%dma_start3A_347, %dma_start3A_349, %dma_start3A_350] : memref<4x128x64xf32, #tpu.memory_space<vmem>> -> memref<1x128x64xf32, #tpu.memory_space<vmem>>
      %dma_start3A_352 = tpu.memref_squeeze %dma_start3A_351 : memref<1x128x64xf32, #tpu.memory_space<vmem>> -> memref<128x64xf32, #tpu.memory_space<vmem>>
      %dma_start3A_353 = arith.constant 0 : i32
      %dma_start3A_354 = tpu.memref_slice %arg10[%add3A_346, %dma_start3A_353] : memref<80x128xi32, #tpu.memory_space<vmem>> -> memref<1x128xi32, #tpu.memory_space<vmem>>
      %dma_start3A_355 = tpu.memref_squeeze %dma_start3A_354 : memref<1x128xi32, #tpu.memory_space<vmem>> -> memref<128xi32, #tpu.memory_space<vmem>>
      %dma_start3A_356 = arith.constant 0 : i32
      %dma_start3A_357 = arith.constant 0 : i32
      %dma_start3A_358 = tpu.memref_slice %arg8[%dma_start3A_356, %dma_start3A_357] : memref<5120x64xf32, #tpu.memory_space<vmem_shared>> -> memref<5120x64xf32, #tpu.memory_space<vmem_shared>>
      %dma_start3A_359 = tpu.memref_slice %arg16[%dma_start3A_348] : memref<4x!tpu.dma_semaphore, #tpu.memory_space<semaphore_mem>> -> memref<1x!tpu.dma_semaphore, #tpu.memory_space<semaphore_mem>>
      %dma_start3A_360 = tpu.memref_squeeze %dma_start3A_359 : memref<1x!tpu.dma_semaphore, #tpu.memory_space<semaphore_mem>> -> memref<!tpu.dma_semaphore, #tpu.memory_space<semaphore_mem>>
      tpu.enqueue_indirect_dma source(%dma_start3A_352 : memref<128x64xf32, #tpu.memory_space<vmem>>) target(%dma_start3A_358 : memref<5120x64xf32, #tpu.memory_space<vmem_shared>>) offsets(%dma_start3A_355 : memref<128xi32, #tpu.memory_space<vmem>>) semaphore(%dma_start3A_360 : memref<!tpu.dma_semaphore, #tpu.memory_space<semaphore_mem>>) {add = true}
      %dma_start3A_361 = arith.constant 1 : i32
      %dma_start3A_362 = arith.constant 1 : i32
      %dma_start3A_363 = arith.constant 0 : i32
      %dma_start3A_364 = arith.constant 0 : i32
      %dma_start3A_365 = tpu.memref_slice %arg13[%dma_start3A_361, %dma_start3A_363, %dma_start3A_364] : memref<4x128x64xf32, #tpu.memory_space<vmem>> -> memref<1x128x64xf32, #tpu.memory_space<vmem>>
      %dma_start3A_366 = tpu.memref_squeeze %dma_start3A_365 : memref<1x128x64xf32, #tpu.memory_space<vmem>> -> memref<128x64xf32, #tpu.memory_space<vmem>>
      %dma_start3A_367 = arith.constant 0 : i32
      %dma_start3A_368 = tpu.memref_slice %arg11[%add3A_346, %dma_start3A_367] : memref<80x128xi32, #tpu.memory_space<vmem>> -> memref<1x128xi32, #tpu.memory_space<vmem>>
      %dma_start3A_369 = tpu.memref_squeeze %dma_start3A_368 : memref<1x128xi32, #tpu.memory_space<vmem>> -> memref<128xi32, #tpu.memory_space<vmem>>
      %dma_start3A_370 = arith.constant 0 : i32
      %dma_start3A_371 = arith.constant 0 : i32
      %dma_start3A_372 = tpu.memref_slice %arg9[%dma_start3A_370, %dma_start3A_371] : memref<5120x64xf32, #tpu.memory_space<vmem_shared>> -> memref<5120x64xf32, #tpu.memory_space<vmem_shared>>
      %dma_start3A_373 = tpu.memref_slice %arg17[%dma_start3A_362] : memref<4x!tpu.dma_semaphore, #tpu.memory_space<semaphore_mem>> -> memref<1x!tpu.dma_semaphore, #tpu.memory_space<semaphore_mem>>
      %dma_start3A_374 = tpu.memref_squeeze %dma_start3A_373 : memref<1x!tpu.dma_semaphore, #tpu.memory_space<semaphore_mem>> -> memref<!tpu.dma_semaphore, #tpu.memory_space<semaphore_mem>>
      tpu.enqueue_indirect_dma source(%dma_start3A_366 : memref<128x64xf32, #tpu.memory_space<vmem>>) target(%dma_start3A_372 : memref<5120x64xf32, #tpu.memory_space<vmem_shared>>) offsets(%dma_start3A_369 : memref<128xi32, #tpu.memory_space<vmem>>) semaphore(%dma_start3A_374 : memref<!tpu.dma_semaphore, #tpu.memory_space<semaphore_mem>>) {add = true}
      %dma_wait3A_375 = arith.constant 0 : i32
      %dma_wait3A_376 = arith.constant 2 : i32
      %dma_wait3A_377 = arith.constant 2 : i32
      %dma_wait3A_378 = arith.constant 0 : i32
      %dma_wait3A_379 = arith.constant 0 : i32
      %dma_wait3A_380 = tpu.memref_slice %arg12[%dma_wait3A_376, %dma_wait3A_378, %dma_wait3A_379] : memref<4x128x64xf32, #tpu.memory_space<vmem>> -> memref<1x128x64xf32, #tpu.memory_space<vmem>>
      %dma_wait3A_381 = tpu.memref_squeeze %dma_wait3A_380 : memref<1x128x64xf32, #tpu.memory_space<vmem>> -> memref<128x64xf32, #tpu.memory_space<vmem>>
      %dma_wait3A_382 = arith.constant 0 : i32
      %dma_wait3A_383 = tpu.memref_slice %arg11[%dma_wait3A_375, %dma_wait3A_382] : memref<80x128xi32, #tpu.memory_space<vmem>> -> memref<1x128xi32, #tpu.memory_space<vmem>>
      %dma_wait3A_384 = tpu.memref_squeeze %dma_wait3A_383 : memref<1x128xi32, #tpu.memory_space<vmem>> -> memref<128xi32, #tpu.memory_space<vmem>>
      %dma_wait3A_385 = arith.constant 0 : i32
      %dma_wait3A_386 = arith.constant 0 : i32
      %dma_wait3A_387 = tpu.memref_slice %arg4[%dma_wait3A_385, %dma_wait3A_386] : memref<5120x64xf32, #tpu.memory_space<hbm>> -> memref<5120x64xf32, #tpu.memory_space<hbm>>
      %dma_wait3A_388 = tpu.memref_slice %arg14[%dma_wait3A_377] : memref<4x!tpu.dma_semaphore, #tpu.memory_space<semaphore_mem>> -> memref<1x!tpu.dma_semaphore, #tpu.memory_space<semaphore_mem>>
      %dma_wait3A_389 = tpu.memref_squeeze %dma_wait3A_388 : memref<1x!tpu.dma_semaphore, #tpu.memory_space<semaphore_mem>> -> memref<!tpu.dma_semaphore, #tpu.memory_space<semaphore_mem>>
      tpu.wait_indirect_dma semaphore(%dma_wait3A_389 : memref<!tpu.dma_semaphore, #tpu.memory_space<semaphore_mem>>) src(%dma_wait3A_387 : memref<5120x64xf32, #tpu.memory_space<hbm>>) dst(%dma_wait3A_381 : memref<128x64xf32, #tpu.memory_space<vmem>>)
      %dma_wait3A_390 = arith.constant 0 : i32
      %dma_wait3A_391 = arith.constant 2 : i32
      %dma_wait3A_392 = arith.constant 2 : i32
      %dma_wait3A_393 = arith.constant 0 : i32
      %dma_wait3A_394 = arith.constant 0 : i32
      %dma_wait3A_395 = tpu.memref_slice %arg13[%dma_wait3A_391, %dma_wait3A_393, %dma_wait3A_394] : memref<4x128x64xf32, #tpu.memory_space<vmem>> -> memref<1x128x64xf32, #tpu.memory_space<vmem>>
      %dma_wait3A_396 = tpu.memref_squeeze %dma_wait3A_395 : memref<1x128x64xf32, #tpu.memory_space<vmem>> -> memref<128x64xf32, #tpu.memory_space<vmem>>
      %dma_wait3A_397 = arith.constant 0 : i32
      %dma_wait3A_398 = tpu.memref_slice %arg10[%dma_wait3A_390, %dma_wait3A_397] : memref<80x128xi32, #tpu.memory_space<vmem>> -> memref<1x128xi32, #tpu.memory_space<vmem>>
      %dma_wait3A_399 = tpu.memref_squeeze %dma_wait3A_398 : memref<1x128xi32, #tpu.memory_space<vmem>> -> memref<128xi32, #tpu.memory_space<vmem>>
      %dma_wait3A_400 = arith.constant 0 : i32
      %dma_wait3A_401 = arith.constant 0 : i32
      %dma_wait3A_402 = tpu.memref_slice %arg3[%dma_wait3A_400, %dma_wait3A_401] : memref<5120x64xf32, #tpu.memory_space<hbm>> -> memref<5120x64xf32, #tpu.memory_space<hbm>>
      %dma_wait3A_403 = tpu.memref_slice %arg15[%dma_wait3A_392] : memref<4x!tpu.dma_semaphore, #tpu.memory_space<semaphore_mem>> -> memref<1x!tpu.dma_semaphore, #tpu.memory_space<semaphore_mem>>
      %dma_wait3A_404 = tpu.memref_squeeze %dma_wait3A_403 : memref<1x!tpu.dma_semaphore, #tpu.memory_space<semaphore_mem>> -> memref<!tpu.dma_semaphore, #tpu.memory_space<semaphore_mem>>
      tpu.wait_indirect_dma semaphore(%dma_wait3A_404 : memref<!tpu.dma_semaphore, #tpu.memory_space<semaphore_mem>>) src(%dma_wait3A_402 : memref<5120x64xf32, #tpu.memory_space<hbm>>) dst(%dma_wait3A_396 : memref<128x64xf32, #tpu.memory_space<vmem>>)
      %add3A_405 = arith.constant 2 : i32
      %add3A_406 = arith.addi %mul3A_254, %add3A_405 : i32
      %dma_start3A_407 = arith.constant 2 : i32
      %dma_start3A_408 = arith.constant 2 : i32
      %dma_start3A_409 = arith.constant 0 : i32
      %dma_start3A_410 = arith.constant 0 : i32
      %dma_start3A_411 = tpu.memref_slice %arg12[%dma_start3A_407, %dma_start3A_409, %dma_start3A_410] : memref<4x128x64xf32, #tpu.memory_space<vmem>> -> memref<1x128x64xf32, #tpu.memory_space<vmem>>
      %dma_start3A_412 = tpu.memref_squeeze %dma_start3A_411 : memref<1x128x64xf32, #tpu.memory_space<vmem>> -> memref<128x64xf32, #tpu.memory_space<vmem>>
      %dma_start3A_413 = arith.constant 0 : i32
      %dma_start3A_414 = tpu.memref_slice %arg10[%add3A_406, %dma_start3A_413] : memref<80x128xi32, #tpu.memory_space<vmem>> -> memref<1x128xi32, #tpu.memory_space<vmem>>
      %dma_start3A_415 = tpu.memref_squeeze %dma_start3A_414 : memref<1x128xi32, #tpu.memory_space<vmem>> -> memref<128xi32, #tpu.memory_space<vmem>>
      %dma_start3A_416 = arith.constant 0 : i32
      %dma_start3A_417 = arith.constant 0 : i32
      %dma_start3A_418 = tpu.memref_slice %arg8[%dma_start3A_416, %dma_start3A_417] : memref<5120x64xf32, #tpu.memory_space<vmem_shared>> -> memref<5120x64xf32, #tpu.memory_space<vmem_shared>>
      %dma_start3A_419 = tpu.memref_slice %arg16[%dma_start3A_408] : memref<4x!tpu.dma_semaphore, #tpu.memory_space<semaphore_mem>> -> memref<1x!tpu.dma_semaphore, #tpu.memory_space<semaphore_mem>>
      %dma_start3A_420 = tpu.memref_squeeze %dma_start3A_419 : memref<1x!tpu.dma_semaphore, #tpu.memory_space<semaphore_mem>> -> memref<!tpu.dma_semaphore, #tpu.memory_space<semaphore_mem>>
      tpu.enqueue_indirect_dma source(%dma_start3A_412 : memref<128x64xf32, #tpu.memory_space<vmem>>) target(%dma_start3A_418 : memref<5120x64xf32, #tpu.memory_space<vmem_shared>>) offsets(%dma_start3A_415 : memref<128xi32, #tpu.memory_space<vmem>>) semaphore(%dma_start3A_420 : memref<!tpu.dma_semaphore, #tpu.memory_space<semaphore_mem>>) {add = true}
      %dma_start3A_421 = arith.constant 2 : i32
      %dma_start3A_422 = arith.constant 2 : i32
      %dma_start3A_423 = arith.constant 0 : i32
      %dma_start3A_424 = arith.constant 0 : i32
      %dma_start3A_425 = tpu.memref_slice %arg13[%dma_start3A_421, %dma_start3A_423, %dma_start3A_424] : memref<4x128x64xf32, #tpu.memory_space<vmem>> -> memref<1x128x64xf32, #tpu.memory_space<vmem>>
      %dma_start3A_426 = tpu.memref_squeeze %dma_start3A_425 : memref<1x128x64xf32, #tpu.memory_space<vmem>> -> memref<128x64xf32, #tpu.memory_space<vmem>>
      %dma_start3A_427 = arith.constant 0 : i32
      %dma_start3A_428 = tpu.memref_slice %arg11[%add3A_406, %dma_start3A_427] : memref<80x128xi32, #tpu.memory_space<vmem>> -> memref<1x128xi32, #tpu.memory_space<vmem>>
      %dma_start3A_429 = tpu.memref_squeeze %dma_start3A_428 : memref<1x128xi32, #tpu.memory_space<vmem>> -> memref<128xi32, #tpu.memory_space<vmem>>
      %dma_start3A_430 = arith.constant 0 : i32
      %dma_start3A_431 = arith.constant 0 : i32
      %dma_start3A_432 = tpu.memref_slice %arg9[%dma_start3A_430, %dma_start3A_431] : memref<5120x64xf32, #tpu.memory_space<vmem_shared>> -> memref<5120x64xf32, #tpu.memory_space<vmem_shared>>
      %dma_start3A_433 = tpu.memref_slice %arg17[%dma_start3A_422] : memref<4x!tpu.dma_semaphore, #tpu.memory_space<semaphore_mem>> -> memref<1x!tpu.dma_semaphore, #tpu.memory_space<semaphore_mem>>
      %dma_start3A_434 = tpu.memref_squeeze %dma_start3A_433 : memref<1x!tpu.dma_semaphore, #tpu.memory_space<semaphore_mem>> -> memref<!tpu.dma_semaphore, #tpu.memory_space<semaphore_mem>>
      tpu.enqueue_indirect_dma source(%dma_start3A_426 : memref<128x64xf32, #tpu.memory_space<vmem>>) target(%dma_start3A_432 : memref<5120x64xf32, #tpu.memory_space<vmem_shared>>) offsets(%dma_start3A_429 : memref<128xi32, #tpu.memory_space<vmem>>) semaphore(%dma_start3A_434 : memref<!tpu.dma_semaphore, #tpu.memory_space<semaphore_mem>>) {add = true}
      %dma_wait3A_435 = arith.constant 0 : i32
      %dma_wait3A_436 = arith.constant 3 : i32
      %dma_wait3A_437 = arith.constant 3 : i32
      %dma_wait3A_438 = arith.constant 0 : i32
      %dma_wait3A_439 = arith.constant 0 : i32
      %dma_wait3A_440 = tpu.memref_slice %arg12[%dma_wait3A_436, %dma_wait3A_438, %dma_wait3A_439] : memref<4x128x64xf32, #tpu.memory_space<vmem>> -> memref<1x128x64xf32, #tpu.memory_space<vmem>>
      %dma_wait3A_441 = tpu.memref_squeeze %dma_wait3A_440 : memref<1x128x64xf32, #tpu.memory_space<vmem>> -> memref<128x64xf32, #tpu.memory_space<vmem>>
      %dma_wait3A_442 = arith.constant 0 : i32
      %dma_wait3A_443 = tpu.memref_slice %arg11[%dma_wait3A_435, %dma_wait3A_442] : memref<80x128xi32, #tpu.memory_space<vmem>> -> memref<1x128xi32, #tpu.memory_space<vmem>>
      %dma_wait3A_444 = tpu.memref_squeeze %dma_wait3A_443 : memref<1x128xi32, #tpu.memory_space<vmem>> -> memref<128xi32, #tpu.memory_space<vmem>>
      %dma_wait3A_445 = arith.constant 0 : i32
      %dma_wait3A_446 = arith.constant 0 : i32
      %dma_wait3A_447 = tpu.memref_slice %arg4[%dma_wait3A_445, %dma_wait3A_446] : memref<5120x64xf32, #tpu.memory_space<hbm>> -> memref<5120x64xf32, #tpu.memory_space<hbm>>
      %dma_wait3A_448 = tpu.memref_slice %arg14[%dma_wait3A_437] : memref<4x!tpu.dma_semaphore, #tpu.memory_space<semaphore_mem>> -> memref<1x!tpu.dma_semaphore, #tpu.memory_space<semaphore_mem>>
      %dma_wait3A_449 = tpu.memref_squeeze %dma_wait3A_448 : memref<1x!tpu.dma_semaphore, #tpu.memory_space<semaphore_mem>> -> memref<!tpu.dma_semaphore, #tpu.memory_space<semaphore_mem>>
      tpu.wait_indirect_dma semaphore(%dma_wait3A_449 : memref<!tpu.dma_semaphore, #tpu.memory_space<semaphore_mem>>) src(%dma_wait3A_447 : memref<5120x64xf32, #tpu.memory_space<hbm>>) dst(%dma_wait3A_441 : memref<128x64xf32, #tpu.memory_space<vmem>>)
      %dma_wait3A_450 = arith.constant 0 : i32
      %dma_wait3A_451 = arith.constant 3 : i32
      %dma_wait3A_452 = arith.constant 3 : i32
      %dma_wait3A_453 = arith.constant 0 : i32
      %dma_wait3A_454 = arith.constant 0 : i32
      %dma_wait3A_455 = tpu.memref_slice %arg13[%dma_wait3A_451, %dma_wait3A_453, %dma_wait3A_454] : memref<4x128x64xf32, #tpu.memory_space<vmem>> -> memref<1x128x64xf32, #tpu.memory_space<vmem>>
      %dma_wait3A_456 = tpu.memref_squeeze %dma_wait3A_455 : memref<1x128x64xf32, #tpu.memory_space<vmem>> -> memref<128x64xf32, #tpu.memory_space<vmem>>
      %dma_wait3A_457 = arith.constant 0 : i32
      %dma_wait3A_458 = tpu.memref_slice %arg10[%dma_wait3A_450, %dma_wait3A_457] : memref<80x128xi32, #tpu.memory_space<vmem>> -> memref<1x128xi32, #tpu.memory_space<vmem>>
      %dma_wait3A_459 = tpu.memref_squeeze %dma_wait3A_458 : memref<1x128xi32, #tpu.memory_space<vmem>> -> memref<128xi32, #tpu.memory_space<vmem>>
      %dma_wait3A_460 = arith.constant 0 : i32
      %dma_wait3A_461 = arith.constant 0 : i32
      %dma_wait3A_462 = tpu.memref_slice %arg3[%dma_wait3A_460, %dma_wait3A_461] : memref<5120x64xf32, #tpu.memory_space<hbm>> -> memref<5120x64xf32, #tpu.memory_space<hbm>>
      %dma_wait3A_463 = tpu.memref_slice %arg15[%dma_wait3A_452] : memref<4x!tpu.dma_semaphore, #tpu.memory_space<semaphore_mem>> -> memref<1x!tpu.dma_semaphore, #tpu.memory_space<semaphore_mem>>
      %dma_wait3A_464 = tpu.memref_squeeze %dma_wait3A_463 : memref<1x!tpu.dma_semaphore, #tpu.memory_space<semaphore_mem>> -> memref<!tpu.dma_semaphore, #tpu.memory_space<semaphore_mem>>
      tpu.wait_indirect_dma semaphore(%dma_wait3A_464 : memref<!tpu.dma_semaphore, #tpu.memory_space<semaphore_mem>>) src(%dma_wait3A_462 : memref<5120x64xf32, #tpu.memory_space<hbm>>) dst(%dma_wait3A_456 : memref<128x64xf32, #tpu.memory_space<vmem>>)
      %add3A_465 = arith.constant 3 : i32
      %add3A_466 = arith.addi %mul3A_254, %add3A_465 : i32
      %dma_start3A_467 = arith.constant 3 : i32
      %dma_start3A_468 = arith.constant 3 : i32
      %dma_start3A_469 = arith.constant 0 : i32
      %dma_start3A_470 = arith.constant 0 : i32
      %dma_start3A_471 = tpu.memref_slice %arg12[%dma_start3A_467, %dma_start3A_469, %dma_start3A_470] : memref<4x128x64xf32, #tpu.memory_space<vmem>> -> memref<1x128x64xf32, #tpu.memory_space<vmem>>
      %dma_start3A_472 = tpu.memref_squeeze %dma_start3A_471 : memref<1x128x64xf32, #tpu.memory_space<vmem>> -> memref<128x64xf32, #tpu.memory_space<vmem>>
      %dma_start3A_473 = arith.constant 0 : i32
      %dma_start3A_474 = tpu.memref_slice %arg10[%add3A_466, %dma_start3A_473] : memref<80x128xi32, #tpu.memory_space<vmem>> -> memref<1x128xi32, #tpu.memory_space<vmem>>
      %dma_start3A_475 = tpu.memref_squeeze %dma_start3A_474 : memref<1x128xi32, #tpu.memory_space<vmem>> -> memref<128xi32, #tpu.memory_space<vmem>>
      %dma_start3A_476 = arith.constant 0 : i32
      %dma_start3A_477 = arith.constant 0 : i32
      %dma_start3A_478 = tpu.memref_slice %arg8[%dma_start3A_476, %dma_start3A_477] : memref<5120x64xf32, #tpu.memory_space<vmem_shared>> -> memref<5120x64xf32, #tpu.memory_space<vmem_shared>>
      %dma_start3A_479 = tpu.memref_slice %arg16[%dma_start3A_468] : memref<4x!tpu.dma_semaphore, #tpu.memory_space<semaphore_mem>> -> memref<1x!tpu.dma_semaphore, #tpu.memory_space<semaphore_mem>>
      %dma_start3A_480 = tpu.memref_squeeze %dma_start3A_479 : memref<1x!tpu.dma_semaphore, #tpu.memory_space<semaphore_mem>> -> memref<!tpu.dma_semaphore, #tpu.memory_space<semaphore_mem>>
      tpu.enqueue_indirect_dma source(%dma_start3A_472 : memref<128x64xf32, #tpu.memory_space<vmem>>) target(%dma_start3A_478 : memref<5120x64xf32, #tpu.memory_space<vmem_shared>>) offsets(%dma_start3A_475 : memref<128xi32, #tpu.memory_space<vmem>>) semaphore(%dma_start3A_480 : memref<!tpu.dma_semaphore, #tpu.memory_space<semaphore_mem>>) {add = true}
      %dma_start3A_481 = arith.constant 3 : i32
      %dma_start3A_482 = arith.constant 3 : i32
      %dma_start3A_483 = arith.constant 0 : i32
      %dma_start3A_484 = arith.constant 0 : i32
      %dma_start3A_485 = tpu.memref_slice %arg13[%dma_start3A_481, %dma_start3A_483, %dma_start3A_484] : memref<4x128x64xf32, #tpu.memory_space<vmem>> -> memref<1x128x64xf32, #tpu.memory_space<vmem>>
      %dma_start3A_486 = tpu.memref_squeeze %dma_start3A_485 : memref<1x128x64xf32, #tpu.memory_space<vmem>> -> memref<128x64xf32, #tpu.memory_space<vmem>>
      %dma_start3A_487 = arith.constant 0 : i32
      %dma_start3A_488 = tpu.memref_slice %arg11[%add3A_466, %dma_start3A_487] : memref<80x128xi32, #tpu.memory_space<vmem>> -> memref<1x128xi32, #tpu.memory_space<vmem>>
      %dma_start3A_489 = tpu.memref_squeeze %dma_start3A_488 : memref<1x128xi32, #tpu.memory_space<vmem>> -> memref<128xi32, #tpu.memory_space<vmem>>
      %dma_start3A_490 = arith.constant 0 : i32
      %dma_start3A_491 = arith.constant 0 : i32
      %dma_start3A_492 = tpu.memref_slice %arg9[%dma_start3A_490, %dma_start3A_491] : memref<5120x64xf32, #tpu.memory_space<vmem_shared>> -> memref<5120x64xf32, #tpu.memory_space<vmem_shared>>
      %dma_start3A_493 = tpu.memref_slice %arg17[%dma_start3A_482] : memref<4x!tpu.dma_semaphore, #tpu.memory_space<semaphore_mem>> -> memref<1x!tpu.dma_semaphore, #tpu.memory_space<semaphore_mem>>
      %dma_start3A_494 = tpu.memref_squeeze %dma_start3A_493 : memref<1x!tpu.dma_semaphore, #tpu.memory_space<semaphore_mem>> -> memref<!tpu.dma_semaphore, #tpu.memory_space<semaphore_mem>>
      tpu.enqueue_indirect_dma source(%dma_start3A_486 : memref<128x64xf32, #tpu.memory_space<vmem>>) target(%dma_start3A_492 : memref<5120x64xf32, #tpu.memory_space<vmem_shared>>) offsets(%dma_start3A_489 : memref<128xi32, #tpu.memory_space<vmem>>) semaphore(%dma_start3A_494 : memref<!tpu.dma_semaphore, #tpu.memory_space<semaphore_mem>>) {add = true}
      %add3A_495 = arith.constant 1 : i32
      %add3A_496 = arith.addi %scan3A_252, %add3A_495 : i32
      %lt3A = arith.constant 20 : i32
      %lt3A_497 = arith.cmpi slt, %add3A_496, %lt3A : i32
      %convert_element_type3A = arith.extui %lt3A_497 : i1 to i32
      %cond3A = arith.constant 0 : i32
      %cond3A_498 = arith.cmpi ne, %convert_element_type3A, %cond3A : i32
      scf.if %cond3A_498 {
        %dma_wait3A_520 = arith.constant 0 : i32
        %dma_wait3A_521 = arith.constant 0 : i32
        %dma_wait3A_522 = arith.constant 0 : i32
        %dma_wait3A_523 = arith.constant 0 : i32
        %dma_wait3A_524 = arith.constant 0 : i32
        %dma_wait3A_525 = tpu.memref_slice %arg12[%dma_wait3A_520, %dma_wait3A_523, %dma_wait3A_524] : memref<4x128x64xf32, #tpu.memory_space<vmem>> -> memref<1x128x64xf32, #tpu.memory_space<vmem>>
        %dma_wait3A_526 = tpu.memref_squeeze %dma_wait3A_525 : memref<1x128x64xf32, #tpu.memory_space<vmem>> -> memref<128x64xf32, #tpu.memory_space<vmem>>
        %dma_wait3A_527 = arith.constant 0 : i32
        %dma_wait3A_528 = tpu.memref_slice %arg10[%dma_wait3A_521, %dma_wait3A_527] : memref<80x128xi32, #tpu.memory_space<vmem>> -> memref<1x128xi32, #tpu.memory_space<vmem>>
        %dma_wait3A_529 = tpu.memref_squeeze %dma_wait3A_528 : memref<1x128xi32, #tpu.memory_space<vmem>> -> memref<128xi32, #tpu.memory_space<vmem>>
        %dma_wait3A_530 = arith.constant 0 : i32
        %dma_wait3A_531 = arith.constant 0 : i32
        %dma_wait3A_532 = tpu.memref_slice %arg8[%dma_wait3A_530, %dma_wait3A_531] : memref<5120x64xf32, #tpu.memory_space<vmem_shared>> -> memref<5120x64xf32, #tpu.memory_space<vmem_shared>>
        %dma_wait3A_533 = tpu.memref_slice %arg16[%dma_wait3A_522] : memref<4x!tpu.dma_semaphore, #tpu.memory_space<semaphore_mem>> -> memref<1x!tpu.dma_semaphore, #tpu.memory_space<semaphore_mem>>
        %dma_wait3A_534 = tpu.memref_squeeze %dma_wait3A_533 : memref<1x!tpu.dma_semaphore, #tpu.memory_space<semaphore_mem>> -> memref<!tpu.dma_semaphore, #tpu.memory_space<semaphore_mem>>
        tpu.wait_indirect_dma semaphore(%dma_wait3A_534 : memref<!tpu.dma_semaphore, #tpu.memory_space<semaphore_mem>>) src(%dma_wait3A_526 : memref<128x64xf32, #tpu.memory_space<vmem>>) dst(%dma_wait3A_532 : memref<5120x64xf32, #tpu.memory_space<vmem_shared>>)
        %dma_wait3A_535 = arith.constant 0 : i32
        %dma_wait3A_536 = arith.constant 0 : i32
        %dma_wait3A_537 = arith.constant 0 : i32
        %dma_wait3A_538 = arith.constant 0 : i32
        %dma_wait3A_539 = arith.constant 0 : i32
        %dma_wait3A_540 = tpu.memref_slice %arg13[%dma_wait3A_535, %dma_wait3A_538, %dma_wait3A_539] : memref<4x128x64xf32, #tpu.memory_space<vmem>> -> memref<1x128x64xf32, #tpu.memory_space<vmem>>
        %dma_wait3A_541 = tpu.memref_squeeze %dma_wait3A_540 : memref<1x128x64xf32, #tpu.memory_space<vmem>> -> memref<128x64xf32, #tpu.memory_space<vmem>>
        %dma_wait3A_542 = arith.constant 0 : i32
        %dma_wait3A_543 = tpu.memref_slice %arg11[%dma_wait3A_536, %dma_wait3A_542] : memref<80x128xi32, #tpu.memory_space<vmem>> -> memref<1x128xi32, #tpu.memory_space<vmem>>
        %dma_wait3A_544 = tpu.memref_squeeze %dma_wait3A_543 : memref<1x128xi32, #tpu.memory_space<vmem>> -> memref<128xi32, #tpu.memory_space<vmem>>
        %dma_wait3A_545 = arith.constant 0 : i32
        %dma_wait3A_546 = arith.constant 0 : i32
        %dma_wait3A_547 = tpu.memref_slice %arg9[%dma_wait3A_545, %dma_wait3A_546] : memref<5120x64xf32, #tpu.memory_space<vmem_shared>> -> memref<5120x64xf32, #tpu.memory_space<vmem_shared>>
        %dma_wait3A_548 = tpu.memref_slice %arg17[%dma_wait3A_537] : memref<4x!tpu.dma_semaphore, #tpu.memory_space<semaphore_mem>> -> memref<1x!tpu.dma_semaphore, #tpu.memory_space<semaphore_mem>>
        %dma_wait3A_549 = tpu.memref_squeeze %dma_wait3A_548 : memref<1x!tpu.dma_semaphore, #tpu.memory_space<semaphore_mem>> -> memref<!tpu.dma_semaphore, #tpu.memory_space<semaphore_mem>>
        tpu.wait_indirect_dma semaphore(%dma_wait3A_549 : memref<!tpu.dma_semaphore, #tpu.memory_space<semaphore_mem>>) src(%dma_wait3A_541 : memref<128x64xf32, #tpu.memory_space<vmem>>) dst(%dma_wait3A_547 : memref<5120x64xf32, #tpu.memory_space<vmem_shared>>)
        %add3A_550 = arith.constant 4 : i32
        %add3A_551 = arith.addi %mul3A_254, %add3A_550 : i32
        %add3A_552 = arith.constant 0 : i32
        %add3A_553 = arith.addi %add3A_551, %add3A_552 : i32
        %dma_start3A_554 = arith.constant 0 : i32
        %dma_start3A_555 = arith.constant 0 : i32
        %dma_start3A_556 = arith.constant 0 : i32
        %dma_start3A_557 = arith.constant 0 : i32
        %dma_start3A_558 = tpu.memref_slice %arg12[%dma_start3A_554, %dma_start3A_556, %dma_start3A_557] : memref<4x128x64xf32, #tpu.memory_space<vmem>> -> memref<1x128x64xf32, #tpu.memory_space<vmem>>
        %dma_start3A_559 = tpu.memref_squeeze %dma_start3A_558 : memref<1x128x64xf32, #tpu.memory_space<vmem>> -> memref<128x64xf32, #tpu.memory_space<vmem>>
        %dma_start3A_560 = arith.constant 0 : i32
        %dma_start3A_561 = tpu.memref_slice %arg11[%add3A_553, %dma_start3A_560] : memref<80x128xi32, #tpu.memory_space<vmem>> -> memref<1x128xi32, #tpu.memory_space<vmem>>
        %dma_start3A_562 = tpu.memref_squeeze %dma_start3A_561 : memref<1x128xi32, #tpu.memory_space<vmem>> -> memref<128xi32, #tpu.memory_space<vmem>>
        %dma_start3A_563 = arith.constant 0 : i32
        %dma_start3A_564 = arith.constant 0 : i32
        %dma_start3A_565 = tpu.memref_slice %arg4[%dma_start3A_563, %dma_start3A_564] : memref<5120x64xf32, #tpu.memory_space<hbm>> -> memref<5120x64xf32, #tpu.memory_space<hbm>>
        %dma_start3A_566 = tpu.memref_slice %arg14[%dma_start3A_555] : memref<4x!tpu.dma_semaphore, #tpu.memory_space<semaphore_mem>> -> memref<1x!tpu.dma_semaphore, #tpu.memory_space<semaphore_mem>>
        %dma_start3A_567 = tpu.memref_squeeze %dma_start3A_566 : memref<1x!tpu.dma_semaphore, #tpu.memory_space<semaphore_mem>> -> memref<!tpu.dma_semaphore, #tpu.memory_space<semaphore_mem>>
        tpu.enqueue_indirect_dma source(%dma_start3A_565 : memref<5120x64xf32, #tpu.memory_space<hbm>>) target(%dma_start3A_559 : memref<128x64xf32, #tpu.memory_space<vmem>>) offsets(%dma_start3A_562 : memref<128xi32, #tpu.memory_space<vmem>>) semaphore(%dma_start3A_567 : memref<!tpu.dma_semaphore, #tpu.memory_space<semaphore_mem>>)
        %dma_start3A_568 = arith.constant 0 : i32
        %dma_start3A_569 = arith.constant 0 : i32
        %dma_start3A_570 = arith.constant 0 : i32
        %dma_start3A_571 = arith.constant 0 : i32
        %dma_start3A_572 = tpu.memref_slice %arg13[%dma_start3A_568, %dma_start3A_570, %dma_start3A_571] : memref<4x128x64xf32, #tpu.memory_space<vmem>> -> memref<1x128x64xf32, #tpu.memory_space<vmem>>
        %dma_start3A_573 = tpu.memref_squeeze %dma_start3A_572 : memref<1x128x64xf32, #tpu.memory_space<vmem>> -> memref<128x64xf32, #tpu.memory_space<vmem>>
        %dma_start3A_574 = arith.constant 0 : i32
        %dma_start3A_575 = tpu.memref_slice %arg10[%add3A_553, %dma_start3A_574] : memref<80x128xi32, #tpu.memory_space<vmem>> -> memref<1x128xi32, #tpu.memory_space<vmem>>
        %dma_start3A_576 = tpu.memref_squeeze %dma_start3A_575 : memref<1x128xi32, #tpu.memory_space<vmem>> -> memref<128xi32, #tpu.memory_space<vmem>>
        %dma_start3A_577 = arith.constant 0 : i32
        %dma_start3A_578 = arith.constant 0 : i32
        %dma_start3A_579 = tpu.memref_slice %arg3[%dma_start3A_577, %dma_start3A_578] : memref<5120x64xf32, #tpu.memory_space<hbm>> -> memref<5120x64xf32, #tpu.memory_space<hbm>>
        %dma_start3A_580 = tpu.memref_slice %arg15[%dma_start3A_569] : memref<4x!tpu.dma_semaphore, #tpu.memory_space<semaphore_mem>> -> memref<1x!tpu.dma_semaphore, #tpu.memory_space<semaphore_mem>>
        %dma_start3A_581 = tpu.memref_squeeze %dma_start3A_580 : memref<1x!tpu.dma_semaphore, #tpu.memory_space<semaphore_mem>> -> memref<!tpu.dma_semaphore, #tpu.memory_space<semaphore_mem>>
        tpu.enqueue_indirect_dma source(%dma_start3A_579 : memref<5120x64xf32, #tpu.memory_space<hbm>>) target(%dma_start3A_573 : memref<128x64xf32, #tpu.memory_space<vmem>>) offsets(%dma_start3A_576 : memref<128xi32, #tpu.memory_space<vmem>>) semaphore(%dma_start3A_581 : memref<!tpu.dma_semaphore, #tpu.memory_space<semaphore_mem>>)
      } else {
      }
      %add3A_499 = arith.constant 1 : i32
      %add3A_500 = arith.addi %scan3A_252, %add3A_499 : i32
      %lt3A_501 = arith.constant 20 : i32
      %lt3A_502 = arith.cmpi slt, %add3A_500, %lt3A_501 : i32
      %convert_element_type3A_503 = arith.extui %lt3A_502 : i1 to i32
      %cond3A_504 = arith.constant 0 : i32
      %cond3A_505 = arith.cmpi ne, %convert_element_type3A_503, %cond3A_504 : i32
      scf.if %cond3A_505 {
        %dma_wait3A_520 = arith.constant 1 : i32
        %dma_wait3A_521 = arith.constant 0 : i32
        %dma_wait3A_522 = arith.constant 1 : i32
        %dma_wait3A_523 = arith.constant 0 : i32
        %dma_wait3A_524 = arith.constant 0 : i32
        %dma_wait3A_525 = tpu.memref_slice %arg12[%dma_wait3A_520, %dma_wait3A_523, %dma_wait3A_524] : memref<4x128x64xf32, #tpu.memory_space<vmem>> -> memref<1x128x64xf32, #tpu.memory_space<vmem>>
        %dma_wait3A_526 = tpu.memref_squeeze %dma_wait3A_525 : memref<1x128x64xf32, #tpu.memory_space<vmem>> -> memref<128x64xf32, #tpu.memory_space<vmem>>
        %dma_wait3A_527 = arith.constant 0 : i32
        %dma_wait3A_528 = tpu.memref_slice %arg10[%dma_wait3A_521, %dma_wait3A_527] : memref<80x128xi32, #tpu.memory_space<vmem>> -> memref<1x128xi32, #tpu.memory_space<vmem>>
        %dma_wait3A_529 = tpu.memref_squeeze %dma_wait3A_528 : memref<1x128xi32, #tpu.memory_space<vmem>> -> memref<128xi32, #tpu.memory_space<vmem>>
        %dma_wait3A_530 = arith.constant 0 : i32
        %dma_wait3A_531 = arith.constant 0 : i32
        %dma_wait3A_532 = tpu.memref_slice %arg8[%dma_wait3A_530, %dma_wait3A_531] : memref<5120x64xf32, #tpu.memory_space<vmem_shared>> -> memref<5120x64xf32, #tpu.memory_space<vmem_shared>>
        %dma_wait3A_533 = tpu.memref_slice %arg16[%dma_wait3A_522] : memref<4x!tpu.dma_semaphore, #tpu.memory_space<semaphore_mem>> -> memref<1x!tpu.dma_semaphore, #tpu.memory_space<semaphore_mem>>
        %dma_wait3A_534 = tpu.memref_squeeze %dma_wait3A_533 : memref<1x!tpu.dma_semaphore, #tpu.memory_space<semaphore_mem>> -> memref<!tpu.dma_semaphore, #tpu.memory_space<semaphore_mem>>
        tpu.wait_indirect_dma semaphore(%dma_wait3A_534 : memref<!tpu.dma_semaphore, #tpu.memory_space<semaphore_mem>>) src(%dma_wait3A_526 : memref<128x64xf32, #tpu.memory_space<vmem>>) dst(%dma_wait3A_532 : memref<5120x64xf32, #tpu.memory_space<vmem_shared>>)
        %dma_wait3A_535 = arith.constant 1 : i32
        %dma_wait3A_536 = arith.constant 0 : i32
        %dma_wait3A_537 = arith.constant 1 : i32
        %dma_wait3A_538 = arith.constant 0 : i32
        %dma_wait3A_539 = arith.constant 0 : i32
        %dma_wait3A_540 = tpu.memref_slice %arg13[%dma_wait3A_535, %dma_wait3A_538, %dma_wait3A_539] : memref<4x128x64xf32, #tpu.memory_space<vmem>> -> memref<1x128x64xf32, #tpu.memory_space<vmem>>
        %dma_wait3A_541 = tpu.memref_squeeze %dma_wait3A_540 : memref<1x128x64xf32, #tpu.memory_space<vmem>> -> memref<128x64xf32, #tpu.memory_space<vmem>>
        %dma_wait3A_542 = arith.constant 0 : i32
        %dma_wait3A_543 = tpu.memref_slice %arg11[%dma_wait3A_536, %dma_wait3A_542] : memref<80x128xi32, #tpu.memory_space<vmem>> -> memref<1x128xi32, #tpu.memory_space<vmem>>
        %dma_wait3A_544 = tpu.memref_squeeze %dma_wait3A_543 : memref<1x128xi32, #tpu.memory_space<vmem>> -> memref<128xi32, #tpu.memory_space<vmem>>
        %dma_wait3A_545 = arith.constant 0 : i32
        %dma_wait3A_546 = arith.constant 0 : i32
        %dma_wait3A_547 = tpu.memref_slice %arg9[%dma_wait3A_545, %dma_wait3A_546] : memref<5120x64xf32, #tpu.memory_space<vmem_shared>> -> memref<5120x64xf32, #tpu.memory_space<vmem_shared>>
        %dma_wait3A_548 = tpu.memref_slice %arg17[%dma_wait3A_537] : memref<4x!tpu.dma_semaphore, #tpu.memory_space<semaphore_mem>> -> memref<1x!tpu.dma_semaphore, #tpu.memory_space<semaphore_mem>>
        %dma_wait3A_549 = tpu.memref_squeeze %dma_wait3A_548 : memref<1x!tpu.dma_semaphore, #tpu.memory_space<semaphore_mem>> -> memref<!tpu.dma_semaphore, #tpu.memory_space<semaphore_mem>>
        tpu.wait_indirect_dma semaphore(%dma_wait3A_549 : memref<!tpu.dma_semaphore, #tpu.memory_space<semaphore_mem>>) src(%dma_wait3A_541 : memref<128x64xf32, #tpu.memory_space<vmem>>) dst(%dma_wait3A_547 : memref<5120x64xf32, #tpu.memory_space<vmem_shared>>)
        %add3A_550 = arith.constant 4 : i32
        %add3A_551 = arith.addi %mul3A_254, %add3A_550 : i32
        %add3A_552 = arith.constant 1 : i32
        %add3A_553 = arith.addi %add3A_551, %add3A_552 : i32
        %dma_start3A_554 = arith.constant 1 : i32
        %dma_start3A_555 = arith.constant 1 : i32
        %dma_start3A_556 = arith.constant 0 : i32
        %dma_start3A_557 = arith.constant 0 : i32
        %dma_start3A_558 = tpu.memref_slice %arg12[%dma_start3A_554, %dma_start3A_556, %dma_start3A_557] : memref<4x128x64xf32, #tpu.memory_space<vmem>> -> memref<1x128x64xf32, #tpu.memory_space<vmem>>
        %dma_start3A_559 = tpu.memref_squeeze %dma_start3A_558 : memref<1x128x64xf32, #tpu.memory_space<vmem>> -> memref<128x64xf32, #tpu.memory_space<vmem>>
        %dma_start3A_560 = arith.constant 0 : i32
        %dma_start3A_561 = tpu.memref_slice %arg11[%add3A_553, %dma_start3A_560] : memref<80x128xi32, #tpu.memory_space<vmem>> -> memref<1x128xi32, #tpu.memory_space<vmem>>
        %dma_start3A_562 = tpu.memref_squeeze %dma_start3A_561 : memref<1x128xi32, #tpu.memory_space<vmem>> -> memref<128xi32, #tpu.memory_space<vmem>>
        %dma_start3A_563 = arith.constant 0 : i32
        %dma_start3A_564 = arith.constant 0 : i32
        %dma_start3A_565 = tpu.memref_slice %arg4[%dma_start3A_563, %dma_start3A_564] : memref<5120x64xf32, #tpu.memory_space<hbm>> -> memref<5120x64xf32, #tpu.memory_space<hbm>>
        %dma_start3A_566 = tpu.memref_slice %arg14[%dma_start3A_555] : memref<4x!tpu.dma_semaphore, #tpu.memory_space<semaphore_mem>> -> memref<1x!tpu.dma_semaphore, #tpu.memory_space<semaphore_mem>>
        %dma_start3A_567 = tpu.memref_squeeze %dma_start3A_566 : memref<1x!tpu.dma_semaphore, #tpu.memory_space<semaphore_mem>> -> memref<!tpu.dma_semaphore, #tpu.memory_space<semaphore_mem>>
        tpu.enqueue_indirect_dma source(%dma_start3A_565 : memref<5120x64xf32, #tpu.memory_space<hbm>>) target(%dma_start3A_559 : memref<128x64xf32, #tpu.memory_space<vmem>>) offsets(%dma_start3A_562 : memref<128xi32, #tpu.memory_space<vmem>>) semaphore(%dma_start3A_567 : memref<!tpu.dma_semaphore, #tpu.memory_space<semaphore_mem>>)
        %dma_start3A_568 = arith.constant 1 : i32
        %dma_start3A_569 = arith.constant 1 : i32
        %dma_start3A_570 = arith.constant 0 : i32
        %dma_start3A_571 = arith.constant 0 : i32
        %dma_start3A_572 = tpu.memref_slice %arg13[%dma_start3A_568, %dma_start3A_570, %dma_start3A_571] : memref<4x128x64xf32, #tpu.memory_space<vmem>> -> memref<1x128x64xf32, #tpu.memory_space<vmem>>
        %dma_start3A_573 = tpu.memref_squeeze %dma_start3A_572 : memref<1x128x64xf32, #tpu.memory_space<vmem>> -> memref<128x64xf32, #tpu.memory_space<vmem>>
        %dma_start3A_574 = arith.constant 0 : i32
        %dma_start3A_575 = tpu.memref_slice %arg10[%add3A_553, %dma_start3A_574] : memref<80x128xi32, #tpu.memory_space<vmem>> -> memref<1x128xi32, #tpu.memory_space<vmem>>
        %dma_start3A_576 = tpu.memref_squeeze %dma_start3A_575 : memref<1x128xi32, #tpu.memory_space<vmem>> -> memref<128xi32, #tpu.memory_space<vmem>>
        %dma_start3A_577 = arith.constant 0 : i32
        %dma_start3A_578 = arith.constant 0 : i32
        %dma_start3A_579 = tpu.memref_slice %arg3[%dma_start3A_577, %dma_start3A_578] : memref<5120x64xf32, #tpu.memory_space<hbm>> -> memref<5120x64xf32, #tpu.memory_space<hbm>>
        %dma_start3A_580 = tpu.memref_slice %arg15[%dma_start3A_569] : memref<4x!tpu.dma_semaphore, #tpu.memory_space<semaphore_mem>> -> memref<1x!tpu.dma_semaphore, #tpu.memory_space<semaphore_mem>>
        %dma_start3A_581 = tpu.memref_squeeze %dma_start3A_580 : memref<1x!tpu.dma_semaphore, #tpu.memory_space<semaphore_mem>> -> memref<!tpu.dma_semaphore, #tpu.memory_space<semaphore_mem>>
        tpu.enqueue_indirect_dma source(%dma_start3A_579 : memref<5120x64xf32, #tpu.memory_space<hbm>>) target(%dma_start3A_573 : memref<128x64xf32, #tpu.memory_space<vmem>>) offsets(%dma_start3A_576 : memref<128xi32, #tpu.memory_space<vmem>>) semaphore(%dma_start3A_581 : memref<!tpu.dma_semaphore, #tpu.memory_space<semaphore_mem>>)
      } else {
      }
      %add3A_506 = arith.constant 1 : i32
      %add3A_507 = arith.addi %scan3A_252, %add3A_506 : i32
      %lt3A_508 = arith.constant 20 : i32
      %lt3A_509 = arith.cmpi slt, %add3A_507, %lt3A_508 : i32
      %convert_element_type3A_510 = arith.extui %lt3A_509 : i1 to i32
      %cond3A_511 = arith.constant 0 : i32
      %cond3A_512 = arith.cmpi ne, %convert_element_type3A_510, %cond3A_511 : i32
      scf.if %cond3A_512 {
        %dma_wait3A_520 = arith.constant 2 : i32
        %dma_wait3A_521 = arith.constant 0 : i32
        %dma_wait3A_522 = arith.constant 2 : i32
        %dma_wait3A_523 = arith.constant 0 : i32
        %dma_wait3A_524 = arith.constant 0 : i32
        %dma_wait3A_525 = tpu.memref_slice %arg12[%dma_wait3A_520, %dma_wait3A_523, %dma_wait3A_524] : memref<4x128x64xf32, #tpu.memory_space<vmem>> -> memref<1x128x64xf32, #tpu.memory_space<vmem>>
        %dma_wait3A_526 = tpu.memref_squeeze %dma_wait3A_525 : memref<1x128x64xf32, #tpu.memory_space<vmem>> -> memref<128x64xf32, #tpu.memory_space<vmem>>
        %dma_wait3A_527 = arith.constant 0 : i32
        %dma_wait3A_528 = tpu.memref_slice %arg10[%dma_wait3A_521, %dma_wait3A_527] : memref<80x128xi32, #tpu.memory_space<vmem>> -> memref<1x128xi32, #tpu.memory_space<vmem>>
        %dma_wait3A_529 = tpu.memref_squeeze %dma_wait3A_528 : memref<1x128xi32, #tpu.memory_space<vmem>> -> memref<128xi32, #tpu.memory_space<vmem>>
        %dma_wait3A_530 = arith.constant 0 : i32
        %dma_wait3A_531 = arith.constant 0 : i32
        %dma_wait3A_532 = tpu.memref_slice %arg8[%dma_wait3A_530, %dma_wait3A_531] : memref<5120x64xf32, #tpu.memory_space<vmem_shared>> -> memref<5120x64xf32, #tpu.memory_space<vmem_shared>>
        %dma_wait3A_533 = tpu.memref_slice %arg16[%dma_wait3A_522] : memref<4x!tpu.dma_semaphore, #tpu.memory_space<semaphore_mem>> -> memref<1x!tpu.dma_semaphore, #tpu.memory_space<semaphore_mem>>
        %dma_wait3A_534 = tpu.memref_squeeze %dma_wait3A_533 : memref<1x!tpu.dma_semaphore, #tpu.memory_space<semaphore_mem>> -> memref<!tpu.dma_semaphore, #tpu.memory_space<semaphore_mem>>
        tpu.wait_indirect_dma semaphore(%dma_wait3A_534 : memref<!tpu.dma_semaphore, #tpu.memory_space<semaphore_mem>>) src(%dma_wait3A_526 : memref<128x64xf32, #tpu.memory_space<vmem>>) dst(%dma_wait3A_532 : memref<5120x64xf32, #tpu.memory_space<vmem_shared>>)
        %dma_wait3A_535 = arith.constant 2 : i32
        %dma_wait3A_536 = arith.constant 0 : i32
        %dma_wait3A_537 = arith.constant 2 : i32
        %dma_wait3A_538 = arith.constant 0 : i32
        %dma_wait3A_539 = arith.constant 0 : i32
        %dma_wait3A_540 = tpu.memref_slice %arg13[%dma_wait3A_535, %dma_wait3A_538, %dma_wait3A_539] : memref<4x128x64xf32, #tpu.memory_space<vmem>> -> memref<1x128x64xf32, #tpu.memory_space<vmem>>
        %dma_wait3A_541 = tpu.memref_squeeze %dma_wait3A_540 : memref<1x128x64xf32, #tpu.memory_space<vmem>> -> memref<128x64xf32, #tpu.memory_space<vmem>>
        %dma_wait3A_542 = arith.constant 0 : i32
        %dma_wait3A_543 = tpu.memref_slice %arg11[%dma_wait3A_536, %dma_wait3A_542] : memref<80x128xi32, #tpu.memory_space<vmem>> -> memref<1x128xi32, #tpu.memory_space<vmem>>
        %dma_wait3A_544 = tpu.memref_squeeze %dma_wait3A_543 : memref<1x128xi32, #tpu.memory_space<vmem>> -> memref<128xi32, #tpu.memory_space<vmem>>
        %dma_wait3A_545 = arith.constant 0 : i32
        %dma_wait3A_546 = arith.constant 0 : i32
        %dma_wait3A_547 = tpu.memref_slice %arg9[%dma_wait3A_545, %dma_wait3A_546] : memref<5120x64xf32, #tpu.memory_space<vmem_shared>> -> memref<5120x64xf32, #tpu.memory_space<vmem_shared>>
        %dma_wait3A_548 = tpu.memref_slice %arg17[%dma_wait3A_537] : memref<4x!tpu.dma_semaphore, #tpu.memory_space<semaphore_mem>> -> memref<1x!tpu.dma_semaphore, #tpu.memory_space<semaphore_mem>>
        %dma_wait3A_549 = tpu.memref_squeeze %dma_wait3A_548 : memref<1x!tpu.dma_semaphore, #tpu.memory_space<semaphore_mem>> -> memref<!tpu.dma_semaphore, #tpu.memory_space<semaphore_mem>>
        tpu.wait_indirect_dma semaphore(%dma_wait3A_549 : memref<!tpu.dma_semaphore, #tpu.memory_space<semaphore_mem>>) src(%dma_wait3A_541 : memref<128x64xf32, #tpu.memory_space<vmem>>) dst(%dma_wait3A_547 : memref<5120x64xf32, #tpu.memory_space<vmem_shared>>)
        %add3A_550 = arith.constant 4 : i32
        %add3A_551 = arith.addi %mul3A_254, %add3A_550 : i32
        %add3A_552 = arith.constant 2 : i32
        %add3A_553 = arith.addi %add3A_551, %add3A_552 : i32
        %dma_start3A_554 = arith.constant 2 : i32
        %dma_start3A_555 = arith.constant 2 : i32
        %dma_start3A_556 = arith.constant 0 : i32
        %dma_start3A_557 = arith.constant 0 : i32
        %dma_start3A_558 = tpu.memref_slice %arg12[%dma_start3A_554, %dma_start3A_556, %dma_start3A_557] : memref<4x128x64xf32, #tpu.memory_space<vmem>> -> memref<1x128x64xf32, #tpu.memory_space<vmem>>
        %dma_start3A_559 = tpu.memref_squeeze %dma_start3A_558 : memref<1x128x64xf32, #tpu.memory_space<vmem>> -> memref<128x64xf32, #tpu.memory_space<vmem>>
        %dma_start3A_560 = arith.constant 0 : i32
        %dma_start3A_561 = tpu.memref_slice %arg11[%add3A_553, %dma_start3A_560] : memref<80x128xi32, #tpu.memory_space<vmem>> -> memref<1x128xi32, #tpu.memory_space<vmem>>
        %dma_start3A_562 = tpu.memref_squeeze %dma_start3A_561 : memref<1x128xi32, #tpu.memory_space<vmem>> -> memref<128xi32, #tpu.memory_space<vmem>>
        %dma_start3A_563 = arith.constant 0 : i32
        %dma_start3A_564 = arith.constant 0 : i32
        %dma_start3A_565 = tpu.memref_slice %arg4[%dma_start3A_563, %dma_start3A_564] : memref<5120x64xf32, #tpu.memory_space<hbm>> -> memref<5120x64xf32, #tpu.memory_space<hbm>>
        %dma_start3A_566 = tpu.memref_slice %arg14[%dma_start3A_555] : memref<4x!tpu.dma_semaphore, #tpu.memory_space<semaphore_mem>> -> memref<1x!tpu.dma_semaphore, #tpu.memory_space<semaphore_mem>>
        %dma_start3A_567 = tpu.memref_squeeze %dma_start3A_566 : memref<1x!tpu.dma_semaphore, #tpu.memory_space<semaphore_mem>> -> memref<!tpu.dma_semaphore, #tpu.memory_space<semaphore_mem>>
        tpu.enqueue_indirect_dma source(%dma_start3A_565 : memref<5120x64xf32, #tpu.memory_space<hbm>>) target(%dma_start3A_559 : memref<128x64xf32, #tpu.memory_space<vmem>>) offsets(%dma_start3A_562 : memref<128xi32, #tpu.memory_space<vmem>>) semaphore(%dma_start3A_567 : memref<!tpu.dma_semaphore, #tpu.memory_space<semaphore_mem>>)
        %dma_start3A_568 = arith.constant 2 : i32
        %dma_start3A_569 = arith.constant 2 : i32
        %dma_start3A_570 = arith.constant 0 : i32
        %dma_start3A_571 = arith.constant 0 : i32
        %dma_start3A_572 = tpu.memref_slice %arg13[%dma_start3A_568, %dma_start3A_570, %dma_start3A_571] : memref<4x128x64xf32, #tpu.memory_space<vmem>> -> memref<1x128x64xf32, #tpu.memory_space<vmem>>
        %dma_start3A_573 = tpu.memref_squeeze %dma_start3A_572 : memref<1x128x64xf32, #tpu.memory_space<vmem>> -> memref<128x64xf32, #tpu.memory_space<vmem>>
        %dma_start3A_574 = arith.constant 0 : i32
        %dma_start3A_575 = tpu.memref_slice %arg10[%add3A_553, %dma_start3A_574] : memref<80x128xi32, #tpu.memory_space<vmem>> -> memref<1x128xi32, #tpu.memory_space<vmem>>
        %dma_start3A_576 = tpu.memref_squeeze %dma_start3A_575 : memref<1x128xi32, #tpu.memory_space<vmem>> -> memref<128xi32, #tpu.memory_space<vmem>>
        %dma_start3A_577 = arith.constant 0 : i32
        %dma_start3A_578 = arith.constant 0 : i32
        %dma_start3A_579 = tpu.memref_slice %arg3[%dma_start3A_577, %dma_start3A_578] : memref<5120x64xf32, #tpu.memory_space<hbm>> -> memref<5120x64xf32, #tpu.memory_space<hbm>>
        %dma_start3A_580 = tpu.memref_slice %arg15[%dma_start3A_569] : memref<4x!tpu.dma_semaphore, #tpu.memory_space<semaphore_mem>> -> memref<1x!tpu.dma_semaphore, #tpu.memory_space<semaphore_mem>>
        %dma_start3A_581 = tpu.memref_squeeze %dma_start3A_580 : memref<1x!tpu.dma_semaphore, #tpu.memory_space<semaphore_mem>> -> memref<!tpu.dma_semaphore, #tpu.memory_space<semaphore_mem>>
        tpu.enqueue_indirect_dma source(%dma_start3A_579 : memref<5120x64xf32, #tpu.memory_space<hbm>>) target(%dma_start3A_573 : memref<128x64xf32, #tpu.memory_space<vmem>>) offsets(%dma_start3A_576 : memref<128xi32, #tpu.memory_space<vmem>>) semaphore(%dma_start3A_581 : memref<!tpu.dma_semaphore, #tpu.memory_space<semaphore_mem>>)
      } else {
      }
      %add3A_513 = arith.constant 1 : i32
      %add3A_514 = arith.addi %scan3A_252, %add3A_513 : i32
      %lt3A_515 = arith.constant 20 : i32
      %lt3A_516 = arith.cmpi slt, %add3A_514, %lt3A_515 : i32
      %convert_element_type3A_517 = arith.extui %lt3A_516 : i1 to i32
      %cond3A_518 = arith.constant 0 : i32
      %cond3A_519 = arith.cmpi ne, %convert_element_type3A_517, %cond3A_518 : i32
      scf.if %cond3A_519 {
        %dma_wait3A_520 = arith.constant 3 : i32
        %dma_wait3A_521 = arith.constant 0 : i32
        %dma_wait3A_522 = arith.constant 3 : i32
        %dma_wait3A_523 = arith.constant 0 : i32
        %dma_wait3A_524 = arith.constant 0 : i32
        %dma_wait3A_525 = tpu.memref_slice %arg12[%dma_wait3A_520, %dma_wait3A_523, %dma_wait3A_524] : memref<4x128x64xf32, #tpu.memory_space<vmem>> -> memref<1x128x64xf32, #tpu.memory_space<vmem>>
        %dma_wait3A_526 = tpu.memref_squeeze %dma_wait3A_525 : memref<1x128x64xf32, #tpu.memory_space<vmem>> -> memref<128x64xf32, #tpu.memory_space<vmem>>
        %dma_wait3A_527 = arith.constant 0 : i32
        %dma_wait3A_528 = tpu.memref_slice %arg10[%dma_wait3A_521, %dma_wait3A_527] : memref<80x128xi32, #tpu.memory_space<vmem>> -> memref<1x128xi32, #tpu.memory_space<vmem>>
        %dma_wait3A_529 = tpu.memref_squeeze %dma_wait3A_528 : memref<1x128xi32, #tpu.memory_space<vmem>> -> memref<128xi32, #tpu.memory_space<vmem>>
        %dma_wait3A_530 = arith.constant 0 : i32
        %dma_wait3A_531 = arith.constant 0 : i32
        %dma_wait3A_532 = tpu.memref_slice %arg8[%dma_wait3A_530, %dma_wait3A_531] : memref<5120x64xf32, #tpu.memory_space<vmem_shared>> -> memref<5120x64xf32, #tpu.memory_space<vmem_shared>>
        %dma_wait3A_533 = tpu.memref_slice %arg16[%dma_wait3A_522] : memref<4x!tpu.dma_semaphore, #tpu.memory_space<semaphore_mem>> -> memref<1x!tpu.dma_semaphore, #tpu.memory_space<semaphore_mem>>
        %dma_wait3A_534 = tpu.memref_squeeze %dma_wait3A_533 : memref<1x!tpu.dma_semaphore, #tpu.memory_space<semaphore_mem>> -> memref<!tpu.dma_semaphore, #tpu.memory_space<semaphore_mem>>
        tpu.wait_indirect_dma semaphore(%dma_wait3A_534 : memref<!tpu.dma_semaphore, #tpu.memory_space<semaphore_mem>>) src(%dma_wait3A_526 : memref<128x64xf32, #tpu.memory_space<vmem>>) dst(%dma_wait3A_532 : memref<5120x64xf32, #tpu.memory_space<vmem_shared>>)
        %dma_wait3A_535 = arith.constant 3 : i32
        %dma_wait3A_536 = arith.constant 0 : i32
        %dma_wait3A_537 = arith.constant 3 : i32
        %dma_wait3A_538 = arith.constant 0 : i32
        %dma_wait3A_539 = arith.constant 0 : i32
        %dma_wait3A_540 = tpu.memref_slice %arg13[%dma_wait3A_535, %dma_wait3A_538, %dma_wait3A_539] : memref<4x128x64xf32, #tpu.memory_space<vmem>> -> memref<1x128x64xf32, #tpu.memory_space<vmem>>
        %dma_wait3A_541 = tpu.memref_squeeze %dma_wait3A_540 : memref<1x128x64xf32, #tpu.memory_space<vmem>> -> memref<128x64xf32, #tpu.memory_space<vmem>>
        %dma_wait3A_542 = arith.constant 0 : i32
        %dma_wait3A_543 = tpu.memref_slice %arg11[%dma_wait3A_536, %dma_wait3A_542] : memref<80x128xi32, #tpu.memory_space<vmem>> -> memref<1x128xi32, #tpu.memory_space<vmem>>
        %dma_wait3A_544 = tpu.memref_squeeze %dma_wait3A_543 : memref<1x128xi32, #tpu.memory_space<vmem>> -> memref<128xi32, #tpu.memory_space<vmem>>
        %dma_wait3A_545 = arith.constant 0 : i32
        %dma_wait3A_546 = arith.constant 0 : i32
        %dma_wait3A_547 = tpu.memref_slice %arg9[%dma_wait3A_545, %dma_wait3A_546] : memref<5120x64xf32, #tpu.memory_space<vmem_shared>> -> memref<5120x64xf32, #tpu.memory_space<vmem_shared>>
        %dma_wait3A_548 = tpu.memref_slice %arg17[%dma_wait3A_537] : memref<4x!tpu.dma_semaphore, #tpu.memory_space<semaphore_mem>> -> memref<1x!tpu.dma_semaphore, #tpu.memory_space<semaphore_mem>>
        %dma_wait3A_549 = tpu.memref_squeeze %dma_wait3A_548 : memref<1x!tpu.dma_semaphore, #tpu.memory_space<semaphore_mem>> -> memref<!tpu.dma_semaphore, #tpu.memory_space<semaphore_mem>>
        tpu.wait_indirect_dma semaphore(%dma_wait3A_549 : memref<!tpu.dma_semaphore, #tpu.memory_space<semaphore_mem>>) src(%dma_wait3A_541 : memref<128x64xf32, #tpu.memory_space<vmem>>) dst(%dma_wait3A_547 : memref<5120x64xf32, #tpu.memory_space<vmem_shared>>)
        %add3A_550 = arith.constant 4 : i32
        %add3A_551 = arith.addi %mul3A_254, %add3A_550 : i32
        %add3A_552 = arith.constant 3 : i32
        %add3A_553 = arith.addi %add3A_551, %add3A_552 : i32
        %dma_start3A_554 = arith.constant 3 : i32
        %dma_start3A_555 = arith.constant 3 : i32
        %dma_start3A_556 = arith.constant 0 : i32
        %dma_start3A_557 = arith.constant 0 : i32
        %dma_start3A_558 = tpu.memref_slice %arg12[%dma_start3A_554, %dma_start3A_556, %dma_start3A_557] : memref<4x128x64xf32, #tpu.memory_space<vmem>> -> memref<1x128x64xf32, #tpu.memory_space<vmem>>
        %dma_start3A_559 = tpu.memref_squeeze %dma_start3A_558 : memref<1x128x64xf32, #tpu.memory_space<vmem>> -> memref<128x64xf32, #tpu.memory_space<vmem>>
        %dma_start3A_560 = arith.constant 0 : i32
        %dma_start3A_561 = tpu.memref_slice %arg11[%add3A_553, %dma_start3A_560] : memref<80x128xi32, #tpu.memory_space<vmem>> -> memref<1x128xi32, #tpu.memory_space<vmem>>
        %dma_start3A_562 = tpu.memref_squeeze %dma_start3A_561 : memref<1x128xi32, #tpu.memory_space<vmem>> -> memref<128xi32, #tpu.memory_space<vmem>>
        %dma_start3A_563 = arith.constant 0 : i32
        %dma_start3A_564 = arith.constant 0 : i32
        %dma_start3A_565 = tpu.memref_slice %arg4[%dma_start3A_563, %dma_start3A_564] : memref<5120x64xf32, #tpu.memory_space<hbm>> -> memref<5120x64xf32, #tpu.memory_space<hbm>>
        %dma_start3A_566 = tpu.memref_slice %arg14[%dma_start3A_555] : memref<4x!tpu.dma_semaphore, #tpu.memory_space<semaphore_mem>> -> memref<1x!tpu.dma_semaphore, #tpu.memory_space<semaphore_mem>>
        %dma_start3A_567 = tpu.memref_squeeze %dma_start3A_566 : memref<1x!tpu.dma_semaphore, #tpu.memory_space<semaphore_mem>> -> memref<!tpu.dma_semaphore, #tpu.memory_space<semaphore_mem>>
        tpu.enqueue_indirect_dma source(%dma_start3A_565 : memref<5120x64xf32, #tpu.memory_space<hbm>>) target(%dma_start3A_559 : memref<128x64xf32, #tpu.memory_space<vmem>>) offsets(%dma_start3A_562 : memref<128xi32, #tpu.memory_space<vmem>>) semaphore(%dma_start3A_567 : memref<!tpu.dma_semaphore, #tpu.memory_space<semaphore_mem>>)
        %dma_start3A_568 = arith.constant 3 : i32
        %dma_start3A_569 = arith.constant 3 : i32
        %dma_start3A_570 = arith.constant 0 : i32
        %dma_start3A_571 = arith.constant 0 : i32
        %dma_start3A_572 = tpu.memref_slice %arg13[%dma_start3A_568, %dma_start3A_570, %dma_start3A_571] : memref<4x128x64xf32, #tpu.memory_space<vmem>> -> memref<1x128x64xf32, #tpu.memory_space<vmem>>
        %dma_start3A_573 = tpu.memref_squeeze %dma_start3A_572 : memref<1x128x64xf32, #tpu.memory_space<vmem>> -> memref<128x64xf32, #tpu.memory_space<vmem>>
        %dma_start3A_574 = arith.constant 0 : i32
        %dma_start3A_575 = tpu.memref_slice %arg10[%add3A_553, %dma_start3A_574] : memref<80x128xi32, #tpu.memory_space<vmem>> -> memref<1x128xi32, #tpu.memory_space<vmem>>
        %dma_start3A_576 = tpu.memref_squeeze %dma_start3A_575 : memref<1x128xi32, #tpu.memory_space<vmem>> -> memref<128xi32, #tpu.memory_space<vmem>>
        %dma_start3A_577 = arith.constant 0 : i32
        %dma_start3A_578 = arith.constant 0 : i32
        %dma_start3A_579 = tpu.memref_slice %arg3[%dma_start3A_577, %dma_start3A_578] : memref<5120x64xf32, #tpu.memory_space<hbm>> -> memref<5120x64xf32, #tpu.memory_space<hbm>>
        %dma_start3A_580 = tpu.memref_slice %arg15[%dma_start3A_569] : memref<4x!tpu.dma_semaphore, #tpu.memory_space<semaphore_mem>> -> memref<1x!tpu.dma_semaphore, #tpu.memory_space<semaphore_mem>>
        %dma_start3A_581 = tpu.memref_squeeze %dma_start3A_580 : memref<1x!tpu.dma_semaphore, #tpu.memory_space<semaphore_mem>> -> memref<!tpu.dma_semaphore, #tpu.memory_space<semaphore_mem>>
        tpu.enqueue_indirect_dma source(%dma_start3A_579 : memref<5120x64xf32, #tpu.memory_space<hbm>>) target(%dma_start3A_573 : memref<128x64xf32, #tpu.memory_space<vmem>>) offsets(%dma_start3A_576 : memref<128xi32, #tpu.memory_space<vmem>>) semaphore(%dma_start3A_581 : memref<!tpu.dma_semaphore, #tpu.memory_space<semaphore_mem>>)
      } else {
      }
    }
    %scan3A_131 = arith.constant 20 : i32
    %dma_wait3A = arith.constant 0 : i32
    %dma_wait3A_132 = arith.constant 0 : i32
    %dma_wait3A_133 = arith.constant 0 : i32
    %dma_wait3A_134 = arith.constant 0 : i32
    %dma_wait3A_135 = arith.constant 0 : i32
    %dma_wait3A_136 = tpu.memref_slice %arg12[%dma_wait3A, %dma_wait3A_134, %dma_wait3A_135] : memref<4x128x64xf32, #tpu.memory_space<vmem>> -> memref<1x128x64xf32, #tpu.memory_space<vmem>>
    %dma_wait3A_137 = tpu.memref_squeeze %dma_wait3A_136 : memref<1x128x64xf32, #tpu.memory_space<vmem>> -> memref<128x64xf32, #tpu.memory_space<vmem>>
    %dma_wait3A_138 = arith.constant 0 : i32
    %dma_wait3A_139 = tpu.memref_slice %arg10[%dma_wait3A_132, %dma_wait3A_138] : memref<80x128xi32, #tpu.memory_space<vmem>> -> memref<1x128xi32, #tpu.memory_space<vmem>>
    %dma_wait3A_140 = tpu.memref_squeeze %dma_wait3A_139 : memref<1x128xi32, #tpu.memory_space<vmem>> -> memref<128xi32, #tpu.memory_space<vmem>>
    %dma_wait3A_141 = arith.constant 0 : i32
    %dma_wait3A_142 = arith.constant 0 : i32
    %dma_wait3A_143 = tpu.memref_slice %arg8[%dma_wait3A_141, %dma_wait3A_142] : memref<5120x64xf32, #tpu.memory_space<vmem_shared>> -> memref<5120x64xf32, #tpu.memory_space<vmem_shared>>
    %dma_wait3A_144 = tpu.memref_slice %arg16[%dma_wait3A_133] : memref<4x!tpu.dma_semaphore, #tpu.memory_space<semaphore_mem>> -> memref<1x!tpu.dma_semaphore, #tpu.memory_space<semaphore_mem>>
    %dma_wait3A_145 = tpu.memref_squeeze %dma_wait3A_144 : memref<1x!tpu.dma_semaphore, #tpu.memory_space<semaphore_mem>> -> memref<!tpu.dma_semaphore, #tpu.memory_space<semaphore_mem>>
    tpu.wait_indirect_dma semaphore(%dma_wait3A_145 : memref<!tpu.dma_semaphore, #tpu.memory_space<semaphore_mem>>) src(%dma_wait3A_137 : memref<128x64xf32, #tpu.memory_space<vmem>>) dst(%dma_wait3A_143 : memref<5120x64xf32, #tpu.memory_space<vmem_shared>>)
    %dma_wait3A_146 = arith.constant 0 : i32
    %dma_wait3A_147 = arith.constant 0 : i32
    %dma_wait3A_148 = arith.constant 0 : i32
    %dma_wait3A_149 = arith.constant 0 : i32
    %dma_wait3A_150 = arith.constant 0 : i32
    %dma_wait3A_151 = tpu.memref_slice %arg13[%dma_wait3A_146, %dma_wait3A_149, %dma_wait3A_150] : memref<4x128x64xf32, #tpu.memory_space<vmem>> -> memref<1x128x64xf32, #tpu.memory_space<vmem>>
    %dma_wait3A_152 = tpu.memref_squeeze %dma_wait3A_151 : memref<1x128x64xf32, #tpu.memory_space<vmem>> -> memref<128x64xf32, #tpu.memory_space<vmem>>
    %dma_wait3A_153 = arith.constant 0 : i32
    %dma_wait3A_154 = tpu.memref_slice %arg11[%dma_wait3A_147, %dma_wait3A_153] : memref<80x128xi32, #tpu.memory_space<vmem>> -> memref<1x128xi32, #tpu.memory_space<vmem>>
    %dma_wait3A_155 = tpu.memref_squeeze %dma_wait3A_154 : memref<1x128xi32, #tpu.memory_space<vmem>> -> memref<128xi32, #tpu.memory_space<vmem>>
    %dma_wait3A_156 = arith.constant 0 : i32
    %dma_wait3A_157 = arith.constant 0 : i32
    %dma_wait3A_158 = tpu.memref_slice %arg9[%dma_wait3A_156, %dma_wait3A_157] : memref<5120x64xf32, #tpu.memory_space<vmem_shared>> -> memref<5120x64xf32, #tpu.memory_space<vmem_shared>>
    %dma_wait3A_159 = tpu.memref_slice %arg17[%dma_wait3A_148] : memref<4x!tpu.dma_semaphore, #tpu.memory_space<semaphore_mem>> -> memref<1x!tpu.dma_semaphore, #tpu.memory_space<semaphore_mem>>
    %dma_wait3A_160 = tpu.memref_squeeze %dma_wait3A_159 : memref<1x!tpu.dma_semaphore, #tpu.memory_space<semaphore_mem>> -> memref<!tpu.dma_semaphore, #tpu.memory_space<semaphore_mem>>
    tpu.wait_indirect_dma semaphore(%dma_wait3A_160 : memref<!tpu.dma_semaphore, #tpu.memory_space<semaphore_mem>>) src(%dma_wait3A_152 : memref<128x64xf32, #tpu.memory_space<vmem>>) dst(%dma_wait3A_158 : memref<5120x64xf32, #tpu.memory_space<vmem_shared>>)
    %dma_wait3A_161 = arith.constant 1 : i32
    %dma_wait3A_162 = arith.constant 0 : i32
    %dma_wait3A_163 = arith.constant 1 : i32
    %dma_wait3A_164 = arith.constant 0 : i32
    %dma_wait3A_165 = arith.constant 0 : i32
    %dma_wait3A_166 = tpu.memref_slice %arg12[%dma_wait3A_161, %dma_wait3A_164, %dma_wait3A_165] : memref<4x128x64xf32, #tpu.memory_space<vmem>> -> memref<1x128x64xf32, #tpu.memory_space<vmem>>
    %dma_wait3A_167 = tpu.memref_squeeze %dma_wait3A_166 : memref<1x128x64xf32, #tpu.memory_space<vmem>> -> memref<128x64xf32, #tpu.memory_space<vmem>>
    %dma_wait3A_168 = arith.constant 0 : i32
    %dma_wait3A_169 = tpu.memref_slice %arg10[%dma_wait3A_162, %dma_wait3A_168] : memref<80x128xi32, #tpu.memory_space<vmem>> -> memref<1x128xi32, #tpu.memory_space<vmem>>
    %dma_wait3A_170 = tpu.memref_squeeze %dma_wait3A_169 : memref<1x128xi32, #tpu.memory_space<vmem>> -> memref<128xi32, #tpu.memory_space<vmem>>
    %dma_wait3A_171 = arith.constant 0 : i32
    %dma_wait3A_172 = arith.constant 0 : i32
    %dma_wait3A_173 = tpu.memref_slice %arg8[%dma_wait3A_171, %dma_wait3A_172] : memref<5120x64xf32, #tpu.memory_space<vmem_shared>> -> memref<5120x64xf32, #tpu.memory_space<vmem_shared>>
    %dma_wait3A_174 = tpu.memref_slice %arg16[%dma_wait3A_163] : memref<4x!tpu.dma_semaphore, #tpu.memory_space<semaphore_mem>> -> memref<1x!tpu.dma_semaphore, #tpu.memory_space<semaphore_mem>>
    %dma_wait3A_175 = tpu.memref_squeeze %dma_wait3A_174 : memref<1x!tpu.dma_semaphore, #tpu.memory_space<semaphore_mem>> -> memref<!tpu.dma_semaphore, #tpu.memory_space<semaphore_mem>>
    tpu.wait_indirect_dma semaphore(%dma_wait3A_175 : memref<!tpu.dma_semaphore, #tpu.memory_space<semaphore_mem>>) src(%dma_wait3A_167 : memref<128x64xf32, #tpu.memory_space<vmem>>) dst(%dma_wait3A_173 : memref<5120x64xf32, #tpu.memory_space<vmem_shared>>)
    %dma_wait3A_176 = arith.constant 1 : i32
    %dma_wait3A_177 = arith.constant 0 : i32
    %dma_wait3A_178 = arith.constant 1 : i32
    %dma_wait3A_179 = arith.constant 0 : i32
    %dma_wait3A_180 = arith.constant 0 : i32
    %dma_wait3A_181 = tpu.memref_slice %arg13[%dma_wait3A_176, %dma_wait3A_179, %dma_wait3A_180] : memref<4x128x64xf32, #tpu.memory_space<vmem>> -> memref<1x128x64xf32, #tpu.memory_space<vmem>>
    %dma_wait3A_182 = tpu.memref_squeeze %dma_wait3A_181 : memref<1x128x64xf32, #tpu.memory_space<vmem>> -> memref<128x64xf32, #tpu.memory_space<vmem>>
    %dma_wait3A_183 = arith.constant 0 : i32
    %dma_wait3A_184 = tpu.memref_slice %arg11[%dma_wait3A_177, %dma_wait3A_183] : memref<80x128xi32, #tpu.memory_space<vmem>> -> memref<1x128xi32, #tpu.memory_space<vmem>>
    %dma_wait3A_185 = tpu.memref_squeeze %dma_wait3A_184 : memref<1x128xi32, #tpu.memory_space<vmem>> -> memref<128xi32, #tpu.memory_space<vmem>>
    %dma_wait3A_186 = arith.constant 0 : i32
    %dma_wait3A_187 = arith.constant 0 : i32
    %dma_wait3A_188 = tpu.memref_slice %arg9[%dma_wait3A_186, %dma_wait3A_187] : memref<5120x64xf32, #tpu.memory_space<vmem_shared>> -> memref<5120x64xf32, #tpu.memory_space<vmem_shared>>
    %dma_wait3A_189 = tpu.memref_slice %arg17[%dma_wait3A_178] : memref<4x!tpu.dma_semaphore, #tpu.memory_space<semaphore_mem>> -> memref<1x!tpu.dma_semaphore, #tpu.memory_space<semaphore_mem>>
    %dma_wait3A_190 = tpu.memref_squeeze %dma_wait3A_189 : memref<1x!tpu.dma_semaphore, #tpu.memory_space<semaphore_mem>> -> memref<!tpu.dma_semaphore, #tpu.memory_space<semaphore_mem>>
    tpu.wait_indirect_dma semaphore(%dma_wait3A_190 : memref<!tpu.dma_semaphore, #tpu.memory_space<semaphore_mem>>) src(%dma_wait3A_182 : memref<128x64xf32, #tpu.memory_space<vmem>>) dst(%dma_wait3A_188 : memref<5120x64xf32, #tpu.memory_space<vmem_shared>>)
    %dma_wait3A_191 = arith.constant 2 : i32
    %dma_wait3A_192 = arith.constant 0 : i32
    %dma_wait3A_193 = arith.constant 2 : i32
    %dma_wait3A_194 = arith.constant 0 : i32
    %dma_wait3A_195 = arith.constant 0 : i32
    %dma_wait3A_196 = tpu.memref_slice %arg12[%dma_wait3A_191, %dma_wait3A_194, %dma_wait3A_195] : memref<4x128x64xf32, #tpu.memory_space<vmem>> -> memref<1x128x64xf32, #tpu.memory_space<vmem>>
    %dma_wait3A_197 = tpu.memref_squeeze %dma_wait3A_196 : memref<1x128x64xf32, #tpu.memory_space<vmem>> -> memref<128x64xf32, #tpu.memory_space<vmem>>
    %dma_wait3A_198 = arith.constant 0 : i32
    %dma_wait3A_199 = tpu.memref_slice %arg10[%dma_wait3A_192, %dma_wait3A_198] : memref<80x128xi32, #tpu.memory_space<vmem>> -> memref<1x128xi32, #tpu.memory_space<vmem>>
    %dma_wait3A_200 = tpu.memref_squeeze %dma_wait3A_199 : memref<1x128xi32, #tpu.memory_space<vmem>> -> memref<128xi32, #tpu.memory_space<vmem>>
    %dma_wait3A_201 = arith.constant 0 : i32
    %dma_wait3A_202 = arith.constant 0 : i32
    %dma_wait3A_203 = tpu.memref_slice %arg8[%dma_wait3A_201, %dma_wait3A_202] : memref<5120x64xf32, #tpu.memory_space<vmem_shared>> -> memref<5120x64xf32, #tpu.memory_space<vmem_shared>>
    %dma_wait3A_204 = tpu.memref_slice %arg16[%dma_wait3A_193] : memref<4x!tpu.dma_semaphore, #tpu.memory_space<semaphore_mem>> -> memref<1x!tpu.dma_semaphore, #tpu.memory_space<semaphore_mem>>
    %dma_wait3A_205 = tpu.memref_squeeze %dma_wait3A_204 : memref<1x!tpu.dma_semaphore, #tpu.memory_space<semaphore_mem>> -> memref<!tpu.dma_semaphore, #tpu.memory_space<semaphore_mem>>
    tpu.wait_indirect_dma semaphore(%dma_wait3A_205 : memref<!tpu.dma_semaphore, #tpu.memory_space<semaphore_mem>>) src(%dma_wait3A_197 : memref<128x64xf32, #tpu.memory_space<vmem>>) dst(%dma_wait3A_203 : memref<5120x64xf32, #tpu.memory_space<vmem_shared>>)
    %dma_wait3A_206 = arith.constant 2 : i32
    %dma_wait3A_207 = arith.constant 0 : i32
    %dma_wait3A_208 = arith.constant 2 : i32
    %dma_wait3A_209 = arith.constant 0 : i32
    %dma_wait3A_210 = arith.constant 0 : i32
    %dma_wait3A_211 = tpu.memref_slice %arg13[%dma_wait3A_206, %dma_wait3A_209, %dma_wait3A_210] : memref<4x128x64xf32, #tpu.memory_space<vmem>> -> memref<1x128x64xf32, #tpu.memory_space<vmem>>
    %dma_wait3A_212 = tpu.memref_squeeze %dma_wait3A_211 : memref<1x128x64xf32, #tpu.memory_space<vmem>> -> memref<128x64xf32, #tpu.memory_space<vmem>>
    %dma_wait3A_213 = arith.constant 0 : i32
    %dma_wait3A_214 = tpu.memref_slice %arg11[%dma_wait3A_207, %dma_wait3A_213] : memref<80x128xi32, #tpu.memory_space<vmem>> -> memref<1x128xi32, #tpu.memory_space<vmem>>
    %dma_wait3A_215 = tpu.memref_squeeze %dma_wait3A_214 : memref<1x128xi32, #tpu.memory_space<vmem>> -> memref<128xi32, #tpu.memory_space<vmem>>
    %dma_wait3A_216 = arith.constant 0 : i32
    %dma_wait3A_217 = arith.constant 0 : i32
    %dma_wait3A_218 = tpu.memref_slice %arg9[%dma_wait3A_216, %dma_wait3A_217] : memref<5120x64xf32, #tpu.memory_space<vmem_shared>> -> memref<5120x64xf32, #tpu.memory_space<vmem_shared>>
    %dma_wait3A_219 = tpu.memref_slice %arg17[%dma_wait3A_208] : memref<4x!tpu.dma_semaphore, #tpu.memory_space<semaphore_mem>> -> memref<1x!tpu.dma_semaphore, #tpu.memory_space<semaphore_mem>>
    %dma_wait3A_220 = tpu.memref_squeeze %dma_wait3A_219 : memref<1x!tpu.dma_semaphore, #tpu.memory_space<semaphore_mem>> -> memref<!tpu.dma_semaphore, #tpu.memory_space<semaphore_mem>>
    tpu.wait_indirect_dma semaphore(%dma_wait3A_220 : memref<!tpu.dma_semaphore, #tpu.memory_space<semaphore_mem>>) src(%dma_wait3A_212 : memref<128x64xf32, #tpu.memory_space<vmem>>) dst(%dma_wait3A_218 : memref<5120x64xf32, #tpu.memory_space<vmem_shared>>)
    %dma_wait3A_221 = arith.constant 3 : i32
    %dma_wait3A_222 = arith.constant 0 : i32
    %dma_wait3A_223 = arith.constant 3 : i32
    %dma_wait3A_224 = arith.constant 0 : i32
    %dma_wait3A_225 = arith.constant 0 : i32
    %dma_wait3A_226 = tpu.memref_slice %arg12[%dma_wait3A_221, %dma_wait3A_224, %dma_wait3A_225] : memref<4x128x64xf32, #tpu.memory_space<vmem>> -> memref<1x128x64xf32, #tpu.memory_space<vmem>>
    %dma_wait3A_227 = tpu.memref_squeeze %dma_wait3A_226 : memref<1x128x64xf32, #tpu.memory_space<vmem>> -> memref<128x64xf32, #tpu.memory_space<vmem>>
    %dma_wait3A_228 = arith.constant 0 : i32
    %dma_wait3A_229 = tpu.memref_slice %arg10[%dma_wait3A_222, %dma_wait3A_228] : memref<80x128xi32, #tpu.memory_space<vmem>> -> memref<1x128xi32, #tpu.memory_space<vmem>>
    %dma_wait3A_230 = tpu.memref_squeeze %dma_wait3A_229 : memref<1x128xi32, #tpu.memory_space<vmem>> -> memref<128xi32, #tpu.memory_space<vmem>>
    %dma_wait3A_231 = arith.constant 0 : i32
    %dma_wait3A_232 = arith.constant 0 : i32
    %dma_wait3A_233 = tpu.memref_slice %arg8[%dma_wait3A_231, %dma_wait3A_232] : memref<5120x64xf32, #tpu.memory_space<vmem_shared>> -> memref<5120x64xf32, #tpu.memory_space<vmem_shared>>
    %dma_wait3A_234 = tpu.memref_slice %arg16[%dma_wait3A_223] : memref<4x!tpu.dma_semaphore, #tpu.memory_space<semaphore_mem>> -> memref<1x!tpu.dma_semaphore, #tpu.memory_space<semaphore_mem>>
    %dma_wait3A_235 = tpu.memref_squeeze %dma_wait3A_234 : memref<1x!tpu.dma_semaphore, #tpu.memory_space<semaphore_mem>> -> memref<!tpu.dma_semaphore, #tpu.memory_space<semaphore_mem>>
    tpu.wait_indirect_dma semaphore(%dma_wait3A_235 : memref<!tpu.dma_semaphore, #tpu.memory_space<semaphore_mem>>) src(%dma_wait3A_227 : memref<128x64xf32, #tpu.memory_space<vmem>>) dst(%dma_wait3A_233 : memref<5120x64xf32, #tpu.memory_space<vmem_shared>>)
    %dma_wait3A_236 = arith.constant 3 : i32
    %dma_wait3A_237 = arith.constant 0 : i32
    %dma_wait3A_238 = arith.constant 3 : i32
    %dma_wait3A_239 = arith.constant 0 : i32
    %dma_wait3A_240 = arith.constant 0 : i32
    %dma_wait3A_241 = tpu.memref_slice %arg13[%dma_wait3A_236, %dma_wait3A_239, %dma_wait3A_240] : memref<4x128x64xf32, #tpu.memory_space<vmem>> -> memref<1x128x64xf32, #tpu.memory_space<vmem>>
    %dma_wait3A_242 = tpu.memref_squeeze %dma_wait3A_241 : memref<1x128x64xf32, #tpu.memory_space<vmem>> -> memref<128x64xf32, #tpu.memory_space<vmem>>
    %dma_wait3A_243 = arith.constant 0 : i32
    %dma_wait3A_244 = tpu.memref_slice %arg11[%dma_wait3A_237, %dma_wait3A_243] : memref<80x128xi32, #tpu.memory_space<vmem>> -> memref<1x128xi32, #tpu.memory_space<vmem>>
    %dma_wait3A_245 = tpu.memref_squeeze %dma_wait3A_244 : memref<1x128xi32, #tpu.memory_space<vmem>> -> memref<128xi32, #tpu.memory_space<vmem>>
    %dma_wait3A_246 = arith.constant 0 : i32
    %dma_wait3A_247 = arith.constant 0 : i32
    %dma_wait3A_248 = tpu.memref_slice %arg9[%dma_wait3A_246, %dma_wait3A_247] : memref<5120x64xf32, #tpu.memory_space<vmem_shared>> -> memref<5120x64xf32, #tpu.memory_space<vmem_shared>>
    %dma_wait3A_249 = tpu.memref_slice %arg17[%dma_wait3A_238] : memref<4x!tpu.dma_semaphore, #tpu.memory_space<semaphore_mem>> -> memref<1x!tpu.dma_semaphore, #tpu.memory_space<semaphore_mem>>
    %dma_wait3A_250 = tpu.memref_squeeze %dma_wait3A_249 : memref<1x!tpu.dma_semaphore, #tpu.memory_space<semaphore_mem>> -> memref<!tpu.dma_semaphore, #tpu.memory_space<semaphore_mem>>
    tpu.wait_indirect_dma semaphore(%dma_wait3A_250 : memref<!tpu.dma_semaphore, #tpu.memory_space<semaphore_mem>>) src(%dma_wait3A_242 : memref<128x64xf32, #tpu.memory_space<vmem>>) dst(%dma_wait3A_248 : memref<5120x64xf32, #tpu.memory_space<vmem_shared>>)
    %barrier3A_251 = arith.constant 0 : index
    tpu.barrier barrier_id(%barrier3A_251)
    "tpu.region"() ({
      %run_scoped3A_252 = tpu.sem_alloc : memref<!tpu.dma_semaphore, #tpu.memory_space<semaphore_mem>>
      %dma_start3A_253 = arith.constant 0 : i32
      %dma_start3A_254 = tpu.memref_slice %arg6[%arg0, %mul3A_2, %dma_start3A_253] : memref<2x5120x64xf32, #tpu.memory_space<hbm>> -> memref<1x320x64xf32, #tpu.memory_space<hbm>>
      %dma_start3A_255 = tpu.memref_squeeze %dma_start3A_254 : memref<1x320x64xf32, #tpu.memory_space<hbm>> -> memref<320x64xf32, #tpu.memory_space<hbm>>
      %dma_start3A_256 = arith.constant 0 : i32
      %dma_start3A_257 = tpu.memref_slice %arg8[%mul3A_2, %dma_start3A_256] : memref<5120x64xf32, #tpu.memory_space<vmem_shared>> -> memref<320x64xf32, #tpu.memory_space<vmem_shared>>
      tpu.enqueue_dma source(%dma_start3A_257 : memref<320x64xf32, #tpu.memory_space<vmem_shared>>) target(%dma_start3A_255 : memref<320x64xf32, #tpu.memory_space<hbm>>) target_semaphore(%run_scoped3A_252 : memref<!tpu.dma_semaphore, #tpu.memory_space<semaphore_mem>>)
      %dma_wait3A_258 = arith.constant 0 : i32
      %dma_wait3A_259 = tpu.memref_slice %arg6[%arg0, %mul3A_2, %dma_wait3A_258] : memref<2x5120x64xf32, #tpu.memory_space<hbm>> -> memref<1x320x64xf32, #tpu.memory_space<hbm>>
      %dma_wait3A_260 = tpu.memref_squeeze %dma_wait3A_259 : memref<1x320x64xf32, #tpu.memory_space<hbm>> -> memref<320x64xf32, #tpu.memory_space<hbm>>
      %dma_wait3A_261 = arith.constant 0 : i32
      %dma_wait3A_262 = tpu.memref_slice %arg8[%mul3A_2, %dma_wait3A_261] : memref<5120x64xf32, #tpu.memory_space<vmem_shared>> -> memref<320x64xf32, #tpu.memory_space<vmem_shared>>
      tpu.wait_dma2 semaphore(%run_scoped3A_252 : memref<!tpu.dma_semaphore, #tpu.memory_space<semaphore_mem>>) src(%dma_wait3A_262 : memref<320x64xf32, #tpu.memory_space<vmem_shared>>) dst(%dma_wait3A_260 : memref<320x64xf32, #tpu.memory_space<hbm>>)
      tpu.yield
    }) : () -> ()
    "tpu.region"() ({
      %run_scoped3A_252 = tpu.sem_alloc : memref<!tpu.dma_semaphore, #tpu.memory_space<semaphore_mem>>
      %dma_start3A_253 = arith.constant 0 : i32
      %dma_start3A_254 = tpu.memref_slice %arg7[%arg0, %mul3A_2, %dma_start3A_253] : memref<2x5120x64xf32, #tpu.memory_space<hbm>> -> memref<1x320x64xf32, #tpu.memory_space<hbm>>
      %dma_start3A_255 = tpu.memref_squeeze %dma_start3A_254 : memref<1x320x64xf32, #tpu.memory_space<hbm>> -> memref<320x64xf32, #tpu.memory_space<hbm>>
      %dma_start3A_256 = arith.constant 0 : i32
      %dma_start3A_257 = tpu.memref_slice %arg9[%mul3A_2, %dma_start3A_256] : memref<5120x64xf32, #tpu.memory_space<vmem_shared>> -> memref<320x64xf32, #tpu.memory_space<vmem_shared>>
      tpu.enqueue_dma source(%dma_start3A_257 : memref<320x64xf32, #tpu.memory_space<vmem_shared>>) target(%dma_start3A_255 : memref<320x64xf32, #tpu.memory_space<hbm>>) target_semaphore(%run_scoped3A_252 : memref<!tpu.dma_semaphore, #tpu.memory_space<semaphore_mem>>)
      %dma_wait3A_258 = arith.constant 0 : i32
      %dma_wait3A_259 = tpu.memref_slice %arg7[%arg0, %mul3A_2, %dma_wait3A_258] : memref<2x5120x64xf32, #tpu.memory_space<hbm>> -> memref<1x320x64xf32, #tpu.memory_space<hbm>>
      %dma_wait3A_260 = tpu.memref_squeeze %dma_wait3A_259 : memref<1x320x64xf32, #tpu.memory_space<hbm>> -> memref<320x64xf32, #tpu.memory_space<hbm>>
      %dma_wait3A_261 = arith.constant 0 : i32
      %dma_wait3A_262 = tpu.memref_slice %arg9[%mul3A_2, %dma_wait3A_261] : memref<5120x64xf32, #tpu.memory_space<vmem_shared>> -> memref<320x64xf32, #tpu.memory_space<vmem_shared>>
      tpu.wait_dma2 semaphore(%run_scoped3A_252 : memref<!tpu.dma_semaphore, #tpu.memory_space<semaphore_mem>>) src(%dma_wait3A_262 : memref<320x64xf32, #tpu.memory_space<vmem_shared>>) dst(%dma_wait3A_260 : memref<320x64xf32, #tpu.memory_space<hbm>>)
      tpu.yield
    }) : () -> ()
    return
  }
}

#map = affine_map<(d0, d1) -> (0, 0, 0)>
#map1 = affine_map<(d0, d1) -> (0, 0)>
module attributes {stable_mosaic.version = 14 : i64} {
  func.func @score_kernel(%arg0: i32, %arg1: i32, %arg2: memref<2x1792x128xi32, #tpu.memory_space<hbm>>, %arg3: memref<5120x64xf32, #tpu.memory_space<hbm>>, %arg4: memref<5120x64xf32, #tpu.memory_space<hbm>>, %arg5: memref<229376x128xf32, #tpu.memory_space<hbm>>, %arg6: memref<56x128xi32, #tpu.memory_space<vmem>>, %arg7: memref<56x128xi32, #tpu.memory_space<vmem>>, %arg8: memref<4x128x64xf32, #tpu.memory_space<vmem>>, %arg9: memref<4x128x64xf32, #tpu.memory_space<vmem>>, %arg10: memref<4x!tpu.dma_semaphore, #tpu.memory_space<semaphore_mem>>, %arg11: memref<4x!tpu.dma_semaphore, #tpu.memory_space<semaphore_mem>>, %arg12: memref<4x!tpu.dma_semaphore, #tpu.memory_space<semaphore_mem>>, %arg13: memref<4x!tpu.dma_semaphore, #tpu.memory_space<semaphore_mem>>) attributes {dimension_semantics = [#tpu.dimension_semantics<core_parallel>, #tpu.dimension_semantics<subcore_parallel>], iteration_bounds = array<i64: 2, 16>, scalar_prefetch = 0 : i64, scratch_operands = 8 : i64, tpu.core_type = #tpu.core_type<sc_vector_subcore>, window_params = [{transform_indices = #map}, {transform_indices = #map1}, {transform_indices = #map1}, {transform_indices = #map1}]} {
    %mul3A = arith.constant 16 : i32
    %mul3A_0 = arith.muli %arg0, %mul3A : i32
    %add3A = arith.addi %mul3A_0, %arg1 : i32
    %mul3A_1 = arith.constant 56 : i32
    %mul3A_2 = arith.muli %add3A, %mul3A_1 : i32
    %run_scoped3A = arith.constant 0 : i32
    "tpu.region"() ({
      %run_scoped3A_263 = tpu.sem_alloc : memref<!tpu.dma_semaphore, #tpu.memory_space<semaphore_mem>>
      %dma_start3A_264 = arith.constant 0 : i32
      %dma_start3A_265 = tpu.memref_slice %arg2[%run_scoped3A, %mul3A_2, %dma_start3A_264] : memref<2x1792x128xi32, #tpu.memory_space<hbm>> -> memref<1x56x128xi32, #tpu.memory_space<hbm>>
      %dma_start3A_266 = tpu.memref_squeeze %dma_start3A_265 : memref<1x56x128xi32, #tpu.memory_space<hbm>> -> memref<56x128xi32, #tpu.memory_space<hbm>>
      %dma_start3A_267 = arith.constant 0 : i32
      %dma_start3A_268 = tpu.memref_slice %arg2[%run_scoped3A, %mul3A_2, %dma_start3A_267] : memref<2x1792x128xi32, #tpu.memory_space<hbm>> -> memref<1x56x128xi32, #tpu.memory_space<hbm>>
      %dma_start3A_269 = tpu.memref_squeeze %dma_start3A_268 : memref<1x56x128xi32, #tpu.memory_space<hbm>> -> memref<56x128xi32, #tpu.memory_space<hbm>>
      tpu.enqueue_dma source(%dma_start3A_269 : memref<56x128xi32, #tpu.memory_space<hbm>>) target(%arg6 : memref<56x128xi32, #tpu.memory_space<vmem>>) target_semaphore(%run_scoped3A_263 : memref<!tpu.dma_semaphore, #tpu.memory_space<semaphore_mem>>)
      %dma_wait3A_270 = arith.constant 0 : i32
      %dma_wait3A_271 = tpu.memref_slice %arg2[%run_scoped3A, %mul3A_2, %dma_wait3A_270] : memref<2x1792x128xi32, #tpu.memory_space<hbm>> -> memref<1x56x128xi32, #tpu.memory_space<hbm>>
      %dma_wait3A_272 = tpu.memref_squeeze %dma_wait3A_271 : memref<1x56x128xi32, #tpu.memory_space<hbm>> -> memref<56x128xi32, #tpu.memory_space<hbm>>
      %dma_wait3A_273 = arith.constant 0 : i32
      %dma_wait3A_274 = tpu.memref_slice %arg2[%run_scoped3A, %mul3A_2, %dma_wait3A_273] : memref<2x1792x128xi32, #tpu.memory_space<hbm>> -> memref<1x56x128xi32, #tpu.memory_space<hbm>>
      %dma_wait3A_275 = tpu.memref_squeeze %dma_wait3A_274 : memref<1x56x128xi32, #tpu.memory_space<hbm>> -> memref<56x128xi32, #tpu.memory_space<hbm>>
      tpu.wait_dma2 semaphore(%run_scoped3A_263 : memref<!tpu.dma_semaphore, #tpu.memory_space<semaphore_mem>>) src(%dma_wait3A_275 : memref<56x128xi32, #tpu.memory_space<hbm>>) dst(%arg6 : memref<56x128xi32, #tpu.memory_space<vmem>>)
      tpu.yield
    }) : () -> ()
    %run_scoped3A_3 = arith.constant 1 : i32
    "tpu.region"() ({
      %run_scoped3A_263 = tpu.sem_alloc : memref<!tpu.dma_semaphore, #tpu.memory_space<semaphore_mem>>
      %dma_start3A_264 = arith.constant 0 : i32
      %dma_start3A_265 = tpu.memref_slice %arg2[%run_scoped3A_3, %mul3A_2, %dma_start3A_264] : memref<2x1792x128xi32, #tpu.memory_space<hbm>> -> memref<1x56x128xi32, #tpu.memory_space<hbm>>
      %dma_start3A_266 = tpu.memref_squeeze %dma_start3A_265 : memref<1x56x128xi32, #tpu.memory_space<hbm>> -> memref<56x128xi32, #tpu.memory_space<hbm>>
      %dma_start3A_267 = arith.constant 0 : i32
      %dma_start3A_268 = tpu.memref_slice %arg2[%run_scoped3A_3, %mul3A_2, %dma_start3A_267] : memref<2x1792x128xi32, #tpu.memory_space<hbm>> -> memref<1x56x128xi32, #tpu.memory_space<hbm>>
      %dma_start3A_269 = tpu.memref_squeeze %dma_start3A_268 : memref<1x56x128xi32, #tpu.memory_space<hbm>> -> memref<56x128xi32, #tpu.memory_space<hbm>>
      tpu.enqueue_dma source(%dma_start3A_269 : memref<56x128xi32, #tpu.memory_space<hbm>>) target(%arg7 : memref<56x128xi32, #tpu.memory_space<vmem>>) target_semaphore(%run_scoped3A_263 : memref<!tpu.dma_semaphore, #tpu.memory_space<semaphore_mem>>)
      %dma_wait3A_270 = arith.constant 0 : i32
      %dma_wait3A_271 = tpu.memref_slice %arg2[%run_scoped3A_3, %mul3A_2, %dma_wait3A_270] : memref<2x1792x128xi32, #tpu.memory_space<hbm>> -> memref<1x56x128xi32, #tpu.memory_space<hbm>>
      %dma_wait3A_272 = tpu.memref_squeeze %dma_wait3A_271 : memref<1x56x128xi32, #tpu.memory_space<hbm>> -> memref<56x128xi32, #tpu.memory_space<hbm>>
      %dma_wait3A_273 = arith.constant 0 : i32
      %dma_wait3A_274 = tpu.memref_slice %arg2[%run_scoped3A_3, %mul3A_2, %dma_wait3A_273] : memref<2x1792x128xi32, #tpu.memory_space<hbm>> -> memref<1x56x128xi32, #tpu.memory_space<hbm>>
      %dma_wait3A_275 = tpu.memref_squeeze %dma_wait3A_274 : memref<1x56x128xi32, #tpu.memory_space<hbm>> -> memref<56x128xi32, #tpu.memory_space<hbm>>
      tpu.wait_dma2 semaphore(%run_scoped3A_263 : memref<!tpu.dma_semaphore, #tpu.memory_space<semaphore_mem>>) src(%dma_wait3A_275 : memref<56x128xi32, #tpu.memory_space<hbm>>) dst(%arg7 : memref<56x128xi32, #tpu.memory_space<vmem>>)
      tpu.yield
    }) : () -> ()
    %dma_start3A = arith.constant 0 : i32
    %dma_start3A_4 = arith.constant 0 : i32
    %dma_start3A_5 = arith.constant 0 : i32
    %dma_start3A_6 = arith.constant 0 : i32
    %dma_start3A_7 = arith.constant 0 : i32
    %dma_start3A_8 = tpu.memref_slice %arg8[%dma_start3A_4, %dma_start3A_6, %dma_start3A_7] : memref<4x128x64xf32, #tpu.memory_space<vmem>> -> memref<1x128x64xf32, #tpu.memory_space<vmem>>
    %dma_start3A_9 = tpu.memref_squeeze %dma_start3A_8 : memref<1x128x64xf32, #tpu.memory_space<vmem>> -> memref<128x64xf32, #tpu.memory_space<vmem>>
    %dma_start3A_10 = arith.constant 0 : i32
    %dma_start3A_11 = tpu.memref_slice %arg6[%dma_start3A, %dma_start3A_10] : memref<56x128xi32, #tpu.memory_space<vmem>> -> memref<1x128xi32, #tpu.memory_space<vmem>>
    %dma_start3A_12 = tpu.memref_squeeze %dma_start3A_11 : memref<1x128xi32, #tpu.memory_space<vmem>> -> memref<128xi32, #tpu.memory_space<vmem>>
    %dma_start3A_13 = arith.constant 0 : i32
    %dma_start3A_14 = arith.constant 0 : i32
    %dma_start3A_15 = tpu.memref_slice %arg3[%dma_start3A_13, %dma_start3A_14] : memref<5120x64xf32, #tpu.memory_space<hbm>> -> memref<5120x64xf32, #tpu.memory_space<hbm>>
    %dma_start3A_16 = tpu.memref_slice %arg10[%dma_start3A_5] : memref<4x!tpu.dma_semaphore, #tpu.memory_space<semaphore_mem>> -> memref<1x!tpu.dma_semaphore, #tpu.memory_space<semaphore_mem>>
    %dma_start3A_17 = tpu.memref_squeeze %dma_start3A_16 : memref<1x!tpu.dma_semaphore, #tpu.memory_space<semaphore_mem>> -> memref<!tpu.dma_semaphore, #tpu.memory_space<semaphore_mem>>
    tpu.enqueue_indirect_dma source(%dma_start3A_15 : memref<5120x64xf32, #tpu.memory_space<hbm>>) target(%dma_start3A_9 : memref<128x64xf32, #tpu.memory_space<vmem>>) offsets(%dma_start3A_12 : memref<128xi32, #tpu.memory_space<vmem>>) semaphore(%dma_start3A_17 : memref<!tpu.dma_semaphore, #tpu.memory_space<semaphore_mem>>)
    %dma_start3A_18 = arith.constant 0 : i32
    %dma_start3A_19 = arith.constant 0 : i32
    %dma_start3A_20 = arith.constant 0 : i32
    %dma_start3A_21 = arith.constant 0 : i32
    %dma_start3A_22 = arith.constant 0 : i32
    %dma_start3A_23 = tpu.memref_slice %arg9[%dma_start3A_19, %dma_start3A_21, %dma_start3A_22] : memref<4x128x64xf32, #tpu.memory_space<vmem>> -> memref<1x128x64xf32, #tpu.memory_space<vmem>>
    %dma_start3A_24 = tpu.memref_squeeze %dma_start3A_23 : memref<1x128x64xf32, #tpu.memory_space<vmem>> -> memref<128x64xf32, #tpu.memory_space<vmem>>
    %dma_start3A_25 = arith.constant 0 : i32
    %dma_start3A_26 = tpu.memref_slice %arg7[%dma_start3A_18, %dma_start3A_25] : memref<56x128xi32, #tpu.memory_space<vmem>> -> memref<1x128xi32, #tpu.memory_space<vmem>>
    %dma_start3A_27 = tpu.memref_squeeze %dma_start3A_26 : memref<1x128xi32, #tpu.memory_space<vmem>> -> memref<128xi32, #tpu.memory_space<vmem>>
    %dma_start3A_28 = arith.constant 0 : i32
    %dma_start3A_29 = arith.constant 0 : i32
    %dma_start3A_30 = tpu.memref_slice %arg4[%dma_start3A_28, %dma_start3A_29] : memref<5120x64xf32, #tpu.memory_space<hbm>> -> memref<5120x64xf32, #tpu.memory_space<hbm>>
    %dma_start3A_31 = tpu.memref_slice %arg11[%dma_start3A_20] : memref<4x!tpu.dma_semaphore, #tpu.memory_space<semaphore_mem>> -> memref<1x!tpu.dma_semaphore, #tpu.memory_space<semaphore_mem>>
    %dma_start3A_32 = tpu.memref_squeeze %dma_start3A_31 : memref<1x!tpu.dma_semaphore, #tpu.memory_space<semaphore_mem>> -> memref<!tpu.dma_semaphore, #tpu.memory_space<semaphore_mem>>
    tpu.enqueue_indirect_dma source(%dma_start3A_30 : memref<5120x64xf32, #tpu.memory_space<hbm>>) target(%dma_start3A_24 : memref<128x64xf32, #tpu.memory_space<vmem>>) offsets(%dma_start3A_27 : memref<128xi32, #tpu.memory_space<vmem>>) semaphore(%dma_start3A_32 : memref<!tpu.dma_semaphore, #tpu.memory_space<semaphore_mem>>)
    %dma_start3A_33 = arith.constant 1 : i32
    %dma_start3A_34 = arith.constant 1 : i32
    %dma_start3A_35 = arith.constant 1 : i32
    %dma_start3A_36 = arith.constant 0 : i32
    %dma_start3A_37 = arith.constant 0 : i32
    %dma_start3A_38 = tpu.memref_slice %arg8[%dma_start3A_34, %dma_start3A_36, %dma_start3A_37] : memref<4x128x64xf32, #tpu.memory_space<vmem>> -> memref<1x128x64xf32, #tpu.memory_space<vmem>>
    %dma_start3A_39 = tpu.memref_squeeze %dma_start3A_38 : memref<1x128x64xf32, #tpu.memory_space<vmem>> -> memref<128x64xf32, #tpu.memory_space<vmem>>
    %dma_start3A_40 = arith.constant 0 : i32
    %dma_start3A_41 = tpu.memref_slice %arg6[%dma_start3A_33, %dma_start3A_40] : memref<56x128xi32, #tpu.memory_space<vmem>> -> memref<1x128xi32, #tpu.memory_space<vmem>>
    %dma_start3A_42 = tpu.memref_squeeze %dma_start3A_41 : memref<1x128xi32, #tpu.memory_space<vmem>> -> memref<128xi32, #tpu.memory_space<vmem>>
    %dma_start3A_43 = arith.constant 0 : i32
    %dma_start3A_44 = arith.constant 0 : i32
    %dma_start3A_45 = tpu.memref_slice %arg3[%dma_start3A_43, %dma_start3A_44] : memref<5120x64xf32, #tpu.memory_space<hbm>> -> memref<5120x64xf32, #tpu.memory_space<hbm>>
    %dma_start3A_46 = tpu.memref_slice %arg10[%dma_start3A_35] : memref<4x!tpu.dma_semaphore, #tpu.memory_space<semaphore_mem>> -> memref<1x!tpu.dma_semaphore, #tpu.memory_space<semaphore_mem>>
    %dma_start3A_47 = tpu.memref_squeeze %dma_start3A_46 : memref<1x!tpu.dma_semaphore, #tpu.memory_space<semaphore_mem>> -> memref<!tpu.dma_semaphore, #tpu.memory_space<semaphore_mem>>
    tpu.enqueue_indirect_dma source(%dma_start3A_45 : memref<5120x64xf32, #tpu.memory_space<hbm>>) target(%dma_start3A_39 : memref<128x64xf32, #tpu.memory_space<vmem>>) offsets(%dma_start3A_42 : memref<128xi32, #tpu.memory_space<vmem>>) semaphore(%dma_start3A_47 : memref<!tpu.dma_semaphore, #tpu.memory_space<semaphore_mem>>)
    %dma_start3A_48 = arith.constant 1 : i32
    %dma_start3A_49 = arith.constant 1 : i32
    %dma_start3A_50 = arith.constant 1 : i32
    %dma_start3A_51 = arith.constant 0 : i32
    %dma_start3A_52 = arith.constant 0 : i32
    %dma_start3A_53 = tpu.memref_slice %arg9[%dma_start3A_49, %dma_start3A_51, %dma_start3A_52] : memref<4x128x64xf32, #tpu.memory_space<vmem>> -> memref<1x128x64xf32, #tpu.memory_space<vmem>>
    %dma_start3A_54 = tpu.memref_squeeze %dma_start3A_53 : memref<1x128x64xf32, #tpu.memory_space<vmem>> -> memref<128x64xf32, #tpu.memory_space<vmem>>
    %dma_start3A_55 = arith.constant 0 : i32
    %dma_start3A_56 = tpu.memref_slice %arg7[%dma_start3A_48, %dma_start3A_55] : memref<56x128xi32, #tpu.memory_space<vmem>> -> memref<1x128xi32, #tpu.memory_space<vmem>>
    %dma_start3A_57 = tpu.memref_squeeze %dma_start3A_56 : memref<1x128xi32, #tpu.memory_space<vmem>> -> memref<128xi32, #tpu.memory_space<vmem>>
    %dma_start3A_58 = arith.constant 0 : i32
    %dma_start3A_59 = arith.constant 0 : i32
    %dma_start3A_60 = tpu.memref_slice %arg4[%dma_start3A_58, %dma_start3A_59] : memref<5120x64xf32, #tpu.memory_space<hbm>> -> memref<5120x64xf32, #tpu.memory_space<hbm>>
    %dma_start3A_61 = tpu.memref_slice %arg11[%dma_start3A_50] : memref<4x!tpu.dma_semaphore, #tpu.memory_space<semaphore_mem>> -> memref<1x!tpu.dma_semaphore, #tpu.memory_space<semaphore_mem>>
    %dma_start3A_62 = tpu.memref_squeeze %dma_start3A_61 : memref<1x!tpu.dma_semaphore, #tpu.memory_space<semaphore_mem>> -> memref<!tpu.dma_semaphore, #tpu.memory_space<semaphore_mem>>
    tpu.enqueue_indirect_dma source(%dma_start3A_60 : memref<5120x64xf32, #tpu.memory_space<hbm>>) target(%dma_start3A_54 : memref<128x64xf32, #tpu.memory_space<vmem>>) offsets(%dma_start3A_57 : memref<128xi32, #tpu.memory_space<vmem>>) semaphore(%dma_start3A_62 : memref<!tpu.dma_semaphore, #tpu.memory_space<semaphore_mem>>)
    %dma_start3A_63 = arith.constant 2 : i32
    %dma_start3A_64 = arith.constant 2 : i32
    %dma_start3A_65 = arith.constant 2 : i32
    %dma_start3A_66 = arith.constant 0 : i32
    %dma_start3A_67 = arith.constant 0 : i32
    %dma_start3A_68 = tpu.memref_slice %arg8[%dma_start3A_64, %dma_start3A_66, %dma_start3A_67] : memref<4x128x64xf32, #tpu.memory_space<vmem>> -> memref<1x128x64xf32, #tpu.memory_space<vmem>>
    %dma_start3A_69 = tpu.memref_squeeze %dma_start3A_68 : memref<1x128x64xf32, #tpu.memory_space<vmem>> -> memref<128x64xf32, #tpu.memory_space<vmem>>
    %dma_start3A_70 = arith.constant 0 : i32
    %dma_start3A_71 = tpu.memref_slice %arg6[%dma_start3A_63, %dma_start3A_70] : memref<56x128xi32, #tpu.memory_space<vmem>> -> memref<1x128xi32, #tpu.memory_space<vmem>>
    %dma_start3A_72 = tpu.memref_squeeze %dma_start3A_71 : memref<1x128xi32, #tpu.memory_space<vmem>> -> memref<128xi32, #tpu.memory_space<vmem>>
    %dma_start3A_73 = arith.constant 0 : i32
    %dma_start3A_74 = arith.constant 0 : i32
    %dma_start3A_75 = tpu.memref_slice %arg3[%dma_start3A_73, %dma_start3A_74] : memref<5120x64xf32, #tpu.memory_space<hbm>> -> memref<5120x64xf32, #tpu.memory_space<hbm>>
    %dma_start3A_76 = tpu.memref_slice %arg10[%dma_start3A_65] : memref<4x!tpu.dma_semaphore, #tpu.memory_space<semaphore_mem>> -> memref<1x!tpu.dma_semaphore, #tpu.memory_space<semaphore_mem>>
    %dma_start3A_77 = tpu.memref_squeeze %dma_start3A_76 : memref<1x!tpu.dma_semaphore, #tpu.memory_space<semaphore_mem>> -> memref<!tpu.dma_semaphore, #tpu.memory_space<semaphore_mem>>
    tpu.enqueue_indirect_dma source(%dma_start3A_75 : memref<5120x64xf32, #tpu.memory_space<hbm>>) target(%dma_start3A_69 : memref<128x64xf32, #tpu.memory_space<vmem>>) offsets(%dma_start3A_72 : memref<128xi32, #tpu.memory_space<vmem>>) semaphore(%dma_start3A_77 : memref<!tpu.dma_semaphore, #tpu.memory_space<semaphore_mem>>)
    %dma_start3A_78 = arith.constant 2 : i32
    %dma_start3A_79 = arith.constant 2 : i32
    %dma_start3A_80 = arith.constant 2 : i32
    %dma_start3A_81 = arith.constant 0 : i32
    %dma_start3A_82 = arith.constant 0 : i32
    %dma_start3A_83 = tpu.memref_slice %arg9[%dma_start3A_79, %dma_start3A_81, %dma_start3A_82] : memref<4x128x64xf32, #tpu.memory_space<vmem>> -> memref<1x128x64xf32, #tpu.memory_space<vmem>>
    %dma_start3A_84 = tpu.memref_squeeze %dma_start3A_83 : memref<1x128x64xf32, #tpu.memory_space<vmem>> -> memref<128x64xf32, #tpu.memory_space<vmem>>
    %dma_start3A_85 = arith.constant 0 : i32
    %dma_start3A_86 = tpu.memref_slice %arg7[%dma_start3A_78, %dma_start3A_85] : memref<56x128xi32, #tpu.memory_space<vmem>> -> memref<1x128xi32, #tpu.memory_space<vmem>>
    %dma_start3A_87 = tpu.memref_squeeze %dma_start3A_86 : memref<1x128xi32, #tpu.memory_space<vmem>> -> memref<128xi32, #tpu.memory_space<vmem>>
    %dma_start3A_88 = arith.constant 0 : i32
    %dma_start3A_89 = arith.constant 0 : i32
    %dma_start3A_90 = tpu.memref_slice %arg4[%dma_start3A_88, %dma_start3A_89] : memref<5120x64xf32, #tpu.memory_space<hbm>> -> memref<5120x64xf32, #tpu.memory_space<hbm>>
    %dma_start3A_91 = tpu.memref_slice %arg11[%dma_start3A_80] : memref<4x!tpu.dma_semaphore, #tpu.memory_space<semaphore_mem>> -> memref<1x!tpu.dma_semaphore, #tpu.memory_space<semaphore_mem>>
    %dma_start3A_92 = tpu.memref_squeeze %dma_start3A_91 : memref<1x!tpu.dma_semaphore, #tpu.memory_space<semaphore_mem>> -> memref<!tpu.dma_semaphore, #tpu.memory_space<semaphore_mem>>
    tpu.enqueue_indirect_dma source(%dma_start3A_90 : memref<5120x64xf32, #tpu.memory_space<hbm>>) target(%dma_start3A_84 : memref<128x64xf32, #tpu.memory_space<vmem>>) offsets(%dma_start3A_87 : memref<128xi32, #tpu.memory_space<vmem>>) semaphore(%dma_start3A_92 : memref<!tpu.dma_semaphore, #tpu.memory_space<semaphore_mem>>)
    %dma_start3A_93 = arith.constant 3 : i32
    %dma_start3A_94 = arith.constant 3 : i32
    %dma_start3A_95 = arith.constant 3 : i32
    %dma_start3A_96 = arith.constant 0 : i32
    %dma_start3A_97 = arith.constant 0 : i32
    %dma_start3A_98 = tpu.memref_slice %arg8[%dma_start3A_94, %dma_start3A_96, %dma_start3A_97] : memref<4x128x64xf32, #tpu.memory_space<vmem>> -> memref<1x128x64xf32, #tpu.memory_space<vmem>>
    %dma_start3A_99 = tpu.memref_squeeze %dma_start3A_98 : memref<1x128x64xf32, #tpu.memory_space<vmem>> -> memref<128x64xf32, #tpu.memory_space<vmem>>
    %dma_start3A_100 = arith.constant 0 : i32
    %dma_start3A_101 = tpu.memref_slice %arg6[%dma_start3A_93, %dma_start3A_100] : memref<56x128xi32, #tpu.memory_space<vmem>> -> memref<1x128xi32, #tpu.memory_space<vmem>>
    %dma_start3A_102 = tpu.memref_squeeze %dma_start3A_101 : memref<1x128xi32, #tpu.memory_space<vmem>> -> memref<128xi32, #tpu.memory_space<vmem>>
    %dma_start3A_103 = arith.constant 0 : i32
    %dma_start3A_104 = arith.constant 0 : i32
    %dma_start3A_105 = tpu.memref_slice %arg3[%dma_start3A_103, %dma_start3A_104] : memref<5120x64xf32, #tpu.memory_space<hbm>> -> memref<5120x64xf32, #tpu.memory_space<hbm>>
    %dma_start3A_106 = tpu.memref_slice %arg10[%dma_start3A_95] : memref<4x!tpu.dma_semaphore, #tpu.memory_space<semaphore_mem>> -> memref<1x!tpu.dma_semaphore, #tpu.memory_space<semaphore_mem>>
    %dma_start3A_107 = tpu.memref_squeeze %dma_start3A_106 : memref<1x!tpu.dma_semaphore, #tpu.memory_space<semaphore_mem>> -> memref<!tpu.dma_semaphore, #tpu.memory_space<semaphore_mem>>
    tpu.enqueue_indirect_dma source(%dma_start3A_105 : memref<5120x64xf32, #tpu.memory_space<hbm>>) target(%dma_start3A_99 : memref<128x64xf32, #tpu.memory_space<vmem>>) offsets(%dma_start3A_102 : memref<128xi32, #tpu.memory_space<vmem>>) semaphore(%dma_start3A_107 : memref<!tpu.dma_semaphore, #tpu.memory_space<semaphore_mem>>)
    %dma_start3A_108 = arith.constant 3 : i32
    %dma_start3A_109 = arith.constant 3 : i32
    %dma_start3A_110 = arith.constant 3 : i32
    %dma_start3A_111 = arith.constant 0 : i32
    %dma_start3A_112 = arith.constant 0 : i32
    %dma_start3A_113 = tpu.memref_slice %arg9[%dma_start3A_109, %dma_start3A_111, %dma_start3A_112] : memref<4x128x64xf32, #tpu.memory_space<vmem>> -> memref<1x128x64xf32, #tpu.memory_space<vmem>>
    %dma_start3A_114 = tpu.memref_squeeze %dma_start3A_113 : memref<1x128x64xf32, #tpu.memory_space<vmem>> -> memref<128x64xf32, #tpu.memory_space<vmem>>
    %dma_start3A_115 = arith.constant 0 : i32
    %dma_start3A_116 = tpu.memref_slice %arg7[%dma_start3A_108, %dma_start3A_115] : memref<56x128xi32, #tpu.memory_space<vmem>> -> memref<1x128xi32, #tpu.memory_space<vmem>>
    %dma_start3A_117 = tpu.memref_squeeze %dma_start3A_116 : memref<1x128xi32, #tpu.memory_space<vmem>> -> memref<128xi32, #tpu.memory_space<vmem>>
    %dma_start3A_118 = arith.constant 0 : i32
    %dma_start3A_119 = arith.constant 0 : i32
    %dma_start3A_120 = tpu.memref_slice %arg4[%dma_start3A_118, %dma_start3A_119] : memref<5120x64xf32, #tpu.memory_space<hbm>> -> memref<5120x64xf32, #tpu.memory_space<hbm>>
    %dma_start3A_121 = tpu.memref_slice %arg11[%dma_start3A_110] : memref<4x!tpu.dma_semaphore, #tpu.memory_space<semaphore_mem>> -> memref<1x!tpu.dma_semaphore, #tpu.memory_space<semaphore_mem>>
    %dma_start3A_122 = tpu.memref_squeeze %dma_start3A_121 : memref<1x!tpu.dma_semaphore, #tpu.memory_space<semaphore_mem>> -> memref<!tpu.dma_semaphore, #tpu.memory_space<semaphore_mem>>
    tpu.enqueue_indirect_dma source(%dma_start3A_120 : memref<5120x64xf32, #tpu.memory_space<hbm>>) target(%dma_start3A_114 : memref<128x64xf32, #tpu.memory_space<vmem>>) offsets(%dma_start3A_117 : memref<128xi32, #tpu.memory_space<vmem>>) semaphore(%dma_start3A_122 : memref<!tpu.dma_semaphore, #tpu.memory_space<semaphore_mem>>)
    %scan3A = arith.constant 0 : i32
    %scan3A_123 = arith.constant 0 : i32
    %scan3A_124 = arith.constant 14 : i32
    %scan3A_125 = arith.addi %scan3A_123, %scan3A_124 : i32
    %scan3A_126 = arith.constant 1 : i32
    scf.for %scan3A_263 = %scan3A_123 to %scan3A_125 step %scan3A_126  : i32 {
      %mul3A_264 = arith.constant 4 : i32
      %mul3A_265 = arith.muli %mul3A_264, %scan3A_263 : i32
      %dma_wait3A_266 = arith.constant 0 : i32
      %dma_wait3A_267 = arith.constant 0 : i32
      %dma_wait3A_268 = arith.constant 0 : i32
      %dma_wait3A_269 = arith.constant 0 : i32
      %dma_wait3A_270 = arith.constant 0 : i32
      %dma_wait3A_271 = tpu.memref_slice %arg8[%dma_wait3A_267, %dma_wait3A_269, %dma_wait3A_270] : memref<4x128x64xf32, #tpu.memory_space<vmem>> -> memref<1x128x64xf32, #tpu.memory_space<vmem>>
      %dma_wait3A_272 = tpu.memref_squeeze %dma_wait3A_271 : memref<1x128x64xf32, #tpu.memory_space<vmem>> -> memref<128x64xf32, #tpu.memory_space<vmem>>
      %dma_wait3A_273 = arith.constant 0 : i32
      %dma_wait3A_274 = tpu.memref_slice %arg6[%dma_wait3A_266, %dma_wait3A_273] : memref<56x128xi32, #tpu.memory_space<vmem>> -> memref<1x128xi32, #tpu.memory_space<vmem>>
      %dma_wait3A_275 = tpu.memref_squeeze %dma_wait3A_274 : memref<1x128xi32, #tpu.memory_space<vmem>> -> memref<128xi32, #tpu.memory_space<vmem>>
      %dma_wait3A_276 = arith.constant 0 : i32
      %dma_wait3A_277 = arith.constant 0 : i32
      %dma_wait3A_278 = tpu.memref_slice %arg3[%dma_wait3A_276, %dma_wait3A_277] : memref<5120x64xf32, #tpu.memory_space<hbm>> -> memref<5120x64xf32, #tpu.memory_space<hbm>>
      %dma_wait3A_279 = tpu.memref_slice %arg10[%dma_wait3A_268] : memref<4x!tpu.dma_semaphore, #tpu.memory_space<semaphore_mem>> -> memref<1x!tpu.dma_semaphore, #tpu.memory_space<semaphore_mem>>
      %dma_wait3A_280 = tpu.memref_squeeze %dma_wait3A_279 : memref<1x!tpu.dma_semaphore, #tpu.memory_space<semaphore_mem>> -> memref<!tpu.dma_semaphore, #tpu.memory_space<semaphore_mem>>
      tpu.wait_indirect_dma semaphore(%dma_wait3A_280 : memref<!tpu.dma_semaphore, #tpu.memory_space<semaphore_mem>>) src(%dma_wait3A_278 : memref<5120x64xf32, #tpu.memory_space<hbm>>) dst(%dma_wait3A_272 : memref<128x64xf32, #tpu.memory_space<vmem>>)
      %dma_wait3A_281 = arith.constant 0 : i32
      %dma_wait3A_282 = arith.constant 0 : i32
      %dma_wait3A_283 = arith.constant 0 : i32
      %dma_wait3A_284 = arith.constant 0 : i32
      %dma_wait3A_285 = arith.constant 0 : i32
      %dma_wait3A_286 = tpu.memref_slice %arg9[%dma_wait3A_282, %dma_wait3A_284, %dma_wait3A_285] : memref<4x128x64xf32, #tpu.memory_space<vmem>> -> memref<1x128x64xf32, #tpu.memory_space<vmem>>
      %dma_wait3A_287 = tpu.memref_squeeze %dma_wait3A_286 : memref<1x128x64xf32, #tpu.memory_space<vmem>> -> memref<128x64xf32, #tpu.memory_space<vmem>>
      %dma_wait3A_288 = arith.constant 0 : i32
      %dma_wait3A_289 = tpu.memref_slice %arg7[%dma_wait3A_281, %dma_wait3A_288] : memref<56x128xi32, #tpu.memory_space<vmem>> -> memref<1x128xi32, #tpu.memory_space<vmem>>
      %dma_wait3A_290 = tpu.memref_squeeze %dma_wait3A_289 : memref<1x128xi32, #tpu.memory_space<vmem>> -> memref<128xi32, #tpu.memory_space<vmem>>
      %dma_wait3A_291 = arith.constant 0 : i32
      %dma_wait3A_292 = arith.constant 0 : i32
      %dma_wait3A_293 = tpu.memref_slice %arg4[%dma_wait3A_291, %dma_wait3A_292] : memref<5120x64xf32, #tpu.memory_space<hbm>> -> memref<5120x64xf32, #tpu.memory_space<hbm>>
      %dma_wait3A_294 = tpu.memref_slice %arg11[%dma_wait3A_283] : memref<4x!tpu.dma_semaphore, #tpu.memory_space<semaphore_mem>> -> memref<1x!tpu.dma_semaphore, #tpu.memory_space<semaphore_mem>>
      %dma_wait3A_295 = tpu.memref_squeeze %dma_wait3A_294 : memref<1x!tpu.dma_semaphore, #tpu.memory_space<semaphore_mem>> -> memref<!tpu.dma_semaphore, #tpu.memory_space<semaphore_mem>>
      tpu.wait_indirect_dma semaphore(%dma_wait3A_295 : memref<!tpu.dma_semaphore, #tpu.memory_space<semaphore_mem>>) src(%dma_wait3A_293 : memref<5120x64xf32, #tpu.memory_space<hbm>>) dst(%dma_wait3A_287 : memref<128x64xf32, #tpu.memory_space<vmem>>)
      %add3A_296 = arith.constant 0 : i32
      %add3A_297 = arith.addi %mul3A_265, %add3A_296 : i32
      %add3A_298 = arith.addi %mul3A_2, %add3A_297 : i32
      %mul3A_299 = arith.constant 128 : i32
      %mul3A_300 = arith.muli %add3A_298, %mul3A_299 : i32
      %dma_start3A_301 = arith.constant 0 : i32
      %dma_start3A_302 = arith.constant 0 : i32
      %dma_start3A_303 = arith.constant 0 : i32
      %dma_start3A_304 = arith.constant 0 : i32
      %dma_start3A_305 = tpu.memref_slice %arg8[%dma_start3A_301, %dma_start3A_303, %dma_start3A_304] : memref<4x128x64xf32, #tpu.memory_space<vmem>> -> memref<1x128x64xf32, #tpu.memory_space<vmem>>
      %dma_start3A_306 = tpu.memref_squeeze %dma_start3A_305 : memref<1x128x64xf32, #tpu.memory_space<vmem>> -> memref<128x64xf32, #tpu.memory_space<vmem>>
      %dma_start3A_307 = arith.constant 0 : i32
      %dma_start3A_308 = tpu.memref_slice %arg5[%mul3A_300, %dma_start3A_307] : memref<229376x128xf32, #tpu.memory_space<hbm>> -> memref<128x64xf32, #tpu.memory_space<hbm>>
      %dma_start3A_309 = tpu.memref_slice %arg12[%dma_start3A_302] : memref<4x!tpu.dma_semaphore, #tpu.memory_space<semaphore_mem>> -> memref<1x!tpu.dma_semaphore, #tpu.memory_space<semaphore_mem>>
      %dma_start3A_310 = tpu.memref_squeeze %dma_start3A_309 : memref<1x!tpu.dma_semaphore, #tpu.memory_space<semaphore_mem>> -> memref<!tpu.dma_semaphore, #tpu.memory_space<semaphore_mem>>
      %dma_start3A_311 = arith.constant 0 : i32
      %dma_start3A_312 = tpu.memref_slice %arg5[%mul3A_300, %dma_start3A_311] : memref<229376x128xf32, #tpu.memory_space<hbm>> -> memref<128x64xf32, #tpu.memory_space<hbm>>
      %dma_start3A_313 = arith.constant 0 : i32
      %dma_start3A_314 = arith.constant 0 : i32
      %dma_start3A_315 = tpu.memref_slice %arg8[%dma_start3A_301, %dma_start3A_313, %dma_start3A_314] : memref<4x128x64xf32, #tpu.memory_space<vmem>> -> memref<1x128x64xf32, #tpu.memory_space<vmem>>
      %dma_start3A_316 = tpu.memref_squeeze %dma_start3A_315 : memref<1x128x64xf32, #tpu.memory_space<vmem>> -> memref<128x64xf32, #tpu.memory_space<vmem>>
      tpu.enqueue_dma source(%dma_start3A_316 : memref<128x64xf32, #tpu.memory_space<vmem>>) target(%dma_start3A_312 : memref<128x64xf32, #tpu.memory_space<hbm>>) target_semaphore(%dma_start3A_310 : memref<!tpu.dma_semaphore, #tpu.memory_space<semaphore_mem>>)
      %dma_start3A_317 = arith.constant 0 : i32
      %dma_start3A_318 = arith.constant 0 : i32
      %dma_start3A_319 = arith.constant 0 : i32
      %dma_start3A_320 = arith.constant 0 : i32
      %dma_start3A_321 = tpu.memref_slice %arg9[%dma_start3A_317, %dma_start3A_319, %dma_start3A_320] : memref<4x128x64xf32, #tpu.memory_space<vmem>> -> memref<1x128x64xf32, #tpu.memory_space<vmem>>
      %dma_start3A_322 = tpu.memref_squeeze %dma_start3A_321 : memref<1x128x64xf32, #tpu.memory_space<vmem>> -> memref<128x64xf32, #tpu.memory_space<vmem>>
      %dma_start3A_323 = arith.constant 64 : i32
      %dma_start3A_324 = tpu.memref_slice %arg5[%mul3A_300, %dma_start3A_323] : memref<229376x128xf32, #tpu.memory_space<hbm>> -> memref<128x64xf32, #tpu.memory_space<hbm>>
      %dma_start3A_325 = tpu.memref_slice %arg13[%dma_start3A_318] : memref<4x!tpu.dma_semaphore, #tpu.memory_space<semaphore_mem>> -> memref<1x!tpu.dma_semaphore, #tpu.memory_space<semaphore_mem>>
      %dma_start3A_326 = tpu.memref_squeeze %dma_start3A_325 : memref<1x!tpu.dma_semaphore, #tpu.memory_space<semaphore_mem>> -> memref<!tpu.dma_semaphore, #tpu.memory_space<semaphore_mem>>
      %dma_start3A_327 = arith.constant 64 : i32
      %dma_start3A_328 = tpu.memref_slice %arg5[%mul3A_300, %dma_start3A_327] : memref<229376x128xf32, #tpu.memory_space<hbm>> -> memref<128x64xf32, #tpu.memory_space<hbm>>
      %dma_start3A_329 = arith.constant 0 : i32
      %dma_start3A_330 = arith.constant 0 : i32
      %dma_start3A_331 = tpu.memref_slice %arg9[%dma_start3A_317, %dma_start3A_329, %dma_start3A_330] : memref<4x128x64xf32, #tpu.memory_space<vmem>> -> memref<1x128x64xf32, #tpu.memory_space<vmem>>
      %dma_start3A_332 = tpu.memref_squeeze %dma_start3A_331 : memref<1x128x64xf32, #tpu.memory_space<vmem>> -> memref<128x64xf32, #tpu.memory_space<vmem>>
      tpu.enqueue_dma source(%dma_start3A_332 : memref<128x64xf32, #tpu.memory_space<vmem>>) target(%dma_start3A_328 : memref<128x64xf32, #tpu.memory_space<hbm>>) target_semaphore(%dma_start3A_326 : memref<!tpu.dma_semaphore, #tpu.memory_space<semaphore_mem>>)
      %dma_wait3A_333 = arith.constant 0 : i32
      %dma_wait3A_334 = arith.constant 1 : i32
      %dma_wait3A_335 = arith.constant 1 : i32
      %dma_wait3A_336 = arith.constant 0 : i32
      %dma_wait3A_337 = arith.constant 0 : i32
      %dma_wait3A_338 = tpu.memref_slice %arg8[%dma_wait3A_334, %dma_wait3A_336, %dma_wait3A_337] : memref<4x128x64xf32, #tpu.memory_space<vmem>> -> memref<1x128x64xf32, #tpu.memory_space<vmem>>
      %dma_wait3A_339 = tpu.memref_squeeze %dma_wait3A_338 : memref<1x128x64xf32, #tpu.memory_space<vmem>> -> memref<128x64xf32, #tpu.memory_space<vmem>>
      %dma_wait3A_340 = arith.constant 0 : i32
      %dma_wait3A_341 = tpu.memref_slice %arg6[%dma_wait3A_333, %dma_wait3A_340] : memref<56x128xi32, #tpu.memory_space<vmem>> -> memref<1x128xi32, #tpu.memory_space<vmem>>
      %dma_wait3A_342 = tpu.memref_squeeze %dma_wait3A_341 : memref<1x128xi32, #tpu.memory_space<vmem>> -> memref<128xi32, #tpu.memory_space<vmem>>
      %dma_wait3A_343 = arith.constant 0 : i32
      %dma_wait3A_344 = arith.constant 0 : i32
      %dma_wait3A_345 = tpu.memref_slice %arg3[%dma_wait3A_343, %dma_wait3A_344] : memref<5120x64xf32, #tpu.memory_space<hbm>> -> memref<5120x64xf32, #tpu.memory_space<hbm>>
      %dma_wait3A_346 = tpu.memref_slice %arg10[%dma_wait3A_335] : memref<4x!tpu.dma_semaphore, #tpu.memory_space<semaphore_mem>> -> memref<1x!tpu.dma_semaphore, #tpu.memory_space<semaphore_mem>>
      %dma_wait3A_347 = tpu.memref_squeeze %dma_wait3A_346 : memref<1x!tpu.dma_semaphore, #tpu.memory_space<semaphore_mem>> -> memref<!tpu.dma_semaphore, #tpu.memory_space<semaphore_mem>>
      tpu.wait_indirect_dma semaphore(%dma_wait3A_347 : memref<!tpu.dma_semaphore, #tpu.memory_space<semaphore_mem>>) src(%dma_wait3A_345 : memref<5120x64xf32, #tpu.memory_space<hbm>>) dst(%dma_wait3A_339 : memref<128x64xf32, #tpu.memory_space<vmem>>)
      %dma_wait3A_348 = arith.constant 0 : i32
      %dma_wait3A_349 = arith.constant 1 : i32
      %dma_wait3A_350 = arith.constant 1 : i32
      %dma_wait3A_351 = arith.constant 0 : i32
      %dma_wait3A_352 = arith.constant 0 : i32
      %dma_wait3A_353 = tpu.memref_slice %arg9[%dma_wait3A_349, %dma_wait3A_351, %dma_wait3A_352] : memref<4x128x64xf32, #tpu.memory_space<vmem>> -> memref<1x128x64xf32, #tpu.memory_space<vmem>>
      %dma_wait3A_354 = tpu.memref_squeeze %dma_wait3A_353 : memref<1x128x64xf32, #tpu.memory_space<vmem>> -> memref<128x64xf32, #tpu.memory_space<vmem>>
      %dma_wait3A_355 = arith.constant 0 : i32
      %dma_wait3A_356 = tpu.memref_slice %arg7[%dma_wait3A_348, %dma_wait3A_355] : memref<56x128xi32, #tpu.memory_space<vmem>> -> memref<1x128xi32, #tpu.memory_space<vmem>>
      %dma_wait3A_357 = tpu.memref_squeeze %dma_wait3A_356 : memref<1x128xi32, #tpu.memory_space<vmem>> -> memref<128xi32, #tpu.memory_space<vmem>>
      %dma_wait3A_358 = arith.constant 0 : i32
      %dma_wait3A_359 = arith.constant 0 : i32
      %dma_wait3A_360 = tpu.memref_slice %arg4[%dma_wait3A_358, %dma_wait3A_359] : memref<5120x64xf32, #tpu.memory_space<hbm>> -> memref<5120x64xf32, #tpu.memory_space<hbm>>
      %dma_wait3A_361 = tpu.memref_slice %arg11[%dma_wait3A_350] : memref<4x!tpu.dma_semaphore, #tpu.memory_space<semaphore_mem>> -> memref<1x!tpu.dma_semaphore, #tpu.memory_space<semaphore_mem>>
      %dma_wait3A_362 = tpu.memref_squeeze %dma_wait3A_361 : memref<1x!tpu.dma_semaphore, #tpu.memory_space<semaphore_mem>> -> memref<!tpu.dma_semaphore, #tpu.memory_space<semaphore_mem>>
      tpu.wait_indirect_dma semaphore(%dma_wait3A_362 : memref<!tpu.dma_semaphore, #tpu.memory_space<semaphore_mem>>) src(%dma_wait3A_360 : memref<5120x64xf32, #tpu.memory_space<hbm>>) dst(%dma_wait3A_354 : memref<128x64xf32, #tpu.memory_space<vmem>>)
      %add3A_363 = arith.constant 1 : i32
      %add3A_364 = arith.addi %mul3A_265, %add3A_363 : i32
      %add3A_365 = arith.addi %mul3A_2, %add3A_364 : i32
      %mul3A_366 = arith.constant 128 : i32
      %mul3A_367 = arith.muli %add3A_365, %mul3A_366 : i32
      %dma_start3A_368 = arith.constant 1 : i32
      %dma_start3A_369 = arith.constant 1 : i32
      %dma_start3A_370 = arith.constant 0 : i32
      %dma_start3A_371 = arith.constant 0 : i32
      %dma_start3A_372 = tpu.memref_slice %arg8[%dma_start3A_368, %dma_start3A_370, %dma_start3A_371] : memref<4x128x64xf32, #tpu.memory_space<vmem>> -> memref<1x128x64xf32, #tpu.memory_space<vmem>>
      %dma_start3A_373 = tpu.memref_squeeze %dma_start3A_372 : memref<1x128x64xf32, #tpu.memory_space<vmem>> -> memref<128x64xf32, #tpu.memory_space<vmem>>
      %dma_start3A_374 = arith.constant 0 : i32
      %dma_start3A_375 = tpu.memref_slice %arg5[%mul3A_367, %dma_start3A_374] : memref<229376x128xf32, #tpu.memory_space<hbm>> -> memref<128x64xf32, #tpu.memory_space<hbm>>
      %dma_start3A_376 = tpu.memref_slice %arg12[%dma_start3A_369] : memref<4x!tpu.dma_semaphore, #tpu.memory_space<semaphore_mem>> -> memref<1x!tpu.dma_semaphore, #tpu.memory_space<semaphore_mem>>
      %dma_start3A_377 = tpu.memref_squeeze %dma_start3A_376 : memref<1x!tpu.dma_semaphore, #tpu.memory_space<semaphore_mem>> -> memref<!tpu.dma_semaphore, #tpu.memory_space<semaphore_mem>>
      %dma_start3A_378 = arith.constant 0 : i32
      %dma_start3A_379 = tpu.memref_slice %arg5[%mul3A_367, %dma_start3A_378] : memref<229376x128xf32, #tpu.memory_space<hbm>> -> memref<128x64xf32, #tpu.memory_space<hbm>>
      %dma_start3A_380 = arith.constant 0 : i32
      %dma_start3A_381 = arith.constant 0 : i32
      %dma_start3A_382 = tpu.memref_slice %arg8[%dma_start3A_368, %dma_start3A_380, %dma_start3A_381] : memref<4x128x64xf32, #tpu.memory_space<vmem>> -> memref<1x128x64xf32, #tpu.memory_space<vmem>>
      %dma_start3A_383 = tpu.memref_squeeze %dma_start3A_382 : memref<1x128x64xf32, #tpu.memory_space<vmem>> -> memref<128x64xf32, #tpu.memory_space<vmem>>
      tpu.enqueue_dma source(%dma_start3A_383 : memref<128x64xf32, #tpu.memory_space<vmem>>) target(%dma_start3A_379 : memref<128x64xf32, #tpu.memory_space<hbm>>) target_semaphore(%dma_start3A_377 : memref<!tpu.dma_semaphore, #tpu.memory_space<semaphore_mem>>)
      %dma_start3A_384 = arith.constant 1 : i32
      %dma_start3A_385 = arith.constant 1 : i32
      %dma_start3A_386 = arith.constant 0 : i32
      %dma_start3A_387 = arith.constant 0 : i32
      %dma_start3A_388 = tpu.memref_slice %arg9[%dma_start3A_384, %dma_start3A_386, %dma_start3A_387] : memref<4x128x64xf32, #tpu.memory_space<vmem>> -> memref<1x128x64xf32, #tpu.memory_space<vmem>>
      %dma_start3A_389 = tpu.memref_squeeze %dma_start3A_388 : memref<1x128x64xf32, #tpu.memory_space<vmem>> -> memref<128x64xf32, #tpu.memory_space<vmem>>
      %dma_start3A_390 = arith.constant 64 : i32
      %dma_start3A_391 = tpu.memref_slice %arg5[%mul3A_367, %dma_start3A_390] : memref<229376x128xf32, #tpu.memory_space<hbm>> -> memref<128x64xf32, #tpu.memory_space<hbm>>
      %dma_start3A_392 = tpu.memref_slice %arg13[%dma_start3A_385] : memref<4x!tpu.dma_semaphore, #tpu.memory_space<semaphore_mem>> -> memref<1x!tpu.dma_semaphore, #tpu.memory_space<semaphore_mem>>
      %dma_start3A_393 = tpu.memref_squeeze %dma_start3A_392 : memref<1x!tpu.dma_semaphore, #tpu.memory_space<semaphore_mem>> -> memref<!tpu.dma_semaphore, #tpu.memory_space<semaphore_mem>>
      %dma_start3A_394 = arith.constant 64 : i32
      %dma_start3A_395 = tpu.memref_slice %arg5[%mul3A_367, %dma_start3A_394] : memref<229376x128xf32, #tpu.memory_space<hbm>> -> memref<128x64xf32, #tpu.memory_space<hbm>>
      %dma_start3A_396 = arith.constant 0 : i32
      %dma_start3A_397 = arith.constant 0 : i32
      %dma_start3A_398 = tpu.memref_slice %arg9[%dma_start3A_384, %dma_start3A_396, %dma_start3A_397] : memref<4x128x64xf32, #tpu.memory_space<vmem>> -> memref<1x128x64xf32, #tpu.memory_space<vmem>>
      %dma_start3A_399 = tpu.memref_squeeze %dma_start3A_398 : memref<1x128x64xf32, #tpu.memory_space<vmem>> -> memref<128x64xf32, #tpu.memory_space<vmem>>
      tpu.enqueue_dma source(%dma_start3A_399 : memref<128x64xf32, #tpu.memory_space<vmem>>) target(%dma_start3A_395 : memref<128x64xf32, #tpu.memory_space<hbm>>) target_semaphore(%dma_start3A_393 : memref<!tpu.dma_semaphore, #tpu.memory_space<semaphore_mem>>)
      %dma_wait3A_400 = arith.constant 0 : i32
      %dma_wait3A_401 = arith.constant 2 : i32
      %dma_wait3A_402 = arith.constant 2 : i32
      %dma_wait3A_403 = arith.constant 0 : i32
      %dma_wait3A_404 = arith.constant 0 : i32
      %dma_wait3A_405 = tpu.memref_slice %arg8[%dma_wait3A_401, %dma_wait3A_403, %dma_wait3A_404] : memref<4x128x64xf32, #tpu.memory_space<vmem>> -> memref<1x128x64xf32, #tpu.memory_space<vmem>>
      %dma_wait3A_406 = tpu.memref_squeeze %dma_wait3A_405 : memref<1x128x64xf32, #tpu.memory_space<vmem>> -> memref<128x64xf32, #tpu.memory_space<vmem>>
      %dma_wait3A_407 = arith.constant 0 : i32
      %dma_wait3A_408 = tpu.memref_slice %arg6[%dma_wait3A_400, %dma_wait3A_407] : memref<56x128xi32, #tpu.memory_space<vmem>> -> memref<1x128xi32, #tpu.memory_space<vmem>>
      %dma_wait3A_409 = tpu.memref_squeeze %dma_wait3A_408 : memref<1x128xi32, #tpu.memory_space<vmem>> -> memref<128xi32, #tpu.memory_space<vmem>>
      %dma_wait3A_410 = arith.constant 0 : i32
      %dma_wait3A_411 = arith.constant 0 : i32
      %dma_wait3A_412 = tpu.memref_slice %arg3[%dma_wait3A_410, %dma_wait3A_411] : memref<5120x64xf32, #tpu.memory_space<hbm>> -> memref<5120x64xf32, #tpu.memory_space<hbm>>
      %dma_wait3A_413 = tpu.memref_slice %arg10[%dma_wait3A_402] : memref<4x!tpu.dma_semaphore, #tpu.memory_space<semaphore_mem>> -> memref<1x!tpu.dma_semaphore, #tpu.memory_space<semaphore_mem>>
      %dma_wait3A_414 = tpu.memref_squeeze %dma_wait3A_413 : memref<1x!tpu.dma_semaphore, #tpu.memory_space<semaphore_mem>> -> memref<!tpu.dma_semaphore, #tpu.memory_space<semaphore_mem>>
      tpu.wait_indirect_dma semaphore(%dma_wait3A_414 : memref<!tpu.dma_semaphore, #tpu.memory_space<semaphore_mem>>) src(%dma_wait3A_412 : memref<5120x64xf32, #tpu.memory_space<hbm>>) dst(%dma_wait3A_406 : memref<128x64xf32, #tpu.memory_space<vmem>>)
      %dma_wait3A_415 = arith.constant 0 : i32
      %dma_wait3A_416 = arith.constant 2 : i32
      %dma_wait3A_417 = arith.constant 2 : i32
      %dma_wait3A_418 = arith.constant 0 : i32
      %dma_wait3A_419 = arith.constant 0 : i32
      %dma_wait3A_420 = tpu.memref_slice %arg9[%dma_wait3A_416, %dma_wait3A_418, %dma_wait3A_419] : memref<4x128x64xf32, #tpu.memory_space<vmem>> -> memref<1x128x64xf32, #tpu.memory_space<vmem>>
      %dma_wait3A_421 = tpu.memref_squeeze %dma_wait3A_420 : memref<1x128x64xf32, #tpu.memory_space<vmem>> -> memref<128x64xf32, #tpu.memory_space<vmem>>
      %dma_wait3A_422 = arith.constant 0 : i32
      %dma_wait3A_423 = tpu.memref_slice %arg7[%dma_wait3A_415, %dma_wait3A_422] : memref<56x128xi32, #tpu.memory_space<vmem>> -> memref<1x128xi32, #tpu.memory_space<vmem>>
      %dma_wait3A_424 = tpu.memref_squeeze %dma_wait3A_423 : memref<1x128xi32, #tpu.memory_space<vmem>> -> memref<128xi32, #tpu.memory_space<vmem>>
      %dma_wait3A_425 = arith.constant 0 : i32
      %dma_wait3A_426 = arith.constant 0 : i32
      %dma_wait3A_427 = tpu.memref_slice %arg4[%dma_wait3A_425, %dma_wait3A_426] : memref<5120x64xf32, #tpu.memory_space<hbm>> -> memref<5120x64xf32, #tpu.memory_space<hbm>>
      %dma_wait3A_428 = tpu.memref_slice %arg11[%dma_wait3A_417] : memref<4x!tpu.dma_semaphore, #tpu.memory_space<semaphore_mem>> -> memref<1x!tpu.dma_semaphore, #tpu.memory_space<semaphore_mem>>
      %dma_wait3A_429 = tpu.memref_squeeze %dma_wait3A_428 : memref<1x!tpu.dma_semaphore, #tpu.memory_space<semaphore_mem>> -> memref<!tpu.dma_semaphore, #tpu.memory_space<semaphore_mem>>
      tpu.wait_indirect_dma semaphore(%dma_wait3A_429 : memref<!tpu.dma_semaphore, #tpu.memory_space<semaphore_mem>>) src(%dma_wait3A_427 : memref<5120x64xf32, #tpu.memory_space<hbm>>) dst(%dma_wait3A_421 : memref<128x64xf32, #tpu.memory_space<vmem>>)
      %add3A_430 = arith.constant 2 : i32
      %add3A_431 = arith.addi %mul3A_265, %add3A_430 : i32
      %add3A_432 = arith.addi %mul3A_2, %add3A_431 : i32
      %mul3A_433 = arith.constant 128 : i32
      %mul3A_434 = arith.muli %add3A_432, %mul3A_433 : i32
      %dma_start3A_435 = arith.constant 2 : i32
      %dma_start3A_436 = arith.constant 2 : i32
      %dma_start3A_437 = arith.constant 0 : i32
      %dma_start3A_438 = arith.constant 0 : i32
      %dma_start3A_439 = tpu.memref_slice %arg8[%dma_start3A_435, %dma_start3A_437, %dma_start3A_438] : memref<4x128x64xf32, #tpu.memory_space<vmem>> -> memref<1x128x64xf32, #tpu.memory_space<vmem>>
      %dma_start3A_440 = tpu.memref_squeeze %dma_start3A_439 : memref<1x128x64xf32, #tpu.memory_space<vmem>> -> memref<128x64xf32, #tpu.memory_space<vmem>>
      %dma_start3A_441 = arith.constant 0 : i32
      %dma_start3A_442 = tpu.memref_slice %arg5[%mul3A_434, %dma_start3A_441] : memref<229376x128xf32, #tpu.memory_space<hbm>> -> memref<128x64xf32, #tpu.memory_space<hbm>>
      %dma_start3A_443 = tpu.memref_slice %arg12[%dma_start3A_436] : memref<4x!tpu.dma_semaphore, #tpu.memory_space<semaphore_mem>> -> memref<1x!tpu.dma_semaphore, #tpu.memory_space<semaphore_mem>>
      %dma_start3A_444 = tpu.memref_squeeze %dma_start3A_443 : memref<1x!tpu.dma_semaphore, #tpu.memory_space<semaphore_mem>> -> memref<!tpu.dma_semaphore, #tpu.memory_space<semaphore_mem>>
      %dma_start3A_445 = arith.constant 0 : i32
      %dma_start3A_446 = tpu.memref_slice %arg5[%mul3A_434, %dma_start3A_445] : memref<229376x128xf32, #tpu.memory_space<hbm>> -> memref<128x64xf32, #tpu.memory_space<hbm>>
      %dma_start3A_447 = arith.constant 0 : i32
      %dma_start3A_448 = arith.constant 0 : i32
      %dma_start3A_449 = tpu.memref_slice %arg8[%dma_start3A_435, %dma_start3A_447, %dma_start3A_448] : memref<4x128x64xf32, #tpu.memory_space<vmem>> -> memref<1x128x64xf32, #tpu.memory_space<vmem>>
      %dma_start3A_450 = tpu.memref_squeeze %dma_start3A_449 : memref<1x128x64xf32, #tpu.memory_space<vmem>> -> memref<128x64xf32, #tpu.memory_space<vmem>>
      tpu.enqueue_dma source(%dma_start3A_450 : memref<128x64xf32, #tpu.memory_space<vmem>>) target(%dma_start3A_446 : memref<128x64xf32, #tpu.memory_space<hbm>>) target_semaphore(%dma_start3A_444 : memref<!tpu.dma_semaphore, #tpu.memory_space<semaphore_mem>>)
      %dma_start3A_451 = arith.constant 2 : i32
      %dma_start3A_452 = arith.constant 2 : i32
      %dma_start3A_453 = arith.constant 0 : i32
      %dma_start3A_454 = arith.constant 0 : i32
      %dma_start3A_455 = tpu.memref_slice %arg9[%dma_start3A_451, %dma_start3A_453, %dma_start3A_454] : memref<4x128x64xf32, #tpu.memory_space<vmem>> -> memref<1x128x64xf32, #tpu.memory_space<vmem>>
      %dma_start3A_456 = tpu.memref_squeeze %dma_start3A_455 : memref<1x128x64xf32, #tpu.memory_space<vmem>> -> memref<128x64xf32, #tpu.memory_space<vmem>>
      %dma_start3A_457 = arith.constant 64 : i32
      %dma_start3A_458 = tpu.memref_slice %arg5[%mul3A_434, %dma_start3A_457] : memref<229376x128xf32, #tpu.memory_space<hbm>> -> memref<128x64xf32, #tpu.memory_space<hbm>>
      %dma_start3A_459 = tpu.memref_slice %arg13[%dma_start3A_452] : memref<4x!tpu.dma_semaphore, #tpu.memory_space<semaphore_mem>> -> memref<1x!tpu.dma_semaphore, #tpu.memory_space<semaphore_mem>>
      %dma_start3A_460 = tpu.memref_squeeze %dma_start3A_459 : memref<1x!tpu.dma_semaphore, #tpu.memory_space<semaphore_mem>> -> memref<!tpu.dma_semaphore, #tpu.memory_space<semaphore_mem>>
      %dma_start3A_461 = arith.constant 64 : i32
      %dma_start3A_462 = tpu.memref_slice %arg5[%mul3A_434, %dma_start3A_461] : memref<229376x128xf32, #tpu.memory_space<hbm>> -> memref<128x64xf32, #tpu.memory_space<hbm>>
      %dma_start3A_463 = arith.constant 0 : i32
      %dma_start3A_464 = arith.constant 0 : i32
      %dma_start3A_465 = tpu.memref_slice %arg9[%dma_start3A_451, %dma_start3A_463, %dma_start3A_464] : memref<4x128x64xf32, #tpu.memory_space<vmem>> -> memref<1x128x64xf32, #tpu.memory_space<vmem>>
      %dma_start3A_466 = tpu.memref_squeeze %dma_start3A_465 : memref<1x128x64xf32, #tpu.memory_space<vmem>> -> memref<128x64xf32, #tpu.memory_space<vmem>>
      tpu.enqueue_dma source(%dma_start3A_466 : memref<128x64xf32, #tpu.memory_space<vmem>>) target(%dma_start3A_462 : memref<128x64xf32, #tpu.memory_space<hbm>>) target_semaphore(%dma_start3A_460 : memref<!tpu.dma_semaphore, #tpu.memory_space<semaphore_mem>>)
      %dma_wait3A_467 = arith.constant 0 : i32
      %dma_wait3A_468 = arith.constant 3 : i32
      %dma_wait3A_469 = arith.constant 3 : i32
      %dma_wait3A_470 = arith.constant 0 : i32
      %dma_wait3A_471 = arith.constant 0 : i32
      %dma_wait3A_472 = tpu.memref_slice %arg8[%dma_wait3A_468, %dma_wait3A_470, %dma_wait3A_471] : memref<4x128x64xf32, #tpu.memory_space<vmem>> -> memref<1x128x64xf32, #tpu.memory_space<vmem>>
      %dma_wait3A_473 = tpu.memref_squeeze %dma_wait3A_472 : memref<1x128x64xf32, #tpu.memory_space<vmem>> -> memref<128x64xf32, #tpu.memory_space<vmem>>
      %dma_wait3A_474 = arith.constant 0 : i32
      %dma_wait3A_475 = tpu.memref_slice %arg6[%dma_wait3A_467, %dma_wait3A_474] : memref<56x128xi32, #tpu.memory_space<vmem>> -> memref<1x128xi32, #tpu.memory_space<vmem>>
      %dma_wait3A_476 = tpu.memref_squeeze %dma_wait3A_475 : memref<1x128xi32, #tpu.memory_space<vmem>> -> memref<128xi32, #tpu.memory_space<vmem>>
      %dma_wait3A_477 = arith.constant 0 : i32
      %dma_wait3A_478 = arith.constant 0 : i32
      %dma_wait3A_479 = tpu.memref_slice %arg3[%dma_wait3A_477, %dma_wait3A_478] : memref<5120x64xf32, #tpu.memory_space<hbm>> -> memref<5120x64xf32, #tpu.memory_space<hbm>>
      %dma_wait3A_480 = tpu.memref_slice %arg10[%dma_wait3A_469] : memref<4x!tpu.dma_semaphore, #tpu.memory_space<semaphore_mem>> -> memref<1x!tpu.dma_semaphore, #tpu.memory_space<semaphore_mem>>
      %dma_wait3A_481 = tpu.memref_squeeze %dma_wait3A_480 : memref<1x!tpu.dma_semaphore, #tpu.memory_space<semaphore_mem>> -> memref<!tpu.dma_semaphore, #tpu.memory_space<semaphore_mem>>
      tpu.wait_indirect_dma semaphore(%dma_wait3A_481 : memref<!tpu.dma_semaphore, #tpu.memory_space<semaphore_mem>>) src(%dma_wait3A_479 : memref<5120x64xf32, #tpu.memory_space<hbm>>) dst(%dma_wait3A_473 : memref<128x64xf32, #tpu.memory_space<vmem>>)
      %dma_wait3A_482 = arith.constant 0 : i32
      %dma_wait3A_483 = arith.constant 3 : i32
      %dma_wait3A_484 = arith.constant 3 : i32
      %dma_wait3A_485 = arith.constant 0 : i32
      %dma_wait3A_486 = arith.constant 0 : i32
      %dma_wait3A_487 = tpu.memref_slice %arg9[%dma_wait3A_483, %dma_wait3A_485, %dma_wait3A_486] : memref<4x128x64xf32, #tpu.memory_space<vmem>> -> memref<1x128x64xf32, #tpu.memory_space<vmem>>
      %dma_wait3A_488 = tpu.memref_squeeze %dma_wait3A_487 : memref<1x128x64xf32, #tpu.memory_space<vmem>> -> memref<128x64xf32, #tpu.memory_space<vmem>>
      %dma_wait3A_489 = arith.constant 0 : i32
      %dma_wait3A_490 = tpu.memref_slice %arg7[%dma_wait3A_482, %dma_wait3A_489] : memref<56x128xi32, #tpu.memory_space<vmem>> -> memref<1x128xi32, #tpu.memory_space<vmem>>
      %dma_wait3A_491 = tpu.memref_squeeze %dma_wait3A_490 : memref<1x128xi32, #tpu.memory_space<vmem>> -> memref<128xi32, #tpu.memory_space<vmem>>
      %dma_wait3A_492 = arith.constant 0 : i32
      %dma_wait3A_493 = arith.constant 0 : i32
      %dma_wait3A_494 = tpu.memref_slice %arg4[%dma_wait3A_492, %dma_wait3A_493] : memref<5120x64xf32, #tpu.memory_space<hbm>> -> memref<5120x64xf32, #tpu.memory_space<hbm>>
      %dma_wait3A_495 = tpu.memref_slice %arg11[%dma_wait3A_484] : memref<4x!tpu.dma_semaphore, #tpu.memory_space<semaphore_mem>> -> memref<1x!tpu.dma_semaphore, #tpu.memory_space<semaphore_mem>>
      %dma_wait3A_496 = tpu.memref_squeeze %dma_wait3A_495 : memref<1x!tpu.dma_semaphore, #tpu.memory_space<semaphore_mem>> -> memref<!tpu.dma_semaphore, #tpu.memory_space<semaphore_mem>>
      tpu.wait_indirect_dma semaphore(%dma_wait3A_496 : memref<!tpu.dma_semaphore, #tpu.memory_space<semaphore_mem>>) src(%dma_wait3A_494 : memref<5120x64xf32, #tpu.memory_space<hbm>>) dst(%dma_wait3A_488 : memref<128x64xf32, #tpu.memory_space<vmem>>)
      %add3A_497 = arith.constant 3 : i32
      %add3A_498 = arith.addi %mul3A_265, %add3A_497 : i32
      %add3A_499 = arith.addi %mul3A_2, %add3A_498 : i32
      %mul3A_500 = arith.constant 128 : i32
      %mul3A_501 = arith.muli %add3A_499, %mul3A_500 : i32
      %dma_start3A_502 = arith.constant 3 : i32
      %dma_start3A_503 = arith.constant 3 : i32
      %dma_start3A_504 = arith.constant 0 : i32
      %dma_start3A_505 = arith.constant 0 : i32
      %dma_start3A_506 = tpu.memref_slice %arg8[%dma_start3A_502, %dma_start3A_504, %dma_start3A_505] : memref<4x128x64xf32, #tpu.memory_space<vmem>> -> memref<1x128x64xf32, #tpu.memory_space<vmem>>
      %dma_start3A_507 = tpu.memref_squeeze %dma_start3A_506 : memref<1x128x64xf32, #tpu.memory_space<vmem>> -> memref<128x64xf32, #tpu.memory_space<vmem>>
      %dma_start3A_508 = arith.constant 0 : i32
      %dma_start3A_509 = tpu.memref_slice %arg5[%mul3A_501, %dma_start3A_508] : memref<229376x128xf32, #tpu.memory_space<hbm>> -> memref<128x64xf32, #tpu.memory_space<hbm>>
      %dma_start3A_510 = tpu.memref_slice %arg12[%dma_start3A_503] : memref<4x!tpu.dma_semaphore, #tpu.memory_space<semaphore_mem>> -> memref<1x!tpu.dma_semaphore, #tpu.memory_space<semaphore_mem>>
      %dma_start3A_511 = tpu.memref_squeeze %dma_start3A_510 : memref<1x!tpu.dma_semaphore, #tpu.memory_space<semaphore_mem>> -> memref<!tpu.dma_semaphore, #tpu.memory_space<semaphore_mem>>
      %dma_start3A_512 = arith.constant 0 : i32
      %dma_start3A_513 = tpu.memref_slice %arg5[%mul3A_501, %dma_start3A_512] : memref<229376x128xf32, #tpu.memory_space<hbm>> -> memref<128x64xf32, #tpu.memory_space<hbm>>
      %dma_start3A_514 = arith.constant 0 : i32
      %dma_start3A_515 = arith.constant 0 : i32
      %dma_start3A_516 = tpu.memref_slice %arg8[%dma_start3A_502, %dma_start3A_514, %dma_start3A_515] : memref<4x128x64xf32, #tpu.memory_space<vmem>> -> memref<1x128x64xf32, #tpu.memory_space<vmem>>
      %dma_start3A_517 = tpu.memref_squeeze %dma_start3A_516 : memref<1x128x64xf32, #tpu.memory_space<vmem>> -> memref<128x64xf32, #tpu.memory_space<vmem>>
      tpu.enqueue_dma source(%dma_start3A_517 : memref<128x64xf32, #tpu.memory_space<vmem>>) target(%dma_start3A_513 : memref<128x64xf32, #tpu.memory_space<hbm>>) target_semaphore(%dma_start3A_511 : memref<!tpu.dma_semaphore, #tpu.memory_space<semaphore_mem>>)
      %dma_start3A_518 = arith.constant 3 : i32
      %dma_start3A_519 = arith.constant 3 : i32
      %dma_start3A_520 = arith.constant 0 : i32
      %dma_start3A_521 = arith.constant 0 : i32
      %dma_start3A_522 = tpu.memref_slice %arg9[%dma_start3A_518, %dma_start3A_520, %dma_start3A_521] : memref<4x128x64xf32, #tpu.memory_space<vmem>> -> memref<1x128x64xf32, #tpu.memory_space<vmem>>
      %dma_start3A_523 = tpu.memref_squeeze %dma_start3A_522 : memref<1x128x64xf32, #tpu.memory_space<vmem>> -> memref<128x64xf32, #tpu.memory_space<vmem>>
      %dma_start3A_524 = arith.constant 64 : i32
      %dma_start3A_525 = tpu.memref_slice %arg5[%mul3A_501, %dma_start3A_524] : memref<229376x128xf32, #tpu.memory_space<hbm>> -> memref<128x64xf32, #tpu.memory_space<hbm>>
      %dma_start3A_526 = tpu.memref_slice %arg13[%dma_start3A_519] : memref<4x!tpu.dma_semaphore, #tpu.memory_space<semaphore_mem>> -> memref<1x!tpu.dma_semaphore, #tpu.memory_space<semaphore_mem>>
      %dma_start3A_527 = tpu.memref_squeeze %dma_start3A_526 : memref<1x!tpu.dma_semaphore, #tpu.memory_space<semaphore_mem>> -> memref<!tpu.dma_semaphore, #tpu.memory_space<semaphore_mem>>
      %dma_start3A_528 = arith.constant 64 : i32
      %dma_start3A_529 = tpu.memref_slice %arg5[%mul3A_501, %dma_start3A_528] : memref<229376x128xf32, #tpu.memory_space<hbm>> -> memref<128x64xf32, #tpu.memory_space<hbm>>
      %dma_start3A_530 = arith.constant 0 : i32
      %dma_start3A_531 = arith.constant 0 : i32
      %dma_start3A_532 = tpu.memref_slice %arg9[%dma_start3A_518, %dma_start3A_530, %dma_start3A_531] : memref<4x128x64xf32, #tpu.memory_space<vmem>> -> memref<1x128x64xf32, #tpu.memory_space<vmem>>
      %dma_start3A_533 = tpu.memref_squeeze %dma_start3A_532 : memref<1x128x64xf32, #tpu.memory_space<vmem>> -> memref<128x64xf32, #tpu.memory_space<vmem>>
      tpu.enqueue_dma source(%dma_start3A_533 : memref<128x64xf32, #tpu.memory_space<vmem>>) target(%dma_start3A_529 : memref<128x64xf32, #tpu.memory_space<hbm>>) target_semaphore(%dma_start3A_527 : memref<!tpu.dma_semaphore, #tpu.memory_space<semaphore_mem>>)
      %add3A_534 = arith.constant 1 : i32
      %add3A_535 = arith.addi %scan3A_263, %add3A_534 : i32
      %lt3A = arith.constant 14 : i32
      %lt3A_536 = arith.cmpi slt, %add3A_535, %lt3A : i32
      %convert_element_type3A = arith.extui %lt3A_536 : i1 to i32
      %cond3A = arith.constant 0 : i32
      %cond3A_537 = arith.cmpi ne, %convert_element_type3A, %cond3A : i32
      scf.if %cond3A_537 {
        %mul3A_559 = arith.constant 128 : i32
        %mul3A_560 = arith.muli %mul3A_2, %mul3A_559 : i32
        %dma_wait3A_561 = arith.constant 0 : i32
        %dma_wait3A_562 = arith.constant 0 : i32
        %dma_wait3A_563 = arith.constant 0 : i32
        %dma_wait3A_564 = arith.constant 0 : i32
        %dma_wait3A_565 = tpu.memref_slice %arg8[%dma_wait3A_561, %dma_wait3A_563, %dma_wait3A_564] : memref<4x128x64xf32, #tpu.memory_space<vmem>> -> memref<1x128x64xf32, #tpu.memory_space<vmem>>
        %dma_wait3A_566 = tpu.memref_squeeze %dma_wait3A_565 : memref<1x128x64xf32, #tpu.memory_space<vmem>> -> memref<128x64xf32, #tpu.memory_space<vmem>>
        %dma_wait3A_567 = arith.constant 0 : i32
        %dma_wait3A_568 = tpu.memref_slice %arg5[%mul3A_560, %dma_wait3A_567] : memref<229376x128xf32, #tpu.memory_space<hbm>> -> memref<128x64xf32, #tpu.memory_space<hbm>>
        %dma_wait3A_569 = tpu.memref_slice %arg12[%dma_wait3A_562] : memref<4x!tpu.dma_semaphore, #tpu.memory_space<semaphore_mem>> -> memref<1x!tpu.dma_semaphore, #tpu.memory_space<semaphore_mem>>
        %dma_wait3A_570 = tpu.memref_squeeze %dma_wait3A_569 : memref<1x!tpu.dma_semaphore, #tpu.memory_space<semaphore_mem>> -> memref<!tpu.dma_semaphore, #tpu.memory_space<semaphore_mem>>
        %dma_wait3A_571 = arith.constant 0 : i32
        %dma_wait3A_572 = tpu.memref_slice %arg5[%mul3A_560, %dma_wait3A_571] : memref<229376x128xf32, #tpu.memory_space<hbm>> -> memref<128x64xf32, #tpu.memory_space<hbm>>
        %dma_wait3A_573 = arith.constant 0 : i32
        %dma_wait3A_574 = arith.constant 0 : i32
        %dma_wait3A_575 = tpu.memref_slice %arg8[%dma_wait3A_561, %dma_wait3A_573, %dma_wait3A_574] : memref<4x128x64xf32, #tpu.memory_space<vmem>> -> memref<1x128x64xf32, #tpu.memory_space<vmem>>
        %dma_wait3A_576 = tpu.memref_squeeze %dma_wait3A_575 : memref<1x128x64xf32, #tpu.memory_space<vmem>> -> memref<128x64xf32, #tpu.memory_space<vmem>>
        tpu.wait_dma2 semaphore(%dma_wait3A_570 : memref<!tpu.dma_semaphore, #tpu.memory_space<semaphore_mem>>) src(%dma_wait3A_576 : memref<128x64xf32, #tpu.memory_space<vmem>>) dst(%dma_wait3A_572 : memref<128x64xf32, #tpu.memory_space<hbm>>)
        %dma_wait3A_577 = arith.constant 0 : i32
        %dma_wait3A_578 = arith.constant 0 : i32
        %dma_wait3A_579 = arith.constant 0 : i32
        %dma_wait3A_580 = arith.constant 0 : i32
        %dma_wait3A_581 = tpu.memref_slice %arg9[%dma_wait3A_577, %dma_wait3A_579, %dma_wait3A_580] : memref<4x128x64xf32, #tpu.memory_space<vmem>> -> memref<1x128x64xf32, #tpu.memory_space<vmem>>
        %dma_wait3A_582 = tpu.memref_squeeze %dma_wait3A_581 : memref<1x128x64xf32, #tpu.memory_space<vmem>> -> memref<128x64xf32, #tpu.memory_space<vmem>>
        %dma_wait3A_583 = arith.constant 64 : i32
        %dma_wait3A_584 = tpu.memref_slice %arg5[%mul3A_560, %dma_wait3A_583] : memref<229376x128xf32, #tpu.memory_space<hbm>> -> memref<128x64xf32, #tpu.memory_space<hbm>>
        %dma_wait3A_585 = tpu.memref_slice %arg13[%dma_wait3A_578] : memref<4x!tpu.dma_semaphore, #tpu.memory_space<semaphore_mem>> -> memref<1x!tpu.dma_semaphore, #tpu.memory_space<semaphore_mem>>
        %dma_wait3A_586 = tpu.memref_squeeze %dma_wait3A_585 : memref<1x!tpu.dma_semaphore, #tpu.memory_space<semaphore_mem>> -> memref<!tpu.dma_semaphore, #tpu.memory_space<semaphore_mem>>
        %dma_wait3A_587 = arith.constant 64 : i32
        %dma_wait3A_588 = tpu.memref_slice %arg5[%mul3A_560, %dma_wait3A_587] : memref<229376x128xf32, #tpu.memory_space<hbm>> -> memref<128x64xf32, #tpu.memory_space<hbm>>
        %dma_wait3A_589 = arith.constant 0 : i32
        %dma_wait3A_590 = arith.constant 0 : i32
        %dma_wait3A_591 = tpu.memref_slice %arg9[%dma_wait3A_577, %dma_wait3A_589, %dma_wait3A_590] : memref<4x128x64xf32, #tpu.memory_space<vmem>> -> memref<1x128x64xf32, #tpu.memory_space<vmem>>
        %dma_wait3A_592 = tpu.memref_squeeze %dma_wait3A_591 : memref<1x128x64xf32, #tpu.memory_space<vmem>> -> memref<128x64xf32, #tpu.memory_space<vmem>>
        tpu.wait_dma2 semaphore(%dma_wait3A_586 : memref<!tpu.dma_semaphore, #tpu.memory_space<semaphore_mem>>) src(%dma_wait3A_592 : memref<128x64xf32, #tpu.memory_space<vmem>>) dst(%dma_wait3A_588 : memref<128x64xf32, #tpu.memory_space<hbm>>)
        %add3A_593 = arith.constant 4 : i32
        %add3A_594 = arith.addi %mul3A_265, %add3A_593 : i32
        %add3A_595 = arith.constant 0 : i32
        %add3A_596 = arith.addi %add3A_594, %add3A_595 : i32
        %dma_start3A_597 = arith.constant 0 : i32
        %dma_start3A_598 = arith.constant 0 : i32
        %dma_start3A_599 = arith.constant 0 : i32
        %dma_start3A_600 = arith.constant 0 : i32
        %dma_start3A_601 = tpu.memref_slice %arg8[%dma_start3A_597, %dma_start3A_599, %dma_start3A_600] : memref<4x128x64xf32, #tpu.memory_space<vmem>> -> memref<1x128x64xf32, #tpu.memory_space<vmem>>
        %dma_start3A_602 = tpu.memref_squeeze %dma_start3A_601 : memref<1x128x64xf32, #tpu.memory_space<vmem>> -> memref<128x64xf32, #tpu.memory_space<vmem>>
        %dma_start3A_603 = arith.constant 0 : i32
        %dma_start3A_604 = tpu.memref_slice %arg6[%add3A_596, %dma_start3A_603] : memref<56x128xi32, #tpu.memory_space<vmem>> -> memref<1x128xi32, #tpu.memory_space<vmem>>
        %dma_start3A_605 = tpu.memref_squeeze %dma_start3A_604 : memref<1x128xi32, #tpu.memory_space<vmem>> -> memref<128xi32, #tpu.memory_space<vmem>>
        %dma_start3A_606 = arith.constant 0 : i32
        %dma_start3A_607 = arith.constant 0 : i32
        %dma_start3A_608 = tpu.memref_slice %arg3[%dma_start3A_606, %dma_start3A_607] : memref<5120x64xf32, #tpu.memory_space<hbm>> -> memref<5120x64xf32, #tpu.memory_space<hbm>>
        %dma_start3A_609 = tpu.memref_slice %arg10[%dma_start3A_598] : memref<4x!tpu.dma_semaphore, #tpu.memory_space<semaphore_mem>> -> memref<1x!tpu.dma_semaphore, #tpu.memory_space<semaphore_mem>>
        %dma_start3A_610 = tpu.memref_squeeze %dma_start3A_609 : memref<1x!tpu.dma_semaphore, #tpu.memory_space<semaphore_mem>> -> memref<!tpu.dma_semaphore, #tpu.memory_space<semaphore_mem>>
        tpu.enqueue_indirect_dma source(%dma_start3A_608 : memref<5120x64xf32, #tpu.memory_space<hbm>>) target(%dma_start3A_602 : memref<128x64xf32, #tpu.memory_space<vmem>>) offsets(%dma_start3A_605 : memref<128xi32, #tpu.memory_space<vmem>>) semaphore(%dma_start3A_610 : memref<!tpu.dma_semaphore, #tpu.memory_space<semaphore_mem>>)
        %dma_start3A_611 = arith.constant 0 : i32
        %dma_start3A_612 = arith.constant 0 : i32
        %dma_start3A_613 = arith.constant 0 : i32
        %dma_start3A_614 = arith.constant 0 : i32
        %dma_start3A_615 = tpu.memref_slice %arg9[%dma_start3A_611, %dma_start3A_613, %dma_start3A_614] : memref<4x128x64xf32, #tpu.memory_space<vmem>> -> memref<1x128x64xf32, #tpu.memory_space<vmem>>
        %dma_start3A_616 = tpu.memref_squeeze %dma_start3A_615 : memref<1x128x64xf32, #tpu.memory_space<vmem>> -> memref<128x64xf32, #tpu.memory_space<vmem>>
        %dma_start3A_617 = arith.constant 0 : i32
        %dma_start3A_618 = tpu.memref_slice %arg7[%add3A_596, %dma_start3A_617] : memref<56x128xi32, #tpu.memory_space<vmem>> -> memref<1x128xi32, #tpu.memory_space<vmem>>
        %dma_start3A_619 = tpu.memref_squeeze %dma_start3A_618 : memref<1x128xi32, #tpu.memory_space<vmem>> -> memref<128xi32, #tpu.memory_space<vmem>>
        %dma_start3A_620 = arith.constant 0 : i32
        %dma_start3A_621 = arith.constant 0 : i32
        %dma_start3A_622 = tpu.memref_slice %arg4[%dma_start3A_620, %dma_start3A_621] : memref<5120x64xf32, #tpu.memory_space<hbm>> -> memref<5120x64xf32, #tpu.memory_space<hbm>>
        %dma_start3A_623 = tpu.memref_slice %arg11[%dma_start3A_612] : memref<4x!tpu.dma_semaphore, #tpu.memory_space<semaphore_mem>> -> memref<1x!tpu.dma_semaphore, #tpu.memory_space<semaphore_mem>>
        %dma_start3A_624 = tpu.memref_squeeze %dma_start3A_623 : memref<1x!tpu.dma_semaphore, #tpu.memory_space<semaphore_mem>> -> memref<!tpu.dma_semaphore, #tpu.memory_space<semaphore_mem>>
        tpu.enqueue_indirect_dma source(%dma_start3A_622 : memref<5120x64xf32, #tpu.memory_space<hbm>>) target(%dma_start3A_616 : memref<128x64xf32, #tpu.memory_space<vmem>>) offsets(%dma_start3A_619 : memref<128xi32, #tpu.memory_space<vmem>>) semaphore(%dma_start3A_624 : memref<!tpu.dma_semaphore, #tpu.memory_space<semaphore_mem>>)
      } else {
      }
      %add3A_538 = arith.constant 1 : i32
      %add3A_539 = arith.addi %scan3A_263, %add3A_538 : i32
      %lt3A_540 = arith.constant 14 : i32
      %lt3A_541 = arith.cmpi slt, %add3A_539, %lt3A_540 : i32
      %convert_element_type3A_542 = arith.extui %lt3A_541 : i1 to i32
      %cond3A_543 = arith.constant 0 : i32
      %cond3A_544 = arith.cmpi ne, %convert_element_type3A_542, %cond3A_543 : i32
      scf.if %cond3A_544 {
        %mul3A_559 = arith.constant 128 : i32
        %mul3A_560 = arith.muli %mul3A_2, %mul3A_559 : i32
        %dma_wait3A_561 = arith.constant 1 : i32
        %dma_wait3A_562 = arith.constant 1 : i32
        %dma_wait3A_563 = arith.constant 0 : i32
        %dma_wait3A_564 = arith.constant 0 : i32
        %dma_wait3A_565 = tpu.memref_slice %arg8[%dma_wait3A_561, %dma_wait3A_563, %dma_wait3A_564] : memref<4x128x64xf32, #tpu.memory_space<vmem>> -> memref<1x128x64xf32, #tpu.memory_space<vmem>>
        %dma_wait3A_566 = tpu.memref_squeeze %dma_wait3A_565 : memref<1x128x64xf32, #tpu.memory_space<vmem>> -> memref<128x64xf32, #tpu.memory_space<vmem>>
        %dma_wait3A_567 = arith.constant 0 : i32
        %dma_wait3A_568 = tpu.memref_slice %arg5[%mul3A_560, %dma_wait3A_567] : memref<229376x128xf32, #tpu.memory_space<hbm>> -> memref<128x64xf32, #tpu.memory_space<hbm>>
        %dma_wait3A_569 = tpu.memref_slice %arg12[%dma_wait3A_562] : memref<4x!tpu.dma_semaphore, #tpu.memory_space<semaphore_mem>> -> memref<1x!tpu.dma_semaphore, #tpu.memory_space<semaphore_mem>>
        %dma_wait3A_570 = tpu.memref_squeeze %dma_wait3A_569 : memref<1x!tpu.dma_semaphore, #tpu.memory_space<semaphore_mem>> -> memref<!tpu.dma_semaphore, #tpu.memory_space<semaphore_mem>>
        %dma_wait3A_571 = arith.constant 0 : i32
        %dma_wait3A_572 = tpu.memref_slice %arg5[%mul3A_560, %dma_wait3A_571] : memref<229376x128xf32, #tpu.memory_space<hbm>> -> memref<128x64xf32, #tpu.memory_space<hbm>>
        %dma_wait3A_573 = arith.constant 0 : i32
        %dma_wait3A_574 = arith.constant 0 : i32
        %dma_wait3A_575 = tpu.memref_slice %arg8[%dma_wait3A_561, %dma_wait3A_573, %dma_wait3A_574] : memref<4x128x64xf32, #tpu.memory_space<vmem>> -> memref<1x128x64xf32, #tpu.memory_space<vmem>>
        %dma_wait3A_576 = tpu.memref_squeeze %dma_wait3A_575 : memref<1x128x64xf32, #tpu.memory_space<vmem>> -> memref<128x64xf32, #tpu.memory_space<vmem>>
        tpu.wait_dma2 semaphore(%dma_wait3A_570 : memref<!tpu.dma_semaphore, #tpu.memory_space<semaphore_mem>>) src(%dma_wait3A_576 : memref<128x64xf32, #tpu.memory_space<vmem>>) dst(%dma_wait3A_572 : memref<128x64xf32, #tpu.memory_space<hbm>>)
        %dma_wait3A_577 = arith.constant 1 : i32
        %dma_wait3A_578 = arith.constant 1 : i32
        %dma_wait3A_579 = arith.constant 0 : i32
        %dma_wait3A_580 = arith.constant 0 : i32
        %dma_wait3A_581 = tpu.memref_slice %arg9[%dma_wait3A_577, %dma_wait3A_579, %dma_wait3A_580] : memref<4x128x64xf32, #tpu.memory_space<vmem>> -> memref<1x128x64xf32, #tpu.memory_space<vmem>>
        %dma_wait3A_582 = tpu.memref_squeeze %dma_wait3A_581 : memref<1x128x64xf32, #tpu.memory_space<vmem>> -> memref<128x64xf32, #tpu.memory_space<vmem>>
        %dma_wait3A_583 = arith.constant 64 : i32
        %dma_wait3A_584 = tpu.memref_slice %arg5[%mul3A_560, %dma_wait3A_583] : memref<229376x128xf32, #tpu.memory_space<hbm>> -> memref<128x64xf32, #tpu.memory_space<hbm>>
        %dma_wait3A_585 = tpu.memref_slice %arg13[%dma_wait3A_578] : memref<4x!tpu.dma_semaphore, #tpu.memory_space<semaphore_mem>> -> memref<1x!tpu.dma_semaphore, #tpu.memory_space<semaphore_mem>>
        %dma_wait3A_586 = tpu.memref_squeeze %dma_wait3A_585 : memref<1x!tpu.dma_semaphore, #tpu.memory_space<semaphore_mem>> -> memref<!tpu.dma_semaphore, #tpu.memory_space<semaphore_mem>>
        %dma_wait3A_587 = arith.constant 64 : i32
        %dma_wait3A_588 = tpu.memref_slice %arg5[%mul3A_560, %dma_wait3A_587] : memref<229376x128xf32, #tpu.memory_space<hbm>> -> memref<128x64xf32, #tpu.memory_space<hbm>>
        %dma_wait3A_589 = arith.constant 0 : i32
        %dma_wait3A_590 = arith.constant 0 : i32
        %dma_wait3A_591 = tpu.memref_slice %arg9[%dma_wait3A_577, %dma_wait3A_589, %dma_wait3A_590] : memref<4x128x64xf32, #tpu.memory_space<vmem>> -> memref<1x128x64xf32, #tpu.memory_space<vmem>>
        %dma_wait3A_592 = tpu.memref_squeeze %dma_wait3A_591 : memref<1x128x64xf32, #tpu.memory_space<vmem>> -> memref<128x64xf32, #tpu.memory_space<vmem>>
        tpu.wait_dma2 semaphore(%dma_wait3A_586 : memref<!tpu.dma_semaphore, #tpu.memory_space<semaphore_mem>>) src(%dma_wait3A_592 : memref<128x64xf32, #tpu.memory_space<vmem>>) dst(%dma_wait3A_588 : memref<128x64xf32, #tpu.memory_space<hbm>>)
        %add3A_593 = arith.constant 4 : i32
        %add3A_594 = arith.addi %mul3A_265, %add3A_593 : i32
        %add3A_595 = arith.constant 1 : i32
        %add3A_596 = arith.addi %add3A_594, %add3A_595 : i32
        %dma_start3A_597 = arith.constant 1 : i32
        %dma_start3A_598 = arith.constant 1 : i32
        %dma_start3A_599 = arith.constant 0 : i32
        %dma_start3A_600 = arith.constant 0 : i32
        %dma_start3A_601 = tpu.memref_slice %arg8[%dma_start3A_597, %dma_start3A_599, %dma_start3A_600] : memref<4x128x64xf32, #tpu.memory_space<vmem>> -> memref<1x128x64xf32, #tpu.memory_space<vmem>>
        %dma_start3A_602 = tpu.memref_squeeze %dma_start3A_601 : memref<1x128x64xf32, #tpu.memory_space<vmem>> -> memref<128x64xf32, #tpu.memory_space<vmem>>
        %dma_start3A_603 = arith.constant 0 : i32
        %dma_start3A_604 = tpu.memref_slice %arg6[%add3A_596, %dma_start3A_603] : memref<56x128xi32, #tpu.memory_space<vmem>> -> memref<1x128xi32, #tpu.memory_space<vmem>>
        %dma_start3A_605 = tpu.memref_squeeze %dma_start3A_604 : memref<1x128xi32, #tpu.memory_space<vmem>> -> memref<128xi32, #tpu.memory_space<vmem>>
        %dma_start3A_606 = arith.constant 0 : i32
        %dma_start3A_607 = arith.constant 0 : i32
        %dma_start3A_608 = tpu.memref_slice %arg3[%dma_start3A_606, %dma_start3A_607] : memref<5120x64xf32, #tpu.memory_space<hbm>> -> memref<5120x64xf32, #tpu.memory_space<hbm>>
        %dma_start3A_609 = tpu.memref_slice %arg10[%dma_start3A_598] : memref<4x!tpu.dma_semaphore, #tpu.memory_space<semaphore_mem>> -> memref<1x!tpu.dma_semaphore, #tpu.memory_space<semaphore_mem>>
        %dma_start3A_610 = tpu.memref_squeeze %dma_start3A_609 : memref<1x!tpu.dma_semaphore, #tpu.memory_space<semaphore_mem>> -> memref<!tpu.dma_semaphore, #tpu.memory_space<semaphore_mem>>
        tpu.enqueue_indirect_dma source(%dma_start3A_608 : memref<5120x64xf32, #tpu.memory_space<hbm>>) target(%dma_start3A_602 : memref<128x64xf32, #tpu.memory_space<vmem>>) offsets(%dma_start3A_605 : memref<128xi32, #tpu.memory_space<vmem>>) semaphore(%dma_start3A_610 : memref<!tpu.dma_semaphore, #tpu.memory_space<semaphore_mem>>)
        %dma_start3A_611 = arith.constant 1 : i32
        %dma_start3A_612 = arith.constant 1 : i32
        %dma_start3A_613 = arith.constant 0 : i32
        %dma_start3A_614 = arith.constant 0 : i32
        %dma_start3A_615 = tpu.memref_slice %arg9[%dma_start3A_611, %dma_start3A_613, %dma_start3A_614] : memref<4x128x64xf32, #tpu.memory_space<vmem>> -> memref<1x128x64xf32, #tpu.memory_space<vmem>>
        %dma_start3A_616 = tpu.memref_squeeze %dma_start3A_615 : memref<1x128x64xf32, #tpu.memory_space<vmem>> -> memref<128x64xf32, #tpu.memory_space<vmem>>
        %dma_start3A_617 = arith.constant 0 : i32
        %dma_start3A_618 = tpu.memref_slice %arg7[%add3A_596, %dma_start3A_617] : memref<56x128xi32, #tpu.memory_space<vmem>> -> memref<1x128xi32, #tpu.memory_space<vmem>>
        %dma_start3A_619 = tpu.memref_squeeze %dma_start3A_618 : memref<1x128xi32, #tpu.memory_space<vmem>> -> memref<128xi32, #tpu.memory_space<vmem>>
        %dma_start3A_620 = arith.constant 0 : i32
        %dma_start3A_621 = arith.constant 0 : i32
        %dma_start3A_622 = tpu.memref_slice %arg4[%dma_start3A_620, %dma_start3A_621] : memref<5120x64xf32, #tpu.memory_space<hbm>> -> memref<5120x64xf32, #tpu.memory_space<hbm>>
        %dma_start3A_623 = tpu.memref_slice %arg11[%dma_start3A_612] : memref<4x!tpu.dma_semaphore, #tpu.memory_space<semaphore_mem>> -> memref<1x!tpu.dma_semaphore, #tpu.memory_space<semaphore_mem>>
        %dma_start3A_624 = tpu.memref_squeeze %dma_start3A_623 : memref<1x!tpu.dma_semaphore, #tpu.memory_space<semaphore_mem>> -> memref<!tpu.dma_semaphore, #tpu.memory_space<semaphore_mem>>
        tpu.enqueue_indirect_dma source(%dma_start3A_622 : memref<5120x64xf32, #tpu.memory_space<hbm>>) target(%dma_start3A_616 : memref<128x64xf32, #tpu.memory_space<vmem>>) offsets(%dma_start3A_619 : memref<128xi32, #tpu.memory_space<vmem>>) semaphore(%dma_start3A_624 : memref<!tpu.dma_semaphore, #tpu.memory_space<semaphore_mem>>)
      } else {
      }
      %add3A_545 = arith.constant 1 : i32
      %add3A_546 = arith.addi %scan3A_263, %add3A_545 : i32
      %lt3A_547 = arith.constant 14 : i32
      %lt3A_548 = arith.cmpi slt, %add3A_546, %lt3A_547 : i32
      %convert_element_type3A_549 = arith.extui %lt3A_548 : i1 to i32
      %cond3A_550 = arith.constant 0 : i32
      %cond3A_551 = arith.cmpi ne, %convert_element_type3A_549, %cond3A_550 : i32
      scf.if %cond3A_551 {
        %mul3A_559 = arith.constant 128 : i32
        %mul3A_560 = arith.muli %mul3A_2, %mul3A_559 : i32
        %dma_wait3A_561 = arith.constant 2 : i32
        %dma_wait3A_562 = arith.constant 2 : i32
        %dma_wait3A_563 = arith.constant 0 : i32
        %dma_wait3A_564 = arith.constant 0 : i32
        %dma_wait3A_565 = tpu.memref_slice %arg8[%dma_wait3A_561, %dma_wait3A_563, %dma_wait3A_564] : memref<4x128x64xf32, #tpu.memory_space<vmem>> -> memref<1x128x64xf32, #tpu.memory_space<vmem>>
        %dma_wait3A_566 = tpu.memref_squeeze %dma_wait3A_565 : memref<1x128x64xf32, #tpu.memory_space<vmem>> -> memref<128x64xf32, #tpu.memory_space<vmem>>
        %dma_wait3A_567 = arith.constant 0 : i32
        %dma_wait3A_568 = tpu.memref_slice %arg5[%mul3A_560, %dma_wait3A_567] : memref<229376x128xf32, #tpu.memory_space<hbm>> -> memref<128x64xf32, #tpu.memory_space<hbm>>
        %dma_wait3A_569 = tpu.memref_slice %arg12[%dma_wait3A_562] : memref<4x!tpu.dma_semaphore, #tpu.memory_space<semaphore_mem>> -> memref<1x!tpu.dma_semaphore, #tpu.memory_space<semaphore_mem>>
        %dma_wait3A_570 = tpu.memref_squeeze %dma_wait3A_569 : memref<1x!tpu.dma_semaphore, #tpu.memory_space<semaphore_mem>> -> memref<!tpu.dma_semaphore, #tpu.memory_space<semaphore_mem>>
        %dma_wait3A_571 = arith.constant 0 : i32
        %dma_wait3A_572 = tpu.memref_slice %arg5[%mul3A_560, %dma_wait3A_571] : memref<229376x128xf32, #tpu.memory_space<hbm>> -> memref<128x64xf32, #tpu.memory_space<hbm>>
        %dma_wait3A_573 = arith.constant 0 : i32
        %dma_wait3A_574 = arith.constant 0 : i32
        %dma_wait3A_575 = tpu.memref_slice %arg8[%dma_wait3A_561, %dma_wait3A_573, %dma_wait3A_574] : memref<4x128x64xf32, #tpu.memory_space<vmem>> -> memref<1x128x64xf32, #tpu.memory_space<vmem>>
        %dma_wait3A_576 = tpu.memref_squeeze %dma_wait3A_575 : memref<1x128x64xf32, #tpu.memory_space<vmem>> -> memref<128x64xf32, #tpu.memory_space<vmem>>
        tpu.wait_dma2 semaphore(%dma_wait3A_570 : memref<!tpu.dma_semaphore, #tpu.memory_space<semaphore_mem>>) src(%dma_wait3A_576 : memref<128x64xf32, #tpu.memory_space<vmem>>) dst(%dma_wait3A_572 : memref<128x64xf32, #tpu.memory_space<hbm>>)
        %dma_wait3A_577 = arith.constant 2 : i32
        %dma_wait3A_578 = arith.constant 2 : i32
        %dma_wait3A_579 = arith.constant 0 : i32
        %dma_wait3A_580 = arith.constant 0 : i32
        %dma_wait3A_581 = tpu.memref_slice %arg9[%dma_wait3A_577, %dma_wait3A_579, %dma_wait3A_580] : memref<4x128x64xf32, #tpu.memory_space<vmem>> -> memref<1x128x64xf32, #tpu.memory_space<vmem>>
        %dma_wait3A_582 = tpu.memref_squeeze %dma_wait3A_581 : memref<1x128x64xf32, #tpu.memory_space<vmem>> -> memref<128x64xf32, #tpu.memory_space<vmem>>
        %dma_wait3A_583 = arith.constant 64 : i32
        %dma_wait3A_584 = tpu.memref_slice %arg5[%mul3A_560, %dma_wait3A_583] : memref<229376x128xf32, #tpu.memory_space<hbm>> -> memref<128x64xf32, #tpu.memory_space<hbm>>
        %dma_wait3A_585 = tpu.memref_slice %arg13[%dma_wait3A_578] : memref<4x!tpu.dma_semaphore, #tpu.memory_space<semaphore_mem>> -> memref<1x!tpu.dma_semaphore, #tpu.memory_space<semaphore_mem>>
        %dma_wait3A_586 = tpu.memref_squeeze %dma_wait3A_585 : memref<1x!tpu.dma_semaphore, #tpu.memory_space<semaphore_mem>> -> memref<!tpu.dma_semaphore, #tpu.memory_space<semaphore_mem>>
        %dma_wait3A_587 = arith.constant 64 : i32
        %dma_wait3A_588 = tpu.memref_slice %arg5[%mul3A_560, %dma_wait3A_587] : memref<229376x128xf32, #tpu.memory_space<hbm>> -> memref<128x64xf32, #tpu.memory_space<hbm>>
        %dma_wait3A_589 = arith.constant 0 : i32
        %dma_wait3A_590 = arith.constant 0 : i32
        %dma_wait3A_591 = tpu.memref_slice %arg9[%dma_wait3A_577, %dma_wait3A_589, %dma_wait3A_590] : memref<4x128x64xf32, #tpu.memory_space<vmem>> -> memref<1x128x64xf32, #tpu.memory_space<vmem>>
        %dma_wait3A_592 = tpu.memref_squeeze %dma_wait3A_591 : memref<1x128x64xf32, #tpu.memory_space<vmem>> -> memref<128x64xf32, #tpu.memory_space<vmem>>
        tpu.wait_dma2 semaphore(%dma_wait3A_586 : memref<!tpu.dma_semaphore, #tpu.memory_space<semaphore_mem>>) src(%dma_wait3A_592 : memref<128x64xf32, #tpu.memory_space<vmem>>) dst(%dma_wait3A_588 : memref<128x64xf32, #tpu.memory_space<hbm>>)
        %add3A_593 = arith.constant 4 : i32
        %add3A_594 = arith.addi %mul3A_265, %add3A_593 : i32
        %add3A_595 = arith.constant 2 : i32
        %add3A_596 = arith.addi %add3A_594, %add3A_595 : i32
        %dma_start3A_597 = arith.constant 2 : i32
        %dma_start3A_598 = arith.constant 2 : i32
        %dma_start3A_599 = arith.constant 0 : i32
        %dma_start3A_600 = arith.constant 0 : i32
        %dma_start3A_601 = tpu.memref_slice %arg8[%dma_start3A_597, %dma_start3A_599, %dma_start3A_600] : memref<4x128x64xf32, #tpu.memory_space<vmem>> -> memref<1x128x64xf32, #tpu.memory_space<vmem>>
        %dma_start3A_602 = tpu.memref_squeeze %dma_start3A_601 : memref<1x128x64xf32, #tpu.memory_space<vmem>> -> memref<128x64xf32, #tpu.memory_space<vmem>>
        %dma_start3A_603 = arith.constant 0 : i32
        %dma_start3A_604 = tpu.memref_slice %arg6[%add3A_596, %dma_start3A_603] : memref<56x128xi32, #tpu.memory_space<vmem>> -> memref<1x128xi32, #tpu.memory_space<vmem>>
        %dma_start3A_605 = tpu.memref_squeeze %dma_start3A_604 : memref<1x128xi32, #tpu.memory_space<vmem>> -> memref<128xi32, #tpu.memory_space<vmem>>
        %dma_start3A_606 = arith.constant 0 : i32
        %dma_start3A_607 = arith.constant 0 : i32
        %dma_start3A_608 = tpu.memref_slice %arg3[%dma_start3A_606, %dma_start3A_607] : memref<5120x64xf32, #tpu.memory_space<hbm>> -> memref<5120x64xf32, #tpu.memory_space<hbm>>
        %dma_start3A_609 = tpu.memref_slice %arg10[%dma_start3A_598] : memref<4x!tpu.dma_semaphore, #tpu.memory_space<semaphore_mem>> -> memref<1x!tpu.dma_semaphore, #tpu.memory_space<semaphore_mem>>
        %dma_start3A_610 = tpu.memref_squeeze %dma_start3A_609 : memref<1x!tpu.dma_semaphore, #tpu.memory_space<semaphore_mem>> -> memref<!tpu.dma_semaphore, #tpu.memory_space<semaphore_mem>>
        tpu.enqueue_indirect_dma source(%dma_start3A_608 : memref<5120x64xf32, #tpu.memory_space<hbm>>) target(%dma_start3A_602 : memref<128x64xf32, #tpu.memory_space<vmem>>) offsets(%dma_start3A_605 : memref<128xi32, #tpu.memory_space<vmem>>) semaphore(%dma_start3A_610 : memref<!tpu.dma_semaphore, #tpu.memory_space<semaphore_mem>>)
        %dma_start3A_611 = arith.constant 2 : i32
        %dma_start3A_612 = arith.constant 2 : i32
        %dma_start3A_613 = arith.constant 0 : i32
        %dma_start3A_614 = arith.constant 0 : i32
        %dma_start3A_615 = tpu.memref_slice %arg9[%dma_start3A_611, %dma_start3A_613, %dma_start3A_614] : memref<4x128x64xf32, #tpu.memory_space<vmem>> -> memref<1x128x64xf32, #tpu.memory_space<vmem>>
        %dma_start3A_616 = tpu.memref_squeeze %dma_start3A_615 : memref<1x128x64xf32, #tpu.memory_space<vmem>> -> memref<128x64xf32, #tpu.memory_space<vmem>>
        %dma_start3A_617 = arith.constant 0 : i32
        %dma_start3A_618 = tpu.memref_slice %arg7[%add3A_596, %dma_start3A_617] : memref<56x128xi32, #tpu.memory_space<vmem>> -> memref<1x128xi32, #tpu.memory_space<vmem>>
        %dma_start3A_619 = tpu.memref_squeeze %dma_start3A_618 : memref<1x128xi32, #tpu.memory_space<vmem>> -> memref<128xi32, #tpu.memory_space<vmem>>
        %dma_start3A_620 = arith.constant 0 : i32
        %dma_start3A_621 = arith.constant 0 : i32
        %dma_start3A_622 = tpu.memref_slice %arg4[%dma_start3A_620, %dma_start3A_621] : memref<5120x64xf32, #tpu.memory_space<hbm>> -> memref<5120x64xf32, #tpu.memory_space<hbm>>
        %dma_start3A_623 = tpu.memref_slice %arg11[%dma_start3A_612] : memref<4x!tpu.dma_semaphore, #tpu.memory_space<semaphore_mem>> -> memref<1x!tpu.dma_semaphore, #tpu.memory_space<semaphore_mem>>
        %dma_start3A_624 = tpu.memref_squeeze %dma_start3A_623 : memref<1x!tpu.dma_semaphore, #tpu.memory_space<semaphore_mem>> -> memref<!tpu.dma_semaphore, #tpu.memory_space<semaphore_mem>>
        tpu.enqueue_indirect_dma source(%dma_start3A_622 : memref<5120x64xf32, #tpu.memory_space<hbm>>) target(%dma_start3A_616 : memref<128x64xf32, #tpu.memory_space<vmem>>) offsets(%dma_start3A_619 : memref<128xi32, #tpu.memory_space<vmem>>) semaphore(%dma_start3A_624 : memref<!tpu.dma_semaphore, #tpu.memory_space<semaphore_mem>>)
      } else {
      }
      %add3A_552 = arith.constant 1 : i32
      %add3A_553 = arith.addi %scan3A_263, %add3A_552 : i32
      %lt3A_554 = arith.constant 14 : i32
      %lt3A_555 = arith.cmpi slt, %add3A_553, %lt3A_554 : i32
      %convert_element_type3A_556 = arith.extui %lt3A_555 : i1 to i32
      %cond3A_557 = arith.constant 0 : i32
      %cond3A_558 = arith.cmpi ne, %convert_element_type3A_556, %cond3A_557 : i32
      scf.if %cond3A_558 {
        %mul3A_559 = arith.constant 128 : i32
        %mul3A_560 = arith.muli %mul3A_2, %mul3A_559 : i32
        %dma_wait3A_561 = arith.constant 3 : i32
        %dma_wait3A_562 = arith.constant 3 : i32
        %dma_wait3A_563 = arith.constant 0 : i32
        %dma_wait3A_564 = arith.constant 0 : i32
        %dma_wait3A_565 = tpu.memref_slice %arg8[%dma_wait3A_561, %dma_wait3A_563, %dma_wait3A_564] : memref<4x128x64xf32, #tpu.memory_space<vmem>> -> memref<1x128x64xf32, #tpu.memory_space<vmem>>
        %dma_wait3A_566 = tpu.memref_squeeze %dma_wait3A_565 : memref<1x128x64xf32, #tpu.memory_space<vmem>> -> memref<128x64xf32, #tpu.memory_space<vmem>>
        %dma_wait3A_567 = arith.constant 0 : i32
        %dma_wait3A_568 = tpu.memref_slice %arg5[%mul3A_560, %dma_wait3A_567] : memref<229376x128xf32, #tpu.memory_space<hbm>> -> memref<128x64xf32, #tpu.memory_space<hbm>>
        %dma_wait3A_569 = tpu.memref_slice %arg12[%dma_wait3A_562] : memref<4x!tpu.dma_semaphore, #tpu.memory_space<semaphore_mem>> -> memref<1x!tpu.dma_semaphore, #tpu.memory_space<semaphore_mem>>
        %dma_wait3A_570 = tpu.memref_squeeze %dma_wait3A_569 : memref<1x!tpu.dma_semaphore, #tpu.memory_space<semaphore_mem>> -> memref<!tpu.dma_semaphore, #tpu.memory_space<semaphore_mem>>
        %dma_wait3A_571 = arith.constant 0 : i32
        %dma_wait3A_572 = tpu.memref_slice %arg5[%mul3A_560, %dma_wait3A_571] : memref<229376x128xf32, #tpu.memory_space<hbm>> -> memref<128x64xf32, #tpu.memory_space<hbm>>
        %dma_wait3A_573 = arith.constant 0 : i32
        %dma_wait3A_574 = arith.constant 0 : i32
        %dma_wait3A_575 = tpu.memref_slice %arg8[%dma_wait3A_561, %dma_wait3A_573, %dma_wait3A_574] : memref<4x128x64xf32, #tpu.memory_space<vmem>> -> memref<1x128x64xf32, #tpu.memory_space<vmem>>
        %dma_wait3A_576 = tpu.memref_squeeze %dma_wait3A_575 : memref<1x128x64xf32, #tpu.memory_space<vmem>> -> memref<128x64xf32, #tpu.memory_space<vmem>>
        tpu.wait_dma2 semaphore(%dma_wait3A_570 : memref<!tpu.dma_semaphore, #tpu.memory_space<semaphore_mem>>) src(%dma_wait3A_576 : memref<128x64xf32, #tpu.memory_space<vmem>>) dst(%dma_wait3A_572 : memref<128x64xf32, #tpu.memory_space<hbm>>)
        %dma_wait3A_577 = arith.constant 3 : i32
        %dma_wait3A_578 = arith.constant 3 : i32
        %dma_wait3A_579 = arith.constant 0 : i32
        %dma_wait3A_580 = arith.constant 0 : i32
        %dma_wait3A_581 = tpu.memref_slice %arg9[%dma_wait3A_577, %dma_wait3A_579, %dma_wait3A_580] : memref<4x128x64xf32, #tpu.memory_space<vmem>> -> memref<1x128x64xf32, #tpu.memory_space<vmem>>
        %dma_wait3A_582 = tpu.memref_squeeze %dma_wait3A_581 : memref<1x128x64xf32, #tpu.memory_space<vmem>> -> memref<128x64xf32, #tpu.memory_space<vmem>>
        %dma_wait3A_583 = arith.constant 64 : i32
        %dma_wait3A_584 = tpu.memref_slice %arg5[%mul3A_560, %dma_wait3A_583] : memref<229376x128xf32, #tpu.memory_space<hbm>> -> memref<128x64xf32, #tpu.memory_space<hbm>>
        %dma_wait3A_585 = tpu.memref_slice %arg13[%dma_wait3A_578] : memref<4x!tpu.dma_semaphore, #tpu.memory_space<semaphore_mem>> -> memref<1x!tpu.dma_semaphore, #tpu.memory_space<semaphore_mem>>
        %dma_wait3A_586 = tpu.memref_squeeze %dma_wait3A_585 : memref<1x!tpu.dma_semaphore, #tpu.memory_space<semaphore_mem>> -> memref<!tpu.dma_semaphore, #tpu.memory_space<semaphore_mem>>
        %dma_wait3A_587 = arith.constant 64 : i32
        %dma_wait3A_588 = tpu.memref_slice %arg5[%mul3A_560, %dma_wait3A_587] : memref<229376x128xf32, #tpu.memory_space<hbm>> -> memref<128x64xf32, #tpu.memory_space<hbm>>
        %dma_wait3A_589 = arith.constant 0 : i32
        %dma_wait3A_590 = arith.constant 0 : i32
        %dma_wait3A_591 = tpu.memref_slice %arg9[%dma_wait3A_577, %dma_wait3A_589, %dma_wait3A_590] : memref<4x128x64xf32, #tpu.memory_space<vmem>> -> memref<1x128x64xf32, #tpu.memory_space<vmem>>
        %dma_wait3A_592 = tpu.memref_squeeze %dma_wait3A_591 : memref<1x128x64xf32, #tpu.memory_space<vmem>> -> memref<128x64xf32, #tpu.memory_space<vmem>>
        tpu.wait_dma2 semaphore(%dma_wait3A_586 : memref<!tpu.dma_semaphore, #tpu.memory_space<semaphore_mem>>) src(%dma_wait3A_592 : memref<128x64xf32, #tpu.memory_space<vmem>>) dst(%dma_wait3A_588 : memref<128x64xf32, #tpu.memory_space<hbm>>)
        %add3A_593 = arith.constant 4 : i32
        %add3A_594 = arith.addi %mul3A_265, %add3A_593 : i32
        %add3A_595 = arith.constant 3 : i32
        %add3A_596 = arith.addi %add3A_594, %add3A_595 : i32
        %dma_start3A_597 = arith.constant 3 : i32
        %dma_start3A_598 = arith.constant 3 : i32
        %dma_start3A_599 = arith.constant 0 : i32
        %dma_start3A_600 = arith.constant 0 : i32
        %dma_start3A_601 = tpu.memref_slice %arg8[%dma_start3A_597, %dma_start3A_599, %dma_start3A_600] : memref<4x128x64xf32, #tpu.memory_space<vmem>> -> memref<1x128x64xf32, #tpu.memory_space<vmem>>
        %dma_start3A_602 = tpu.memref_squeeze %dma_start3A_601 : memref<1x128x64xf32, #tpu.memory_space<vmem>> -> memref<128x64xf32, #tpu.memory_space<vmem>>
        %dma_start3A_603 = arith.constant 0 : i32
        %dma_start3A_604 = tpu.memref_slice %arg6[%add3A_596, %dma_start3A_603] : memref<56x128xi32, #tpu.memory_space<vmem>> -> memref<1x128xi32, #tpu.memory_space<vmem>>
        %dma_start3A_605 = tpu.memref_squeeze %dma_start3A_604 : memref<1x128xi32, #tpu.memory_space<vmem>> -> memref<128xi32, #tpu.memory_space<vmem>>
        %dma_start3A_606 = arith.constant 0 : i32
        %dma_start3A_607 = arith.constant 0 : i32
        %dma_start3A_608 = tpu.memref_slice %arg3[%dma_start3A_606, %dma_start3A_607] : memref<5120x64xf32, #tpu.memory_space<hbm>> -> memref<5120x64xf32, #tpu.memory_space<hbm>>
        %dma_start3A_609 = tpu.memref_slice %arg10[%dma_start3A_598] : memref<4x!tpu.dma_semaphore, #tpu.memory_space<semaphore_mem>> -> memref<1x!tpu.dma_semaphore, #tpu.memory_space<semaphore_mem>>
        %dma_start3A_610 = tpu.memref_squeeze %dma_start3A_609 : memref<1x!tpu.dma_semaphore, #tpu.memory_space<semaphore_mem>> -> memref<!tpu.dma_semaphore, #tpu.memory_space<semaphore_mem>>
        tpu.enqueue_indirect_dma source(%dma_start3A_608 : memref<5120x64xf32, #tpu.memory_space<hbm>>) target(%dma_start3A_602 : memref<128x64xf32, #tpu.memory_space<vmem>>) offsets(%dma_start3A_605 : memref<128xi32, #tpu.memory_space<vmem>>) semaphore(%dma_start3A_610 : memref<!tpu.dma_semaphore, #tpu.memory_space<semaphore_mem>>)
        %dma_start3A_611 = arith.constant 3 : i32
        %dma_start3A_612 = arith.constant 3 : i32
        %dma_start3A_613 = arith.constant 0 : i32
        %dma_start3A_614 = arith.constant 0 : i32
        %dma_start3A_615 = tpu.memref_slice %arg9[%dma_start3A_611, %dma_start3A_613, %dma_start3A_614] : memref<4x128x64xf32, #tpu.memory_space<vmem>> -> memref<1x128x64xf32, #tpu.memory_space<vmem>>
        %dma_start3A_616 = tpu.memref_squeeze %dma_start3A_615 : memref<1x128x64xf32, #tpu.memory_space<vmem>> -> memref<128x64xf32, #tpu.memory_space<vmem>>
        %dma_start3A_617 = arith.constant 0 : i32
        %dma_start3A_618 = tpu.memref_slice %arg7[%add3A_596, %dma_start3A_617] : memref<56x128xi32, #tpu.memory_space<vmem>> -> memref<1x128xi32, #tpu.memory_space<vmem>>
        %dma_start3A_619 = tpu.memref_squeeze %dma_start3A_618 : memref<1x128xi32, #tpu.memory_space<vmem>> -> memref<128xi32, #tpu.memory_space<vmem>>
        %dma_start3A_620 = arith.constant 0 : i32
        %dma_start3A_621 = arith.constant 0 : i32
        %dma_start3A_622 = tpu.memref_slice %arg4[%dma_start3A_620, %dma_start3A_621] : memref<5120x64xf32, #tpu.memory_space<hbm>> -> memref<5120x64xf32, #tpu.memory_space<hbm>>
        %dma_start3A_623 = tpu.memref_slice %arg11[%dma_start3A_612] : memref<4x!tpu.dma_semaphore, #tpu.memory_space<semaphore_mem>> -> memref<1x!tpu.dma_semaphore, #tpu.memory_space<semaphore_mem>>
        %dma_start3A_624 = tpu.memref_squeeze %dma_start3A_623 : memref<1x!tpu.dma_semaphore, #tpu.memory_space<semaphore_mem>> -> memref<!tpu.dma_semaphore, #tpu.memory_space<semaphore_mem>>
        tpu.enqueue_indirect_dma source(%dma_start3A_622 : memref<5120x64xf32, #tpu.memory_space<hbm>>) target(%dma_start3A_616 : memref<128x64xf32, #tpu.memory_space<vmem>>) offsets(%dma_start3A_619 : memref<128xi32, #tpu.memory_space<vmem>>) semaphore(%dma_start3A_624 : memref<!tpu.dma_semaphore, #tpu.memory_space<semaphore_mem>>)
      } else {
      }
    }
    %scan3A_127 = arith.constant 14 : i32
    %mul3A_128 = arith.constant 128 : i32
    %mul3A_129 = arith.muli %mul3A_2, %mul3A_128 : i32
    %dma_wait3A = arith.constant 0 : i32
    %dma_wait3A_130 = arith.constant 0 : i32
    %dma_wait3A_131 = arith.constant 0 : i32
    %dma_wait3A_132 = arith.constant 0 : i32
    %dma_wait3A_133 = tpu.memref_slice %arg8[%dma_wait3A, %dma_wait3A_131, %dma_wait3A_132] : memref<4x128x64xf32, #tpu.memory_space<vmem>> -> memref<1x128x64xf32, #tpu.memory_space<vmem>>
    %dma_wait3A_134 = tpu.memref_squeeze %dma_wait3A_133 : memref<1x128x64xf32, #tpu.memory_space<vmem>> -> memref<128x64xf32, #tpu.memory_space<vmem>>
    %dma_wait3A_135 = arith.constant 0 : i32
    %dma_wait3A_136 = tpu.memref_slice %arg5[%mul3A_129, %dma_wait3A_135] : memref<229376x128xf32, #tpu.memory_space<hbm>> -> memref<128x64xf32, #tpu.memory_space<hbm>>
    %dma_wait3A_137 = tpu.memref_slice %arg12[%dma_wait3A_130] : memref<4x!tpu.dma_semaphore, #tpu.memory_space<semaphore_mem>> -> memref<1x!tpu.dma_semaphore, #tpu.memory_space<semaphore_mem>>
    %dma_wait3A_138 = tpu.memref_squeeze %dma_wait3A_137 : memref<1x!tpu.dma_semaphore, #tpu.memory_space<semaphore_mem>> -> memref<!tpu.dma_semaphore, #tpu.memory_space<semaphore_mem>>
    %dma_wait3A_139 = arith.constant 0 : i32
    %dma_wait3A_140 = tpu.memref_slice %arg5[%mul3A_129, %dma_wait3A_139] : memref<229376x128xf32, #tpu.memory_space<hbm>> -> memref<128x64xf32, #tpu.memory_space<hbm>>
    %dma_wait3A_141 = arith.constant 0 : i32
    %dma_wait3A_142 = arith.constant 0 : i32
    %dma_wait3A_143 = tpu.memref_slice %arg8[%dma_wait3A, %dma_wait3A_141, %dma_wait3A_142] : memref<4x128x64xf32, #tpu.memory_space<vmem>> -> memref<1x128x64xf32, #tpu.memory_space<vmem>>
    %dma_wait3A_144 = tpu.memref_squeeze %dma_wait3A_143 : memref<1x128x64xf32, #tpu.memory_space<vmem>> -> memref<128x64xf32, #tpu.memory_space<vmem>>
    tpu.wait_dma2 semaphore(%dma_wait3A_138 : memref<!tpu.dma_semaphore, #tpu.memory_space<semaphore_mem>>) src(%dma_wait3A_144 : memref<128x64xf32, #tpu.memory_space<vmem>>) dst(%dma_wait3A_140 : memref<128x64xf32, #tpu.memory_space<hbm>>)
    %dma_wait3A_145 = arith.constant 0 : i32
    %dma_wait3A_146 = arith.constant 0 : i32
    %dma_wait3A_147 = arith.constant 0 : i32
    %dma_wait3A_148 = arith.constant 0 : i32
    %dma_wait3A_149 = tpu.memref_slice %arg9[%dma_wait3A_145, %dma_wait3A_147, %dma_wait3A_148] : memref<4x128x64xf32, #tpu.memory_space<vmem>> -> memref<1x128x64xf32, #tpu.memory_space<vmem>>
    %dma_wait3A_150 = tpu.memref_squeeze %dma_wait3A_149 : memref<1x128x64xf32, #tpu.memory_space<vmem>> -> memref<128x64xf32, #tpu.memory_space<vmem>>
    %dma_wait3A_151 = arith.constant 64 : i32
    %dma_wait3A_152 = tpu.memref_slice %arg5[%mul3A_129, %dma_wait3A_151] : memref<229376x128xf32, #tpu.memory_space<hbm>> -> memref<128x64xf32, #tpu.memory_space<hbm>>
    %dma_wait3A_153 = tpu.memref_slice %arg13[%dma_wait3A_146] : memref<4x!tpu.dma_semaphore, #tpu.memory_space<semaphore_mem>> -> memref<1x!tpu.dma_semaphore, #tpu.memory_space<semaphore_mem>>
    %dma_wait3A_154 = tpu.memref_squeeze %dma_wait3A_153 : memref<1x!tpu.dma_semaphore, #tpu.memory_space<semaphore_mem>> -> memref<!tpu.dma_semaphore, #tpu.memory_space<semaphore_mem>>
    %dma_wait3A_155 = arith.constant 64 : i32
    %dma_wait3A_156 = tpu.memref_slice %arg5[%mul3A_129, %dma_wait3A_155] : memref<229376x128xf32, #tpu.memory_space<hbm>> -> memref<128x64xf32, #tpu.memory_space<hbm>>
    %dma_wait3A_157 = arith.constant 0 : i32
    %dma_wait3A_158 = arith.constant 0 : i32
    %dma_wait3A_159 = tpu.memref_slice %arg9[%dma_wait3A_145, %dma_wait3A_157, %dma_wait3A_158] : memref<4x128x64xf32, #tpu.memory_space<vmem>> -> memref<1x128x64xf32, #tpu.memory_space<vmem>>
    %dma_wait3A_160 = tpu.memref_squeeze %dma_wait3A_159 : memref<1x128x64xf32, #tpu.memory_space<vmem>> -> memref<128x64xf32, #tpu.memory_space<vmem>>
    tpu.wait_dma2 semaphore(%dma_wait3A_154 : memref<!tpu.dma_semaphore, #tpu.memory_space<semaphore_mem>>) src(%dma_wait3A_160 : memref<128x64xf32, #tpu.memory_space<vmem>>) dst(%dma_wait3A_156 : memref<128x64xf32, #tpu.memory_space<hbm>>)
    %mul3A_161 = arith.constant 128 : i32
    %mul3A_162 = arith.muli %mul3A_2, %mul3A_161 : i32
    %dma_wait3A_163 = arith.constant 1 : i32
    %dma_wait3A_164 = arith.constant 1 : i32
    %dma_wait3A_165 = arith.constant 0 : i32
    %dma_wait3A_166 = arith.constant 0 : i32
    %dma_wait3A_167 = tpu.memref_slice %arg8[%dma_wait3A_163, %dma_wait3A_165, %dma_wait3A_166] : memref<4x128x64xf32, #tpu.memory_space<vmem>> -> memref<1x128x64xf32, #tpu.memory_space<vmem>>
    %dma_wait3A_168 = tpu.memref_squeeze %dma_wait3A_167 : memref<1x128x64xf32, #tpu.memory_space<vmem>> -> memref<128x64xf32, #tpu.memory_space<vmem>>
    %dma_wait3A_169 = arith.constant 0 : i32
    %dma_wait3A_170 = tpu.memref_slice %arg5[%mul3A_162, %dma_wait3A_169] : memref<229376x128xf32, #tpu.memory_space<hbm>> -> memref<128x64xf32, #tpu.memory_space<hbm>>
    %dma_wait3A_171 = tpu.memref_slice %arg12[%dma_wait3A_164] : memref<4x!tpu.dma_semaphore, #tpu.memory_space<semaphore_mem>> -> memref<1x!tpu.dma_semaphore, #tpu.memory_space<semaphore_mem>>
    %dma_wait3A_172 = tpu.memref_squeeze %dma_wait3A_171 : memref<1x!tpu.dma_semaphore, #tpu.memory_space<semaphore_mem>> -> memref<!tpu.dma_semaphore, #tpu.memory_space<semaphore_mem>>
    %dma_wait3A_173 = arith.constant 0 : i32
    %dma_wait3A_174 = tpu.memref_slice %arg5[%mul3A_162, %dma_wait3A_173] : memref<229376x128xf32, #tpu.memory_space<hbm>> -> memref<128x64xf32, #tpu.memory_space<hbm>>
    %dma_wait3A_175 = arith.constant 0 : i32
    %dma_wait3A_176 = arith.constant 0 : i32
    %dma_wait3A_177 = tpu.memref_slice %arg8[%dma_wait3A_163, %dma_wait3A_175, %dma_wait3A_176] : memref<4x128x64xf32, #tpu.memory_space<vmem>> -> memref<1x128x64xf32, #tpu.memory_space<vmem>>
    %dma_wait3A_178 = tpu.memref_squeeze %dma_wait3A_177 : memref<1x128x64xf32, #tpu.memory_space<vmem>> -> memref<128x64xf32, #tpu.memory_space<vmem>>
    tpu.wait_dma2 semaphore(%dma_wait3A_172 : memref<!tpu.dma_semaphore, #tpu.memory_space<semaphore_mem>>) src(%dma_wait3A_178 : memref<128x64xf32, #tpu.memory_space<vmem>>) dst(%dma_wait3A_174 : memref<128x64xf32, #tpu.memory_space<hbm>>)
    %dma_wait3A_179 = arith.constant 1 : i32
    %dma_wait3A_180 = arith.constant 1 : i32
    %dma_wait3A_181 = arith.constant 0 : i32
    %dma_wait3A_182 = arith.constant 0 : i32
    %dma_wait3A_183 = tpu.memref_slice %arg9[%dma_wait3A_179, %dma_wait3A_181, %dma_wait3A_182] : memref<4x128x64xf32, #tpu.memory_space<vmem>> -> memref<1x128x64xf32, #tpu.memory_space<vmem>>
    %dma_wait3A_184 = tpu.memref_squeeze %dma_wait3A_183 : memref<1x128x64xf32, #tpu.memory_space<vmem>> -> memref<128x64xf32, #tpu.memory_space<vmem>>
    %dma_wait3A_185 = arith.constant 64 : i32
    %dma_wait3A_186 = tpu.memref_slice %arg5[%mul3A_162, %dma_wait3A_185] : memref<229376x128xf32, #tpu.memory_space<hbm>> -> memref<128x64xf32, #tpu.memory_space<hbm>>
    %dma_wait3A_187 = tpu.memref_slice %arg13[%dma_wait3A_180] : memref<4x!tpu.dma_semaphore, #tpu.memory_space<semaphore_mem>> -> memref<1x!tpu.dma_semaphore, #tpu.memory_space<semaphore_mem>>
    %dma_wait3A_188 = tpu.memref_squeeze %dma_wait3A_187 : memref<1x!tpu.dma_semaphore, #tpu.memory_space<semaphore_mem>> -> memref<!tpu.dma_semaphore, #tpu.memory_space<semaphore_mem>>
    %dma_wait3A_189 = arith.constant 64 : i32
    %dma_wait3A_190 = tpu.memref_slice %arg5[%mul3A_162, %dma_wait3A_189] : memref<229376x128xf32, #tpu.memory_space<hbm>> -> memref<128x64xf32, #tpu.memory_space<hbm>>
    %dma_wait3A_191 = arith.constant 0 : i32
    %dma_wait3A_192 = arith.constant 0 : i32
    %dma_wait3A_193 = tpu.memref_slice %arg9[%dma_wait3A_179, %dma_wait3A_191, %dma_wait3A_192] : memref<4x128x64xf32, #tpu.memory_space<vmem>> -> memref<1x128x64xf32, #tpu.memory_space<vmem>>
    %dma_wait3A_194 = tpu.memref_squeeze %dma_wait3A_193 : memref<1x128x64xf32, #tpu.memory_space<vmem>> -> memref<128x64xf32, #tpu.memory_space<vmem>>
    tpu.wait_dma2 semaphore(%dma_wait3A_188 : memref<!tpu.dma_semaphore, #tpu.memory_space<semaphore_mem>>) src(%dma_wait3A_194 : memref<128x64xf32, #tpu.memory_space<vmem>>) dst(%dma_wait3A_190 : memref<128x64xf32, #tpu.memory_space<hbm>>)
    %mul3A_195 = arith.constant 128 : i32
    %mul3A_196 = arith.muli %mul3A_2, %mul3A_195 : i32
    %dma_wait3A_197 = arith.constant 2 : i32
    %dma_wait3A_198 = arith.constant 2 : i32
    %dma_wait3A_199 = arith.constant 0 : i32
    %dma_wait3A_200 = arith.constant 0 : i32
    %dma_wait3A_201 = tpu.memref_slice %arg8[%dma_wait3A_197, %dma_wait3A_199, %dma_wait3A_200] : memref<4x128x64xf32, #tpu.memory_space<vmem>> -> memref<1x128x64xf32, #tpu.memory_space<vmem>>
    %dma_wait3A_202 = tpu.memref_squeeze %dma_wait3A_201 : memref<1x128x64xf32, #tpu.memory_space<vmem>> -> memref<128x64xf32, #tpu.memory_space<vmem>>
    %dma_wait3A_203 = arith.constant 0 : i32
    %dma_wait3A_204 = tpu.memref_slice %arg5[%mul3A_196, %dma_wait3A_203] : memref<229376x128xf32, #tpu.memory_space<hbm>> -> memref<128x64xf32, #tpu.memory_space<hbm>>
    %dma_wait3A_205 = tpu.memref_slice %arg12[%dma_wait3A_198] : memref<4x!tpu.dma_semaphore, #tpu.memory_space<semaphore_mem>> -> memref<1x!tpu.dma_semaphore, #tpu.memory_space<semaphore_mem>>
    %dma_wait3A_206 = tpu.memref_squeeze %dma_wait3A_205 : memref<1x!tpu.dma_semaphore, #tpu.memory_space<semaphore_mem>> -> memref<!tpu.dma_semaphore, #tpu.memory_space<semaphore_mem>>
    %dma_wait3A_207 = arith.constant 0 : i32
    %dma_wait3A_208 = tpu.memref_slice %arg5[%mul3A_196, %dma_wait3A_207] : memref<229376x128xf32, #tpu.memory_space<hbm>> -> memref<128x64xf32, #tpu.memory_space<hbm>>
    %dma_wait3A_209 = arith.constant 0 : i32
    %dma_wait3A_210 = arith.constant 0 : i32
    %dma_wait3A_211 = tpu.memref_slice %arg8[%dma_wait3A_197, %dma_wait3A_209, %dma_wait3A_210] : memref<4x128x64xf32, #tpu.memory_space<vmem>> -> memref<1x128x64xf32, #tpu.memory_space<vmem>>
    %dma_wait3A_212 = tpu.memref_squeeze %dma_wait3A_211 : memref<1x128x64xf32, #tpu.memory_space<vmem>> -> memref<128x64xf32, #tpu.memory_space<vmem>>
    tpu.wait_dma2 semaphore(%dma_wait3A_206 : memref<!tpu.dma_semaphore, #tpu.memory_space<semaphore_mem>>) src(%dma_wait3A_212 : memref<128x64xf32, #tpu.memory_space<vmem>>) dst(%dma_wait3A_208 : memref<128x64xf32, #tpu.memory_space<hbm>>)
    %dma_wait3A_213 = arith.constant 2 : i32
    %dma_wait3A_214 = arith.constant 2 : i32
    %dma_wait3A_215 = arith.constant 0 : i32
    %dma_wait3A_216 = arith.constant 0 : i32
    %dma_wait3A_217 = tpu.memref_slice %arg9[%dma_wait3A_213, %dma_wait3A_215, %dma_wait3A_216] : memref<4x128x64xf32, #tpu.memory_space<vmem>> -> memref<1x128x64xf32, #tpu.memory_space<vmem>>
    %dma_wait3A_218 = tpu.memref_squeeze %dma_wait3A_217 : memref<1x128x64xf32, #tpu.memory_space<vmem>> -> memref<128x64xf32, #tpu.memory_space<vmem>>
    %dma_wait3A_219 = arith.constant 64 : i32
    %dma_wait3A_220 = tpu.memref_slice %arg5[%mul3A_196, %dma_wait3A_219] : memref<229376x128xf32, #tpu.memory_space<hbm>> -> memref<128x64xf32, #tpu.memory_space<hbm>>
    %dma_wait3A_221 = tpu.memref_slice %arg13[%dma_wait3A_214] : memref<4x!tpu.dma_semaphore, #tpu.memory_space<semaphore_mem>> -> memref<1x!tpu.dma_semaphore, #tpu.memory_space<semaphore_mem>>
    %dma_wait3A_222 = tpu.memref_squeeze %dma_wait3A_221 : memref<1x!tpu.dma_semaphore, #tpu.memory_space<semaphore_mem>> -> memref<!tpu.dma_semaphore, #tpu.memory_space<semaphore_mem>>
    %dma_wait3A_223 = arith.constant 64 : i32
    %dma_wait3A_224 = tpu.memref_slice %arg5[%mul3A_196, %dma_wait3A_223] : memref<229376x128xf32, #tpu.memory_space<hbm>> -> memref<128x64xf32, #tpu.memory_space<hbm>>
    %dma_wait3A_225 = arith.constant 0 : i32
    %dma_wait3A_226 = arith.constant 0 : i32
    %dma_wait3A_227 = tpu.memref_slice %arg9[%dma_wait3A_213, %dma_wait3A_225, %dma_wait3A_226] : memref<4x128x64xf32, #tpu.memory_space<vmem>> -> memref<1x128x64xf32, #tpu.memory_space<vmem>>
    %dma_wait3A_228 = tpu.memref_squeeze %dma_wait3A_227 : memref<1x128x64xf32, #tpu.memory_space<vmem>> -> memref<128x64xf32, #tpu.memory_space<vmem>>
    tpu.wait_dma2 semaphore(%dma_wait3A_222 : memref<!tpu.dma_semaphore, #tpu.memory_space<semaphore_mem>>) src(%dma_wait3A_228 : memref<128x64xf32, #tpu.memory_space<vmem>>) dst(%dma_wait3A_224 : memref<128x64xf32, #tpu.memory_space<hbm>>)
    %mul3A_229 = arith.constant 128 : i32
    %mul3A_230 = arith.muli %mul3A_2, %mul3A_229 : i32
    %dma_wait3A_231 = arith.constant 3 : i32
    %dma_wait3A_232 = arith.constant 3 : i32
    %dma_wait3A_233 = arith.constant 0 : i32
    %dma_wait3A_234 = arith.constant 0 : i32
    %dma_wait3A_235 = tpu.memref_slice %arg8[%dma_wait3A_231, %dma_wait3A_233, %dma_wait3A_234] : memref<4x128x64xf32, #tpu.memory_space<vmem>> -> memref<1x128x64xf32, #tpu.memory_space<vmem>>
    %dma_wait3A_236 = tpu.memref_squeeze %dma_wait3A_235 : memref<1x128x64xf32, #tpu.memory_space<vmem>> -> memref<128x64xf32, #tpu.memory_space<vmem>>
    %dma_wait3A_237 = arith.constant 0 : i32
    %dma_wait3A_238 = tpu.memref_slice %arg5[%mul3A_230, %dma_wait3A_237] : memref<229376x128xf32, #tpu.memory_space<hbm>> -> memref<128x64xf32, #tpu.memory_space<hbm>>
    %dma_wait3A_239 = tpu.memref_slice %arg12[%dma_wait3A_232] : memref<4x!tpu.dma_semaphore, #tpu.memory_space<semaphore_mem>> -> memref<1x!tpu.dma_semaphore, #tpu.memory_space<semaphore_mem>>
    %dma_wait3A_240 = tpu.memref_squeeze %dma_wait3A_239 : memref<1x!tpu.dma_semaphore, #tpu.memory_space<semaphore_mem>> -> memref<!tpu.dma_semaphore, #tpu.memory_space<semaphore_mem>>
    %dma_wait3A_241 = arith.constant 0 : i32
    %dma_wait3A_242 = tpu.memref_slice %arg5[%mul3A_230, %dma_wait3A_241] : memref<229376x128xf32, #tpu.memory_space<hbm>> -> memref<128x64xf32, #tpu.memory_space<hbm>>
    %dma_wait3A_243 = arith.constant 0 : i32
    %dma_wait3A_244 = arith.constant 0 : i32
    %dma_wait3A_245 = tpu.memref_slice %arg8[%dma_wait3A_231, %dma_wait3A_243, %dma_wait3A_244] : memref<4x128x64xf32, #tpu.memory_space<vmem>> -> memref<1x128x64xf32, #tpu.memory_space<vmem>>
    %dma_wait3A_246 = tpu.memref_squeeze %dma_wait3A_245 : memref<1x128x64xf32, #tpu.memory_space<vmem>> -> memref<128x64xf32, #tpu.memory_space<vmem>>
    tpu.wait_dma2 semaphore(%dma_wait3A_240 : memref<!tpu.dma_semaphore, #tpu.memory_space<semaphore_mem>>) src(%dma_wait3A_246 : memref<128x64xf32, #tpu.memory_space<vmem>>) dst(%dma_wait3A_242 : memref<128x64xf32, #tpu.memory_space<hbm>>)
    %dma_wait3A_247 = arith.constant 3 : i32
    %dma_wait3A_248 = arith.constant 3 : i32
    %dma_wait3A_249 = arith.constant 0 : i32
    %dma_wait3A_250 = arith.constant 0 : i32
    %dma_wait3A_251 = tpu.memref_slice %arg9[%dma_wait3A_247, %dma_wait3A_249, %dma_wait3A_250] : memref<4x128x64xf32, #tpu.memory_space<vmem>> -> memref<1x128x64xf32, #tpu.memory_space<vmem>>
    %dma_wait3A_252 = tpu.memref_squeeze %dma_wait3A_251 : memref<1x128x64xf32, #tpu.memory_space<vmem>> -> memref<128x64xf32, #tpu.memory_space<vmem>>
    %dma_wait3A_253 = arith.constant 64 : i32
    %dma_wait3A_254 = tpu.memref_slice %arg5[%mul3A_230, %dma_wait3A_253] : memref<229376x128xf32, #tpu.memory_space<hbm>> -> memref<128x64xf32, #tpu.memory_space<hbm>>
    %dma_wait3A_255 = tpu.memref_slice %arg13[%dma_wait3A_248] : memref<4x!tpu.dma_semaphore, #tpu.memory_space<semaphore_mem>> -> memref<1x!tpu.dma_semaphore, #tpu.memory_space<semaphore_mem>>
    %dma_wait3A_256 = tpu.memref_squeeze %dma_wait3A_255 : memref<1x!tpu.dma_semaphore, #tpu.memory_space<semaphore_mem>> -> memref<!tpu.dma_semaphore, #tpu.memory_space<semaphore_mem>>
    %dma_wait3A_257 = arith.constant 64 : i32
    %dma_wait3A_258 = tpu.memref_slice %arg5[%mul3A_230, %dma_wait3A_257] : memref<229376x128xf32, #tpu.memory_space<hbm>> -> memref<128x64xf32, #tpu.memory_space<hbm>>
    %dma_wait3A_259 = arith.constant 0 : i32
    %dma_wait3A_260 = arith.constant 0 : i32
    %dma_wait3A_261 = tpu.memref_slice %arg9[%dma_wait3A_247, %dma_wait3A_259, %dma_wait3A_260] : memref<4x128x64xf32, #tpu.memory_space<vmem>> -> memref<1x128x64xf32, #tpu.memory_space<vmem>>
    %dma_wait3A_262 = tpu.memref_squeeze %dma_wait3A_261 : memref<1x128x64xf32, #tpu.memory_space<vmem>> -> memref<128x64xf32, #tpu.memory_space<vmem>>
    tpu.wait_dma2 semaphore(%dma_wait3A_256 : memref<!tpu.dma_semaphore, #tpu.memory_space<semaphore_mem>>) src(%dma_wait3A_262 : memref<128x64xf32, #tpu.memory_space<vmem>>) dst(%dma_wait3A_258 : memref<128x64xf32, #tpu.memory_space<hbm>>)
    return
  }
}

module attributes {stable_mosaic.version = 14 : i64} {
  func.func @_tc_embed_body(%arg0: memref<5120x128xf32, #tpu.memory_space<vmem>>, %arg1: memref<5120x128xf32, #tpu.memory_space<vmem>>, %arg2: memref<128x128xf32, #tpu.memory_space<vmem>>, %arg3: memref<1x128xf32, #tpu.memory_space<vmem>>, %arg4: memref<128x128xf32, #tpu.memory_space<vmem>>, %arg5: memref<1x128xf32, #tpu.memory_space<vmem>>, %arg6: memref<128x64xf32, #tpu.memory_space<vmem>>, %arg7: memref<128x64xf32, #tpu.memory_space<vmem>>, %arg8: memref<2x5120x16xf32, #tpu.memory_space<vmem>>, %arg9: memref<2x5120x16xf32, #tpu.memory_space<vmem>>, %arg10: memref<5120x64xf32, #tpu.memory_space<vmem>>, %arg11: memref<5120x64xf32, #tpu.memory_space<vmem>>) attributes {dimension_semantics = [], scalar_prefetch = 0 : i64, scratch_operands = 0 : i64, tpu.core_type = #tpu.core_type<tc>} {
    %iota3A = tpu.iota {dimensions = array<i32: 0>} : vector<5120x1xi32>
    %lt3A = arith.constant 5000 : i32
    %lt3A_0 = vector.broadcast %lt3A : i32 to vector<5120x1xi32>
    %lt3A_1 = arith.cmpi slt, %iota3A, %lt3A_0 : vector<5120x1xi32>
    %get3A = arith.constant 0 : index
    %get3A_2 = arith.constant 0 : index
    %get3A_3 = arith.constant 0 : index
    %get3A_4 = vector.load %arg8[%get3A, %get3A_2, %get3A_3] : memref<2x5120x16xf32, #tpu.memory_space<vmem>>, vector<1x5120x16xf32>
    %get3A_5 = vector.shape_cast %get3A_4 : vector<1x5120x16xf32> to vector<5120x16xf32>
    %reduce_max3A = arith.constant dense<0xFF800000> : vector<5120xf32>
    %reduce_max3A_6 = vector.multi_reduction <maximumf>, %get3A_5, %reduce_max3A [1] : vector<5120x16xf32> to vector<5120xf32>
    %broadcast_in_dim3A = vector.shape_cast %reduce_max3A_6 : vector<5120xf32> to vector<5120x1xf32>
    %get3A_7 = arith.constant 1 : index
    %get3A_8 = arith.constant 0 : index
    %get3A_9 = arith.constant 0 : index
    %get3A_10 = vector.load %arg8[%get3A_7, %get3A_8, %get3A_9] : memref<2x5120x16xf32, #tpu.memory_space<vmem>>, vector<1x5120x16xf32>
    %get3A_11 = vector.shape_cast %get3A_10 : vector<1x5120x16xf32> to vector<5120x16xf32>
    %reduce_max3A_12 = arith.constant dense<0xFF800000> : vector<5120xf32>
    %reduce_max3A_13 = vector.multi_reduction <maximumf>, %get3A_11, %reduce_max3A_12 [1] : vector<5120x16xf32> to vector<5120xf32>
    %broadcast_in_dim3A_14 = vector.shape_cast %reduce_max3A_13 : vector<5120xf32> to vector<5120x1xf32>
    %add3A = arith.addf %broadcast_in_dim3A, %broadcast_in_dim3A_14 : vector<5120x1xf32>
    %max3A = arith.constant 1.000000e+00 : f32
    %max3A_15 = vector.broadcast %max3A : f32 to vector<5120x1xf32>
    %max3A_16 = arith.maximumf %add3A, %max3A_15 : vector<5120x1xf32>
    %rsqrt3A = math.rsqrt %max3A_16 : vector<5120x1xf32>
    %get3A_17 = arith.constant 0 : index
    %get3A_18 = arith.constant 0 : index
    %get3A_19 = vector.load %arg0[%get3A_17, %get3A_18] : memref<5120x128xf32, #tpu.memory_space<vmem>>, vector<5120x128xf32>
    %get3A_20 = arith.constant 0 : index
    %get3A_21 = arith.constant 0 : index
    %get3A_22 = vector.load %arg2[%get3A_20, %get3A_21] : memref<128x128xf32, #tpu.memory_space<vmem>>, vector<128x128xf32>
    %dot_general3A = arith.constant dense<0.000000e+00> : vector<5120x128xf32>
    %dot_general3A_23 = tpu.matmul %get3A_19, %get3A_22, %dot_general3A {dimension_numbers = #tpu.dot_dimension_numbers<[1], [0], [0], [1], [0, 0, 1, 1], [], []>, transpose_lhs_hint = false} : vector<5120x128xf32>, vector<128x128xf32>, vector<5120x128xf32> -> vector<5120x128xf32>
    %get3A_24 = arith.constant 0 : index
    %get3A_25 = arith.constant 0 : index
    %get3A_26 = vector.load %arg3[%get3A_24, %get3A_25] : memref<1x128xf32, #tpu.memory_space<vmem>>, vector<1x128xf32>
    %add3A_27 = vector.broadcast %get3A_26 : vector<1x128xf32> to vector<5120x128xf32>
    %add3A_28 = arith.addf %dot_general3A_23, %add3A_27 : vector<5120x128xf32>
    %get3A_29 = arith.constant 0 : index
    %get3A_30 = arith.constant 0 : index
    %get3A_31 = vector.load %arg6[%get3A_29, %get3A_30] : memref<128x64xf32, #tpu.memory_space<vmem>>, vector<128x64xf32>
    %dot_general3A_32 = arith.constant dense<0.000000e+00> : vector<5120x64xf32>
    %dot_general3A_33 = tpu.matmul %add3A_28, %get3A_31, %dot_general3A_32 {dimension_numbers = #tpu.dot_dimension_numbers<[1], [0], [0], [1], [0, 0, 1, 1], [], []>, transpose_lhs_hint = false} : vector<5120x128xf32>, vector<128x64xf32>, vector<5120x64xf32> -> vector<5120x64xf32>
    %mul3A = vector.broadcast %rsqrt3A : vector<5120x1xf32> to vector<5120x64xf32>
    %mul3A_34 = arith.mulf %dot_general3A_33, %mul3A : vector<5120x64xf32>
    %jit3A = arith.constant 0.000000e+00 : f32
    %broadcast_in_dim3A_35 = vector.shape_cast %lt3A_1 : vector<5120x1xi1> to vector<5120x1xi1>
    %broadcast_in_dim3A_36 = vector.broadcast %broadcast_in_dim3A_35 : vector<5120x1xi1> to vector<5120x64xi1>
    %broadcast_in_dim3A_37 = vector.broadcast %jit3A : f32 to vector<5120x64xf32>
    %select_n3A = arith.select %broadcast_in_dim3A_36, %mul3A_34, %broadcast_in_dim3A_37 : vector<5120x64xi1>, vector<5120x64xf32>
    %swap3A = arith.constant 0 : index
    %swap3A_38 = arith.constant 0 : index
    %swap3A_39 = vector.load %arg10[%swap3A, %swap3A_38] : memref<5120x64xf32, #tpu.memory_space<vmem>>, vector<5120x64xf32>
    tpu.vector_store %arg10[%swap3A, %swap3A_38], %select_n3A {strides = array<i32>} : memref<5120x64xf32, #tpu.memory_space<vmem>>, vector<5120x64xf32>,
    %get3A_40 = arith.constant 0 : index
    %get3A_41 = arith.constant 0 : index
    %get3A_42 = arith.constant 0 : index
    %get3A_43 = vector.load %arg9[%get3A_40, %get3A_41, %get3A_42] : memref<2x5120x16xf32, #tpu.memory_space<vmem>>, vector<1x5120x16xf32>
    %get3A_44 = vector.shape_cast %get3A_43 : vector<1x5120x16xf32> to vector<5120x16xf32>
    %reduce_max3A_45 = arith.constant dense<0xFF800000> : vector<5120xf32>
    %reduce_max3A_46 = vector.multi_reduction <maximumf>, %get3A_44, %reduce_max3A_45 [1] : vector<5120x16xf32> to vector<5120xf32>
    %broadcast_in_dim3A_47 = vector.shape_cast %reduce_max3A_46 : vector<5120xf32> to vector<5120x1xf32>
    %get3A_48 = arith.constant 1 : index
    %get3A_49 = arith.constant 0 : index
    %get3A_50 = arith.constant 0 : index
    %get3A_51 = vector.load %arg9[%get3A_48, %get3A_49, %get3A_50] : memref<2x5120x16xf32, #tpu.memory_space<vmem>>, vector<1x5120x16xf32>
    %get3A_52 = vector.shape_cast %get3A_51 : vector<1x5120x16xf32> to vector<5120x16xf32>
    %reduce_max3A_53 = arith.constant dense<0xFF800000> : vector<5120xf32>
    %reduce_max3A_54 = vector.multi_reduction <maximumf>, %get3A_52, %reduce_max3A_53 [1] : vector<5120x16xf32> to vector<5120xf32>
    %broadcast_in_dim3A_55 = vector.shape_cast %reduce_max3A_54 : vector<5120xf32> to vector<5120x1xf32>
    %add3A_56 = arith.addf %broadcast_in_dim3A_47, %broadcast_in_dim3A_55 : vector<5120x1xf32>
    %max3A_57 = arith.constant 1.000000e+00 : f32
    %max3A_58 = vector.broadcast %max3A_57 : f32 to vector<5120x1xf32>
    %max3A_59 = arith.maximumf %add3A_56, %max3A_58 : vector<5120x1xf32>
    %rsqrt3A_60 = math.rsqrt %max3A_59 : vector<5120x1xf32>
    %get3A_61 = arith.constant 0 : index
    %get3A_62 = arith.constant 0 : index
    %get3A_63 = vector.load %arg1[%get3A_61, %get3A_62] : memref<5120x128xf32, #tpu.memory_space<vmem>>, vector<5120x128xf32>
    %get3A_64 = arith.constant 0 : index
    %get3A_65 = arith.constant 0 : index
    %get3A_66 = vector.load %arg4[%get3A_64, %get3A_65] : memref<128x128xf32, #tpu.memory_space<vmem>>, vector<128x128xf32>
    %dot_general3A_67 = arith.constant dense<0.000000e+00> : vector<5120x128xf32>
    %dot_general3A_68 = tpu.matmul %get3A_63, %get3A_66, %dot_general3A_67 {dimension_numbers = #tpu.dot_dimension_numbers<[1], [0], [0], [1], [0, 0, 1, 1], [], []>, transpose_lhs_hint = false} : vector<5120x128xf32>, vector<128x128xf32>, vector<5120x128xf32> -> vector<5120x128xf32>
    %get3A_69 = arith.constant 0 : index
    %get3A_70 = arith.constant 0 : index
    %get3A_71 = vector.load %arg5[%get3A_69, %get3A_70] : memref<1x128xf32, #tpu.memory_space<vmem>>, vector<1x128xf32>
    %add3A_72 = vector.broadcast %get3A_71 : vector<1x128xf32> to vector<5120x128xf32>
    %add3A_73 = arith.addf %dot_general3A_68, %add3A_72 : vector<5120x128xf32>
    %get3A_74 = arith.constant 0 : index
    %get3A_75 = arith.constant 0 : index
    %get3A_76 = vector.load %arg7[%get3A_74, %get3A_75] : memref<128x64xf32, #tpu.memory_space<vmem>>, vector<128x64xf32>
    %dot_general3A_77 = arith.constant dense<0.000000e+00> : vector<5120x64xf32>
    %dot_general3A_78 = tpu.matmul %add3A_73, %get3A_76, %dot_general3A_77 {dimension_numbers = #tpu.dot_dimension_numbers<[1], [0], [0], [1], [0, 0, 1, 1], [], []>, transpose_lhs_hint = false} : vector<5120x128xf32>, vector<128x64xf32>, vector<5120x64xf32> -> vector<5120x64xf32>
    %mul3A_79 = vector.broadcast %rsqrt3A_60 : vector<5120x1xf32> to vector<5120x64xf32>
    %mul3A_80 = arith.mulf %dot_general3A_78, %mul3A_79 : vector<5120x64xf32>
    %jit3A_81 = arith.constant 0.000000e+00 : f32
    %broadcast_in_dim3A_82 = vector.shape_cast %lt3A_1 : vector<5120x1xi1> to vector<5120x1xi1>
    %broadcast_in_dim3A_83 = vector.broadcast %broadcast_in_dim3A_82 : vector<5120x1xi1> to vector<5120x64xi1>
    %broadcast_in_dim3A_84 = vector.broadcast %jit3A_81 : f32 to vector<5120x64xf32>
    %select_n3A_85 = arith.select %broadcast_in_dim3A_83, %mul3A_80, %broadcast_in_dim3A_84 : vector<5120x64xi1>, vector<5120x64xf32>
    %swap3A_86 = arith.constant 0 : index
    %swap3A_87 = arith.constant 0 : index
    %swap3A_88 = vector.load %arg11[%swap3A_86, %swap3A_87] : memref<5120x64xf32, #tpu.memory_space<vmem>>, vector<5120x64xf32>
    tpu.vector_store %arg11[%swap3A_86, %swap3A_87], %select_n3A_85 {strides = array<i32>} : memref<5120x64xf32, #tpu.memory_space<vmem>>, vector<5120x64xf32>,
    return
  }
}

module attributes {stable_mosaic.version = 14 : i64} {
  func.func @_tc_mid_body(%arg0: memref<2x5120x64xf32, #tpu.memory_space<vmem>>, %arg1: memref<2x5120x64xf32, #tpu.memory_space<vmem>>, %arg2: memref<2x5120x16xf32, #tpu.memory_space<vmem>>, %arg3: memref<2x5120x16xf32, #tpu.memory_space<vmem>>, %arg4: memref<1x64xf32, #tpu.memory_space<vmem>>, %arg5: memref<1x64xf32, #tpu.memory_space<vmem>>, %arg6: memref<64x64xf32, #tpu.memory_space<vmem>>, %arg7: memref<64x64xf32, #tpu.memory_space<vmem>>, %arg8: memref<5120x64xf32, #tpu.memory_space<vmem>>, %arg9: memref<5120x64xf32, #tpu.memory_space<vmem>>) attributes {dimension_semantics = [], scalar_prefetch = 0 : i64, scratch_operands = 0 : i64, tpu.core_type = #tpu.core_type<tc>} {
    %iota3A = tpu.iota {dimensions = array<i32: 0>} : vector<5120x1xi32>
    %lt3A = arith.constant 5000 : i32
    %lt3A_0 = vector.broadcast %lt3A : i32 to vector<5120x1xi32>
    %lt3A_1 = arith.cmpi slt, %iota3A, %lt3A_0 : vector<5120x1xi32>
    %get3A = arith.constant 0 : index
    %get3A_2 = arith.constant 0 : index
    %get3A_3 = arith.constant 0 : index
    %get3A_4 = vector.load %arg2[%get3A, %get3A_2, %get3A_3] : memref<2x5120x16xf32, #tpu.memory_space<vmem>>, vector<1x5120x16xf32>
    %get3A_5 = vector.shape_cast %get3A_4 : vector<1x5120x16xf32> to vector<5120x16xf32>
    %reduce_max3A = arith.constant dense<0xFF800000> : vector<5120xf32>
    %reduce_max3A_6 = vector.multi_reduction <maximumf>, %get3A_5, %reduce_max3A [1] : vector<5120x16xf32> to vector<5120xf32>
    %broadcast_in_dim3A = vector.shape_cast %reduce_max3A_6 : vector<5120xf32> to vector<5120x1xf32>
    %get3A_7 = arith.constant 1 : index
    %get3A_8 = arith.constant 0 : index
    %get3A_9 = arith.constant 0 : index
    %get3A_10 = vector.load %arg2[%get3A_7, %get3A_8, %get3A_9] : memref<2x5120x16xf32, #tpu.memory_space<vmem>>, vector<1x5120x16xf32>
    %get3A_11 = vector.shape_cast %get3A_10 : vector<1x5120x16xf32> to vector<5120x16xf32>
    %reduce_max3A_12 = arith.constant dense<0xFF800000> : vector<5120xf32>
    %reduce_max3A_13 = vector.multi_reduction <maximumf>, %get3A_11, %reduce_max3A_12 [1] : vector<5120x16xf32> to vector<5120xf32>
    %broadcast_in_dim3A_14 = vector.shape_cast %reduce_max3A_13 : vector<5120xf32> to vector<5120x1xf32>
    %add3A = arith.addf %broadcast_in_dim3A, %broadcast_in_dim3A_14 : vector<5120x1xf32>
    %max3A = arith.constant 1.000000e+00 : f32
    %max3A_15 = vector.broadcast %max3A : f32 to vector<5120x1xf32>
    %max3A_16 = arith.maximumf %add3A, %max3A_15 : vector<5120x1xf32>
    %rsqrt3A = math.rsqrt %max3A_16 : vector<5120x1xf32>
    %get3A_17 = arith.constant 0 : index
    %get3A_18 = arith.constant 0 : index
    %get3A_19 = arith.constant 0 : index
    %get3A_20 = vector.load %arg0[%get3A_17, %get3A_18, %get3A_19] : memref<2x5120x64xf32, #tpu.memory_space<vmem>>, vector<1x5120x64xf32>
    %get3A_21 = vector.shape_cast %get3A_20 : vector<1x5120x64xf32> to vector<5120x64xf32>
    %get3A_22 = arith.constant 1 : index
    %get3A_23 = arith.constant 0 : index
    %get3A_24 = arith.constant 0 : index
    %get3A_25 = vector.load %arg0[%get3A_22, %get3A_23, %get3A_24] : memref<2x5120x64xf32, #tpu.memory_space<vmem>>, vector<1x5120x64xf32>
    %get3A_26 = vector.shape_cast %get3A_25 : vector<1x5120x64xf32> to vector<5120x64xf32>
    %add3A_27 = arith.addf %get3A_21, %get3A_26 : vector<5120x64xf32>
    %mul3A = vector.broadcast %rsqrt3A : vector<5120x1xf32> to vector<5120x64xf32>
    %mul3A_28 = arith.mulf %add3A_27, %mul3A : vector<5120x64xf32>
    %get3A_29 = arith.constant 0 : index
    %get3A_30 = arith.constant 0 : index
    %get3A_31 = vector.load %arg4[%get3A_29, %get3A_30] : memref<1x64xf32, #tpu.memory_space<vmem>>, vector<1x64xf32>
    %add3A_32 = vector.broadcast %get3A_31 : vector<1x64xf32> to vector<5120x64xf32>
    %add3A_33 = arith.addf %mul3A_28, %add3A_32 : vector<5120x64xf32>
    %get3A_34 = arith.constant 0 : index
    %get3A_35 = arith.constant 0 : index
    %get3A_36 = vector.load %arg6[%get3A_34, %get3A_35] : memref<64x64xf32, #tpu.memory_space<vmem>>, vector<64x64xf32>
    %dot_general3A = arith.constant dense<0.000000e+00> : vector<5120x64xf32>
    %dot_general3A_37 = tpu.matmul %add3A_33, %get3A_36, %dot_general3A {dimension_numbers = #tpu.dot_dimension_numbers<[1], [0], [0], [1], [0, 0, 1, 1], [], []>, transpose_lhs_hint = false} : vector<5120x64xf32>, vector<64x64xf32>, vector<5120x64xf32> -> vector<5120x64xf32>
    %mul3A_38 = vector.broadcast %rsqrt3A : vector<5120x1xf32> to vector<5120x64xf32>
    %mul3A_39 = arith.mulf %dot_general3A_37, %mul3A_38 : vector<5120x64xf32>
    %jit3A = arith.constant 0.000000e+00 : f32
    %broadcast_in_dim3A_40 = vector.shape_cast %lt3A_1 : vector<5120x1xi1> to vector<5120x1xi1>
    %broadcast_in_dim3A_41 = vector.broadcast %broadcast_in_dim3A_40 : vector<5120x1xi1> to vector<5120x64xi1>
    %broadcast_in_dim3A_42 = vector.broadcast %jit3A : f32 to vector<5120x64xf32>
    %select_n3A = arith.select %broadcast_in_dim3A_41, %mul3A_39, %broadcast_in_dim3A_42 : vector<5120x64xi1>, vector<5120x64xf32>
    %swap3A = arith.constant 0 : index
    %swap3A_43 = arith.constant 0 : index
    %swap3A_44 = vector.load %arg8[%swap3A, %swap3A_43] : memref<5120x64xf32, #tpu.memory_space<vmem>>, vector<5120x64xf32>
    tpu.vector_store %arg8[%swap3A, %swap3A_43], %select_n3A {strides = array<i32>} : memref<5120x64xf32, #tpu.memory_space<vmem>>, vector<5120x64xf32>,
    %get3A_45 = arith.constant 0 : index
    %get3A_46 = arith.constant 0 : index
    %get3A_47 = arith.constant 0 : index
    %get3A_48 = vector.load %arg3[%get3A_45, %get3A_46, %get3A_47] : memref<2x5120x16xf32, #tpu.memory_space<vmem>>, vector<1x5120x16xf32>
    %get3A_49 = vector.shape_cast %get3A_48 : vector<1x5120x16xf32> to vector<5120x16xf32>
    %reduce_max3A_50 = arith.constant dense<0xFF800000> : vector<5120xf32>
    %reduce_max3A_51 = vector.multi_reduction <maximumf>, %get3A_49, %reduce_max3A_50 [1] : vector<5120x16xf32> to vector<5120xf32>
    %broadcast_in_dim3A_52 = vector.shape_cast %reduce_max3A_51 : vector<5120xf32> to vector<5120x1xf32>
    %get3A_53 = arith.constant 1 : index
    %get3A_54 = arith.constant 0 : index
    %get3A_55 = arith.constant 0 : index
    %get3A_56 = vector.load %arg3[%get3A_53, %get3A_54, %get3A_55] : memref<2x5120x16xf32, #tpu.memory_space<vmem>>, vector<1x5120x16xf32>
    %get3A_57 = vector.shape_cast %get3A_56 : vector<1x5120x16xf32> to vector<5120x16xf32>
    %reduce_max3A_58 = arith.constant dense<0xFF800000> : vector<5120xf32>
    %reduce_max3A_59 = vector.multi_reduction <maximumf>, %get3A_57, %reduce_max3A_58 [1] : vector<5120x16xf32> to vector<5120xf32>
    %broadcast_in_dim3A_60 = vector.shape_cast %reduce_max3A_59 : vector<5120xf32> to vector<5120x1xf32>
    %add3A_61 = arith.addf %broadcast_in_dim3A_52, %broadcast_in_dim3A_60 : vector<5120x1xf32>
    %max3A_62 = arith.constant 1.000000e+00 : f32
    %max3A_63 = vector.broadcast %max3A_62 : f32 to vector<5120x1xf32>
    %max3A_64 = arith.maximumf %add3A_61, %max3A_63 : vector<5120x1xf32>
    %rsqrt3A_65 = math.rsqrt %max3A_64 : vector<5120x1xf32>
    %get3A_66 = arith.constant 0 : index
    %get3A_67 = arith.constant 0 : index
    %get3A_68 = arith.constant 0 : index
    %get3A_69 = vector.load %arg1[%get3A_66, %get3A_67, %get3A_68] : memref<2x5120x64xf32, #tpu.memory_space<vmem>>, vector<1x5120x64xf32>
    %get3A_70 = vector.shape_cast %get3A_69 : vector<1x5120x64xf32> to vector<5120x64xf32>
    %get3A_71 = arith.constant 1 : index
    %get3A_72 = arith.constant 0 : index
    %get3A_73 = arith.constant 0 : index
    %get3A_74 = vector.load %arg1[%get3A_71, %get3A_72, %get3A_73] : memref<2x5120x64xf32, #tpu.memory_space<vmem>>, vector<1x5120x64xf32>
    %get3A_75 = vector.shape_cast %get3A_74 : vector<1x5120x64xf32> to vector<5120x64xf32>
    %add3A_76 = arith.addf %get3A_70, %get3A_75 : vector<5120x64xf32>
    %mul3A_77 = vector.broadcast %rsqrt3A_65 : vector<5120x1xf32> to vector<5120x64xf32>
    %mul3A_78 = arith.mulf %add3A_76, %mul3A_77 : vector<5120x64xf32>
    %get3A_79 = arith.constant 0 : index
    %get3A_80 = arith.constant 0 : index
    %get3A_81 = vector.load %arg5[%get3A_79, %get3A_80] : memref<1x64xf32, #tpu.memory_space<vmem>>, vector<1x64xf32>
    %add3A_82 = vector.broadcast %get3A_81 : vector<1x64xf32> to vector<5120x64xf32>
    %add3A_83 = arith.addf %mul3A_78, %add3A_82 : vector<5120x64xf32>
    %get3A_84 = arith.constant 0 : index
    %get3A_85 = arith.constant 0 : index
    %get3A_86 = vector.load %arg7[%get3A_84, %get3A_85] : memref<64x64xf32, #tpu.memory_space<vmem>>, vector<64x64xf32>
    %dot_general3A_87 = arith.constant dense<0.000000e+00> : vector<5120x64xf32>
    %dot_general3A_88 = tpu.matmul %add3A_83, %get3A_86, %dot_general3A_87 {dimension_numbers = #tpu.dot_dimension_numbers<[1], [0], [0], [1], [0, 0, 1, 1], [], []>, transpose_lhs_hint = false} : vector<5120x64xf32>, vector<64x64xf32>, vector<5120x64xf32> -> vector<5120x64xf32>
    %mul3A_89 = vector.broadcast %rsqrt3A_65 : vector<5120x1xf32> to vector<5120x64xf32>
    %mul3A_90 = arith.mulf %dot_general3A_88, %mul3A_89 : vector<5120x64xf32>
    %jit3A_91 = arith.constant 0.000000e+00 : f32
    %broadcast_in_dim3A_92 = vector.shape_cast %lt3A_1 : vector<5120x1xi1> to vector<5120x1xi1>
    %broadcast_in_dim3A_93 = vector.broadcast %broadcast_in_dim3A_92 : vector<5120x1xi1> to vector<5120x64xi1>
    %broadcast_in_dim3A_94 = vector.broadcast %jit3A_91 : f32 to vector<5120x64xf32>
    %select_n3A_95 = arith.select %broadcast_in_dim3A_93, %mul3A_90, %broadcast_in_dim3A_94 : vector<5120x64xi1>, vector<5120x64xf32>
    %swap3A_96 = arith.constant 0 : index
    %swap3A_97 = arith.constant 0 : index
    %swap3A_98 = vector.load %arg9[%swap3A_96, %swap3A_97] : memref<5120x64xf32, #tpu.memory_space<vmem>>, vector<5120x64xf32>
    tpu.vector_store %arg9[%swap3A_96, %swap3A_97], %select_n3A_95 {strides = array<i32>} : memref<5120x64xf32, #tpu.memory_space<vmem>>, vector<5120x64xf32>,
    return
  }
}

module attributes {stable_mosaic.version = 14 : i64} {
  func.func @_tc_final_body(%arg0: memref<2x5120x64xf32, #tpu.memory_space<vmem>>, %arg1: memref<2x5120x64xf32, #tpu.memory_space<vmem>>, %arg2: memref<2x5120x16xf32, #tpu.memory_space<vmem>>, %arg3: memref<2x5120x16xf32, #tpu.memory_space<vmem>>, %arg4: memref<1x64xf32, #tpu.memory_space<vmem>>, %arg5: memref<1x64xf32, #tpu.memory_space<vmem>>, %arg6: memref<5120x64xf32, #tpu.memory_space<vmem>>, %arg7: memref<5120x64xf32, #tpu.memory_space<vmem>>) attributes {dimension_semantics = [], scalar_prefetch = 0 : i64, scratch_operands = 0 : i64, tpu.core_type = #tpu.core_type<tc>} {
    %iota3A = tpu.iota {dimensions = array<i32: 0>} : vector<5120x1xi32>
    %lt3A = arith.constant 5000 : i32
    %lt3A_0 = vector.broadcast %lt3A : i32 to vector<5120x1xi32>
    %lt3A_1 = arith.cmpi slt, %iota3A, %lt3A_0 : vector<5120x1xi32>
    %get3A = arith.constant 0 : index
    %get3A_2 = arith.constant 0 : index
    %get3A_3 = arith.constant 0 : index
    %get3A_4 = vector.load %arg2[%get3A, %get3A_2, %get3A_3] : memref<2x5120x16xf32, #tpu.memory_space<vmem>>, vector<1x5120x16xf32>
    %get3A_5 = vector.shape_cast %get3A_4 : vector<1x5120x16xf32> to vector<5120x16xf32>
    %reduce_max3A = arith.constant dense<0xFF800000> : vector<5120xf32>
    %reduce_max3A_6 = vector.multi_reduction <maximumf>, %get3A_5, %reduce_max3A [1] : vector<5120x16xf32> to vector<5120xf32>
    %broadcast_in_dim3A = vector.shape_cast %reduce_max3A_6 : vector<5120xf32> to vector<5120x1xf32>
    %get3A_7 = arith.constant 1 : index
    %get3A_8 = arith.constant 0 : index
    %get3A_9 = arith.constant 0 : index
    %get3A_10 = vector.load %arg2[%get3A_7, %get3A_8, %get3A_9] : memref<2x5120x16xf32, #tpu.memory_space<vmem>>, vector<1x5120x16xf32>
    %get3A_11 = vector.shape_cast %get3A_10 : vector<1x5120x16xf32> to vector<5120x16xf32>
    %reduce_max3A_12 = arith.constant dense<0xFF800000> : vector<5120xf32>
    %reduce_max3A_13 = vector.multi_reduction <maximumf>, %get3A_11, %reduce_max3A_12 [1] : vector<5120x16xf32> to vector<5120xf32>
    %broadcast_in_dim3A_14 = vector.shape_cast %reduce_max3A_13 : vector<5120xf32> to vector<5120x1xf32>
    %add3A = arith.addf %broadcast_in_dim3A, %broadcast_in_dim3A_14 : vector<5120x1xf32>
    %max3A = arith.constant 1.000000e+00 : f32
    %max3A_15 = vector.broadcast %max3A : f32 to vector<5120x1xf32>
    %max3A_16 = arith.maximumf %add3A, %max3A_15 : vector<5120x1xf32>
    %rsqrt3A = math.rsqrt %max3A_16 : vector<5120x1xf32>
    %get3A_17 = arith.constant 0 : index
    %get3A_18 = arith.constant 0 : index
    %get3A_19 = arith.constant 0 : index
    %get3A_20 = vector.load %arg0[%get3A_17, %get3A_18, %get3A_19] : memref<2x5120x64xf32, #tpu.memory_space<vmem>>, vector<1x5120x64xf32>
    %get3A_21 = vector.shape_cast %get3A_20 : vector<1x5120x64xf32> to vector<5120x64xf32>
    %get3A_22 = arith.constant 1 : index
    %get3A_23 = arith.constant 0 : index
    %get3A_24 = arith.constant 0 : index
    %get3A_25 = vector.load %arg0[%get3A_22, %get3A_23, %get3A_24] : memref<2x5120x64xf32, #tpu.memory_space<vmem>>, vector<1x5120x64xf32>
    %get3A_26 = vector.shape_cast %get3A_25 : vector<1x5120x64xf32> to vector<5120x64xf32>
    %add3A_27 = arith.addf %get3A_21, %get3A_26 : vector<5120x64xf32>
    %mul3A = vector.broadcast %rsqrt3A : vector<5120x1xf32> to vector<5120x64xf32>
    %mul3A_28 = arith.mulf %add3A_27, %mul3A : vector<5120x64xf32>
    %get3A_29 = arith.constant 0 : index
    %get3A_30 = arith.constant 0 : index
    %get3A_31 = vector.load %arg4[%get3A_29, %get3A_30] : memref<1x64xf32, #tpu.memory_space<vmem>>, vector<1x64xf32>
    %add3A_32 = vector.broadcast %get3A_31 : vector<1x64xf32> to vector<5120x64xf32>
    %add3A_33 = arith.addf %mul3A_28, %add3A_32 : vector<5120x64xf32>
    %mul3A_34 = arith.mulf %add3A_33, %add3A_33 : vector<5120x64xf32>
    %reduce_sum3A = arith.constant dense<0.000000e+00> : vector<5120xf32>
    %reduce_sum3A_35 = vector.multi_reduction <add>, %mul3A_34, %reduce_sum3A [1] : vector<5120x64xf32> to vector<5120xf32>
    %broadcast_in_dim3A_36 = vector.shape_cast %reduce_sum3A_35 : vector<5120xf32> to vector<5120x1xf32>
    %sqrt3A = math.sqrt %broadcast_in_dim3A_36 : vector<5120x1xf32>
    %max3A_37 = arith.constant 9.99999996E-13 : f32
    %max3A_38 = vector.broadcast %max3A_37 : f32 to vector<5120x1xf32>
    %max3A_39 = arith.maximumf %sqrt3A, %max3A_38 : vector<5120x1xf32>
    %div3A = vector.broadcast %max3A_39 : vector<5120x1xf32> to vector<5120x64xf32>
    %div3A_40 = arith.divf %add3A_33, %div3A : vector<5120x64xf32>
    %jit3A = arith.constant 0.000000e+00 : f32
    %broadcast_in_dim3A_41 = vector.shape_cast %lt3A_1 : vector<5120x1xi1> to vector<5120x1xi1>
    %broadcast_in_dim3A_42 = vector.broadcast %broadcast_in_dim3A_41 : vector<5120x1xi1> to vector<5120x64xi1>
    %broadcast_in_dim3A_43 = vector.broadcast %jit3A : f32 to vector<5120x64xf32>
    %select_n3A = arith.select %broadcast_in_dim3A_42, %div3A_40, %broadcast_in_dim3A_43 : vector<5120x64xi1>, vector<5120x64xf32>
    %swap3A = arith.constant 0 : index
    %swap3A_44 = arith.constant 0 : index
    %swap3A_45 = vector.load %arg6[%swap3A, %swap3A_44] : memref<5120x64xf32, #tpu.memory_space<vmem>>, vector<5120x64xf32>
    tpu.vector_store %arg6[%swap3A, %swap3A_44], %select_n3A {strides = array<i32>} : memref<5120x64xf32, #tpu.memory_space<vmem>>, vector<5120x64xf32>,
    %get3A_46 = arith.constant 0 : index
    %get3A_47 = arith.constant 0 : index
    %get3A_48 = arith.constant 0 : index
    %get3A_49 = vector.load %arg3[%get3A_46, %get3A_47, %get3A_48] : memref<2x5120x16xf32, #tpu.memory_space<vmem>>, vector<1x5120x16xf32>
    %get3A_50 = vector.shape_cast %get3A_49 : vector<1x5120x16xf32> to vector<5120x16xf32>
    %reduce_max3A_51 = arith.constant dense<0xFF800000> : vector<5120xf32>
    %reduce_max3A_52 = vector.multi_reduction <maximumf>, %get3A_50, %reduce_max3A_51 [1] : vector<5120x16xf32> to vector<5120xf32>
    %broadcast_in_dim3A_53 = vector.shape_cast %reduce_max3A_52 : vector<5120xf32> to vector<5120x1xf32>
    %get3A_54 = arith.constant 1 : index
    %get3A_55 = arith.constant 0 : index
    %get3A_56 = arith.constant 0 : index
    %get3A_57 = vector.load %arg3[%get3A_54, %get3A_55, %get3A_56] : memref<2x5120x16xf32, #tpu.memory_space<vmem>>, vector<1x5120x16xf32>
    %get3A_58 = vector.shape_cast %get3A_57 : vector<1x5120x16xf32> to vector<5120x16xf32>
    %reduce_max3A_59 = arith.constant dense<0xFF800000> : vector<5120xf32>
    %reduce_max3A_60 = vector.multi_reduction <maximumf>, %get3A_58, %reduce_max3A_59 [1] : vector<5120x16xf32> to vector<5120xf32>
    %broadcast_in_dim3A_61 = vector.shape_cast %reduce_max3A_60 : vector<5120xf32> to vector<5120x1xf32>
    %add3A_62 = arith.addf %broadcast_in_dim3A_53, %broadcast_in_dim3A_61 : vector<5120x1xf32>
    %max3A_63 = arith.constant 1.000000e+00 : f32
    %max3A_64 = vector.broadcast %max3A_63 : f32 to vector<5120x1xf32>
    %max3A_65 = arith.maximumf %add3A_62, %max3A_64 : vector<5120x1xf32>
    %rsqrt3A_66 = math.rsqrt %max3A_65 : vector<5120x1xf32>
    %get3A_67 = arith.constant 0 : index
    %get3A_68 = arith.constant 0 : index
    %get3A_69 = arith.constant 0 : index
    %get3A_70 = vector.load %arg1[%get3A_67, %get3A_68, %get3A_69] : memref<2x5120x64xf32, #tpu.memory_space<vmem>>, vector<1x5120x64xf32>
    %get3A_71 = vector.shape_cast %get3A_70 : vector<1x5120x64xf32> to vector<5120x64xf32>
    %get3A_72 = arith.constant 1 : index
    %get3A_73 = arith.constant 0 : index
    %get3A_74 = arith.constant 0 : index
    %get3A_75 = vector.load %arg1[%get3A_72, %get3A_73, %get3A_74] : memref<2x5120x64xf32, #tpu.memory_space<vmem>>, vector<1x5120x64xf32>
    %get3A_76 = vector.shape_cast %get3A_75 : vector<1x5120x64xf32> to vector<5120x64xf32>
    %add3A_77 = arith.addf %get3A_71, %get3A_76 : vector<5120x64xf32>
    %mul3A_78 = vector.broadcast %rsqrt3A_66 : vector<5120x1xf32> to vector<5120x64xf32>
    %mul3A_79 = arith.mulf %add3A_77, %mul3A_78 : vector<5120x64xf32>
    %get3A_80 = arith.constant 0 : index
    %get3A_81 = arith.constant 0 : index
    %get3A_82 = vector.load %arg5[%get3A_80, %get3A_81] : memref<1x64xf32, #tpu.memory_space<vmem>>, vector<1x64xf32>
    %add3A_83 = vector.broadcast %get3A_82 : vector<1x64xf32> to vector<5120x64xf32>
    %add3A_84 = arith.addf %mul3A_79, %add3A_83 : vector<5120x64xf32>
    %mul3A_85 = arith.mulf %add3A_84, %add3A_84 : vector<5120x64xf32>
    %reduce_sum3A_86 = arith.constant dense<0.000000e+00> : vector<5120xf32>
    %reduce_sum3A_87 = vector.multi_reduction <add>, %mul3A_85, %reduce_sum3A_86 [1] : vector<5120x64xf32> to vector<5120xf32>
    %broadcast_in_dim3A_88 = vector.shape_cast %reduce_sum3A_87 : vector<5120xf32> to vector<5120x1xf32>
    %sqrt3A_89 = math.sqrt %broadcast_in_dim3A_88 : vector<5120x1xf32>
    %max3A_90 = arith.constant 9.99999996E-13 : f32
    %max3A_91 = vector.broadcast %max3A_90 : f32 to vector<5120x1xf32>
    %max3A_92 = arith.maximumf %sqrt3A_89, %max3A_91 : vector<5120x1xf32>
    %div3A_93 = vector.broadcast %max3A_92 : vector<5120x1xf32> to vector<5120x64xf32>
    %div3A_94 = arith.divf %add3A_84, %div3A_93 : vector<5120x64xf32>
    %jit3A_95 = arith.constant 0.000000e+00 : f32
    %broadcast_in_dim3A_96 = vector.shape_cast %lt3A_1 : vector<5120x1xi1> to vector<5120x1xi1>
    %broadcast_in_dim3A_97 = vector.broadcast %broadcast_in_dim3A_96 : vector<5120x1xi1> to vector<5120x64xi1>
    %broadcast_in_dim3A_98 = vector.broadcast %jit3A_95 : f32 to vector<5120x64xf32>
    %select_n3A_99 = arith.select %broadcast_in_dim3A_97, %div3A_94, %broadcast_in_dim3A_98 : vector<5120x64xi1>, vector<5120x64xf32>
    %swap3A_100 = arith.constant 0 : index
    %swap3A_101 = arith.constant 0 : index
    %swap3A_102 = vector.load %arg7[%swap3A_100, %swap3A_101] : memref<5120x64xf32, #tpu.memory_space<vmem>>, vector<5120x64xf32>
    tpu.vector_store %arg7[%swap3A_100, %swap3A_101], %select_n3A_99 {strides = array<i32>} : memref<5120x64xf32, #tpu.memory_space<vmem>>, vector<5120x64xf32>,
    return
  }
}

module attributes {stable_mosaic.version = 14 : i64} {
  func.func @_tc_dot_body(%arg0: i32, %arg1: memref<8192x128xf32, #tpu.memory_space<vmem>>, %arg2: memref<64x128xf32, #tpu.memory_space<vmem>>) attributes {dimension_semantics = [#tpu.dimension_semantics<arbitrary>], iteration_bounds = array<i64: 28>, scalar_prefetch = 0 : i64, scratch_operands = 0 : i64, tpu.core_type = #tpu.core_type<tc>, window_params = [{transform_indices = @transform_0, window_bounds = array<i64: 8192, 128>}, {transform_indices = @transform_1, window_bounds = array<i64: 64, 128>}]} {
    %get3A = arith.constant 0 : index
    %get3A_0 = arith.constant 0 : index
    %get3A_1 = vector.load %arg1[%get3A, %get3A_0] : memref<8192x128xf32, #tpu.memory_space<vmem>>, vector<8192x64xf32>
    %get3A_2 = arith.constant 0 : index
    %get3A_3 = arith.constant 64 : index
    %get3A_4 = vector.load %arg1[%get3A_2, %get3A_3] : memref<8192x128xf32, #tpu.memory_space<vmem>>, vector<8192x64xf32>
    %mul3A = arith.mulf %get3A_1, %get3A_4 : vector<8192x64xf32>
    %reshape3A = vector.shape_cast %mul3A : vector<8192x64xf32> to vector<64x128x64xf32>
    %reduce_sum3A = arith.constant dense<0.000000e+00> : vector<64x128xf32>
    %reduce_sum3A_5 = vector.multi_reduction <add>, %reshape3A, %reduce_sum3A [2] : vector<64x128x64xf32> to vector<64x128xf32>
    %swap3A = arith.constant 0 : index
    %swap3A_6 = arith.constant 0 : index
    %swap3A_7 = vector.load %arg2[%swap3A, %swap3A_6] : memref<64x128xf32, #tpu.memory_space<vmem>>, vector<64x128xf32>
    tpu.vector_store %arg2[%swap3A, %swap3A_6], %reduce_sum3A_5 {strides = array<i32>} : memref<64x128xf32, #tpu.memory_space<vmem>>, vector<64x128xf32>,
    return
  }
  func.func @transform_0(%arg0: i32) -> (i32, i32) {
    %c0_i32 = arith.constant 0 : i32
    %c0_i32_0 = arith.constant 0 : i32
    return %arg0, %c0_i32 : i32, i32
  }
  func.func @transform_1(%arg0: i32) -> (i32, i32) {
    %c0_i32 = arith.constant 0 : i32
    %c0_i32_0 = arith.constant 0 : i32
    return %arg0, %c0_i32 : i32, i32
  }
}

</mosaic_0001>

<sc_bundles>
// kernel: kernel.10.cloned.1.call-start
scs
__scs_entry_jumppad:
0x0: {  	(pc) =	sbr.rel $0x88, $3  }
0x1: {  	(tag) =	ssettag $0x0;
	lr =	simm.s32 $0x1  }
0x2: {  	[smem:$0x3F90] =	sst lr;
	_ =	strace $0xD0000000  }
0x3: {  	_ = 	snop  }
0x4: {  	_ = 	snop  }
0x5: {  	_ = 	snop  }
0x6: {  	_ = 	snop  }
0x7: {  	_ = 	snop  }
__scs_overlays_trampoline_lowered:
0x8: {  	[smem:$0x3F9F] =	sst s0  }
0x9: {  	[smem:$0x3FA0] =	sst s1  }
0xa: {  	[smem:$0x3FA1] =	sst s2  }
0xb: {  	[smem:$0x3FA2] =	sst s3  }
0xc: {  	[smem:$0x3FA3] =	sst s4  }
0xd: {  	[smem:$0x3FA4] =	sst s5  }
0xe: {  	[smem:$0x3FA5] =	sst s6  }
0xf: {  	[smem:$0x3FA6] =	sst s7  }
0x10: {  	[smem:$0x3FA7] =	sst s8  }
0x11: {  	[smem:$0x3FA8] =	sst s9;
	s0 =	simm.s32 @!p0 $0x0  }
0x12: {  	s1 =	sld [smem:$0x3F8E];
	s0 =	simm.s32 @p0 $0x1  }
0x13: {  	[smem:$0x3FA9] =	sst s0;
	s0 =	simm.s32 @!p1 $0x0  }
0x14: {  	s2 =	sld [smem:$0x3F8D];
	s0 =	simm.s32 @p1 $0x1  }
0x15: {  	[smem:$0x3FAA] =	sst s0;
	s0 =	simm.s32 @!p2 $0x0  }
0x16: {  	s3 =	sld [smem:$0x3FDB];
	s0 =	simm.s32 @p2 $0x1  }
0x17: {  	s4 =	simm.s32 $0x1BF5;
	[smem:$0x3FAC] =	sst s0  }
0x18: {  	s0 =	sld [smem:$0x3F8F];
	_ =	swait.ge [sflag:s4], $0x0  }
0x19: {  	s7 =	sld [smem:$0x3F90]  }
0x1a: {  	s8 =	sadd.s32 $0xFFFFE003, lr  }
0x1b: {  	s9 =	sadd.s32 $0xFFFFFEF7, lr;
	s5 =	simm.s32 $0xFFFFFFFF;
	p2 =	slt.u32 s8, $0xFFFFF086  }
0x1c: {  	p1 =	slt.u32 s9, $0xF7A;
	s5 =	simm.s32 @!p2 $0x0  }
0x1d: {  	s5 =	simm.s32 @p1 $0x1;
	p0 =	seq.s32 s7, s2  }
0x1e: {  	s7 =	smul.u32 @!p0 $0xF7A, s2;
	p2 =	seq.s32 @!p0 s5, $0x0  }
0x1f: {  	s9 =	smul.u32 $0xF7A, s1;
	s8 =	simm.s32 @!p0 $0x1BF5;
	p2 =	por !p2, p0  }
0x20: {  	[sflag:s8] =	ssyncset.s32 @!p0 $0xFFFFF086;
	s6 =	sadd.s32 @!p0 s3, s7;
	s7 =	simm.s32 @!p0 $0x108  }
0x21: {  	s3 =	sadd.s32 s3, s9;
	s6 =	sadd.s32 @!p0 $0x88, s6;
	s7 =	simm.s32 @p2 $0x1082  }
0x22: {  	[simem:s7], [sflag:s8] =	dma.local @!p0 [hbm:s6], $0xF7A  }
0x23: {  	s9 =	sor.u32 $0xD0000000, s2;
	s6 =	simm.s32 $0x108;
	_ =	swait.ge @!p0 [sflag:s8], $0x0  }
0x24: {  	s3 =	sadd.s32 $0x88, s3;
	s6 =	simm.s32 @!p1 $0x1082;
	[sflag:s4] =	ssyncset.s32 $0xFFFFF086  }
0x25: {  	[simem:s6], [sflag:s4] =	dma.local [hbm:s3], $0xF7A  }
0x26: {  	[smem:$0x3F90] =	sst s1;
	(tag) =	ssettag s2;
	_ =	strace s9  }
0x27: {  	s1 =	sld [smem:$0x3FA0]  }
0x28: {  	s2 =	sld [smem:$0x3FA1]  }
0x29: {  	s4 =	sld [smem:$0x3FA3]  }
0x2a: {  	p0 =	seq.s32 s5, $0x0;
	s5 =	sld [smem:$0x3FA4]  }
0x2b: {  	s6 =	sld [smem:$0x3FA5]  }
0x2c: {  	s7 =	sld [smem:$0x3FA6]  }
0x2d: {  	s3 =	simm.s32 $0x108;
	s8 =	sld [smem:$0x3FA7]  }
0x2e: {  	s3 =	simm.s32 @!p0 $0x1082;
	s9 =	sld [smem:$0x3FA8]  }
0x2f: {  	lr =	sadd.s32 s0, s3;
	s0 =	sld [smem:$0x3F9F]  }
0x30: {  	s3 =	sld [smem:$0x3FA2]  }
0x31: {  	[smem:$0x3FAB] =	sst s10  }
0x32: {  	s10 =	sld [smem:$0x3FA9];
	_ =	sdelay $0x3  }
0x33: {  	p0 =	seq.s32 s10, $0x1;
	s10 =	sld [smem:$0x3FAB];
	_ =	sdelay $0x3  }
0x34: {  	[smem:$0x3FAB] =	sst s10  }
0x35: {  	s10 =	sld [smem:$0x3FAA];
	_ =	sdelay $0x3  }
0x36: {  	p1 =	seq.s32 s10, $0x1;
	s10 =	sld [smem:$0x3FAB];
	_ =	sdelay $0x3  }
0x37: {  	[smem:$0x3FAB] =	sst s10  }
0x38: {  	s10 =	sld [smem:$0x3FAC]  }
0x39: {  	_ = 	snop;
	(pc) =	sbr.ind lr, $3  }
0x3a: {  	_ = 	snop  }
0x3b: {  	_ = 	snop  }
0x3c: {  	p2 =	seq.s32 s10, $0x1;
	s10 =	sld [smem:$0x3FAB]  }
0x3d: {  	_ =	shalt  }
0x3e: {  	_ =	shalt  }
0x3f: {  	_ =	shalt  }
0x40: {  	_ =	shalt  }
0x41: {  	_ =	shalt  }
0x42: {  	_ =	shalt  }
0x43: {  	_ =	shalt  }
0x44: {  	_ =	shalt  }
0x45: {  	_ =	shalt  }
0x46: {  	_ =	shalt  }
0x47: {  	_ =	shalt  }
0x48: {  	_ =	shalt  }
0x49: {  	_ =	shalt  }
0x4a: {  	_ =	shalt  }
0x4b: {  	_ =	shalt  }
0x4c: {  	_ =	shalt  }
0x4d: {  	_ =	shalt  }
0x4e: {  	_ =	shalt  }
0x4f: {  	_ =	shalt  }
0x50: {  	_ =	shalt  }
0x51: {  	_ =	shalt  }
0x52: {  	_ =	shalt  }
0x53: {  	_ =	shalt  }
0x54: {  	_ =	shalt  }
0x55: {  	_ =	shalt  }
0x56: {  	_ =	shalt  }
0x57: {  	_ =	shalt  }
0x58: {  	_ =	shalt  }
0x59: {  	_ =	shalt  }
0x5a: {  	_ =	shalt  }
0x5b: {  	_ =	shalt  }
0x5c: {  	_ =	shalt  }
0x5d: {  	_ =	shalt  }
0x5e: {  	_ =	shalt  }
0x5f: {  	_ =	shalt  }
0x60: {  	_ =	shalt  }
0x61: {  	_ =	shalt  }
0x62: {  	_ =	shalt  }
0x63: {  	_ =	shalt  }
0x64: {  	_ =	shalt  }
0x65: {  	_ =	shalt  }
0x66: {  	_ =	shalt  }
0x67: {  	_ =	shalt  }
0x68: {  	_ =	shalt  }
0x69: {  	_ =	shalt  }
0x6a: {  	_ =	shalt  }
0x6b: {  	_ =	shalt  }
0x6c: {  	_ =	shalt  }
0x6d: {  	_ =	shalt  }
0x6e: {  	_ =	shalt  }
0x6f: {  	_ =	shalt  }
0x70: {  	_ =	shalt  }
0x71: {  	_ =	shalt  }
0x72: {  	_ =	shalt  }
0x73: {  	_ =	shalt  }
0x74: {  	_ =	shalt  }
0x75: {  	_ =	shalt  }
0x76: {  	_ =	shalt  }
0x77: {  	_ =	shalt  }
0x78: {  	_ =	shalt  }
0x79: {  	_ =	shalt  }
0x7a: {  	_ =	shalt  }
0x7b: {  	_ =	shalt  }
0x7c: {  	_ =	shalt  }
0x7d: {  	_ =	shalt  }
0x7e: {  	_ =	shalt  }
0x7f: {  	_ =	shalt  }
0x80: {  	_ =	shalt  }
0x81: {  	_ =	shalt  }
0x82: {  	_ =	shalt  }
0x83: {  	_ =	shalt  }
0x84: {  	_ =	shalt  }
0x85: {  	_ =	shalt  }
0x86: {  	_ =	shalt  }
0x87: {  	_ =	shalt  }
.Lfunc_end0:
.L_simem_size_0:
called_computation_lowered:
.L_overlay_start_0:
0x88: {  	s2 =	sld [smem:$0x3FD9]  }
0x89: {  	s3 =	sld [smem:$0x3FFE];
	_ =	sdelay $0x1  }
0x8a: {  	s1 =	srdreg.scid  }
0x8b: {  	s0 =	sand.u32 $0x1, s1  }
0x8c: {  	s14 =	sshll.u32 s0, $0xA;
	s2 =	sadd.s32 s3, s2  }
0x8d: {  	s2 =	sadd.s32 s2, s14  }
0x8e: {  	[smem:$0x3FB7] =	sst s2  }
0x8f: {  	_ = 	snop  }
0x90: {  	s2 =	sld [smem:$0x3FD0];
	_ =	sdelay $0x2  }
0x91: {  	s15 =	simm.s32 $0xA;
	s4 =	simm.s32 $0x10  }
0x92: {  	[smem:s4], [sflag:s15] =	dma.local [hbm:s2], $0x1  }
0x93: {  	_ =	swait.eq [sflag:s15], $0x1  }
0x94: {  	[sflag:s15] =	ssyncset.done $0x0  }
0x95: {  	s16 =	sld [smem:$0x10];
	[sflag:s15] =	ssyncadd.s32 $0xFFFFFFFF  }
0x96: {  	s17 =	sld [smem:$0x11];
	(tm) =	ssettm $0x1  }
0x97: {  	s18 =	sld [smem:$0x3FFB];
	_ =	sdelay $0x3  }
0x98: {  	_ =	strace s18  }
0x99: {  	s4 =	sld [smem:$0x3FFC];
	_ =	sdelay $0x3  }
0x9a: {  	_ =	strace s4  }
0x9b: {  	s4 =	sld [smem:$0x3FFD];
	_ =	sdelay $0x3  }
0x9c: {  	_ =	strace s4  }
0x9d: {  	_ =	strace $0x8FFFFFFF  }
0x9e: {  	s19 =	sld [smem:$0x3FDB];
	_ =	sdelay $0x1  }
0x9f: {  	s5 =	simm.s32 $_scs_section_size  }
0xa0: {  	s6 =	simm.s32 $_size__tile_overlayer_lowered;
	s7 =	simm.s32 $_tile_overlayer_lowered  }
0xa1: {  	s22 =	simm.s32 $0x1BFF;
	s21 =	sshll.u32 s7, $0x1;
	s4 =	sadd.s32 s5, s19  }
0xa2: {  	s8 =	simm.s32 $0x0;
	s20 =	sshll.u32 s6, $0x1;
	s6 =	sadd.s32 s21, s4  }
0xa3: {  	[timem:s8], [sflag:s22] =	dma.local [hbm:s6], s20  }
0xa4: {  	_ =	swait.ge [sflag:s22], s20  }
0xa5: {  	s5 =	ssub.s32 $0x0, s20;
	[sflag:s22] =	ssyncset.done $0x0  }
0xa6: {  	[sflag:s22] =	ssyncadd.s32 s5;
	_ =	sdelay $0x1  }
0xa7: {  	s23 =	simm.s32 $0x1B8B  }
0xa8: {  	_ =	swait.ge [sflag:s23], $0x1  }
0xa9: {  	[sflag:s23] =	ssyncset.done $0x0  }
0xaa: {  	s25 =	simm.s32 $0x1B8E;
	s24 =	sld [smem:$0x3FFE];
	[sflag:s23] =	ssyncadd.s32 $0xFFFFFFFF  }
0xab: {  	s26 =	simm.s32 $execute0_lowered;
	[smem:$0x3FD2] =	sst s25  }
0xac: {  	s6 =	sshll.u32 s26, $0x1;
	_ =	strace $0x80000046;
	[dreg:$0x1] =	wrdreg $0xFFFFFFFF  }
0xad: {  	s28 =	simm.s32 $_size_execute0_lowered;
	s4 =	sadd.s32 s4, s6;
	[dreg:$0x0] =	wrdreg $0x0  }
0xae: {  	s6 =	sshll.u32 s28, $0x1;
	[dreg:$0x2] =	wrdreg s4  }
0xaf: {  	[dreg:$0x3] =	wrdreg s6  }
0xb0: {  	[dreg:$0x4] =	wrdreg $0xC0  }
0xb1: {  	_ =	task [dreg:s8], $0x5FFFF  }
0xb2: {  	[dreg:$0x1] =	wrdreg $0xFFFFFFFF  }
0xb3: {  	[dreg:$0x0] =	wrdreg $0x60  }
0xb4: {  	[dreg:$0x2] =	wrdreg s24  }
0xb5: {  	[dreg:$0x3] =	wrdreg s16  }
0xb6: {  	[dreg:$0x4] =	wrdreg s17  }
0xb7: {  	[dreg:$0x5] =	wrdreg $0x0  }
0xb8: {  	[dreg:$0x6] =	wrdreg $0x14000  }
0xb9: {  	[dreg:$0x7] =	wrdreg $0x9  }
0xba: {  	_ =	task.clear_ibuf [dreg:s8], $0x8FFFF;
	_ =	strace $0x90000046  }
0xbb: {  	s29 =	simm.s32 $0x9;
	_ =	strace $0x80000048  }
0xbc: {  	_ =	swait.ge [sflag:s29], $0x1  }
0xbd: {  	[sflag:s29] =	ssyncadd.s32 $0xFFFFFFFF  }
0xbe: {  	_ =	strace $0x90000048  }
0xbf: {  	_ =	sfence  }
0xc0: {  	s30 =	sld [smem:$0x0];
	_ =	sdelay $0x2  }
0xc1: {  	s31 =	sshll.u32 s1, $0xD;
	s1 =	sshrl.u32 s1, $0x2  }
0xc2: {  	s3 =	sand.u32 $0x4000, s31;
	s1 =	sadd.s32 s1, s30  }
0xc3: {  	s0 =	sor.u32 s3, s0;
	s1 =	sshll.u32 s1, $0x11  }
0xc4: {  	s0 =	sor.u32 s1, s0  }
0xc5: {  	s0 =	sadd.s32 $0x8F2B, s0  }
0xc6: {  	[sflag:s0] =	ssyncadd.remote.s32 $0x1  }
0xc7: {  	_ =	sfence.sel $0xFFFF  }
0xc8: {  	[dreg:$0x0] =	wrdreg $0xFFFFFFFF;
	(pc) =	sbr.abs _section_cstart, $3  }
0xc9: {  	[dreg:$0x1] =	wrdreg $0xFFFFFFFF  }
0xca: {  	_ =	task.clear_ibuf [dreg:s8], $0x2FFFF;
	_ =	strace $0x9FFFFFFF  }
0xcb: {  	(tm) =	ssettm $0x7FFFFFFF  }
tec
execute0_lowered:
.L_overlay_start_1:
0x0: {  	(tag) =	ssettag $0x1  }
0x1: {  	s6 =	rddreg [dreg:$0x0]  }
0x2: {  	s7 =	rddreg [dreg:$0x1]  }
0x3: {  	s1 =	rddreg [dreg:$0x2]  }
0x4: {  	s0 =	srdreg.scid;
	s3 =	rddreg [dreg:$0x3]  }
0x5: {  	s4 =	rddreg [dreg:$0x4];
	s5 =	simm.s32 $0x0;
	s14 =	simm.s32 $0x5  }
0x6: {  	s16 =	simm.s32 $0x2800;
	s17 =	simm.s32 $0x5000;
	s18 =	simm.s32 $0x7800  }
0x7: {  	s19 =	simm.s32 $0x80;
	s20 =	simm.s32 $0x2880;
	s21 =	simm.s32 $0x5080  }
0x8: {  	s22 =	simm.s32 $0x1;
	s23 =	simm.s32 $0x3;
	s24 =	simm.s32 $0x2  }
0x9: {  	s25 =	simm.s32 $0x4;
	s8 =	sand.u32 $0x1, s0;
	s0 =	stileid.u32  }
0xa: {  	s26 =	simm.s32 $0x0;
	[smem:$0x7FF] =	sst s5;
	s10 =	smul.u32 $0x1400, s0  }
0xb: {  	s2 =	sshll.u32 s8, $0x4;
	s11 =	smul.u32 $0x14000, s8;
	s8 =	ssub.s32 $0x2, s8  }
0xc: {  	s31 =	sshll.u32 s0, $0x6;
	s2 =	sor.u32 s0, s2;
	s12 =	sshrl.u32 s8, $0x1  }
0xd: {  	s9 =	smul.u32 $0x2800, s2;
	s2 =	rddreg [dreg:$0x5];
	_ =	strace $0x80000047  }
0xe: {  	s11 =	sadd.s32 s10, s11;
	s12 =	ssub.s32 s8, s12;
	s30 =	sshrl.u32 s10, $0x3  }
0xf: {  	s13 =	sadd.s32 s10, s3;
	s15 =	sadd.s32 s10, s4;
	s11 =	sshrl.u32 s11, $0x3  }
0x10: {  	s12 =	smax.u32 s12, $0x1;
	s13 =	sshrl.u32 s13, $0x3;
	s9 =	sshrl.u32 s9, $0x3  }
0x11: {  	s15 =	sshrl.u32 s15, $0x3;
	s11 =	sadd.s32 s11, s6;
	s9 =	sadd.s32 s9, s6  }
0x12: {  	s6 =	sadd.s32 s7, s30;
	s7 =	sor.u32 $0x1C05, s31;
	s10 =	sadd.s32 $0x1DC00, s11  }
0x13: {  	s11 =	sadd.s32 $0x18C00, s11;
	s8 =	sadd.s32 $0x4C00, s9;
	s9 =	sadd.s32 $0xEC00, s9  }
.LBB2_1:
0x14: {  	[spmem:s13], [sflag:s7] =	dma.local [hbm:s6], $0x280  }
0x15: {  	_ =	swait.ge [sflag:s14], $0x280  }
0x16: {  	[sflag:s14] =	ssyncset.done $0x0  }
0x17: {  	[sflag:s14] =	ssyncadd.s32 $0xFFFFFD80  }
0x18: {  	[spmem:s15], [sflag:s7] =	dma.local [hbm:s6], $0x280  }
0x19: {  	_ =	swait.ge [sflag:s14], $0x280  }
0x1a: {  	[sflag:s14] =	ssyncset.done $0x0  }
0x1b: {  	[sflag:s14] =	ssyncadd.s32 $0xFFFFFD80  }
0x1c: {  	[tilespmem:s16], [sflag:$0x5] =	stream.linear.gather [hbm4b:s8+s5], $0x2800, $0x38;
	[tilespmem:$0x8000] =	vst v63  }
0x1d: {  	_ =	swait.ge [sflag:s14], $0x2800  }
0x1e: {  	[sflag:s14] =	ssyncset.done $0x0  }
0x1f: {  	[sflag:s14] =	ssyncadd.s32 $0xFFFFD800  }
0x20: {  	[tilespmem:s17], [sflag:$0x5] =	stream.linear.gather [hbm4b:s9+s5], $0x2800, $0x38;
	[tilespmem:$0x8000] =	vst v63  }
0x21: {  	_ =	swait.ge [sflag:s14], $0x2800  }
0x22: {  	[sflag:s14] =	ssyncset.done $0x0  }
0x23: {  	[sflag:s14] =	ssyncadd.s32 $0xFFFFD800  }
0x24: {  	[tilespmem:s18], [sflag:$0x5] =	stream.linear.gather [hbm4b:s1+s5], $0x800, $0x38;
	[tilespmem:$0x8000] =	vst v63  }
0x25: {  	_ =	swait.ge [sflag:s14], $0x800  }
0x26: {  	[sflag:s14] =	ssyncset.done $0x0  }
0x27: {  	[sflag:s14] =	ssyncadd.s32 $0xFFFFF800  }
0x28: {  	[bflag:$0x0] =	sbarrier.arrive $0xFFFF  }
0x29: {  	[spmem:s3] =	stream.indirect.scatter.add.f32 [tilespmem:s18], [sflag:$0x1], $0x10, s16, s19, $0xb8;
	[tilespmem:$0x8000] =	vst v63  }
0x2a: {  	_ = 	snop  }
0x2b: {  	[spmem:s4] =	stream.indirect.scatter.add.f32 [tilespmem:s18], [sflag:$0x3], $0x10, s17, s19, $0xb8;
	[tilespmem:$0x8000] =	vst v63  }
0x2c: {  	_ = 	snop  }
0x2d: {  	[spmem:s3] =	stream.indirect.scatter.add.f32 [tilespmem:s18], [sflag:$0x2], $0x10, s20, s19, $0xb8;
	[tilespmem:$0x8000] =	vst v63  }
0x2e: {  	_ = 	snop  }
0x2f: {  	[spmem:s4] =	stream.indirect.scatter.add.f32 [tilespmem:s18], [sflag:$0x4], $0x10, s21, s19, $0xb8;
	[tilespmem:$0x8000] =	vst v63  }
0x30: {  	_ =	swait.ge [sflag:s22], $0x800  }
0x31: {  	[sflag:s22] =	ssyncset.done $0x0  }
0x32: {  	[sflag:s22] =	ssyncadd.s32 $0xFFFFF800  }
0x33: {  	_ =	swait.ge [sflag:s23], $0x800  }
0x34: {  	[sflag:s23] =	ssyncset.done $0x0  }
0x35: {  	[sflag:s23] =	ssyncadd.s32 $0xFFFFF800  }
0x36: {  	_ =	swait.ge [sflag:s24], $0x800  }
0x37: {  	[sflag:s24] =	ssyncset.done $0x0  }
0x38: {  	[sflag:s24] =	ssyncadd.s32 $0xFFFFF800  }
0x39: {  	_ =	swait.ge [sflag:s25], $0x800  }
0x3a: {  	[sflag:s25] =	ssyncset.done $0x0  }
0x3b: {  	s28 =	simm.s32 $0x2900;
	[sflag:s25] =	ssyncadd.s32 $0xFFFFF800  }
0x3c: {  	[spmem:s3] =	stream.indirect.scatter.add.f32 [tilespmem:s18], [sflag:$0x1], $0x10, s28, s19, $0xb8;
	[tilespmem:$0x8000] =	vst v63  }
0x3d: {  	s28 =	simm.s32 $0x5100  }
0x3e: {  	[spmem:s4] =	stream.indirect.scatter.add.f32 [tilespmem:s18], [sflag:$0x3], $0x10, s28, s19, $0xb8;
	[tilespmem:$0x8000] =	vst v63  }
0x3f: {  	s28 =	simm.s32 $0x2980  }
0x40: {  	[spmem:s3] =	stream.indirect.scatter.add.f32 [tilespmem:s18], [sflag:$0x2], $0x10, s28, s19, $0xb8;
	[tilespmem:$0x8000] =	vst v63  }
0x41: {  	s29 =	simm.s32 $0x5180;
	s28 =	simm.s32 $0xFFFF6800  }
.LBB2_2:
0x42: {  	[spmem:s4] =	stream.indirect.scatter.add.f32 [tilespmem:s18], [sflag:$0x4], $0x10, s29, s19, $0xb8;
	[tilespmem:$0x8000] =	vst v63  }
0x43: {  	s29 =	smov.u32 s28  }
0x44: {  	p0 =	sne.s32 s28, $0xFFFFFC00;
	s28 =	sadd.s32 $0x400, s28;
	_ =	swait.ge [sflag:s22], $0x800  }
0x45: {  	[sflag:s22] =	ssyncset.done $0x0  }
0x46: {  	[sflag:s22] =	ssyncadd.s32 $0xFFFFF800  }
0x47: {  	_ =	swait.ge [sflag:s23], $0x800  }
0x48: {  	[sflag:s23] =	ssyncset.done $0x0  }
0x49: {  	[sflag:s23] =	ssyncadd.s32 $0xFFFFF800  }
0x4a: {  	_ =	swait.ge [sflag:s24], $0x800  }
0x4b: {  	[sflag:s24] =	ssyncset.done $0x0  }
0x4c: {  	[sflag:s24] =	ssyncadd.s32 $0xFFFFF800  }
0x4d: {  	_ =	swait.ge [sflag:s25], $0x800  }
0x4e: {  	s29 =	sshra.s32 s29, $0x2;
	[sflag:s25] =	ssyncset.done $0x0  }
0x4f: {  	s30 =	sadd.s32 $0x5000, s29;
	[sflag:s25] =	ssyncadd.s32 $0xFFFFF800  }
0x50: {  	[spmem:s3] =	stream.indirect.scatter.add.f32 [tilespmem:s18], [sflag:$0x1], $0x10, s30, s19, $0xb8;
	[tilespmem:$0x8000] =	vst v63  }
.Ltmp0:
0x51: {  	s30 =	sadd.s32 $0x7800, s29;
	(pc) =	sbr.rel @p0 .LBB2_2-.Ltmp0, $4  }
0x52: {  	[spmem:s4] =	stream.indirect.scatter.add.f32 [tilespmem:s18], [sflag:$0x3], $0x10, s30, s19, $0xb8;
	[tilespmem:$0x8000] =	vst v63  }
0x53: {  	s30 =	sadd.s32 $0x5080, s29  }
0x54: {  	[spmem:s3] =	stream.indirect.scatter.add.f32 [tilespmem:s18], [sflag:$0x2], $0x10, s30, s19, $0xb8;
	[tilespmem:$0x8000] =	vst v63  }
0x55: {  	s29 =	sadd.s32 $0x7880, s29  }
0x56: {  	[spmem:s4] =	stream.indirect.scatter.add.f32 [tilespmem:s18], [sflag:$0x4], $0x10, s29, s19, $0xb8;
	[tilespmem:$0x8000] =	vst v63  }
0x57: {  	_ =	swait.ge [sflag:s22], $0x800  }
0x58: {  	[sflag:s22] =	ssyncset.done $0x0  }
0x59: {  	[sflag:s22] =	ssyncadd.s32 $0xFFFFF800  }
0x5a: {  	_ =	swait.ge [sflag:s23], $0x800  }
0x5b: {  	[sflag:s23] =	ssyncset.done $0x0  }
0x5c: {  	[sflag:s23] =	ssyncadd.s32 $0xFFFFF800  }
0x5d: {  	_ =	swait.ge [sflag:s24], $0x800  }
0x5e: {  	[sflag:s24] =	ssyncset.done $0x0  }
0x5f: {  	[sflag:s24] =	ssyncadd.s32 $0xFFFFF800  }
0x60: {  	_ =	swait.ge [sflag:s25], $0x800  }
0x61: {  	[sflag:s25] =	ssyncset.done $0x0  }
0x62: {  	[sflag:s25] =	ssyncadd.s32 $0xFFFFF800  }
0x63: {  	[bflag:$0x0] =	sbarrier.arrive $0xFFFF  }
0x64: {  	[hbm:s10], [sflag:s7] =	dma.local [spmem:s13], $0x280  }
0x65: {  	s26 =	sadd.s32 $0x1, s26;
	_ =	swait.ge [sflag:s14], $0x280  }
0x66: {  	p0 =	sne.s32 s26, s12;
	[sflag:s14] =	ssyncset.done $0x0  }
.Ltmp1:
0x67: {  	[sflag:s14] =	ssyncadd.s32 $0xFFFFFD80;
	(pc) =	sbr.rel @p0 .LBB2_1-.Ltmp1, $4  }
0x68: {  	[hbm:s11], [sflag:s7] =	dma.local [spmem:s15], $0x280  }
0x69: {  	_ =	swait.ge [sflag:s14], $0x280  }
0x6a: {  	[sflag:s14] =	ssyncset.done $0x0  }
0x6b: {  	[sflag:s14] =	ssyncadd.s32 $0xFFFFFD80  }
0x6c: {  	_ =	sfence.sel $0x180000  }
0x6d: {  	[bflag:$0x0] =	sbarrier.arrive $0xFFFF  }
0x6e: {  	p0 =	sne.s32 s0, $0x0;
	_ =	strace $0x90000047  }
0x6f: {  	s0 =	sadd.s32 @!p0 $0x100000, s2;
	[bflag:$0x2] =	sbarrier.arrive $0xFFFF  }
0x70: {  	[sflag:s0] =	ssyncadd.tile.s32 @!p0 $0x1;
	_ =	shalt  }
.Lfunc_end2:
_tile_overlayer_lowered:
.L_overlay_start_2:
0x71: {  	(tag) =	ssettag $0x2  }
0x72: {  	s0 =	rddreg [dreg:$0x0];
	s2 =	stileid.u32  }
0x73: {  	s1 =	rddreg [dreg:$0x1];
	p0 =	sne.s32 s2, $0x0  }
0x74: {  	s3 =	rddreg [dreg:$0x2];
	[bflag:$0x3] =	sbarrier.arrive $0xFFFF;
	s2 =	simm.s32 @!p0 $0x1C05  }
0x75: {  	[timem:s3], [sflag:s2] =	dma.local @!p0 [hbm:s0], s1  }
0x76: {  	s0 =	simm.s32 @!p0 $0x5  }
0x77: {  	_ =	swait.ge @!p0 [sflag:s0], s1  }
0x78: {  	s1 =	ssub.s32 @!p0 $0x0, s1;
	[sflag:s0] =	ssyncset.done @!p0 $0x0  }
0x79: {  	[sflag:s0] =	ssyncadd.s32 @!p0 s1  }
0x7a: {  	[bflag:$0x3] =	sbarrier.arrive $0xFFFF  }
0x7b: {  	_ =	shalt  }

// kernel: kernel.13.cloned.1.call-start
scs
__scs_entry_jumppad:
0x0: {  	(pc) =	sbr.rel $0x88, $3  }
0x1: {  	(tag) =	ssettag $0x0;
	lr =	simm.s32 $0x1  }
0x2: {  	[smem:$0x3F90] =	sst lr;
	_ =	strace $0xD0000000  }
0x3: {  	_ = 	snop  }
0x4: {  	_ = 	snop  }
0x5: {  	_ = 	snop  }
0x6: {  	_ = 	snop  }
0x7: {  	_ = 	snop  }
__scs_overlays_trampoline_lowered:
0x8: {  	[smem:$0x3F9F] =	sst s0  }
0x9: {  	[smem:$0x3FA0] =	sst s1  }
0xa: {  	[smem:$0x3FA1] =	sst s2  }
0xb: {  	[smem:$0x3FA2] =	sst s3  }
0xc: {  	[smem:$0x3FA3] =	sst s4  }
0xd: {  	[smem:$0x3FA4] =	sst s5  }
0xe: {  	[smem:$0x3FA5] =	sst s6  }
0xf: {  	[smem:$0x3FA6] =	sst s7  }
0x10: {  	[smem:$0x3FA7] =	sst s8  }
0x11: {  	[smem:$0x3FA8] =	sst s9;
	s0 =	simm.s32 @!p0 $0x0  }
0x12: {  	s1 =	sld [smem:$0x3F8E];
	s0 =	simm.s32 @p0 $0x1  }
0x13: {  	[smem:$0x3FA9] =	sst s0;
	s0 =	simm.s32 @!p1 $0x0  }
0x14: {  	s2 =	sld [smem:$0x3F8D];
	s0 =	simm.s32 @p1 $0x1  }
0x15: {  	[smem:$0x3FAA] =	sst s0;
	s0 =	simm.s32 @!p2 $0x0  }
0x16: {  	s3 =	sld [smem:$0x3FDB];
	s0 =	simm.s32 @p2 $0x1  }
0x17: {  	s4 =	simm.s32 $0x1BF5;
	[smem:$0x3FAC] =	sst s0  }
0x18: {  	s0 =	sld [smem:$0x3F8F];
	_ =	swait.ge [sflag:s4], $0x0  }
0x19: {  	s7 =	sld [smem:$0x3F90]  }
0x1a: {  	s8 =	sadd.s32 $0xFFFFE003, lr  }
0x1b: {  	s9 =	sadd.s32 $0xFFFFFEF7, lr;
	s5 =	simm.s32 $0xFFFFFFFF;
	p2 =	slt.u32 s8, $0xFFFFF086  }
0x1c: {  	p1 =	slt.u32 s9, $0xF7A;
	s5 =	simm.s32 @!p2 $0x0  }
0x1d: {  	s5 =	simm.s32 @p1 $0x1;
	p0 =	seq.s32 s7, s2  }
0x1e: {  	s7 =	smul.u32 @!p0 $0xF7A, s2;
	p2 =	seq.s32 @!p0 s5, $0x0  }
0x1f: {  	s9 =	smul.u32 $0xF7A, s1;
	s8 =	simm.s32 @!p0 $0x1BF5;
	p2 =	por !p2, p0  }
0x20: {  	[sflag:s8] =	ssyncset.s32 @!p0 $0xFFFFF086;
	s6 =	sadd.s32 @!p0 s3, s7;
	s7 =	simm.s32 @!p0 $0x108  }
0x21: {  	s3 =	sadd.s32 s3, s9;
	s6 =	sadd.s32 @!p0 $0x88, s6;
	s7 =	simm.s32 @p2 $0x1082  }
0x22: {  	[simem:s7], [sflag:s8] =	dma.local @!p0 [hbm:s6], $0xF7A  }
0x23: {  	s9 =	sor.u32 $0xD0000000, s2;
	s6 =	simm.s32 $0x108;
	_ =	swait.ge @!p0 [sflag:s8], $0x0  }
0x24: {  	s3 =	sadd.s32 $0x88, s3;
	s6 =	simm.s32 @!p1 $0x1082;
	[sflag:s4] =	ssyncset.s32 $0xFFFFF086  }
0x25: {  	[simem:s6], [sflag:s4] =	dma.local [hbm:s3], $0xF7A  }
0x26: {  	[smem:$0x3F90] =	sst s1;
	(tag) =	ssettag s2;
	_ =	strace s9  }
0x27: {  	s1 =	sld [smem:$0x3FA0]  }
0x28: {  	s2 =	sld [smem:$0x3FA1]  }
0x29: {  	s4 =	sld [smem:$0x3FA3]  }
0x2a: {  	p0 =	seq.s32 s5, $0x0;
	s5 =	sld [smem:$0x3FA4]  }
0x2b: {  	s6 =	sld [smem:$0x3FA5]  }
0x2c: {  	s7 =	sld [smem:$0x3FA6]  }
0x2d: {  	s3 =	simm.s32 $0x108;
	s8 =	sld [smem:$0x3FA7]  }
0x2e: {  	s3 =	simm.s32 @!p0 $0x1082;
	s9 =	sld [smem:$0x3FA8]  }
0x2f: {  	lr =	sadd.s32 s0, s3;
	s0 =	sld [smem:$0x3F9F]  }
0x30: {  	s3 =	sld [smem:$0x3FA2]  }
0x31: {  	[smem:$0x3FAB] =	sst s10  }
0x32: {  	s10 =	sld [smem:$0x3FA9];
	_ =	sdelay $0x3  }
0x33: {  	p0 =	seq.s32 s10, $0x1;
	s10 =	sld [smem:$0x3FAB];
	_ =	sdelay $0x3  }
0x34: {  	[smem:$0x3FAB] =	sst s10  }
0x35: {  	s10 =	sld [smem:$0x3FAA];
	_ =	sdelay $0x3  }
0x36: {  	p1 =	seq.s32 s10, $0x1;
	s10 =	sld [smem:$0x3FAB];
	_ =	sdelay $0x3  }
0x37: {  	[smem:$0x3FAB] =	sst s10  }
0x38: {  	s10 =	sld [smem:$0x3FAC]  }
0x39: {  	_ = 	snop;
	(pc) =	sbr.ind lr, $3  }
0x3a: {  	_ = 	snop  }
0x3b: {  	_ = 	snop  }
0x3c: {  	p2 =	seq.s32 s10, $0x1;
	s10 =	sld [smem:$0x3FAB]  }
0x3d: {  	_ =	shalt  }
0x3e: {  	_ =	shalt  }
0x3f: {  	_ =	shalt  }
0x40: {  	_ =	shalt  }
0x41: {  	_ =	shalt  }
0x42: {  	_ =	shalt  }
0x43: {  	_ =	shalt  }
0x44: {  	_ =	shalt  }
0x45: {  	_ =	shalt  }
0x46: {  	_ =	shalt  }
0x47: {  	_ =	shalt  }
0x48: {  	_ =	shalt  }
0x49: {  	_ =	shalt  }
0x4a: {  	_ =	shalt  }
0x4b: {  	_ =	shalt  }
0x4c: {  	_ =	shalt  }
0x4d: {  	_ =	shalt  }
0x4e: {  	_ =	shalt  }
0x4f: {  	_ =	shalt  }
0x50: {  	_ =	shalt  }
0x51: {  	_ =	shalt  }
0x52: {  	_ =	shalt  }
0x53: {  	_ =	shalt  }
0x54: {  	_ =	shalt  }
0x55: {  	_ =	shalt  }
0x56: {  	_ =	shalt  }
0x57: {  	_ =	shalt  }
0x58: {  	_ =	shalt  }
0x59: {  	_ =	shalt  }
0x5a: {  	_ =	shalt  }
0x5b: {  	_ =	shalt  }
0x5c: {  	_ =	shalt  }
0x5d: {  	_ =	shalt  }
0x5e: {  	_ =	shalt  }
0x5f: {  	_ =	shalt  }
0x60: {  	_ =	shalt  }
0x61: {  	_ =	shalt  }
0x62: {  	_ =	shalt  }
0x63: {  	_ =	shalt  }
0x64: {  	_ =	shalt  }
0x65: {  	_ =	shalt  }
0x66: {  	_ =	shalt  }
0x67: {  	_ =	shalt  }
0x68: {  	_ =	shalt  }
0x69: {  	_ =	shalt  }
0x6a: {  	_ =	shalt  }
0x6b: {  	_ =	shalt  }
0x6c: {  	_ =	shalt  }
0x6d: {  	_ =	shalt  }
0x6e: {  	_ =	shalt  }
0x6f: {  	_ =	shalt  }
0x70: {  	_ =	shalt  }
0x71: {  	_ =	shalt  }
0x72: {  	_ =	shalt  }
0x73: {  	_ =	shalt  }
0x74: {  	_ =	shalt  }
0x75: {  	_ =	shalt  }
0x76: {  	_ =	shalt  }
0x77: {  	_ =	shalt  }
0x78: {  	_ =	shalt  }
0x79: {  	_ =	shalt  }
0x7a: {  	_ =	shalt  }
0x7b: {  	_ =	shalt  }
0x7c: {  	_ =	shalt  }
0x7d: {  	_ =	shalt  }
0x7e: {  	_ =	shalt  }
0x7f: {  	_ =	shalt  }
0x80: {  	_ =	shalt  }
0x81: {  	_ =	shalt  }
0x82: {  	_ =	shalt  }
0x83: {  	_ =	shalt  }
0x84: {  	_ =	shalt  }
0x85: {  	_ =	shalt  }
0x86: {  	_ =	shalt  }
0x87: {  	_ =	shalt  }
.Lfunc_end0:
.L_simem_size_0:
called_computation.1_lowered:
.L_overlay_start_0:
0x88: {  	s2 =	sld [smem:$0x3FD9]  }
0x89: {  	s3 =	sld [smem:$0x3FFE];
	_ =	sdelay $0x1  }
0x8a: {  	s1 =	srdreg.scid  }
0x8b: {  	s0 =	sand.u32 $0x1, s1  }
0x8c: {  	s16 =	sshll.u32 s0, $0xA;
	s2 =	sadd.s32 s3, s2  }
0x8d: {  	s2 =	sadd.s32 s2, s16  }
0x8e: {  	[smem:$0x3FB7] =	sst s2  }
0x8f: {  	_ = 	snop  }
0x90: {  	(tm) =	ssettm $0x1  }
0x91: {  	s17 =	sld [smem:$0x3FFB];
	_ =	sdelay $0x3  }
0x92: {  	_ =	strace s17  }
0x93: {  	s2 =	sld [smem:$0x3FFC];
	_ =	sdelay $0x3  }
0x94: {  	_ =	strace s2  }
0x95: {  	s2 =	sld [smem:$0x3FFD];
	_ =	sdelay $0x3  }
0x96: {  	_ =	strace s2  }
0x97: {  	_ =	strace $0x8FFFFFFF  }
0x98: {  	s18 =	sld [smem:$0x3FDB];
	_ =	sdelay $0x1  }
0x99: {  	s19 =	simm.s32 $_scs_section_size  }
0x9a: {  	s4 =	simm.s32 $_size__tile_overlayer_lowered;
	s5 =	simm.s32 $_tile_overlayer_lowered  }
0x9b: {  	s22 =	simm.s32 $0x1BFF;
	s21 =	sshll.u32 s5, $0x1;
	s2 =	sadd.s32 s19, s18  }
0x9c: {  	s6 =	simm.s32 $0x0;
	s20 =	sshll.u32 s4, $0x1;
	s4 =	sadd.s32 s21, s2  }
0x9d: {  	[timem:s6], [sflag:s22] =	dma.local [hbm:s4], s20  }
0x9e: {  	_ =	swait.ge [sflag:s22], s20  }
0x9f: {  	s3 =	ssub.s32 $0x0, s20;
	[sflag:s22] =	ssyncset.done $0x0  }
0xa0: {  	[sflag:s22] =	ssyncadd.s32 s3;
	_ =	sdelay $0x1  }
0xa1: {  	s23 =	simm.s32 $0x1B8B  }
0xa2: {  	_ =	swait.ge [sflag:s23], $0x1  }
0xa3: {  	[sflag:s23] =	ssyncset.done $0x0  }
0xa4: {  	s25 =	simm.s32 $0x1B8E;
	s24 =	sld [smem:$0x3FFE];
	[sflag:s23] =	ssyncadd.s32 $0xFFFFFFFF  }
0xa5: {  	s26 =	simm.s32 $execute0_lowered;
	[smem:$0x3FD2] =	sst s25  }
0xa6: {  	s4 =	sshll.u32 s26, $0x1;
	_ =	strace $0x80000049;
	[dreg:$0x1] =	wrdreg $0xFFFFFFFF  }
0xa7: {  	s28 =	simm.s32 $_size_execute0_lowered;
	s2 =	sadd.s32 s2, s4;
	[dreg:$0x0] =	wrdreg $0x0  }
0xa8: {  	s4 =	sshll.u32 s28, $0x1;
	[dreg:$0x2] =	wrdreg s2  }
0xa9: {  	[dreg:$0x3] =	wrdreg s4  }
0xaa: {  	[dreg:$0x4] =	wrdreg $0xC0  }
0xab: {  	_ =	task [dreg:s6], $0x5FFFF  }
0xac: {  	[dreg:$0x1] =	wrdreg $0xFFFFFFFF  }
0xad: {  	[dreg:$0x0] =	wrdreg $0x60  }
0xae: {  	[dreg:$0x2] =	wrdreg s24  }
0xaf: {  	[dreg:$0x3] =	wrdreg $0x0  }
0xb0: {  	[dreg:$0x4] =	wrdreg $0x50000  }
0xb1: {  	[dreg:$0x5] =	wrdreg $0x9  }
0xb2: {  	_ =	task.clear_ibuf [dreg:s6], $0x6FFFF;
	_ =	strace $0x90000049  }
0xb3: {  	s29 =	simm.s32 $0x9;
	_ =	strace $0x8000004B  }
0xb4: {  	_ =	swait.ge [sflag:s29], $0x1  }
0xb5: {  	[sflag:s29] =	ssyncadd.s32 $0xFFFFFFFF  }
0xb6: {  	_ =	strace $0x9000004B  }
0xb7: {  	_ =	sfence  }
0xb8: {  	s30 =	sld [smem:$0x0];
	_ =	sdelay $0x2  }
0xb9: {  	s31 =	sshll.u32 s1, $0xD;
	s1 =	sshrl.u32 s1, $0x2  }
0xba: {  	s3 =	sand.u32 $0x4000, s31;
	s1 =	sadd.s32 s1, s30  }
0xbb: {  	s0 =	sor.u32 s3, s0;
	s1 =	sshll.u32 s1, $0x11  }
0xbc: {  	s0 =	sor.u32 s1, s0  }
0xbd: {  	s0 =	sadd.s32 $0x8F2B, s0  }
0xbe: {  	[sflag:s0] =	ssyncadd.remote.s32 $0x1  }
0xbf: {  	_ =	sfence.sel $0xFFFF  }
0xc0: {  	[dreg:$0x0] =	wrdreg $0xFFFFFFFF;
	(pc) =	sbr.abs _section_cstart, $3  }
0xc1: {  	[dreg:$0x1] =	wrdreg $0xFFFFFFFF  }
0xc2: {  	_ =	task.clear_ibuf [dreg:s6], $0x2FFFF;
	_ =	strace $0x9FFFFFFF  }
0xc3: {  	(tm) =	ssettm $0x7FFFFFFF  }
tec
execute0_lowered:
.L_overlay_start_1:
0x0: {  	(tag) =	ssettag $0x1  }
0x1: {  	s0 =	srdreg.scid  }
0x2: {  	s1 =	rddreg [dreg:$0x0];
	s11 =	stileid.u32  }
0x3: {  	s2 =	rddreg [dreg:$0x1];
	s5 =	simm.s32 $0x0;
	s15 =	simm.s32 $0x11  }
0x4: {  	s19 =	simm.s32 $0x80;
	s20 =	simm.s32 $0xF000;
	s21 =	simm.s32 $0x17000  }
0x5: {  	s28 =	simm.s32 $0x13000;
	s30 =	simm.s32 $0x1B000;
	s22 =	simm.s32 $0x1D000  }
0x6: {  	s29 =	simm.s32 $0x2;
	s31 =	simm.s32 $0x6;
	s17 =	simm.s32 $0x0  }
0x7: {  	s0 =	sand.u32 $0x1, s0;
	s9 =	smul.u32 $0x5000, s11;
	[smem:$0x7FF] =	sst s5  }
0x8: {  	s5 =	sadd.s32 $0x18C00, s1;
	s6 =	sadd.s32 $0x4AC00, s1;
	s3 =	sshll.u32 s0, $0x4  }
0x9: {  	s7 =	smul.u32 $0x50000, s0;
	s0 =	ssub.s32 $0x2, s0;
	s4 =	sor.u32 s11, s3  }
0xa: {  	s3 =	rddreg [dreg:$0x2];
	_ =	strace $0x8000004A;
	s8 =	sshrl.u32 s9, $0x3  }
0xb: {  	s23 =	sshrl.u32 s0, $0x1;
	s10 =	sadd.s32 s9, s2;
	s11 =	sshll.u32 s11, $0x6  }
0xc: {  	s4 =	smul.u32 $0x2800, s4;
	s7 =	sadd.s32 s9, s7;
	s8 =	sadd.s32 s8, s1  }
0xd: {  	s0 =	ssub.s32 s0, s23;
	s9 =	sadd.s32 s9, s3;
	s14 =	sshrl.u32 s10, $0x3  }
0xe: {  	s23 =	simm.s32 $0x11000;
	s10 =	simm.s32 $0x8;
	s7 =	sshrl.u32 s7, $0x3  }
0xf: {  	s24 =	sadd.s32 $0x54C00, s8;
	s8 =	sor.u32 $0x1C11, s11;
	s4 =	sshrl.u32 s4, $0x3  }
0x10: {  	s0 =	smax.u32 s0, $0x1;
	[dreg:$0x4] =	wrdreg s24;
	s4 =	sadd.s32 s4, s1  }
0x11: {  	s16 =	sshrl.u32 s9, $0x3;
	[dreg:$0x9] =	wrdreg s0;
	s25 =	sadd.s32 $0x4C00, s4  }
0x12: {  	s1 =	sadd.s32 s7, s1;
	s4 =	sadd.s32 $0xEC00, s4;
	[dreg:$0x5] =	wrdreg s25  }
0x13: {  	s9 =	simm.s32 $0x4;
	s26 =	sadd.s32 $0x72C00, s1;
	[dreg:$0x6] =	wrdreg s4  }
0x14: {  	s24 =	simm.s32 $0x1;
	s1 =	sadd.s32 $0x5EC00, s1;
	[dreg:$0x7] =	wrdreg s26  }
0x15: {  	s0 =	simm.s32 $0x3;
	[dreg:$0x8] =	wrdreg s1;
	s25 =	simm.s32 $0x19000  }
0x16: {  	s1 =	simm.s32 $0x15000;
	s26 =	simm.s32 $0x5;
	s4 =	simm.s32 $0x7  }
.LBB2_1:
0x17: {  	s7 =	rddreg [dreg:$0x4]  }
0x18: {  	[spmem:s14], [sflag:s8] =	dma.local [hbm:s7], $0xA00  }
0x19: {  	_ =	swait.ge [sflag:s15], $0xA00  }
0x1a: {  	[sflag:s15] =	ssyncset.done $0x0  }
0x1b: {  	[sflag:s15] =	ssyncadd.s32 $0xFFFFF600  }
0x1c: {  	[spmem:s16], [sflag:s8] =	dma.local [hbm:s7], $0xA00  }
0x1d: {  	_ =	swait.ge [sflag:s15], $0xA00  }
0x1e: {  	s12 =	simm.s32 $0xA000;
	[sflag:s15] =	ssyncset.done $0x0  }
0x1f: {  	s7 =	simm.s32 $0x0;
	s11 =	rddreg [dreg:$0x5];
	[sflag:s15] =	ssyncadd.s32 $0xFFFFF600  }
0x20: {  	[tilespmem:s12], [sflag:$0x11] =	stream.linear.gather [hbm4b:s11+s7], $0x2800, $0x38;
	[tilespmem:$0x1F000] =	vst v63  }
0x21: {  	_ =	swait.ge [sflag:s15], $0x2800  }
0x22: {  	[sflag:s15] =	ssyncset.done $0x0  }
0x23: {  	s13 =	simm.s32 $0xC800;
	s18 =	rddreg [dreg:$0x6];
	[sflag:s15] =	ssyncadd.s32 $0xFFFFD800  }
0x24: {  	[tilespmem:s13], [sflag:$0x11] =	stream.linear.gather [hbm4b:s18+s7], $0x2800, $0x38;
	[tilespmem:$0x1F000] =	vst v63  }
0x25: {  	_ =	swait.ge [sflag:s15], $0x2800  }
0x26: {  	[sflag:s15] =	ssyncset.done $0x0  }
0x27: {  	[sflag:s15] =	ssyncadd.s32 $0xFFFFD800  }
0x28: {  	[bflag:$0x0] =	sbarrier.arrive $0xFFFF  }
0x29: {  	[tilespmem:s20], [sflag:$0x1] =	stream.indirect.gather [hbm4b:s6+s19], $0x40, s13, s19, $0xb8;
	[tilespmem:$0x1F000] =	vst v63  }
0x2a: {  	_ = 	snop  }
0x2b: {  	[tilespmem:s21], [sflag:$0x5] =	stream.indirect.gather [hbm4b:s5+s19], $0x40, s12, s19, $0xb8;
	[tilespmem:$0x1F000] =	vst v63  }
0x2c: {  	s13 =	simm.s32 $0xC880  }
0x2d: {  	[tilespmem:s23], [sflag:$0x2] =	stream.indirect.gather [hbm4b:s6+s19], $0x40, s13, s19, $0xb8;
	[tilespmem:$0x1F000] =	vst v63  }
0x2e: {  	s18 =	simm.s32 $0xA080  }
0x2f: {  	[tilespmem:s25], [sflag:$0x6] =	stream.indirect.gather [hbm4b:s5+s19], $0x40, s18, s19, $0xb8;
	[tilespmem:$0x1F000] =	vst v63  }
0x30: {  	s11 =	simm.s32 $0xC900  }
0x31: {  	[tilespmem:s28], [sflag:$0x3] =	stream.indirect.gather [hbm4b:s6+s19], $0x40, s11, s19, $0xb8;
	[tilespmem:$0x1F000] =	vst v63  }
0x32: {  	s12 =	simm.s32 $0xA100  }
0x33: {  	[tilespmem:s30], [sflag:$0x7] =	stream.indirect.gather [hbm4b:s5+s19], $0x40, s12, s19, $0xb8;
	[tilespmem:$0x1F000] =	vst v63  }
0x34: {  	s13 =	simm.s32 $0xC980  }
0x35: {  	[tilespmem:s1], [sflag:$0x4] =	stream.indirect.gather [hbm4b:s6+s19], $0x40, s13, s19, $0xb8;
	[tilespmem:$0x1F000] =	vst v63  }
0x36: {  	s18 =	simm.s32 $0xA180  }
0x37: {  	[tilespmem:s22], [sflag:$0x8] =	stream.indirect.gather [hbm4b:s5+s19], $0x40, s18, s19, $0xb8;
	[tilespmem:$0x1F000] =	vst v63  }
0x38: {  	s18 =	simm.s32 $0x0  }
.LBB2_2:
0x39: {  	_ =	swait.ge [sflag:s24], $0x2000  }
0x3a: {  	[sflag:s24] =	ssyncset.done $0x0  }
0x3b: {  	[sflag:s24] =	ssyncadd.s32 $0xFFFFE000  }
0x3c: {  	_ =	swait.ge [sflag:s26], $0x2000  }
0x3d: {  	s11 =	sshra.s32 s18, $0x2;
	[sflag:s26] =	ssyncset.done $0x0  }
0x3e: {  	s12 =	sadd.s32 $0xA000, s11;
	[sflag:s26] =	ssyncadd.s32 $0xFFFFE000  }
0x3f: {  	[spmem:s2] =	stream.indirect.scatter.add.f32 [tilespmem:s20], [sflag:$0x9], $0x40, s12, s19, $0xb8;
	[tilespmem:$0x1F000] =	vst v63  }
0x40: {  	s7 =	sadd.s32 $0xC800, s11  }
0x41: {  	[spmem:s3] =	stream.indirect.scatter.add.f32 [tilespmem:s21], [sflag:$0xD], $0x40, s7, s19, $0xb8;
	[tilespmem:$0x1F000] =	vst v63  }
0x42: {  	_ =	swait.ge [sflag:s29], $0x2000  }
0x43: {  	[sflag:s29] =	ssyncset.done $0x0  }
0x44: {  	[sflag:s29] =	ssyncadd.s32 $0xFFFFE000  }
0x45: {  	_ =	swait.ge [sflag:s31], $0x2000  }
0x46: {  	[sflag:s31] =	ssyncset.done $0x0  }
0x47: {  	s13 =	sadd.s32 $0xA080, s11;
	[sflag:s31] =	ssyncadd.s32 $0xFFFFE000  }
0x48: {  	[spmem:s2] =	stream.indirect.scatter.add.f32 [tilespmem:s23], [sflag:$0xA], $0x40, s13, s19, $0xb8;
	[tilespmem:$0x1F000] =	vst v63  }
0x49: {  	s7 =	sadd.s32 $0xC880, s11  }
0x4a: {  	[spmem:s3] =	stream.indirect.scatter.add.f32 [tilespmem:s25], [sflag:$0xE], $0x40, s7, s19, $0xb8;
	[tilespmem:$0x1F000] =	vst v63  }
0x4b: {  	_ =	swait.ge [sflag:s0], $0x2000  }
0x4c: {  	[sflag:s0] =	ssyncset.done $0x0  }
0x4d: {  	[sflag:s0] =	ssyncadd.s32 $0xFFFFE000  }
0x4e: {  	_ =	swait.ge [sflag:s4], $0x2000  }
0x4f: {  	[sflag:s4] =	ssyncset.done $0x0  }
0x50: {  	s13 =	sadd.s32 $0xA100, s11;
	[sflag:s4] =	ssyncadd.s32 $0xFFFFE000  }
0x51: {  	[spmem:s2] =	stream.indirect.scatter.add.f32 [tilespmem:s28], [sflag:$0xB], $0x40, s13, s19, $0xb8;
	[tilespmem:$0x1F000] =	vst v63  }
0x52: {  	s7 =	sadd.s32 $0xC900, s11  }
0x53: {  	[spmem:s3] =	stream.indirect.scatter.add.f32 [tilespmem:s30], [sflag:$0xF], $0x40, s7, s19, $0xb8;
	[tilespmem:$0x1F000] =	vst v63  }
0x54: {  	_ =	swait.ge [sflag:s9], $0x2000  }
0x55: {  	[sflag:s9] =	ssyncset.done $0x0  }
0x56: {  	[sflag:s9] =	ssyncadd.s32 $0xFFFFE000  }
0x57: {  	_ =	swait.ge [sflag:s10], $0x2000  }
0x58: {  	[sflag:s10] =	ssyncset.done $0x0  }
0x59: {  	s13 =	sadd.s32 $0xA180, s11;
	[sflag:s10] =	ssyncadd.s32 $0xFFFFE000  }
0x5a: {  	[spmem:s2] =	stream.indirect.scatter.add.f32 [tilespmem:s1], [sflag:$0xC], $0x40, s13, s19, $0xb8;
	[tilespmem:$0x1F000] =	vst v63  }
0x5b: {  	p0 =	seq.s32 s18, $0x9800;
	s11 =	sadd.s32 $0xC980, s11  }
0x5c: {  	[spmem:s3] =	stream.indirect.scatter.add.f32 [tilespmem:s22], [sflag:$0x10], $0x40, s11, s19, $0xb8;
	[tilespmem:$0x1F000] =	vst v63  }
0x5d: {  	s11 =	simm.s32 @!p0 $0x9  }
0x5e: {  	_ =	swait.ge @!p0 [sflag:s11], $0x2000  }
0x5f: {  	[sflag:s11] =	ssyncset.done @!p0 $0x0  }
0x60: {  	[sflag:s11] =	ssyncadd.s32 @!p0 $0xFFFFE000;
	s11 =	simm.s32 @!p0 $0xD  }
0x61: {  	_ =	swait.ge @!p0 [sflag:s11], $0x2000  }
0x62: {  	[sflag:s11] =	ssyncset.done @!p0 $0x0  }
0x63: {  	[sflag:s11] =	ssyncadd.s32 @!p0 $0xFFFFE000;
	s11 =	sshra.s32 @!p0 s18, $0x2  }
0x64: {  	s7 =	simm.s32 @!p0 $0xF000;
	s13 =	simm.s32 @!p0 $0x80;
	s12 =	sadd.s32 @!p0 $0xCA00, s11  }
0x65: {  	[tilespmem:s7], [sflag:$0x1] =	stream.indirect.gather @!p0 [hbm4b:s6+s13], $0x40, s12, s13, $0xb8;
	[tilespmem:$0x1F000] =	vst v63  }
0x66: {  	s7 =	sadd.s32 @!p0 $0xA200, s11;
	s12 =	simm.s32 @!p0 $0x17000  }
0x67: {  	[tilespmem:s12], [sflag:$0x5] =	stream.indirect.gather @!p0 [hbm4b:s5+s13], $0x40, s7, s13, $0xb8;
	[tilespmem:$0x1F000] =	vst v63  }
0x68: {  	s7 =	simm.s32 @!p0 $0xA  }
0x69: {  	_ =	swait.ge @!p0 [sflag:s7], $0x2000  }
0x6a: {  	[sflag:s7] =	ssyncset.done @!p0 $0x0  }
0x6b: {  	[sflag:s7] =	ssyncadd.s32 @!p0 $0xFFFFE000;
	s7 =	simm.s32 @!p0 $0xE  }
0x6c: {  	_ =	swait.ge @!p0 [sflag:s7], $0x2000  }
0x6d: {  	[sflag:s7] =	ssyncset.done @!p0 $0x0  }
0x6e: {  	s12 =	simm.s32 @!p0 $0x11000;
	[sflag:s7] =	ssyncadd.s32 @!p0 $0xFFFFE000;
	s7 =	sadd.s32 @!p0 $0xCA80, s11  }
0x6f: {  	[tilespmem:s12], [sflag:$0x2] =	stream.indirect.gather @!p0 [hbm4b:s6+s13], $0x40, s7, s13, $0xb8;
	[tilespmem:$0x1F000] =	vst v63  }
0x70: {  	s7 =	sadd.s32 @!p0 $0xA280, s11;
	s12 =	simm.s32 @!p0 $0x19000  }
0x71: {  	[tilespmem:s12], [sflag:$0x6] =	stream.indirect.gather @!p0 [hbm4b:s5+s13], $0x40, s7, s13, $0xb8;
	[tilespmem:$0x1F000] =	vst v63  }
0x72: {  	s7 =	simm.s32 @!p0 $0xB  }
0x73: {  	_ =	swait.ge @!p0 [sflag:s7], $0x2000  }
0x74: {  	[sflag:s7] =	ssyncset.done @!p0 $0x0  }
0x75: {  	[sflag:s7] =	ssyncadd.s32 @!p0 $0xFFFFE000;
	s7 =	simm.s32 @!p0 $0xF  }
0x76: {  	_ =	swait.ge @!p0 [sflag:s7], $0x2000  }
0x77: {  	[sflag:s7] =	ssyncset.done @!p0 $0x0  }
0x78: {  	s12 =	simm.s32 @!p0 $0x13000;
	[sflag:s7] =	ssyncadd.s32 @!p0 $0xFFFFE000;
	s7 =	sadd.s32 @!p0 $0xCB00, s11  }
0x79: {  	[tilespmem:s12], [sflag:$0x3] =	stream.indirect.gather @!p0 [hbm4b:s6+s13], $0x40, s7, s13, $0xb8;
	[tilespmem:$0x1F000] =	vst v63  }
0x7a: {  	s7 =	sadd.s32 @!p0 $0xA300, s11;
	s12 =	simm.s32 @!p0 $0x1B000  }
0x7b: {  	[tilespmem:s12], [sflag:$0x7] =	stream.indirect.gather @!p0 [hbm4b:s5+s13], $0x40, s7, s13, $0xb8;
	[tilespmem:$0x1F000] =	vst v63  }
0x7c: {  	s7 =	simm.s32 @!p0 $0xC  }
0x7d: {  	_ =	swait.ge @!p0 [sflag:s7], $0x2000  }
0x7e: {  	[sflag:s7] =	ssyncset.done @!p0 $0x0  }
0x7f: {  	[sflag:s7] =	ssyncadd.s32 @!p0 $0xFFFFE000;
	s7 =	simm.s32 @!p0 $0x10  }
0x80: {  	_ =	swait.ge @!p0 [sflag:s7], $0x2000  }
0x81: {  	s18 =	sadd.s32 @!p0 $0x800, s18;
	[sflag:s7] =	ssyncset.done @!p0 $0x0  }
0x82: {  	s12 =	simm.s32 @!p0 $0x15000;
	[sflag:s7] =	ssyncadd.s32 @!p0 $0xFFFFE000;
	s7 =	sadd.s32 @!p0 $0xCB80, s11  }
0x83: {  	[tilespmem:s12], [sflag:$0x4] =	stream.indirect.gather @!p0 [hbm4b:s6+s13], $0x40, s7, s13, $0xb8;
	[tilespmem:$0x1F000] =	vst v63  }
0x84: {  	p1 =	sne.s32 @!p0 s18, $0xA000;
	s7 =	sadd.s32 @!p0 $0xA380, s11;
	s11 =	simm.s32 @!p0 $0x1D000  }
0x85: {  	[tilespmem:s11], [sflag:$0x8] =	stream.indirect.gather @!p0 [hbm4b:s5+s13], $0x40, s7, s13, $0xb8;
	[tilespmem:$0x1F000] =	vst v63  }
0x86: {  	p0 =	por p0, !p1  }
.Ltmp0:
0x87: {  	_ = 	snop;
	(pc) =	sbr.rel @!p0 .LBB2_2-.Ltmp0, $1  }
0x88: {  	_ =	sdelay $0x3  }
0x89: {  	s7 =	simm.s32 $0x9  }
0x8a: {  	_ =	swait.ge [sflag:s7], $0x2000  }
0x8b: {  	[sflag:s7] =	ssyncset.done $0x0  }
0x8c: {  	s13 =	simm.s32 $0xD;
	[sflag:s7] =	ssyncadd.s32 $0xFFFFE000  }
0x8d: {  	_ =	swait.ge [sflag:s13], $0x2000  }
0x8e: {  	[sflag:s13] =	ssyncset.done $0x0  }
0x8f: {  	s18 =	simm.s32 $0xA;
	[sflag:s13] =	ssyncadd.s32 $0xFFFFE000  }
0x90: {  	_ =	swait.ge [sflag:s18], $0x2000  }
0x91: {  	[sflag:s18] =	ssyncset.done $0x0  }
0x92: {  	s11 =	simm.s32 $0xE;
	[sflag:s18] =	ssyncadd.s32 $0xFFFFE000  }
0x93: {  	_ =	swait.ge [sflag:s11], $0x2000  }
0x94: {  	[sflag:s11] =	ssyncset.done $0x0  }
0x95: {  	s12 =	simm.s32 $0xB;
	[sflag:s11] =	ssyncadd.s32 $0xFFFFE000  }
0x96: {  	_ =	swait.ge [sflag:s12], $0x2000  }
0x97: {  	[sflag:s12] =	ssyncset.done $0x0  }
0x98: {  	s13 =	simm.s32 $0xF;
	[sflag:s12] =	ssyncadd.s32 $0xFFFFE000  }
0x99: {  	_ =	swait.ge [sflag:s13], $0x2000  }
0x9a: {  	[sflag:s13] =	ssyncset.done $0x0  }
0x9b: {  	s18 =	simm.s32 $0xC;
	[sflag:s13] =	ssyncadd.s32 $0xFFFFE000  }
0x9c: {  	_ =	swait.ge [sflag:s18], $0x2000  }
0x9d: {  	[sflag:s18] =	ssyncset.done $0x0  }
0x9e: {  	s11 =	simm.s32 $0x10;
	[sflag:s18] =	ssyncadd.s32 $0xFFFFE000  }
0x9f: {  	_ =	swait.ge [sflag:s11], $0x2000  }
0xa0: {  	[sflag:s11] =	ssyncset.done $0x0  }
0xa1: {  	[sflag:s11] =	ssyncadd.s32 $0xFFFFE000  }
0xa2: {  	[bflag:$0x0] =	sbarrier.arrive $0xFFFF  }
0xa3: {  	s12 =	rddreg [dreg:$0x7]  }
0xa4: {  	[hbm:s12], [sflag:s8] =	dma.local [spmem:s14], $0xA00  }
0xa5: {  	_ =	swait.ge [sflag:s15], $0xA00  }
0xa6: {  	[sflag:s15] =	ssyncset.done $0x0  }
0xa7: {  	s13 =	rddreg [dreg:$0x8];
	[sflag:s15] =	ssyncadd.s32 $0xFFFFF600  }
0xa8: {  	[hbm:s13], [sflag:s8] =	dma.local [spmem:s16], $0xA00  }
0xa9: {  	_ =	swait.ge [sflag:s15], $0xA00  }
0xaa: {  	s17 =	sadd.s32 $0x1, s17;
	s18 =	rddreg [dreg:$0x9]  }
0xab: {  	p0 =	sne.s32 s17, s18  }
.Ltmp1:
0xac: {  	_ = 	snop;
	(pc) =	sbr.rel @p0 .LBB2_1-.Ltmp1, $3  }
0xad: {  	_ =	sdelay $0x1  }
0xae: {  	[sflag:s15] =	ssyncset.done $0x0  }
0xaf: {  	[sflag:s15] =	ssyncadd.s32 $0xFFFFF600  }
0xb0: {  	_ =	sfence.sel $0x180000  }
0xb1: {  	[bflag:$0x0] =	sbarrier.arrive $0xFFFF  }
0xb2: {  	_ =	strace $0x9000004A  }
0xb3: {  	s0 =	stileid.u32;
	[bflag:$0x2] =	sbarrier.arrive $0xFFFF  }
0xb4: {  	p0 =	sne.s32 s0, $0x0;
	s0 =	rddreg [dreg:$0x3]  }
0xb5: {  	s0 =	sadd.s32 @!p0 $0x100000, s0  }
0xb6: {  	[sflag:s0] =	ssyncadd.tile.s32 @!p0 $0x1;
	_ =	shalt  }
.Lfunc_end2:
_tile_overlayer_lowered:
.L_overlay_start_2:
0xb7: {  	(tag) =	ssettag $0x2  }
0xb8: {  	s0 =	rddreg [dreg:$0x0];
	s2 =	stileid.u32  }
0xb9: {  	s1 =	rddreg [dreg:$0x1];
	p0 =	sne.s32 s2, $0x0  }
0xba: {  	s3 =	rddreg [dreg:$0x2];
	[bflag:$0x3] =	sbarrier.arrive $0xFFFF;
	s2 =	simm.s32 @!p0 $0x1C11  }
0xbb: {  	[timem:s3], [sflag:s2] =	dma.local @!p0 [hbm:s0], s1  }
0xbc: {  	s0 =	simm.s32 @!p0 $0x11  }
0xbd: {  	_ =	swait.ge @!p0 [sflag:s0], s1  }
0xbe: {  	s1 =	ssub.s32 @!p0 $0x0, s1;
	[sflag:s0] =	ssyncset.done @!p0 $0x0  }
0xbf: {  	[sflag:s0] =	ssyncadd.s32 @!p0 s1  }
0xc0: {  	[bflag:$0x3] =	sbarrier.arrive $0xFFFF  }
0xc1: {  	_ =	shalt  }

// kernel: kernel.16.cloned.1.call-start
scs
__scs_entry_jumppad:
0x0: {  	(pc) =	sbr.rel $0x88, $3  }
0x1: {  	(tag) =	ssettag $0x0;
	lr =	simm.s32 $0x1  }
0x2: {  	[smem:$0x3F90] =	sst lr;
	_ =	strace $0xD0000000  }
0x3: {  	_ = 	snop  }
0x4: {  	_ = 	snop  }
0x5: {  	_ = 	snop  }
0x6: {  	_ = 	snop  }
0x7: {  	_ = 	snop  }
__scs_overlays_trampoline_lowered:
0x8: {  	[smem:$0x3F9F] =	sst s0  }
0x9: {  	[smem:$0x3FA0] =	sst s1  }
0xa: {  	[smem:$0x3FA1] =	sst s2  }
0xb: {  	[smem:$0x3FA2] =	sst s3  }
0xc: {  	[smem:$0x3FA3] =	sst s4  }
0xd: {  	[smem:$0x3FA4] =	sst s5  }
0xe: {  	[smem:$0x3FA5] =	sst s6  }
0xf: {  	[smem:$0x3FA6] =	sst s7  }
0x10: {  	[smem:$0x3FA7] =	sst s8  }
0x11: {  	[smem:$0x3FA8] =	sst s9;
	s0 =	simm.s32 @!p0 $0x0  }
0x12: {  	s1 =	sld [smem:$0x3F8E];
	s0 =	simm.s32 @p0 $0x1  }
0x13: {  	[smem:$0x3FA9] =	sst s0;
	s0 =	simm.s32 @!p1 $0x0  }
0x14: {  	s2 =	sld [smem:$0x3F8D];
	s0 =	simm.s32 @p1 $0x1  }
0x15: {  	[smem:$0x3FAA] =	sst s0;
	s0 =	simm.s32 @!p2 $0x0  }
0x16: {  	s3 =	sld [smem:$0x3FDB];
	s0 =	simm.s32 @p2 $0x1  }
0x17: {  	s4 =	simm.s32 $0x1BF5;
	[smem:$0x3FAC] =	sst s0  }
0x18: {  	s0 =	sld [smem:$0x3F8F];
	_ =	swait.ge [sflag:s4], $0x0  }
0x19: {  	s7 =	sld [smem:$0x3F90]  }
0x1a: {  	s8 =	sadd.s32 $0xFFFFE003, lr  }
0x1b: {  	s9 =	sadd.s32 $0xFFFFFEF7, lr;
	s5 =	simm.s32 $0xFFFFFFFF;
	p2 =	slt.u32 s8, $0xFFFFF086  }
0x1c: {  	p1 =	slt.u32 s9, $0xF7A;
	s5 =	simm.s32 @!p2 $0x0  }
0x1d: {  	s5 =	simm.s32 @p1 $0x1;
	p0 =	seq.s32 s7, s2  }
0x1e: {  	s7 =	smul.u32 @!p0 $0xF7A, s2;
	p2 =	seq.s32 @!p0 s5, $0x0  }
0x1f: {  	s9 =	smul.u32 $0xF7A, s1;
	s8 =	simm.s32 @!p0 $0x1BF5;
	p2 =	por !p2, p0  }
0x20: {  	[sflag:s8] =	ssyncset.s32 @!p0 $0xFFFFF086;
	s6 =	sadd.s32 @!p0 s3, s7;
	s7 =	simm.s32 @!p0 $0x108  }
0x21: {  	s3 =	sadd.s32 s3, s9;
	s6 =	sadd.s32 @!p0 $0x88, s6;
	s7 =	simm.s32 @p2 $0x1082  }
0x22: {  	[simem:s7], [sflag:s8] =	dma.local @!p0 [hbm:s6], $0xF7A  }
0x23: {  	s9 =	sor.u32 $0xD0000000, s2;
	s6 =	simm.s32 $0x108;
	_ =	swait.ge @!p0 [sflag:s8], $0x0  }
0x24: {  	s3 =	sadd.s32 $0x88, s3;
	s6 =	simm.s32 @!p1 $0x1082;
	[sflag:s4] =	ssyncset.s32 $0xFFFFF086  }
0x25: {  	[simem:s6], [sflag:s4] =	dma.local [hbm:s3], $0xF7A  }
0x26: {  	[smem:$0x3F90] =	sst s1;
	(tag) =	ssettag s2;
	_ =	strace s9  }
0x27: {  	s1 =	sld [smem:$0x3FA0]  }
0x28: {  	s2 =	sld [smem:$0x3FA1]  }
0x29: {  	s4 =	sld [smem:$0x3FA3]  }
0x2a: {  	p0 =	seq.s32 s5, $0x0;
	s5 =	sld [smem:$0x3FA4]  }
0x2b: {  	s6 =	sld [smem:$0x3FA5]  }
0x2c: {  	s7 =	sld [smem:$0x3FA6]  }
0x2d: {  	s3 =	simm.s32 $0x108;
	s8 =	sld [smem:$0x3FA7]  }
0x2e: {  	s3 =	simm.s32 @!p0 $0x1082;
	s9 =	sld [smem:$0x3FA8]  }
0x2f: {  	lr =	sadd.s32 s0, s3;
	s0 =	sld [smem:$0x3F9F]  }
0x30: {  	s3 =	sld [smem:$0x3FA2]  }
0x31: {  	[smem:$0x3FAB] =	sst s10  }
0x32: {  	s10 =	sld [smem:$0x3FA9];
	_ =	sdelay $0x3  }
0x33: {  	p0 =	seq.s32 s10, $0x1;
	s10 =	sld [smem:$0x3FAB];
	_ =	sdelay $0x3  }
0x34: {  	[smem:$0x3FAB] =	sst s10  }
0x35: {  	s10 =	sld [smem:$0x3FAA];
	_ =	sdelay $0x3  }
0x36: {  	p1 =	seq.s32 s10, $0x1;
	s10 =	sld [smem:$0x3FAB];
	_ =	sdelay $0x3  }
0x37: {  	[smem:$0x3FAB] =	sst s10  }
0x38: {  	s10 =	sld [smem:$0x3FAC]  }
0x39: {  	_ = 	snop;
	(pc) =	sbr.ind lr, $3  }
0x3a: {  	_ = 	snop  }
0x3b: {  	_ = 	snop  }
0x3c: {  	p2 =	seq.s32 s10, $0x1;
	s10 =	sld [smem:$0x3FAB]  }
0x3d: {  	_ =	shalt  }
0x3e: {  	_ =	shalt  }
0x3f: {  	_ =	shalt  }
0x40: {  	_ =	shalt  }
0x41: {  	_ =	shalt  }
0x42: {  	_ =	shalt  }
0x43: {  	_ =	shalt  }
0x44: {  	_ =	shalt  }
0x45: {  	_ =	shalt  }
0x46: {  	_ =	shalt  }
0x47: {  	_ =	shalt  }
0x48: {  	_ =	shalt  }
0x49: {  	_ =	shalt  }
0x4a: {  	_ =	shalt  }
0x4b: {  	_ =	shalt  }
0x4c: {  	_ =	shalt  }
0x4d: {  	_ =	shalt  }
0x4e: {  	_ =	shalt  }
0x4f: {  	_ =	shalt  }
0x50: {  	_ =	shalt  }
0x51: {  	_ =	shalt  }
0x52: {  	_ =	shalt  }
0x53: {  	_ =	shalt  }
0x54: {  	_ =	shalt  }
0x55: {  	_ =	shalt  }
0x56: {  	_ =	shalt  }
0x57: {  	_ =	shalt  }
0x58: {  	_ =	shalt  }
0x59: {  	_ =	shalt  }
0x5a: {  	_ =	shalt  }
0x5b: {  	_ =	shalt  }
0x5c: {  	_ =	shalt  }
0x5d: {  	_ =	shalt  }
0x5e: {  	_ =	shalt  }
0x5f: {  	_ =	shalt  }
0x60: {  	_ =	shalt  }
0x61: {  	_ =	shalt  }
0x62: {  	_ =	shalt  }
0x63: {  	_ =	shalt  }
0x64: {  	_ =	shalt  }
0x65: {  	_ =	shalt  }
0x66: {  	_ =	shalt  }
0x67: {  	_ =	shalt  }
0x68: {  	_ =	shalt  }
0x69: {  	_ =	shalt  }
0x6a: {  	_ =	shalt  }
0x6b: {  	_ =	shalt  }
0x6c: {  	_ =	shalt  }
0x6d: {  	_ =	shalt  }
0x6e: {  	_ =	shalt  }
0x6f: {  	_ =	shalt  }
0x70: {  	_ =	shalt  }
0x71: {  	_ =	shalt  }
0x72: {  	_ =	shalt  }
0x73: {  	_ =	shalt  }
0x74: {  	_ =	shalt  }
0x75: {  	_ =	shalt  }
0x76: {  	_ =	shalt  }
0x77: {  	_ =	shalt  }
0x78: {  	_ =	shalt  }
0x79: {  	_ =	shalt  }
0x7a: {  	_ =	shalt  }
0x7b: {  	_ =	shalt  }
0x7c: {  	_ =	shalt  }
0x7d: {  	_ =	shalt  }
0x7e: {  	_ =	shalt  }
0x7f: {  	_ =	shalt  }
0x80: {  	_ =	shalt  }
0x81: {  	_ =	shalt  }
0x82: {  	_ =	shalt  }
0x83: {  	_ =	shalt  }
0x84: {  	_ =	shalt  }
0x85: {  	_ =	shalt  }
0x86: {  	_ =	shalt  }
0x87: {  	_ =	shalt  }
.Lfunc_end0:
.L_simem_size_0:
called_computation.2_lowered:
.L_overlay_start_0:
0x88: {  	s2 =	sld [smem:$0x3FD9]  }
0x89: {  	s3 =	sld [smem:$0x3FFE];
	_ =	sdelay $0x1  }
0x8a: {  	s1 =	srdreg.scid  }
0x8b: {  	s0 =	sand.u32 $0x1, s1  }
0x8c: {  	s16 =	sshll.u32 s0, $0xA;
	s2 =	sadd.s32 s3, s2  }
0x8d: {  	s2 =	sadd.s32 s2, s16  }
0x8e: {  	[smem:$0x3FB7] =	sst s2  }
0x8f: {  	_ = 	snop  }
0x90: {  	(tm) =	ssettm $0x1  }
0x91: {  	s17 =	sld [smem:$0x3FFB];
	_ =	sdelay $0x3  }
0x92: {  	_ =	strace s17  }
0x93: {  	s2 =	sld [smem:$0x3FFC];
	_ =	sdelay $0x3  }
0x94: {  	_ =	strace s2  }
0x95: {  	s2 =	sld [smem:$0x3FFD];
	_ =	sdelay $0x3  }
0x96: {  	_ =	strace s2  }
0x97: {  	_ =	strace $0x8FFFFFFF  }
0x98: {  	s18 =	sld [smem:$0x3FDB];
	_ =	sdelay $0x1  }
0x99: {  	s19 =	simm.s32 $_scs_section_size  }
0x9a: {  	s4 =	simm.s32 $_size__tile_overlayer_lowered;
	s5 =	simm.s32 $_tile_overlayer_lowered  }
0x9b: {  	s22 =	simm.s32 $0x1BFF;
	s21 =	sshll.u32 s5, $0x1;
	s2 =	sadd.s32 s19, s18  }
0x9c: {  	s6 =	simm.s32 $0x0;
	s20 =	sshll.u32 s4, $0x1;
	s4 =	sadd.s32 s21, s2  }
0x9d: {  	[timem:s6], [sflag:s22] =	dma.local [hbm:s4], s20  }
0x9e: {  	_ =	swait.ge [sflag:s22], s20  }
0x9f: {  	s3 =	ssub.s32 $0x0, s20;
	[sflag:s22] =	ssyncset.done $0x0  }
0xa0: {  	[sflag:s22] =	ssyncadd.s32 s3;
	_ =	sdelay $0x1  }
0xa1: {  	s23 =	simm.s32 $0x1B8B  }
0xa2: {  	_ =	swait.ge [sflag:s23], $0x1  }
0xa3: {  	[sflag:s23] =	ssyncset.done $0x0  }
0xa4: {  	s25 =	simm.s32 $0x1B8E;
	s24 =	sld [smem:$0x3FFE];
	[sflag:s23] =	ssyncadd.s32 $0xFFFFFFFF  }
0xa5: {  	s26 =	simm.s32 $execute0_lowered;
	[smem:$0x3FD2] =	sst s25  }
0xa6: {  	s4 =	sshll.u32 s26, $0x1;
	_ =	strace $0x8000004C;
	[dreg:$0x1] =	wrdreg $0xFFFFFFFF  }
0xa7: {  	s28 =	simm.s32 $_size_execute0_lowered;
	s2 =	sadd.s32 s2, s4;
	[dreg:$0x0] =	wrdreg $0x0  }
0xa8: {  	s4 =	sshll.u32 s28, $0x1;
	[dreg:$0x2] =	wrdreg s2  }
0xa9: {  	[dreg:$0x3] =	wrdreg s4  }
0xaa: {  	[dreg:$0x4] =	wrdreg $0xC0  }
0xab: {  	_ =	task [dreg:s6], $0x5FFFF  }
0xac: {  	[dreg:$0x1] =	wrdreg $0xFFFFFFFF  }
0xad: {  	[dreg:$0x0] =	wrdreg $0x60  }
0xae: {  	[dreg:$0x2] =	wrdreg s24  }
0xaf: {  	[dreg:$0x3] =	wrdreg $0x0  }
0xb0: {  	[dreg:$0x4] =	wrdreg $0x50000  }
0xb1: {  	[dreg:$0x5] =	wrdreg $0x9  }
0xb2: {  	_ =	task.clear_ibuf [dreg:s6], $0x6FFFF;
	_ =	strace $0x9000004C  }
0xb3: {  	s29 =	simm.s32 $0x9;
	_ =	strace $0x8000004E  }
0xb4: {  	_ =	swait.ge [sflag:s29], $0x1  }
0xb5: {  	[sflag:s29] =	ssyncadd.s32 $0xFFFFFFFF  }
0xb6: {  	_ =	strace $0x9000004E  }
0xb7: {  	_ =	sfence  }
0xb8: {  	s30 =	sld [smem:$0x0];
	_ =	sdelay $0x2  }
0xb9: {  	s31 =	sshll.u32 s1, $0xD;
	s1 =	sshrl.u32 s1, $0x2  }
0xba: {  	s3 =	sand.u32 $0x4000, s31;
	s1 =	sadd.s32 s1, s30  }
0xbb: {  	s0 =	sor.u32 s3, s0;
	s1 =	sshll.u32 s1, $0x11  }
0xbc: {  	s0 =	sor.u32 s1, s0  }
0xbd: {  	s0 =	sadd.s32 $0x8F2B, s0  }
0xbe: {  	[sflag:s0] =	ssyncadd.remote.s32 $0x1  }
0xbf: {  	_ =	sfence.sel $0xFFFF  }
0xc0: {  	[dreg:$0x0] =	wrdreg $0xFFFFFFFF;
	(pc) =	sbr.abs _section_cstart, $3  }
0xc1: {  	[dreg:$0x1] =	wrdreg $0xFFFFFFFF  }
0xc2: {  	_ =	task.clear_ibuf [dreg:s6], $0x2FFFF;
	_ =	strace $0x9FFFFFFF  }
0xc3: {  	(tm) =	ssettm $0x7FFFFFFF  }
tec
execute0_lowered:
.L_overlay_start_1:
0x0: {  	(tag) =	ssettag $0x1  }
0x1: {  	s0 =	srdreg.scid  }
0x2: {  	s1 =	rddreg [dreg:$0x0];
	s11 =	stileid.u32  }
0x3: {  	s2 =	rddreg [dreg:$0x1];
	s5 =	simm.s32 $0x0;
	s15 =	simm.s32 $0x11  }
0x4: {  	s19 =	simm.s32 $0x80;
	s20 =	simm.s32 $0xF000;
	s21 =	simm.s32 $0x17000  }
0x5: {  	s28 =	simm.s32 $0x13000;
	s30 =	simm.s32 $0x1B000;
	s22 =	simm.s32 $0x1D000  }
0x6: {  	s29 =	simm.s32 $0x2;
	s31 =	simm.s32 $0x6;
	s17 =	simm.s32 $0x0  }
0x7: {  	s0 =	sand.u32 $0x1, s0;
	s9 =	smul.u32 $0x5000, s11;
	[smem:$0x7FF] =	sst s5  }
0x8: {  	s5 =	sadd.s32 $0x18C00, s1;
	s6 =	sadd.s32 $0x4AC00, s1;
	s3 =	sshll.u32 s0, $0x4  }
0x9: {  	s7 =	smul.u32 $0x50000, s0;
	s0 =	ssub.s32 $0x2, s0;
	s4 =	sor.u32 s11, s3  }
0xa: {  	s3 =	rddreg [dreg:$0x2];
	_ =	strace $0x8000004D;
	s8 =	sshrl.u32 s9, $0x3  }
0xb: {  	s23 =	sshrl.u32 s0, $0x1;
	s10 =	sadd.s32 s9, s2;
	s11 =	sshll.u32 s11, $0x6  }
0xc: {  	s4 =	smul.u32 $0x2800, s4;
	s7 =	sadd.s32 s9, s7;
	s8 =	sadd.s32 s8, s1  }
0xd: {  	s0 =	ssub.s32 s0, s23;
	s9 =	sadd.s32 s9, s3;
	s14 =	sshrl.u32 s10, $0x3  }
0xe: {  	s23 =	simm.s32 $0x11000;
	s10 =	simm.s32 $0x8;
	s7 =	sshrl.u32 s7, $0x3  }
0xf: {  	s24 =	sadd.s32 $0x54C00, s8;
	s8 =	sor.u32 $0x1C11, s11;
	s4 =	sshrl.u32 s4, $0x3  }
0x10: {  	s0 =	smax.u32 s0, $0x1;
	[dreg:$0x4] =	wrdreg s24;
	s4 =	sadd.s32 s4, s1  }
0x11: {  	s16 =	sshrl.u32 s9, $0x3;
	[dreg:$0x9] =	wrdreg s0;
	s25 =	sadd.s32 $0x4C00, s4  }
0x12: {  	s1 =	sadd.s32 s7, s1;
	s4 =	sadd.s32 $0xEC00, s4;
	[dreg:$0x5] =	wrdreg s25  }
0x13: {  	s9 =	simm.s32 $0x4;
	s26 =	sadd.s32 $0x72C00, s1;
	[dreg:$0x6] =	wrdreg s4  }
0x14: {  	s24 =	simm.s32 $0x1;
	s1 =	sadd.s32 $0x5EC00, s1;
	[dreg:$0x7] =	wrdreg s26  }
0x15: {  	s0 =	simm.s32 $0x3;
	[dreg:$0x8] =	wrdreg s1;
	s25 =	simm.s32 $0x19000  }
0x16: {  	s1 =	simm.s32 $0x15000;
	s26 =	simm.s32 $0x5;
	s4 =	simm.s32 $0x7  }
.LBB2_1:
0x17: {  	s7 =	rddreg [dreg:$0x4]  }
0x18: {  	[spmem:s14], [sflag:s8] =	dma.local [hbm:s7], $0xA00  }
0x19: {  	_ =	swait.ge [sflag:s15], $0xA00  }
0x1a: {  	[sflag:s15] =	ssyncset.done $0x0  }
0x1b: {  	[sflag:s15] =	ssyncadd.s32 $0xFFFFF600  }
0x1c: {  	[spmem:s16], [sflag:s8] =	dma.local [hbm:s7], $0xA00  }
0x1d: {  	_ =	swait.ge [sflag:s15], $0xA00  }
0x1e: {  	s12 =	simm.s32 $0xA000;
	[sflag:s15] =	ssyncset.done $0x0  }
0x1f: {  	s7 =	simm.s32 $0x0;
	s11 =	rddreg [dreg:$0x5];
	[sflag:s15] =	ssyncadd.s32 $0xFFFFF600  }
0x20: {  	[tilespmem:s12], [sflag:$0x11] =	stream.linear.gather [hbm4b:s11+s7], $0x2800, $0x38;
	[tilespmem:$0x1F000] =	vst v63  }
0x21: {  	_ =	swait.ge [sflag:s15], $0x2800  }
0x22: {  	[sflag:s15] =	ssyncset.done $0x0  }
0x23: {  	s13 =	simm.s32 $0xC800;
	s18 =	rddreg [dreg:$0x6];
	[sflag:s15] =	ssyncadd.s32 $0xFFFFD800  }
0x24: {  	[tilespmem:s13], [sflag:$0x11] =	stream.linear.gather [hbm4b:s18+s7], $0x2800, $0x38;
	[tilespmem:$0x1F000] =	vst v63  }
0x25: {  	_ =	swait.ge [sflag:s15], $0x2800  }
0x26: {  	[sflag:s15] =	ssyncset.done $0x0  }
0x27: {  	[sflag:s15] =	ssyncadd.s32 $0xFFFFD800  }
0x28: {  	[bflag:$0x0] =	sbarrier.arrive $0xFFFF  }
0x29: {  	[tilespmem:s20], [sflag:$0x1] =	stream.indirect.gather [hbm4b:s6+s19], $0x40, s13, s19, $0xb8;
	[tilespmem:$0x1F000] =	vst v63  }
0x2a: {  	_ = 	snop  }
0x2b: {  	[tilespmem:s21], [sflag:$0x5] =	stream.indirect.gather [hbm4b:s5+s19], $0x40, s12, s19, $0xb8;
	[tilespmem:$0x1F000] =	vst v63  }
0x2c: {  	s13 =	simm.s32 $0xC880  }
0x2d: {  	[tilespmem:s23], [sflag:$0x2] =	stream.indirect.gather [hbm4b:s6+s19], $0x40, s13, s19, $0xb8;
	[tilespmem:$0x1F000] =	vst v63  }
0x2e: {  	s18 =	simm.s32 $0xA080  }
0x2f: {  	[tilespmem:s25], [sflag:$0x6] =	stream.indirect.gather [hbm4b:s5+s19], $0x40, s18, s19, $0xb8;
	[tilespmem:$0x1F000] =	vst v63  }
0x30: {  	s11 =	simm.s32 $0xC900  }
0x31: {  	[tilespmem:s28], [sflag:$0x3] =	stream.indirect.gather [hbm4b:s6+s19], $0x40, s11, s19, $0xb8;
	[tilespmem:$0x1F000] =	vst v63  }
0x32: {  	s12 =	simm.s32 $0xA100  }
0x33: {  	[tilespmem:s30], [sflag:$0x7] =	stream.indirect.gather [hbm4b:s5+s19], $0x40, s12, s19, $0xb8;
	[tilespmem:$0x1F000] =	vst v63  }
0x34: {  	s13 =	simm.s32 $0xC980  }
0x35: {  	[tilespmem:s1], [sflag:$0x4] =	stream.indirect.gather [hbm4b:s6+s19], $0x40, s13, s19, $0xb8;
	[tilespmem:$0x1F000] =	vst v63  }
0x36: {  	s18 =	simm.s32 $0xA180  }
0x37: {  	[tilespmem:s22], [sflag:$0x8] =	stream.indirect.gather [hbm4b:s5+s19], $0x40, s18, s19, $0xb8;
	[tilespmem:$0x1F000] =	vst v63  }
0x38: {  	s18 =	simm.s32 $0x0  }
.LBB2_2:
0x39: {  	_ =	swait.ge [sflag:s24], $0x2000  }
0x3a: {  	[sflag:s24] =	ssyncset.done $0x0  }
0x3b: {  	[sflag:s24] =	ssyncadd.s32 $0xFFFFE000  }
0x3c: {  	_ =	swait.ge [sflag:s26], $0x2000  }
0x3d: {  	s11 =	sshra.s32 s18, $0x2;
	[sflag:s26] =	ssyncset.done $0x0  }
0x3e: {  	s12 =	sadd.s32 $0xA000, s11;
	[sflag:s26] =	ssyncadd.s32 $0xFFFFE000  }
0x3f: {  	[spmem:s2] =	stream.indirect.scatter.add.f32 [tilespmem:s20], [sflag:$0x9], $0x40, s12, s19, $0xb8;
	[tilespmem:$0x1F000] =	vst v63  }
0x40: {  	s7 =	sadd.s32 $0xC800, s11  }
0x41: {  	[spmem:s3] =	stream.indirect.scatter.add.f32 [tilespmem:s21], [sflag:$0xD], $0x40, s7, s19, $0xb8;
	[tilespmem:$0x1F000] =	vst v63  }
0x42: {  	_ =	swait.ge [sflag:s29], $0x2000  }
0x43: {  	[sflag:s29] =	ssyncset.done $0x0  }
0x44: {  	[sflag:s29] =	ssyncadd.s32 $0xFFFFE000  }
0x45: {  	_ =	swait.ge [sflag:s31], $0x2000  }
0x46: {  	[sflag:s31] =	ssyncset.done $0x0  }
0x47: {  	s13 =	sadd.s32 $0xA080, s11;
	[sflag:s31] =	ssyncadd.s32 $0xFFFFE000  }
0x48: {  	[spmem:s2] =	stream.indirect.scatter.add.f32 [tilespmem:s23], [sflag:$0xA], $0x40, s13, s19, $0xb8;
	[tilespmem:$0x1F000] =	vst v63  }
0x49: {  	s7 =	sadd.s32 $0xC880, s11  }
0x4a: {  	[spmem:s3] =	stream.indirect.scatter.add.f32 [tilespmem:s25], [sflag:$0xE], $0x40, s7, s19, $0xb8;
	[tilespmem:$0x1F000] =	vst v63  }
0x4b: {  	_ =	swait.ge [sflag:s0], $0x2000  }
0x4c: {  	[sflag:s0] =	ssyncset.done $0x0  }
0x4d: {  	[sflag:s0] =	ssyncadd.s32 $0xFFFFE000  }
0x4e: {  	_ =	swait.ge [sflag:s4], $0x2000  }
0x4f: {  	[sflag:s4] =	ssyncset.done $0x0  }
0x50: {  	s13 =	sadd.s32 $0xA100, s11;
	[sflag:s4] =	ssyncadd.s32 $0xFFFFE000  }
0x51: {  	[spmem:s2] =	stream.indirect.scatter.add.f32 [tilespmem:s28], [sflag:$0xB], $0x40, s13, s19, $0xb8;
	[tilespmem:$0x1F000] =	vst v63  }
0x52: {  	s7 =	sadd.s32 $0xC900, s11  }
0x53: {  	[spmem:s3] =	stream.indirect.scatter.add.f32 [tilespmem:s30], [sflag:$0xF], $0x40, s7, s19, $0xb8;
	[tilespmem:$0x1F000] =	vst v63  }
0x54: {  	_ =	swait.ge [sflag:s9], $0x2000  }
0x55: {  	[sflag:s9] =	ssyncset.done $0x0  }
0x56: {  	[sflag:s9] =	ssyncadd.s32 $0xFFFFE000  }
0x57: {  	_ =	swait.ge [sflag:s10], $0x2000  }
0x58: {  	[sflag:s10] =	ssyncset.done $0x0  }
0x59: {  	s13 =	sadd.s32 $0xA180, s11;
	[sflag:s10] =	ssyncadd.s32 $0xFFFFE000  }
0x5a: {  	[spmem:s2] =	stream.indirect.scatter.add.f32 [tilespmem:s1], [sflag:$0xC], $0x40, s13, s19, $0xb8;
	[tilespmem:$0x1F000] =	vst v63  }
0x5b: {  	p0 =	seq.s32 s18, $0x9800;
	s11 =	sadd.s32 $0xC980, s11  }
0x5c: {  	[spmem:s3] =	stream.indirect.scatter.add.f32 [tilespmem:s22], [sflag:$0x10], $0x40, s11, s19, $0xb8;
	[tilespmem:$0x1F000] =	vst v63  }
0x5d: {  	s11 =	simm.s32 @!p0 $0x9  }
0x5e: {  	_ =	swait.ge @!p0 [sflag:s11], $0x2000  }
0x5f: {  	[sflag:s11] =	ssyncset.done @!p0 $0x0  }
0x60: {  	[sflag:s11] =	ssyncadd.s32 @!p0 $0xFFFFE000;
	s11 =	simm.s32 @!p0 $0xD  }
0x61: {  	_ =	swait.ge @!p0 [sflag:s11], $0x2000  }
0x62: {  	[sflag:s11] =	ssyncset.done @!p0 $0x0  }
0x63: {  	[sflag:s11] =	ssyncadd.s32 @!p0 $0xFFFFE000;
	s11 =	sshra.s32 @!p0 s18, $0x2  }
0x64: {  	s7 =	simm.s32 @!p0 $0xF000;
	s13 =	simm.s32 @!p0 $0x80;
	s12 =	sadd.s32 @!p0 $0xCA00, s11  }
0x65: {  	[tilespmem:s7], [sflag:$0x1] =	stream.indirect.gather @!p0 [hbm4b:s6+s13], $0x40, s12, s13, $0xb8;
	[tilespmem:$0x1F000] =	vst v63  }
0x66: {  	s7 =	sadd.s32 @!p0 $0xA200, s11;
	s12 =	simm.s32 @!p0 $0x17000  }
0x67: {  	[tilespmem:s12], [sflag:$0x5] =	stream.indirect.gather @!p0 [hbm4b:s5+s13], $0x40, s7, s13, $0xb8;
	[tilespmem:$0x1F000] =	vst v63  }
0x68: {  	s7 =	simm.s32 @!p0 $0xA  }
0x69: {  	_ =	swait.ge @!p0 [sflag:s7], $0x2000  }
0x6a: {  	[sflag:s7] =	ssyncset.done @!p0 $0x0  }
0x6b: {  	[sflag:s7] =	ssyncadd.s32 @!p0 $0xFFFFE000;
	s7 =	simm.s32 @!p0 $0xE  }
0x6c: {  	_ =	swait.ge @!p0 [sflag:s7], $0x2000  }
0x6d: {  	[sflag:s7] =	ssyncset.done @!p0 $0x0  }
0x6e: {  	s12 =	simm.s32 @!p0 $0x11000;
	[sflag:s7] =	ssyncadd.s32 @!p0 $0xFFFFE000;
	s7 =	sadd.s32 @!p0 $0xCA80, s11  }
0x6f: {  	[tilespmem:s12], [sflag:$0x2] =	stream.indirect.gather @!p0 [hbm4b:s6+s13], $0x40, s7, s13, $0xb8;
	[tilespmem:$0x1F000] =	vst v63  }
0x70: {  	s7 =	sadd.s32 @!p0 $0xA280, s11;
	s12 =	simm.s32 @!p0 $0x19000  }
0x71: {  	[tilespmem:s12], [sflag:$0x6] =	stream.indirect.gather @!p0 [hbm4b:s5+s13], $0x40, s7, s13, $0xb8;
	[tilespmem:$0x1F000] =	vst v63  }
0x72: {  	s7 =	simm.s32 @!p0 $0xB  }
0x73: {  	_ =	swait.ge @!p0 [sflag:s7], $0x2000  }
0x74: {  	[sflag:s7] =	ssyncset.done @!p0 $0x0  }
0x75: {  	[sflag:s7] =	ssyncadd.s32 @!p0 $0xFFFFE000;
	s7 =	simm.s32 @!p0 $0xF  }
0x76: {  	_ =	swait.ge @!p0 [sflag:s7], $0x2000  }
0x77: {  	[sflag:s7] =	ssyncset.done @!p0 $0x0  }
0x78: {  	s12 =	simm.s32 @!p0 $0x13000;
	[sflag:s7] =	ssyncadd.s32 @!p0 $0xFFFFE000;
	s7 =	sadd.s32 @!p0 $0xCB00, s11  }
0x79: {  	[tilespmem:s12], [sflag:$0x3] =	stream.indirect.gather @!p0 [hbm4b:s6+s13], $0x40, s7, s13, $0xb8;
	[tilespmem:$0x1F000] =	vst v63  }
0x7a: {  	s7 =	sadd.s32 @!p0 $0xA300, s11;
	s12 =	simm.s32 @!p0 $0x1B000  }
0x7b: {  	[tilespmem:s12], [sflag:$0x7] =	stream.indirect.gather @!p0 [hbm4b:s5+s13], $0x40, s7, s13, $0xb8;
	[tilespmem:$0x1F000] =	vst v63  }
0x7c: {  	s7 =	simm.s32 @!p0 $0xC  }
0x7d: {  	_ =	swait.ge @!p0 [sflag:s7], $0x2000  }
0x7e: {  	[sflag:s7] =	ssyncset.done @!p0 $0x0  }
0x7f: {  	[sflag:s7] =	ssyncadd.s32 @!p0 $0xFFFFE000;
	s7 =	simm.s32 @!p0 $0x10  }
0x80: {  	_ =	swait.ge @!p0 [sflag:s7], $0x2000  }
0x81: {  	s18 =	sadd.s32 @!p0 $0x800, s18;
	[sflag:s7] =	ssyncset.done @!p0 $0x0  }
0x82: {  	s12 =	simm.s32 @!p0 $0x15000;
	[sflag:s7] =	ssyncadd.s32 @!p0 $0xFFFFE000;
	s7 =	sadd.s32 @!p0 $0xCB80, s11  }
0x83: {  	[tilespmem:s12], [sflag:$0x4] =	stream.indirect.gather @!p0 [hbm4b:s6+s13], $0x40, s7, s13, $0xb8;
	[tilespmem:$0x1F000] =	vst v63  }
0x84: {  	p1 =	sne.s32 @!p0 s18, $0xA000;
	s7 =	sadd.s32 @!p0 $0xA380, s11;
	s11 =	simm.s32 @!p0 $0x1D000  }
0x85: {  	[tilespmem:s11], [sflag:$0x8] =	stream.indirect.gather @!p0 [hbm4b:s5+s13], $0x40, s7, s13, $0xb8;
	[tilespmem:$0x1F000] =	vst v63  }
0x86: {  	p0 =	por p0, !p1  }
.Ltmp0:
0x87: {  	_ = 	snop;
	(pc) =	sbr.rel @!p0 .LBB2_2-.Ltmp0, $1  }
0x88: {  	_ =	sdelay $0x3  }
0x89: {  	s7 =	simm.s32 $0x9  }
0x8a: {  	_ =	swait.ge [sflag:s7], $0x2000  }
0x8b: {  	[sflag:s7] =	ssyncset.done $0x0  }
0x8c: {  	s13 =	simm.s32 $0xD;
	[sflag:s7] =	ssyncadd.s32 $0xFFFFE000  }
0x8d: {  	_ =	swait.ge [sflag:s13], $0x2000  }
0x8e: {  	[sflag:s13] =	ssyncset.done $0x0  }
0x8f: {  	s18 =	simm.s32 $0xA;
	[sflag:s13] =	ssyncadd.s32 $0xFFFFE000  }
0x90: {  	_ =	swait.ge [sflag:s18], $0x2000  }
0x91: {  	[sflag:s18] =	ssyncset.done $0x0  }
0x92: {  	s11 =	simm.s32 $0xE;
	[sflag:s18] =	ssyncadd.s32 $0xFFFFE000  }
0x93: {  	_ =	swait.ge [sflag:s11], $0x2000  }
0x94: {  	[sflag:s11] =	ssyncset.done $0x0  }
0x95: {  	s12 =	simm.s32 $0xB;
	[sflag:s11] =	ssyncadd.s32 $0xFFFFE000  }
0x96: {  	_ =	swait.ge [sflag:s12], $0x2000  }
0x97: {  	[sflag:s12] =	ssyncset.done $0x0  }
0x98: {  	s13 =	simm.s32 $0xF;
	[sflag:s12] =	ssyncadd.s32 $0xFFFFE000  }
0x99: {  	_ =	swait.ge [sflag:s13], $0x2000  }
0x9a: {  	[sflag:s13] =	ssyncset.done $0x0  }
0x9b: {  	s18 =	simm.s32 $0xC;
	[sflag:s13] =	ssyncadd.s32 $0xFFFFE000  }
0x9c: {  	_ =	swait.ge [sflag:s18], $0x2000  }
0x9d: {  	[sflag:s18] =	ssyncset.done $0x0  }
0x9e: {  	s11 =	simm.s32 $0x10;
	[sflag:s18] =	ssyncadd.s32 $0xFFFFE000  }
0x9f: {  	_ =	swait.ge [sflag:s11], $0x2000  }
0xa0: {  	[sflag:s11] =	ssyncset.done $0x0  }
0xa1: {  	[sflag:s11] =	ssyncadd.s32 $0xFFFFE000  }
0xa2: {  	[bflag:$0x0] =	sbarrier.arrive $0xFFFF  }
0xa3: {  	s12 =	rddreg [dreg:$0x7]  }
0xa4: {  	[hbm:s12], [sflag:s8] =	dma.local [spmem:s14], $0xA00  }
0xa5: {  	_ =	swait.ge [sflag:s15], $0xA00  }
0xa6: {  	[sflag:s15] =	ssyncset.done $0x0  }
0xa7: {  	s13 =	rddreg [dreg:$0x8];
	[sflag:s15] =	ssyncadd.s32 $0xFFFFF600  }
0xa8: {  	[hbm:s13], [sflag:s8] =	dma.local [spmem:s16], $0xA00  }
0xa9: {  	_ =	swait.ge [sflag:s15], $0xA00  }
0xaa: {  	s17 =	sadd.s32 $0x1, s17;
	s18 =	rddreg [dreg:$0x9]  }
0xab: {  	p0 =	sne.s32 s17, s18  }
.Ltmp1:
0xac: {  	_ = 	snop;
	(pc) =	sbr.rel @p0 .LBB2_1-.Ltmp1, $3  }
0xad: {  	_ =	sdelay $0x1  }
0xae: {  	[sflag:s15] =	ssyncset.done $0x0  }
0xaf: {  	[sflag:s15] =	ssyncadd.s32 $0xFFFFF600  }
0xb0: {  	_ =	sfence.sel $0x180000  }
0xb1: {  	[bflag:$0x0] =	sbarrier.arrive $0xFFFF  }
0xb2: {  	_ =	strace $0x9000004D  }
0xb3: {  	s0 =	stileid.u32;
	[bflag:$0x2] =	sbarrier.arrive $0xFFFF  }
0xb4: {  	p0 =	sne.s32 s0, $0x0;
	s0 =	rddreg [dreg:$0x3]  }
0xb5: {  	s0 =	sadd.s32 @!p0 $0x100000, s0  }
0xb6: {  	[sflag:s0] =	ssyncadd.tile.s32 @!p0 $0x1;
	_ =	shalt  }
.Lfunc_end2:
_tile_overlayer_lowered:
.L_overlay_start_2:
0xb7: {  	(tag) =	ssettag $0x2  }
0xb8: {  	s0 =	rddreg [dreg:$0x0];
	s2 =	stileid.u32  }
0xb9: {  	s1 =	rddreg [dreg:$0x1];
	p0 =	sne.s32 s2, $0x0  }
0xba: {  	s3 =	rddreg [dreg:$0x2];
	[bflag:$0x3] =	sbarrier.arrive $0xFFFF;
	s2 =	simm.s32 @!p0 $0x1C11  }
0xbb: {  	[timem:s3], [sflag:s2] =	dma.local @!p0 [hbm:s0], s1  }
0xbc: {  	s0 =	simm.s32 @!p0 $0x11  }
0xbd: {  	_ =	swait.ge @!p0 [sflag:s0], s1  }
0xbe: {  	s1 =	ssub.s32 @!p0 $0x0, s1;
	[sflag:s0] =	ssyncset.done @!p0 $0x0  }
0xbf: {  	[sflag:s0] =	ssyncadd.s32 @!p0 s1  }
0xc0: {  	[bflag:$0x3] =	sbarrier.arrive $0xFFFF  }
0xc1: {  	_ =	shalt  }

// kernel: kernel.19.cloned.1.call-start
scs
__scs_entry_jumppad:
0x0: {  	(pc) =	sbr.rel $0x88, $3  }
0x1: {  	(tag) =	ssettag $0x0;
	lr =	simm.s32 $0x1  }
0x2: {  	[smem:$0x3F90] =	sst lr;
	_ =	strace $0xD0000000  }
0x3: {  	_ = 	snop  }
0x4: {  	_ = 	snop  }
0x5: {  	_ = 	snop  }
0x6: {  	_ = 	snop  }
0x7: {  	_ = 	snop  }
__scs_overlays_trampoline_lowered:
0x8: {  	[smem:$0x3F9F] =	sst s0  }
0x9: {  	[smem:$0x3FA0] =	sst s1  }
0xa: {  	[smem:$0x3FA1] =	sst s2  }
0xb: {  	[smem:$0x3FA2] =	sst s3  }
0xc: {  	[smem:$0x3FA3] =	sst s4  }
0xd: {  	[smem:$0x3FA4] =	sst s5  }
0xe: {  	[smem:$0x3FA5] =	sst s6  }
0xf: {  	[smem:$0x3FA6] =	sst s7  }
0x10: {  	[smem:$0x3FA7] =	sst s8  }
0x11: {  	[smem:$0x3FA8] =	sst s9;
	s0 =	simm.s32 @!p0 $0x0  }
0x12: {  	s1 =	sld [smem:$0x3F8E];
	s0 =	simm.s32 @p0 $0x1  }
0x13: {  	[smem:$0x3FA9] =	sst s0;
	s0 =	simm.s32 @!p1 $0x0  }
0x14: {  	s2 =	sld [smem:$0x3F8D];
	s0 =	simm.s32 @p1 $0x1  }
0x15: {  	[smem:$0x3FAA] =	sst s0;
	s0 =	simm.s32 @!p2 $0x0  }
0x16: {  	s3 =	sld [smem:$0x3FDB];
	s0 =	simm.s32 @p2 $0x1  }
0x17: {  	s4 =	simm.s32 $0x1BF5;
	[smem:$0x3FAC] =	sst s0  }
0x18: {  	s0 =	sld [smem:$0x3F8F];
	_ =	swait.ge [sflag:s4], $0x0  }
0x19: {  	s7 =	sld [smem:$0x3F90]  }
0x1a: {  	s8 =	sadd.s32 $0xFFFFE003, lr  }
0x1b: {  	s9 =	sadd.s32 $0xFFFFFEF7, lr;
	s5 =	simm.s32 $0xFFFFFFFF;
	p2 =	slt.u32 s8, $0xFFFFF086  }
0x1c: {  	p1 =	slt.u32 s9, $0xF7A;
	s5 =	simm.s32 @!p2 $0x0  }
0x1d: {  	s5 =	simm.s32 @p1 $0x1;
	p0 =	seq.s32 s7, s2  }
0x1e: {  	s7 =	smul.u32 @!p0 $0xF7A, s2;
	p2 =	seq.s32 @!p0 s5, $0x0  }
0x1f: {  	s9 =	smul.u32 $0xF7A, s1;
	s8 =	simm.s32 @!p0 $0x1BF5;
	p2 =	por !p2, p0  }
0x20: {  	[sflag:s8] =	ssyncset.s32 @!p0 $0xFFFFF086;
	s6 =	sadd.s32 @!p0 s3, s7;
	s7 =	simm.s32 @!p0 $0x108  }
0x21: {  	s3 =	sadd.s32 s3, s9;
	s6 =	sadd.s32 @!p0 $0x88, s6;
	s7 =	simm.s32 @p2 $0x1082  }
0x22: {  	[simem:s7], [sflag:s8] =	dma.local @!p0 [hbm:s6], $0xF7A  }
0x23: {  	s9 =	sor.u32 $0xD0000000, s2;
	s6 =	simm.s32 $0x108;
	_ =	swait.ge @!p0 [sflag:s8], $0x0  }
0x24: {  	s3 =	sadd.s32 $0x88, s3;
	s6 =	simm.s32 @!p1 $0x1082;
	[sflag:s4] =	ssyncset.s32 $0xFFFFF086  }
0x25: {  	[simem:s6], [sflag:s4] =	dma.local [hbm:s3], $0xF7A  }
0x26: {  	[smem:$0x3F90] =	sst s1;
	(tag) =	ssettag s2;
	_ =	strace s9  }
0x27: {  	s1 =	sld [smem:$0x3FA0]  }
0x28: {  	s2 =	sld [smem:$0x3FA1]  }
0x29: {  	s4 =	sld [smem:$0x3FA3]  }
0x2a: {  	p0 =	seq.s32 s5, $0x0;
	s5 =	sld [smem:$0x3FA4]  }
0x2b: {  	s6 =	sld [smem:$0x3FA5]  }
0x2c: {  	s7 =	sld [smem:$0x3FA6]  }
0x2d: {  	s3 =	simm.s32 $0x108;
	s8 =	sld [smem:$0x3FA7]  }
0x2e: {  	s3 =	simm.s32 @!p0 $0x1082;
	s9 =	sld [smem:$0x3FA8]  }
0x2f: {  	lr =	sadd.s32 s0, s3;
	s0 =	sld [smem:$0x3F9F]  }
0x30: {  	s3 =	sld [smem:$0x3FA2]  }
0x31: {  	[smem:$0x3FAB] =	sst s10  }
0x32: {  	s10 =	sld [smem:$0x3FA9];
	_ =	sdelay $0x3  }
0x33: {  	p0 =	seq.s32 s10, $0x1;
	s10 =	sld [smem:$0x3FAB];
	_ =	sdelay $0x3  }
0x34: {  	[smem:$0x3FAB] =	sst s10  }
0x35: {  	s10 =	sld [smem:$0x3FAA];
	_ =	sdelay $0x3  }
0x36: {  	p1 =	seq.s32 s10, $0x1;
	s10 =	sld [smem:$0x3FAB];
	_ =	sdelay $0x3  }
0x37: {  	[smem:$0x3FAB] =	sst s10  }
0x38: {  	s10 =	sld [smem:$0x3FAC]  }
0x39: {  	_ = 	snop;
	(pc) =	sbr.ind lr, $3  }
0x3a: {  	_ = 	snop  }
0x3b: {  	_ = 	snop  }
0x3c: {  	p2 =	seq.s32 s10, $0x1;
	s10 =	sld [smem:$0x3FAB]  }
0x3d: {  	_ =	shalt  }
0x3e: {  	_ =	shalt  }
0x3f: {  	_ =	shalt  }
0x40: {  	_ =	shalt  }
0x41: {  	_ =	shalt  }
0x42: {  	_ =	shalt  }
0x43: {  	_ =	shalt  }
0x44: {  	_ =	shalt  }
0x45: {  	_ =	shalt  }
0x46: {  	_ =	shalt  }
0x47: {  	_ =	shalt  }
0x48: {  	_ =	shalt  }
0x49: {  	_ =	shalt  }
0x4a: {  	_ =	shalt  }
0x4b: {  	_ =	shalt  }
0x4c: {  	_ =	shalt  }
0x4d: {  	_ =	shalt  }
0x4e: {  	_ =	shalt  }
0x4f: {  	_ =	shalt  }
0x50: {  	_ =	shalt  }
0x51: {  	_ =	shalt  }
0x52: {  	_ =	shalt  }
0x53: {  	_ =	shalt  }
0x54: {  	_ =	shalt  }
0x55: {  	_ =	shalt  }
0x56: {  	_ =	shalt  }
0x57: {  	_ =	shalt  }
0x58: {  	_ =	shalt  }
0x59: {  	_ =	shalt  }
0x5a: {  	_ =	shalt  }
0x5b: {  	_ =	shalt  }
0x5c: {  	_ =	shalt  }
0x5d: {  	_ =	shalt  }
0x5e: {  	_ =	shalt  }
0x5f: {  	_ =	shalt  }
0x60: {  	_ =	shalt  }
0x61: {  	_ =	shalt  }
0x62: {  	_ =	shalt  }
0x63: {  	_ =	shalt  }
0x64: {  	_ =	shalt  }
0x65: {  	_ =	shalt  }
0x66: {  	_ =	shalt  }
0x67: {  	_ =	shalt  }
0x68: {  	_ =	shalt  }
0x69: {  	_ =	shalt  }
0x6a: {  	_ =	shalt  }
0x6b: {  	_ =	shalt  }
0x6c: {  	_ =	shalt  }
0x6d: {  	_ =	shalt  }
0x6e: {  	_ =	shalt  }
0x6f: {  	_ =	shalt  }
0x70: {  	_ =	shalt  }
0x71: {  	_ =	shalt  }
0x72: {  	_ =	shalt  }
0x73: {  	_ =	shalt  }
0x74: {  	_ =	shalt  }
0x75: {  	_ =	shalt  }
0x76: {  	_ =	shalt  }
0x77: {  	_ =	shalt  }
0x78: {  	_ =	shalt  }
0x79: {  	_ =	shalt  }
0x7a: {  	_ =	shalt  }
0x7b: {  	_ =	shalt  }
0x7c: {  	_ =	shalt  }
0x7d: {  	_ =	shalt  }
0x7e: {  	_ =	shalt  }
0x7f: {  	_ =	shalt  }
0x80: {  	_ =	shalt  }
0x81: {  	_ =	shalt  }
0x82: {  	_ =	shalt  }
0x83: {  	_ =	shalt  }
0x84: {  	_ =	shalt  }
0x85: {  	_ =	shalt  }
0x86: {  	_ =	shalt  }
0x87: {  	_ =	shalt  }
.Lfunc_end0:
.L_simem_size_0:
called_computation.3_lowered:
.L_overlay_start_0:
0x88: {  	s2 =	sld [smem:$0x3FD9]  }
0x89: {  	s3 =	sld [smem:$0x3FFE];
	_ =	sdelay $0x1  }
0x8a: {  	s1 =	srdreg.scid  }
0x8b: {  	s0 =	sand.u32 $0x1, s1  }
0x8c: {  	s16 =	sshll.u32 s0, $0xA;
	s2 =	sadd.s32 s3, s2  }
0x8d: {  	s2 =	sadd.s32 s2, s16  }
0x8e: {  	[smem:$0x3FB7] =	sst s2  }
0x8f: {  	_ = 	snop  }
0x90: {  	(tm) =	ssettm $0x1  }
0x91: {  	s17 =	sld [smem:$0x3FFB];
	_ =	sdelay $0x3  }
0x92: {  	_ =	strace s17  }
0x93: {  	s2 =	sld [smem:$0x3FFC];
	_ =	sdelay $0x3  }
0x94: {  	_ =	strace s2  }
0x95: {  	s2 =	sld [smem:$0x3FFD];
	_ =	sdelay $0x3  }
0x96: {  	_ =	strace s2  }
0x97: {  	_ =	strace $0x8FFFFFFF  }
0x98: {  	s18 =	sld [smem:$0x3FDB];
	_ =	sdelay $0x1  }
0x99: {  	s19 =	simm.s32 $_scs_section_size  }
0x9a: {  	s4 =	simm.s32 $_size__tile_overlayer_lowered;
	s5 =	simm.s32 $_tile_overlayer_lowered  }
0x9b: {  	s22 =	simm.s32 $0x1BFF;
	s21 =	sshll.u32 s5, $0x1;
	s2 =	sadd.s32 s19, s18  }
0x9c: {  	s6 =	simm.s32 $0x0;
	s20 =	sshll.u32 s4, $0x1;
	s4 =	sadd.s32 s21, s2  }
0x9d: {  	[timem:s6], [sflag:s22] =	dma.local [hbm:s4], s20  }
0x9e: {  	_ =	swait.ge [sflag:s22], s20  }
0x9f: {  	s3 =	ssub.s32 $0x0, s20;
	[sflag:s22] =	ssyncset.done $0x0  }
0xa0: {  	[sflag:s22] =	ssyncadd.s32 s3;
	_ =	sdelay $0x1  }
0xa1: {  	s23 =	simm.s32 $0x1B8B  }
0xa2: {  	_ =	swait.ge [sflag:s23], $0x1  }
0xa3: {  	[sflag:s23] =	ssyncset.done $0x0  }
0xa4: {  	s25 =	simm.s32 $0x1B8E;
	s24 =	sld [smem:$0x3FFE];
	[sflag:s23] =	ssyncadd.s32 $0xFFFFFFFF  }
0xa5: {  	s26 =	simm.s32 $execute0_lowered;
	[smem:$0x3FD2] =	sst s25  }
0xa6: {  	s4 =	sshll.u32 s26, $0x1;
	_ =	strace $0x8000004F;
	[dreg:$0x1] =	wrdreg $0xFFFFFFFF  }
0xa7: {  	s28 =	simm.s32 $_size_execute0_lowered;
	s2 =	sadd.s32 s2, s4;
	[dreg:$0x0] =	wrdreg $0x0  }
0xa8: {  	s4 =	sshll.u32 s28, $0x1;
	[dreg:$0x2] =	wrdreg s2  }
0xa9: {  	[dreg:$0x3] =	wrdreg s4  }
0xaa: {  	[dreg:$0x4] =	wrdreg $0xC0  }
0xab: {  	_ =	task [dreg:s6], $0x5FFFF  }
0xac: {  	[dreg:$0x1] =	wrdreg $0xFFFFFFFF  }
0xad: {  	[dreg:$0x0] =	wrdreg $0x60  }
0xae: {  	[dreg:$0x2] =	wrdreg s24  }
0xaf: {  	[dreg:$0x3] =	wrdreg $0x9  }
0xb0: {  	_ =	task.clear_ibuf [dreg:s6], $0x4FFFF;
	_ =	strace $0x9000004F  }
0xb1: {  	s29 =	simm.s32 $0x9;
	_ =	strace $0x80000051  }
0xb2: {  	_ =	swait.ge [sflag:s29], $0x1  }
0xb3: {  	[sflag:s29] =	ssyncadd.s32 $0xFFFFFFFF  }
0xb4: {  	_ =	strace $0x90000051  }
0xb5: {  	_ =	sfence  }
0xb6: {  	s30 =	sld [smem:$0x0];
	_ =	sdelay $0x2  }
0xb7: {  	s31 =	sshll.u32 s1, $0xD;
	s1 =	sshrl.u32 s1, $0x2  }
0xb8: {  	s3 =	sand.u32 $0x4000, s31;
	s1 =	sadd.s32 s1, s30  }
0xb9: {  	s0 =	sor.u32 s3, s0;
	s1 =	sshll.u32 s1, $0x11  }
0xba: {  	s0 =	sor.u32 s1, s0  }
0xbb: {  	s0 =	sadd.s32 $0x8F2B, s0  }
0xbc: {  	[sflag:s0] =	ssyncadd.remote.s32 $0x1  }
0xbd: {  	_ =	sfence.sel $0xFFFF  }
0xbe: {  	[dreg:$0x0] =	wrdreg $0xFFFFFFFF;
	(pc) =	sbr.abs _section_cstart, $3  }
0xbf: {  	[dreg:$0x1] =	wrdreg $0xFFFFFFFF  }
0xc0: {  	_ =	task.clear_ibuf [dreg:s6], $0x2FFFF;
	_ =	strace $0x9FFFFFFF  }
0xc1: {  	(tm) =	ssettm $0x7FFFFFFF  }
tec
execute0_lowered:
.L_overlay_start_1:
0x0: {  	(tag) =	ssettag $0x1  }
0x1: {  	s0 =	srdreg.scid  }
0x2: {  	s4 =	stileid.u32;
	s2 =	rddreg [dreg:$0x0];
	s3 =	simm.s32 $0x0  }
0x3: {  	s9 =	simm.s32 $0x11;
	s11 =	simm.s32 $0x80;
	s12 =	simm.s32 $0x3800  }
0x4: {  	s13 =	simm.s32 $0xB800;
	s14 =	simm.s32 $0x5800;
	s16 =	simm.s32 $0xD800  }
0x5: {  	s18 =	simm.s32 $0x7800;
	s20 =	simm.s32 $0xF800;
	s22 =	simm.s32 $0x9800  }
0x6: {  	s28 =	simm.s32 $0x40;
	s29 =	simm.s32 $0x2;
	s30 =	simm.s32 $0x6  }
0x7: {  	s31 =	simm.s32 $0x3;
	s15 =	simm.s32 $0x8;
	s0 =	sand.u32 $0x1, s0  }
0x8: {  	s10 =	simm.s32 $0xC;
	s8 =	simm.s32 $0x0;
	s1 =	sshll.u32 s0, $0x4  }
0x9: {  	[smem:$0x7FF] =	sst s3;
	s5 =	smul.u32 $0x1C0000, s0;
	s1 =	sor.u32 s4, s1  }
0xa: {  	s3 =	sadd.s32 $0x4C00, s2;
	s0 =	ssub.s32 $0x2, s0;
	s1 =	smul.u32 $0x1C00, s1  }
0xb: {  	s7 =	smul.u32 $0x1C000, s4;
	_ =	strace $0x80000050;
	s6 =	sshrl.u32 s0, $0x1  }
0xc: {  	s4 =	sadd.s32 $0xEC00, s2;
	s0 =	ssub.s32 s0, s6;
	s1 =	sshrl.u32 s1, $0x3  }
0xd: {  	s6 =	simm.s32 $0xF;
	s0 =	smax.u32 s0, $0x1;
	s1 =	sadd.s32 s1, s2  }
0xe: {  	[dreg:$0x4] =	wrdreg s0;
	s0 =	simm.s32 $0x4;
	s24 =	sadd.s32 $0x86C00, s1  }
0xf: {  	s2 =	sadd.s32 s5, s2;
	s1 =	sadd.s32 $0x8DC00, s1;
	[dreg:$0x2] =	wrdreg s24  }
0x10: {  	s25 =	sadd.s32 s7, s2;
	s7 =	simm.s32 $0x10;
	[dreg:$0x3] =	wrdreg s1  }
0x11: {  	s26 =	sadd.s32 $0x96408, s25;
	s24 =	simm.s32 $0x11800;
	s25 =	simm.s32 $0x1  }
0x12: {  	s1 =	simm.s32 $0x7;
	[dreg:$0x5] =	wrdreg s26;
	s26 =	simm.s32 $0x5  }
.LBB2_1:
0x13: {  	s2 =	simm.s32 $0x0;
	s5 =	rddreg [dreg:$0x2]  }
0x14: {  	[tilespmem:s2], [sflag:$0x11] =	stream.linear.gather [hbm4b:s5+s2], $0x1C00, $0x38;
	[tilespmem:$0x13800] =	vst v63  }
0x15: {  	_ =	swait.ge [sflag:s9], $0x1C00  }
0x16: {  	[sflag:s9] =	ssyncset.done $0x0  }
0x17: {  	s17 =	simm.s32 $0x1C00;
	s23 =	rddreg [dreg:$0x3];
	[sflag:s9] =	ssyncadd.s32 $0xFFFFE400  }
0x18: {  	[tilespmem:s17], [sflag:$0x11] =	stream.linear.gather [hbm4b:s23+s2], $0x1C00, $0x38;
	[tilespmem:$0x13800] =	vst v63  }
0x19: {  	_ =	swait.ge [sflag:s9], $0x1C00  }
0x1a: {  	[sflag:s9] =	ssyncset.done $0x0  }
0x1b: {  	[sflag:s9] =	ssyncadd.s32 $0xFFFFE400  }
0x1c: {  	[tilespmem:s12], [sflag:$0x1] =	stream.indirect.gather [hbm4b:s3+s11], $0x40, s2, s11, $0xb8;
	[tilespmem:$0x13800] =	vst v63  }
0x1d: {  	_ = 	snop  }
0x1e: {  	[tilespmem:s13], [sflag:$0x5] =	stream.indirect.gather [hbm4b:s4+s11], $0x40, s17, s11, $0xb8;
	[tilespmem:$0x13800] =	vst v63  }
0x1f: {  	_ = 	snop  }
0x20: {  	[tilespmem:s14], [sflag:$0x2] =	stream.indirect.gather [hbm4b:s3+s11], $0x40, s11, s11, $0xb8;
	[tilespmem:$0x13800] =	vst v63  }
0x21: {  	s5 =	simm.s32 $0x1C80  }
0x22: {  	[tilespmem:s16], [sflag:$0x6] =	stream.indirect.gather [hbm4b:s4+s11], $0x40, s5, s11, $0xb8;
	[tilespmem:$0x13800] =	vst v63  }
0x23: {  	s17 =	simm.s32 $0x100  }
0x24: {  	[tilespmem:s18], [sflag:$0x3] =	stream.indirect.gather [hbm4b:s3+s11], $0x40, s17, s11, $0xb8;
	[tilespmem:$0x13800] =	vst v63  }
0x25: {  	s19 =	simm.s32 $0x1D00  }
0x26: {  	[tilespmem:s20], [sflag:$0x7] =	stream.indirect.gather [hbm4b:s4+s11], $0x40, s19, s11, $0xb8;
	[tilespmem:$0x13800] =	vst v63  }
0x27: {  	s21 =	simm.s32 $0x180  }
0x28: {  	[tilespmem:s22], [sflag:$0x4] =	stream.indirect.gather [hbm4b:s3+s11], $0x40, s21, s11, $0xb8;
	[tilespmem:$0x13800] =	vst v63  }
0x29: {  	s23 =	simm.s32 $0x1D80;
	s2 =	rddreg [dreg:$0x5];
	s17 =	simm.s32 $0x0  }
0x2a: {  	[tilespmem:s24], [sflag:$0x8] =	stream.indirect.gather [hbm4b:s4+s11], $0x40, s23, s11, $0xb8;
	[tilespmem:$0x13800] =	vst v63  }
.LBB2_2:
0x2b: {  	_ =	swait.ge [sflag:s25], $0x2000  }
0x2c: {  	[sflag:s25] =	ssyncset.done $0x0  }
0x2d: {  	[sflag:s25] =	ssyncadd.s32 $0xFFFFE000  }
0x2e: {  	_ =	swait.ge [sflag:s26], $0x2000  }
0x2f: {  	[sflag:s26] =	ssyncset.done $0x0  }
0x30: {  	s19 =	sadd.s32 $0xFFFFE7F8, s2;
	[sflag:s26] =	ssyncadd.s32 $0xFFFFE000  }
0x31: {  	[hbm4b:s19+s28] =	stream.strided.scatter [tilespmem:s12], [sflag:$0x9], $0x2000, s11, s28, $0x38;
	[tilespmem:$0x13800] =	vst v63  }
0x32: {  	s5 =	sadd.s32 $0xFFFFE800, s2  }
0x33: {  	[hbm4b:s5+s28] =	stream.strided.scatter [tilespmem:s13], [sflag:$0xD], $0x2000, s11, s28, $0x38;
	[tilespmem:$0x13800] =	vst v63  }
0x34: {  	_ =	swait.ge [sflag:s29], $0x2000  }
0x35: {  	[sflag:s29] =	ssyncset.done $0x0  }
0x36: {  	[sflag:s29] =	ssyncadd.s32 $0xFFFFE000  }
0x37: {  	_ =	swait.ge [sflag:s30], $0x2000  }
0x38: {  	[sflag:s30] =	ssyncset.done $0x0  }
0x39: {  	s21 =	sadd.s32 $0xFFFFEFF8, s2;
	[sflag:s30] =	ssyncadd.s32 $0xFFFFE000  }
0x3a: {  	[hbm4b:s21+s28] =	stream.strided.scatter [tilespmem:s14], [sflag:$0xA], $0x2000, s11, s28, $0x38;
	[tilespmem:$0x13800] =	vst v63  }
0x3b: {  	s23 =	sadd.s32 $0xFFFFF000, s2  }
0x3c: {  	[hbm4b:s23+s28] =	stream.strided.scatter [tilespmem:s16], [sflag:$0xE], $0x2000, s11, s28, $0x38;
	[tilespmem:$0x13800] =	vst v63  }
0x3d: {  	_ =	swait.ge [sflag:s31], $0x2000  }
0x3e: {  	[sflag:s31] =	ssyncset.done $0x0  }
0x3f: {  	[sflag:s31] =	ssyncadd.s32 $0xFFFFE000  }
0x40: {  	_ =	swait.ge [sflag:s1], $0x2000  }
0x41: {  	[sflag:s1] =	ssyncset.done $0x0  }
0x42: {  	s5 =	sadd.s32 $0xFFFFF7F8, s2;
	[sflag:s1] =	ssyncadd.s32 $0xFFFFE000  }
0x43: {  	[hbm4b:s5+s28] =	stream.strided.scatter [tilespmem:s18], [sflag:$0xB], $0x2000, s11, s28, $0x38;
	[tilespmem:$0x13800] =	vst v63  }
0x44: {  	s21 =	sadd.s32 $0xFFFFF800, s2  }
0x45: {  	[hbm4b:s21+s28] =	stream.strided.scatter [tilespmem:s20], [sflag:$0xF], $0x2000, s11, s28, $0x38;
	[tilespmem:$0x13800] =	vst v63  }
0x46: {  	_ =	swait.ge [sflag:s0], $0x2000  }
0x47: {  	[sflag:s0] =	ssyncset.done $0x0  }
0x48: {  	[sflag:s0] =	ssyncadd.s32 $0xFFFFE000  }
0x49: {  	_ =	swait.ge [sflag:s15], $0x2000  }
0x4a: {  	[sflag:s15] =	ssyncset.done $0x0  }
0x4b: {  	p0 =	seq.s32 s17, $0x6800;
	s23 =	sadd.s32 $0xFFFFFFF8, s2;
	[sflag:s15] =	ssyncadd.s32 $0xFFFFE000  }
0x4c: {  	[hbm4b:s23+s28] =	stream.strided.scatter [tilespmem:s22], [sflag:$0xC], $0x2000, s11, s28, $0x38;
	[tilespmem:$0x13800] =	vst v63  }
0x4d: {  	s19 =	simm.s32 @!p0 $0x9  }
0x4e: {  	[hbm4b:s2+s28] =	stream.strided.scatter [tilespmem:s24], [sflag:$0x10], $0x2000, s11, s28, $0x38;
	[tilespmem:$0x13800] =	vst v63  }
0x4f: {  	_ =	swait.ge @!p0 [sflag:s19], $0x2000  }
0x50: {  	[sflag:s19] =	ssyncset.done @!p0 $0x0  }
0x51: {  	[sflag:s19] =	ssyncadd.s32 @!p0 $0xFFFFE000;
	s19 =	simm.s32 @!p0 $0xD  }
0x52: {  	_ =	swait.ge @!p0 [sflag:s19], $0x2000  }
0x53: {  	[sflag:s19] =	ssyncset.done @!p0 $0x0  }
0x54: {  	[sflag:s19] =	ssyncadd.s32 @!p0 $0xFFFFE000;
	s19 =	sshra.s32 @!p0 s17, $0x2  }
0x55: {  	s5 =	simm.s32 @!p0 $0x3800;
	s23 =	simm.s32 @!p0 $0x80;
	s21 =	sadd.s32 @!p0 $0x200, s19  }
0x56: {  	[tilespmem:s5], [sflag:$0x1] =	stream.indirect.gather @!p0 [hbm4b:s3+s23], $0x40, s21, s23, $0xb8;
	[tilespmem:$0x13800] =	vst v63  }
0x57: {  	s5 =	sadd.s32 @!p0 $0x1E00, s19;
	s21 =	simm.s32 @!p0 $0xB800  }
0x58: {  	[tilespmem:s21], [sflag:$0x5] =	stream.indirect.gather @!p0 [hbm4b:s4+s23], $0x40, s5, s23, $0xb8;
	[tilespmem:$0x13800] =	vst v63  }
0x59: {  	s5 =	simm.s32 @!p0 $0xA  }
0x5a: {  	_ =	swait.ge @!p0 [sflag:s5], $0x2000  }
0x5b: {  	[sflag:s5] =	ssyncset.done @!p0 $0x0  }
0x5c: {  	[sflag:s5] =	ssyncadd.s32 @!p0 $0xFFFFE000;
	s5 =	simm.s32 @!p0 $0xE  }
0x5d: {  	_ =	swait.ge @!p0 [sflag:s5], $0x2000  }
0x5e: {  	[sflag:s5] =	ssyncset.done @!p0 $0x0  }
0x5f: {  	s21 =	simm.s32 @!p0 $0x5800;
	[sflag:s5] =	ssyncadd.s32 @!p0 $0xFFFFE000;
	s5 =	sadd.s32 @!p0 $0x280, s19  }
0x60: {  	[tilespmem:s21], [sflag:$0x2] =	stream.indirect.gather @!p0 [hbm4b:s3+s23], $0x40, s5, s23, $0xb8;
	[tilespmem:$0x13800] =	vst v63  }
0x61: {  	s5 =	sadd.s32 @!p0 $0x1E80, s19;
	s21 =	simm.s32 @!p0 $0xD800  }
0x62: {  	[tilespmem:s21], [sflag:$0x6] =	stream.indirect.gather @!p0 [hbm4b:s4+s23], $0x40, s5, s23, $0xb8;
	[tilespmem:$0x13800] =	vst v63  }
0x63: {  	s5 =	simm.s32 @!p0 $0xB  }
0x64: {  	_ =	swait.ge @!p0 [sflag:s5], $0x2000  }
0x65: {  	[sflag:s5] =	ssyncset.done @!p0 $0x0  }
0x66: {  	[sflag:s5] =	ssyncadd.s32 @!p0 $0xFFFFE000;
	s5 =	simm.s32 @!p0 $0xF  }
0x67: {  	_ =	swait.ge @!p0 [sflag:s5], $0x2000  }
0x68: {  	[sflag:s5] =	ssyncset.done @!p0 $0x0  }
0x69: {  	s21 =	simm.s32 @!p0 $0x7800;
	[sflag:s5] =	ssyncadd.s32 @!p0 $0xFFFFE000;
	s5 =	sadd.s32 @!p0 $0x300, s19  }
0x6a: {  	[tilespmem:s21], [sflag:$0x3] =	stream.indirect.gather @!p0 [hbm4b:s3+s23], $0x40, s5, s23, $0xb8;
	[tilespmem:$0x13800] =	vst v63  }
0x6b: {  	s5 =	sadd.s32 @!p0 $0x1F00, s19;
	s21 =	simm.s32 @!p0 $0xF800  }
0x6c: {  	[tilespmem:s21], [sflag:$0x7] =	stream.indirect.gather @!p0 [hbm4b:s4+s23], $0x40, s5, s23, $0xb8;
	[tilespmem:$0x13800] =	vst v63  }
0x6d: {  	s5 =	simm.s32 @!p0 $0xC  }
0x6e: {  	_ =	swait.ge @!p0 [sflag:s5], $0x2000  }
0x6f: {  	s17 =	sadd.s32 @!p0 $0x800, s17;
	[sflag:s5] =	ssyncset.done @!p0 $0x0  }
0x70: {  	p1 =	sne.s32 @!p0 s17, $0x7000;
	[sflag:s5] =	ssyncadd.s32 @!p0 $0xFFFFE000;
	s5 =	simm.s32 @!p0 $0x10  }
0x71: {  	p1 =	por p0, !p1;
	_ =	swait.ge @!p0 [sflag:s5], $0x2000  }
.Ltmp0:
0x72: {  	[sflag:s5] =	ssyncset.done @!p0 $0x0;
	(pc) =	sbr.rel @!p1 .LBB2_2-.Ltmp0, $4  }
0x73: {  	s21 =	simm.s32 @!p0 $0x9800;
	[sflag:s5] =	ssyncadd.s32 @!p0 $0xFFFFE000;
	s5 =	sadd.s32 @!p0 $0x380, s19  }
0x74: {  	[tilespmem:s21], [sflag:$0x4] =	stream.indirect.gather @!p0 [hbm4b:s3+s23], $0x40, s5, s23, $0xb8;
	[tilespmem:$0x13800] =	vst v63  }
0x75: {  	s2 =	sadd.s32 @!p0 $0x2000, s2;
	s5 =	sadd.s32 @!p0 $0x1F80, s19;
	s19 =	simm.s32 @!p0 $0x11800  }
0x76: {  	[tilespmem:s19], [sflag:$0x8] =	stream.indirect.gather @!p0 [hbm4b:s4+s23], $0x40, s5, s23, $0xb8;
	[tilespmem:$0x13800] =	vst v63  }
0x77: {  	s2 =	simm.s32 $0x9  }
0x78: {  	_ =	swait.ge [sflag:s2], $0x2000  }
0x79: {  	[sflag:s2] =	ssyncset.done $0x0  }
0x7a: {  	s5 =	simm.s32 $0xD;
	[sflag:s2] =	ssyncadd.s32 $0xFFFFE000  }
0x7b: {  	_ =	swait.ge [sflag:s5], $0x2000  }
0x7c: {  	[sflag:s5] =	ssyncset.done $0x0  }
0x7d: {  	s17 =	simm.s32 $0xA;
	[sflag:s5] =	ssyncadd.s32 $0xFFFFE000  }
0x7e: {  	_ =	swait.ge [sflag:s17], $0x2000  }
0x7f: {  	[sflag:s17] =	ssyncset.done $0x0  }
0x80: {  	s19 =	simm.s32 $0xE;
	[sflag:s17] =	ssyncadd.s32 $0xFFFFE000  }
0x81: {  	_ =	swait.ge [sflag:s19], $0x2000  }
0x82: {  	[sflag:s19] =	ssyncset.done $0x0  }
0x83: {  	s21 =	simm.s32 $0xB;
	[sflag:s19] =	ssyncadd.s32 $0xFFFFE000  }
0x84: {  	_ =	swait.ge [sflag:s21], $0x2000  }
0x85: {  	[sflag:s21] =	ssyncset.done $0x0  }
0x86: {  	[sflag:s21] =	ssyncadd.s32 $0xFFFFE000  }
0x87: {  	_ =	swait.ge [sflag:s6], $0x2000  }
0x88: {  	[sflag:s6] =	ssyncset.done $0x0  }
0x89: {  	[sflag:s6] =	ssyncadd.s32 $0xFFFFE000  }
0x8a: {  	_ =	swait.ge [sflag:s10], $0x2000  }
0x8b: {  	[sflag:s10] =	ssyncset.done $0x0  }
0x8c: {  	[sflag:s10] =	ssyncadd.s32 $0xFFFFE000  }
0x8d: {  	_ =	swait.ge [sflag:s7], $0x2000  }
0x8e: {  	s8 =	sadd.s32 $0x1, s8;
	s23 =	rddreg [dreg:$0x4]  }
0x8f: {  	p0 =	sne.s32 s8, s23  }
.Ltmp1:
0x90: {  	_ = 	snop;
	(pc) =	sbr.rel @p0 .LBB2_1-.Ltmp1, $3  }
0x91: {  	_ =	sdelay $0x1  }
0x92: {  	[sflag:s7] =	ssyncset.done $0x0  }
0x93: {  	[sflag:s7] =	ssyncadd.s32 $0xFFFFE000  }
0x94: {  	_ =	sfence.sel $0x180000  }
0x95: {  	[bflag:$0x0] =	sbarrier.arrive $0xFFFF  }
0x96: {  	_ =	strace $0x90000050  }
0x97: {  	s0 =	stileid.u32;
	[bflag:$0x2] =	sbarrier.arrive $0xFFFF  }
0x98: {  	p0 =	sne.s32 s0, $0x0;
	s0 =	rddreg [dreg:$0x1]  }
0x99: {  	s0 =	sadd.s32 @!p0 $0x100000, s0  }
0x9a: {  	[sflag:s0] =	ssyncadd.tile.s32 @!p0 $0x1;
	_ =	shalt  }
.Lfunc_end2:
_tile_overlayer_lowered:
.L_overlay_start_2:
0x9b: {  	(tag) =	ssettag $0x2  }
0x9c: {  	s0 =	rddreg [dreg:$0x0];
	s2 =	stileid.u32  }
0x9d: {  	s1 =	rddreg [dreg:$0x1];
	p0 =	sne.s32 s2, $0x0  }
0x9e: {  	s3 =	rddreg [dreg:$0x2];
	[bflag:$0x3] =	sbarrier.arrive $0xFFFF;
	s2 =	simm.s32 @!p0 $0x1C11  }
0x9f: {  	[timem:s3], [sflag:s2] =	dma.local @!p0 [hbm:s0], s1  }
0xa0: {  	s0 =	simm.s32 @!p0 $0x11  }
0xa1: {  	_ =	swait.ge @!p0 [sflag:s0], s1  }
0xa2: {  	s1 =	ssub.s32 @!p0 $0x0, s1;
	[sflag:s0] =	ssyncset.done @!p0 $0x0  }
0xa3: {  	[sflag:s0] =	ssyncadd.s32 @!p0 s1  }
0xa4: {  	[bflag:$0x3] =	sbarrier.arrive $0xFFFF  }
0xa5: {  	_ =	shalt  }

</sc_bundles>
